<compile_context>
chip_gen: v7x
topology: tpu7x:2x2x1
jax: 0.10.2.dev20260603
libtpu: 0.0.44.dev20260713+nightly
codegen_flags: <defaults>
</compile_context>

<pallas_src>
import jax
import jax.numpy as jnp
from jax import lax
from jax.experimental import pallas as pl
from jax.experimental.pallas import tpu as pltpu
from jax.experimental.pallas import tpu_sc as plsc

NC = 2
NS = 16
NW = NC * NS
L = 16

B_ROWS = 16384
N_FEAT = 26
EMB = 64
B = B_ROWS * N_FEAT
XR_PER_W = B_ROWS // NW
XR_CHUNK = 16
CHUNK = XR_CHUNK * N_FEAT
N_CHUNKS = XR_PER_W // XR_CHUNK
N_GROUPS = CHUNK // L
JW = 8


def _rsqrt_nr(s):
    i = lax.bitcast_convert_type(s, jnp.int32)
    i = jnp.int32(0x5F3759DF) - (i >> 1)
    y = lax.bitcast_convert_type(i, jnp.float32)
    for _ in range(3):
        y = y * (1.5 - 0.5 * s * y * y)
    return y


def _body(
    x_hbm, table_hbm, bias_hbm, out_hbm,
    idx0, idx1, in0, in1, out0, out1, bias_v, bbc,
    sg0, sg1, sw0, sw1,
):
    wid = lax.axis_index("s") * NC + lax.axis_index("c")
    xbase = wid * XR_PER_W
    lanes = lax.iota(jnp.int32, L)

    pltpu.sync_copy(bias_hbm, bias_v)
    for t in range(EMB // L):
        bt = bias_v[pl.ds(t * L, L)]
        for e in range(L):
            bbc[pl.ds((t * L + e) * L, L)] = jnp.full((L,), bt[e], jnp.float32)

    def compute(in_b, out_b):
        @plsc.parallel_loop(0, N_GROUPS, unroll=2)
        def group(g):
            rows = g * L + lanes
            xr = rows // N_FEAT
            ft = rows % N_FEAT
            accs = [jnp.zeros((L,), jnp.float32) for _ in range(JW)]
            for jt in range(0, EMB, JW):
                cols = [jnp.full((L,), jt + k, jnp.int32) for k in range(JW)]
                cs = [
                    plsc.load_gather(in_b, [rows, cols[k]])
                    for k in range(JW)
                ]
                bs = [bbc[pl.ds((jt + k) * L, L)] for k in range(JW)]
                ts = [cs[k] + bs[k] for k in range(JW)]
                accs = [accs[k] + ts[k] * ts[k] for k in range(JW)]
            while len(accs) > 1:
                accs = [accs[i] + accs[i + 1] for i in range(0, len(accs), 2)]
            acc = accs[0]
            rs = _rsqrt_nr(acc)
            inv = 1.0 / jnp.maximum(acc * rs, 1e-12)
            for jt in range(0, EMB, JW):
                cols = [jnp.full((L,), jt + k, jnp.int32) for k in range(JW)]
                cs = [
                    plsc.load_gather(in_b, [rows, cols[k]])
                    for k in range(JW)
                ]
                bs = [bbc[pl.ds((jt + k) * L, L)] for k in range(JW)]
                ts = [(cs[k] + bs[k]) * inv for k in range(JW)]
                for k in range(JW):
                    plsc.store_scatter(out_b, [xr, ft, cols[k]], ts[k])

    bufs = ((idx0, in0, out0, sg0, sw0), (idx1, in1, out1, sg1, sw1))
    base = wid * XR_PER_W * N_FEAT

    pltpu.sync_copy(x_hbm.at[pl.ds(base, CHUNK)], idx0)
    pltpu.make_async_copy(table_hbm.at[idx0], in0, sg0).start()

    def pair_body(cc, carry):
        for b, (idx_b, in_b, out_b, sg_b, sw_b) in enumerate(bufs):
            idx_n, in_n, _, sg_n, _ = bufs[1 - b]
            c = cc * 2 + b
            xoff = xbase + c * XR_CHUNK
            off = base + c * CHUNK

            @pl.when(c + 1 < N_CHUNKS)
            def _():
                pltpu.sync_copy(x_hbm.at[pl.ds(off + CHUNK, CHUNK)], idx_n)
                pltpu.make_async_copy(table_hbm.at[idx_n], in_n, sg_n).start()

            pltpu.make_async_copy(table_hbm.at[idx_b], in_b, sg_b).wait()

            @pl.when(c >= 2)
            def _():
                pltpu.make_async_copy(
                    out_b, out_hbm.at[pl.ds(xoff, XR_CHUNK)], sw_b
                ).wait()

            compute(in_b, out_b)
            pltpu.make_async_copy(
                out_b, out_hbm.at[pl.ds(xoff, XR_CHUNK)], sw_b
            ).start()
        return carry

    lax.fori_loop(0, N_CHUNKS // 2, pair_body, 0)

    for b, (_, _, out_b, _, sw_b) in enumerate(bufs):
        xoff = xbase + (N_CHUNKS - 2 + b) * XR_CHUNK
        pltpu.make_async_copy(
            out_b, out_hbm.at[pl.ds(xoff, XR_CHUNK)], sw_b
        ).wait()


@jax.jit
def kernel(x, table, bias):
    mesh = plsc.VectorSubcoreMesh(core_axis_name="c", subcore_axis_name="s")
    run = pl.kernel(
        _body,
        out_type=jax.ShapeDtypeStruct((B_ROWS, N_FEAT, EMB), jnp.float32),
        mesh=mesh,
        compiler_params=pltpu.CompilerParams(
            needs_layout_passes=False, use_tc_tiling_on_sc=False
        ),
        scratch_types=[
            pltpu.VMEM((CHUNK,), jnp.int32),
            pltpu.VMEM((CHUNK,), jnp.int32),
            pltpu.VMEM((CHUNK, EMB), jnp.float32),
            pltpu.VMEM((CHUNK, EMB), jnp.float32),
            pltpu.VMEM((XR_CHUNK, N_FEAT, EMB), jnp.float32),
            pltpu.VMEM((XR_CHUNK, N_FEAT, EMB), jnp.float32),
            pltpu.VMEM((EMB,), jnp.float32),
            pltpu.VMEM((EMB * L,), jnp.float32),
            pltpu.SemaphoreType.DMA,
            pltpu.SemaphoreType.DMA,
            pltpu.SemaphoreType.DMA,
            pltpu.SemaphoreType.DMA,
        ],
    )
    xf = x.reshape(-1).astype(jnp.int32)
    return run(xf, table, bias)

# --- scband reference (transcript-rebuilt; emitter-appended) ---
"""Pipeline reference for scband-cat-e-27376121544832 (READ-ONLY COPY).

The authoritative reference and input builder live on the scoring server;
editing this copy changes nothing except your own understanding.
"""

import jax, jax.numpy as jnp
import numpy as np
import math

N_CATS = 1000000
EMB_SIZE = 64

def setup_inputs(seed: int = 0) -> dict:
    key = jax.random.key(seed)
    k1, k2, k3 = jax.random.split(key, 3)
    x = jax.random.randint(k1, (16384, 26), 0, N_CATS, dtype=jnp.int64)
    d_sqrt_inv = 1.0 / math.sqrt(EMB_SIZE)
    table = jax.random.normal(k2, (N_CATS, EMB_SIZE), dtype=jnp.float32) * d_sqrt_inv
    bias = jax.random.normal(k3, (EMB_SIZE,), dtype=jnp.float32) * d_sqrt_inv
    return {"x": x, "table": table, "bias": bias}

def reference(x, table, bias):
    # embedding lookup
    out = jnp.take(table, x, axis=0)  # [B, F, D]
    # add bias
    out = out + bias
    # F.normalize(dim=-1): x / max(||x||_2, eps)
    norm = jnp.linalg.norm(out, axis=-1, keepdims=True)
    out = out / jnp.maximum(norm, 1e-12)
    return out

if __name__ == "__main__":
    import jax
    _d = setup_inputs()
    print(jax.jit(kernel)(*tuple(_d.values())))

</pallas_src>

<mosaic_0001>
#map = affine_map<(d0, d1) -> (0)>
#map1 = affine_map<(d0, d1) -> (0, 0)>
#map2 = affine_map<(d0, d1) -> (0, 0, 0)>
module attributes {stable_mosaic.version = 14 : i64} {
  func.func @_body(%arg0: i32, %arg1: i32, %arg2: memref<425984xi32, #tpu.memory_space<hbm>>, %arg3: memref<1000000x64xf32, #tpu.memory_space<hbm>>, %arg4: memref<64xf32, #tpu.memory_space<hbm>>, %arg5: memref<16384x26x64xf32, #tpu.memory_space<hbm>>, %arg6: memref<416xi32, #tpu.memory_space<vmem>>, %arg7: memref<416xi32, #tpu.memory_space<vmem>>, %arg8: memref<416x64xf32, #tpu.memory_space<vmem>>, %arg9: memref<416x64xf32, #tpu.memory_space<vmem>>, %arg10: memref<16x26x64xf32, #tpu.memory_space<vmem>>, %arg11: memref<16x26x64xf32, #tpu.memory_space<vmem>>, %arg12: memref<64xf32, #tpu.memory_space<vmem>>, %arg13: memref<1024xf32, #tpu.memory_space<vmem>>, %arg14: memref<!tpu.dma_semaphore, #tpu.memory_space<semaphore_mem>>, %arg15: memref<!tpu.dma_semaphore, #tpu.memory_space<semaphore_mem>>, %arg16: memref<!tpu.dma_semaphore, #tpu.memory_space<semaphore_mem>>, %arg17: memref<!tpu.dma_semaphore, #tpu.memory_space<semaphore_mem>>) attributes {dimension_semantics = [#tpu.dimension_semantics<core_parallel>, #tpu.dimension_semantics<subcore_parallel>], iteration_bounds = array<i64: 2, 16>, scalar_prefetch = 0 : i64, scratch_operands = 12 : i64, tpu.core_type = #tpu.core_type<sc_vector_subcore>, window_params = [{transform_indices = #map}, {transform_indices = #map1}, {transform_indices = #map}, {transform_indices = #map2}]} {
    %mul3A = arith.constant 2 : i32
    %mul3A_0 = arith.muli %arg1, %mul3A : i32
    %add3A = arith.addi %mul3A_0, %arg0 : i32
    %mul3A_1 = arith.constant 512 : i32
    %mul3A_2 = arith.muli %add3A, %mul3A_1 : i32
    %iota3A = tpu.iota {dimensions = array<i32: 0>} : vector<16xi32>
    "tpu.region"() ({
      %run_scoped3A = tpu.sem_alloc : memref<!tpu.dma_semaphore, #tpu.memory_space<semaphore_mem>>
      tpu.enqueue_dma source(%arg4 : memref<64xf32, #tpu.memory_space<hbm>>) target(%arg12 : memref<64xf32, #tpu.memory_space<vmem>>) target_semaphore(%run_scoped3A : memref<!tpu.dma_semaphore, #tpu.memory_space<semaphore_mem>>)
      tpu.wait_dma2 semaphore(%run_scoped3A : memref<!tpu.dma_semaphore, #tpu.memory_space<semaphore_mem>>) src(%arg4 : memref<64xf32, #tpu.memory_space<hbm>>) dst(%arg12 : memref<64xf32, #tpu.memory_space<vmem>>)
      tpu.yield
    }) : () -> ()
    %get3A = arith.constant 0 : index
    %get3A_3 = tpu.vector_load %arg12[%get3A] {strides = array<i32>} : memref<64xf32, #tpu.memory_space<vmem>>, vector<16xf32>,
    %slice3A = vector.extract_strided_slice %get3A_3 {offsets = [0], sizes = [1], strides = [1]} : vector<16xf32> to vector<1xf32>
    %squeeze3A = vector.extract %slice3A[0] : f32 from vector<1xf32>
    %broadcast_in_dim3A = vector.broadcast %squeeze3A : f32 to vector<16xf32>
    %swap3A = arith.constant 0 : index
    %swap3A_4 = tpu.vector_load %arg13[%swap3A] {strides = array<i32>} : memref<1024xf32, #tpu.memory_space<vmem>>, vector<16xf32>,
    tpu.vector_store %arg13[%swap3A], %broadcast_in_dim3A {strides = array<i32>} : memref<1024xf32, #tpu.memory_space<vmem>>, vector<16xf32>,
    %slice3A_5 = vector.extract_strided_slice %get3A_3 {offsets = [1], sizes = [1], strides = [1]} : vector<16xf32> to vector<1xf32>
    %squeeze3A_6 = vector.extract %slice3A_5[0] : f32 from vector<1xf32>
    %broadcast_in_dim3A_7 = vector.broadcast %squeeze3A_6 : f32 to vector<16xf32>
    %swap3A_8 = arith.constant 16 : index
    %swap3A_9 = tpu.vector_load %arg13[%swap3A_8] {strides = array<i32>} : memref<1024xf32, #tpu.memory_space<vmem>>, vector<16xf32>,
    tpu.vector_store %arg13[%swap3A_8], %broadcast_in_dim3A_7 {strides = array<i32>} : memref<1024xf32, #tpu.memory_space<vmem>>, vector<16xf32>,
    %slice3A_10 = vector.extract_strided_slice %get3A_3 {offsets = [2], sizes = [1], strides = [1]} : vector<16xf32> to vector<1xf32>
    %squeeze3A_11 = vector.extract %slice3A_10[0] : f32 from vector<1xf32>
    %broadcast_in_dim3A_12 = vector.broadcast %squeeze3A_11 : f32 to vector<16xf32>
    %swap3A_13 = arith.constant 32 : index
    %swap3A_14 = tpu.vector_load %arg13[%swap3A_13] {strides = array<i32>} : memref<1024xf32, #tpu.memory_space<vmem>>, vector<16xf32>,
    tpu.vector_store %arg13[%swap3A_13], %broadcast_in_dim3A_12 {strides = array<i32>} : memref<1024xf32, #tpu.memory_space<vmem>>, vector<16xf32>,
    %slice3A_15 = vector.extract_strided_slice %get3A_3 {offsets = [3], sizes = [1], strides = [1]} : vector<16xf32> to vector<1xf32>
    %squeeze3A_16 = vector.extract %slice3A_15[0] : f32 from vector<1xf32>
    %broadcast_in_dim3A_17 = vector.broadcast %squeeze3A_16 : f32 to vector<16xf32>
    %swap3A_18 = arith.constant 48 : index
    %swap3A_19 = tpu.vector_load %arg13[%swap3A_18] {strides = array<i32>} : memref<1024xf32, #tpu.memory_space<vmem>>, vector<16xf32>,
    tpu.vector_store %arg13[%swap3A_18], %broadcast_in_dim3A_17 {strides = array<i32>} : memref<1024xf32, #tpu.memory_space<vmem>>, vector<16xf32>,
    %slice3A_20 = vector.extract_strided_slice %get3A_3 {offsets = [4], sizes = [1], strides = [1]} : vector<16xf32> to vector<1xf32>
    %squeeze3A_21 = vector.extract %slice3A_20[0] : f32 from vector<1xf32>
    %broadcast_in_dim3A_22 = vector.broadcast %squeeze3A_21 : f32 to vector<16xf32>
    %swap3A_23 = arith.constant 64 : index
    %swap3A_24 = tpu.vector_load %arg13[%swap3A_23] {strides = array<i32>} : memref<1024xf32, #tpu.memory_space<vmem>>, vector<16xf32>,
    tpu.vector_store %arg13[%swap3A_23], %broadcast_in_dim3A_22 {strides = array<i32>} : memref<1024xf32, #tpu.memory_space<vmem>>, vector<16xf32>,
    %slice3A_25 = vector.extract_strided_slice %get3A_3 {offsets = [5], sizes = [1], strides = [1]} : vector<16xf32> to vector<1xf32>
    %squeeze3A_26 = vector.extract %slice3A_25[0] : f32 from vector<1xf32>
    %broadcast_in_dim3A_27 = vector.broadcast %squeeze3A_26 : f32 to vector<16xf32>
    %swap3A_28 = arith.constant 80 : index
    %swap3A_29 = tpu.vector_load %arg13[%swap3A_28] {strides = array<i32>} : memref<1024xf32, #tpu.memory_space<vmem>>, vector<16xf32>,
    tpu.vector_store %arg13[%swap3A_28], %broadcast_in_dim3A_27 {strides = array<i32>} : memref<1024xf32, #tpu.memory_space<vmem>>, vector<16xf32>,
    %slice3A_30 = vector.extract_strided_slice %get3A_3 {offsets = [6], sizes = [1], strides = [1]} : vector<16xf32> to vector<1xf32>
    %squeeze3A_31 = vector.extract %slice3A_30[0] : f32 from vector<1xf32>
    %broadcast_in_dim3A_32 = vector.broadcast %squeeze3A_31 : f32 to vector<16xf32>
    %swap3A_33 = arith.constant 96 : index
    %swap3A_34 = tpu.vector_load %arg13[%swap3A_33] {strides = array<i32>} : memref<1024xf32, #tpu.memory_space<vmem>>, vector<16xf32>,
    tpu.vector_store %arg13[%swap3A_33], %broadcast_in_dim3A_32 {strides = array<i32>} : memref<1024xf32, #tpu.memory_space<vmem>>, vector<16xf32>,
    %slice3A_35 = vector.extract_strided_slice %get3A_3 {offsets = [7], sizes = [1], strides = [1]} : vector<16xf32> to vector<1xf32>
    %squeeze3A_36 = vector.extract %slice3A_35[0] : f32 from vector<1xf32>
    %broadcast_in_dim3A_37 = vector.broadcast %squeeze3A_36 : f32 to vector<16xf32>
    %swap3A_38 = arith.constant 112 : index
    %swap3A_39 = tpu.vector_load %arg13[%swap3A_38] {strides = array<i32>} : memref<1024xf32, #tpu.memory_space<vmem>>, vector<16xf32>,
    tpu.vector_store %arg13[%swap3A_38], %broadcast_in_dim3A_37 {strides = array<i32>} : memref<1024xf32, #tpu.memory_space<vmem>>, vector<16xf32>,
    %slice3A_40 = vector.extract_strided_slice %get3A_3 {offsets = [8], sizes = [1], strides = [1]} : vector<16xf32> to vector<1xf32>
    %squeeze3A_41 = vector.extract %slice3A_40[0] : f32 from vector<1xf32>
    %broadcast_in_dim3A_42 = vector.broadcast %squeeze3A_41 : f32 to vector<16xf32>
    %swap3A_43 = arith.constant 128 : index
    %swap3A_44 = tpu.vector_load %arg13[%swap3A_43] {strides = array<i32>} : memref<1024xf32, #tpu.memory_space<vmem>>, vector<16xf32>,
    tpu.vector_store %arg13[%swap3A_43], %broadcast_in_dim3A_42 {strides = array<i32>} : memref<1024xf32, #tpu.memory_space<vmem>>, vector<16xf32>,
    %slice3A_45 = vector.extract_strided_slice %get3A_3 {offsets = [9], sizes = [1], strides = [1]} : vector<16xf32> to vector<1xf32>
    %squeeze3A_46 = vector.extract %slice3A_45[0] : f32 from vector<1xf32>
    %broadcast_in_dim3A_47 = vector.broadcast %squeeze3A_46 : f32 to vector<16xf32>
    %swap3A_48 = arith.constant 144 : index
    %swap3A_49 = tpu.vector_load %arg13[%swap3A_48] {strides = array<i32>} : memref<1024xf32, #tpu.memory_space<vmem>>, vector<16xf32>,
    tpu.vector_store %arg13[%swap3A_48], %broadcast_in_dim3A_47 {strides = array<i32>} : memref<1024xf32, #tpu.memory_space<vmem>>, vector<16xf32>,
    %slice3A_50 = vector.extract_strided_slice %get3A_3 {offsets = [10], sizes = [1], strides = [1]} : vector<16xf32> to vector<1xf32>
    %squeeze3A_51 = vector.extract %slice3A_50[0] : f32 from vector<1xf32>
    %broadcast_in_dim3A_52 = vector.broadcast %squeeze3A_51 : f32 to vector<16xf32>
    %swap3A_53 = arith.constant 160 : index
    %swap3A_54 = tpu.vector_load %arg13[%swap3A_53] {strides = array<i32>} : memref<1024xf32, #tpu.memory_space<vmem>>, vector<16xf32>,
    tpu.vector_store %arg13[%swap3A_53], %broadcast_in_dim3A_52 {strides = array<i32>} : memref<1024xf32, #tpu.memory_space<vmem>>, vector<16xf32>,
    %slice3A_55 = vector.extract_strided_slice %get3A_3 {offsets = [11], sizes = [1], strides = [1]} : vector<16xf32> to vector<1xf32>
    %squeeze3A_56 = vector.extract %slice3A_55[0] : f32 from vector<1xf32>
    %broadcast_in_dim3A_57 = vector.broadcast %squeeze3A_56 : f32 to vector<16xf32>
    %swap3A_58 = arith.constant 176 : index
    %swap3A_59 = tpu.vector_load %arg13[%swap3A_58] {strides = array<i32>} : memref<1024xf32, #tpu.memory_space<vmem>>, vector<16xf32>,
    tpu.vector_store %arg13[%swap3A_58], %broadcast_in_dim3A_57 {strides = array<i32>} : memref<1024xf32, #tpu.memory_space<vmem>>, vector<16xf32>,
    %slice3A_60 = vector.extract_strided_slice %get3A_3 {offsets = [12], sizes = [1], strides = [1]} : vector<16xf32> to vector<1xf32>
    %squeeze3A_61 = vector.extract %slice3A_60[0] : f32 from vector<1xf32>
    %broadcast_in_dim3A_62 = vector.broadcast %squeeze3A_61 : f32 to vector<16xf32>
    %swap3A_63 = arith.constant 192 : index
    %swap3A_64 = tpu.vector_load %arg13[%swap3A_63] {strides = array<i32>} : memref<1024xf32, #tpu.memory_space<vmem>>, vector<16xf32>,
    tpu.vector_store %arg13[%swap3A_63], %broadcast_in_dim3A_62 {strides = array<i32>} : memref<1024xf32, #tpu.memory_space<vmem>>, vector<16xf32>,
    %slice3A_65 = vector.extract_strided_slice %get3A_3 {offsets = [13], sizes = [1], strides = [1]} : vector<16xf32> to vector<1xf32>
    %squeeze3A_66 = vector.extract %slice3A_65[0] : f32 from vector<1xf32>
    %broadcast_in_dim3A_67 = vector.broadcast %squeeze3A_66 : f32 to vector<16xf32>
    %swap3A_68 = arith.constant 208 : index
    %swap3A_69 = tpu.vector_load %arg13[%swap3A_68] {strides = array<i32>} : memref<1024xf32, #tpu.memory_space<vmem>>, vector<16xf32>,
    tpu.vector_store %arg13[%swap3A_68], %broadcast_in_dim3A_67 {strides = array<i32>} : memref<1024xf32, #tpu.memory_space<vmem>>, vector<16xf32>,
    %slice3A_70 = vector.extract_strided_slice %get3A_3 {offsets = [14], sizes = [1], strides = [1]} : vector<16xf32> to vector<1xf32>
    %squeeze3A_71 = vector.extract %slice3A_70[0] : f32 from vector<1xf32>
    %broadcast_in_dim3A_72 = vector.broadcast %squeeze3A_71 : f32 to vector<16xf32>
    %swap3A_73 = arith.constant 224 : index
    %swap3A_74 = tpu.vector_load %arg13[%swap3A_73] {strides = array<i32>} : memref<1024xf32, #tpu.memory_space<vmem>>, vector<16xf32>,
    tpu.vector_store %arg13[%swap3A_73], %broadcast_in_dim3A_72 {strides = array<i32>} : memref<1024xf32, #tpu.memory_space<vmem>>, vector<16xf32>,
    %slice3A_75 = vector.extract_strided_slice %get3A_3 {offsets = [15], sizes = [1], strides = [1]} : vector<16xf32> to vector<1xf32>
    %squeeze3A_76 = vector.extract %slice3A_75[0] : f32 from vector<1xf32>
    %broadcast_in_dim3A_77 = vector.broadcast %squeeze3A_76 : f32 to vector<16xf32>
    %swap3A_78 = arith.constant 240 : index
    %swap3A_79 = tpu.vector_load %arg13[%swap3A_78] {strides = array<i32>} : memref<1024xf32, #tpu.memory_space<vmem>>, vector<16xf32>,
    tpu.vector_store %arg13[%swap3A_78], %broadcast_in_dim3A_77 {strides = array<i32>} : memref<1024xf32, #tpu.memory_space<vmem>>, vector<16xf32>,
    %get3A_80 = arith.constant 16 : index
    %get3A_81 = tpu.vector_load %arg12[%get3A_80] {strides = array<i32>} : memref<64xf32, #tpu.memory_space<vmem>>, vector<16xf32>,
    %slice3A_82 = vector.extract_strided_slice %get3A_81 {offsets = [0], sizes = [1], strides = [1]} : vector<16xf32> to vector<1xf32>
    %squeeze3A_83 = vector.extract %slice3A_82[0] : f32 from vector<1xf32>
    %broadcast_in_dim3A_84 = vector.broadcast %squeeze3A_83 : f32 to vector<16xf32>
    %swap3A_85 = arith.constant 256 : index
    %swap3A_86 = tpu.vector_load %arg13[%swap3A_85] {strides = array<i32>} : memref<1024xf32, #tpu.memory_space<vmem>>, vector<16xf32>,
    tpu.vector_store %arg13[%swap3A_85], %broadcast_in_dim3A_84 {strides = array<i32>} : memref<1024xf32, #tpu.memory_space<vmem>>, vector<16xf32>,
    %slice3A_87 = vector.extract_strided_slice %get3A_81 {offsets = [1], sizes = [1], strides = [1]} : vector<16xf32> to vector<1xf32>
    %squeeze3A_88 = vector.extract %slice3A_87[0] : f32 from vector<1xf32>
    %broadcast_in_dim3A_89 = vector.broadcast %squeeze3A_88 : f32 to vector<16xf32>
    %swap3A_90 = arith.constant 272 : index
    %swap3A_91 = tpu.vector_load %arg13[%swap3A_90] {strides = array<i32>} : memref<1024xf32, #tpu.memory_space<vmem>>, vector<16xf32>,
    tpu.vector_store %arg13[%swap3A_90], %broadcast_in_dim3A_89 {strides = array<i32>} : memref<1024xf32, #tpu.memory_space<vmem>>, vector<16xf32>,
    %slice3A_92 = vector.extract_strided_slice %get3A_81 {offsets = [2], sizes = [1], strides = [1]} : vector<16xf32> to vector<1xf32>
    %squeeze3A_93 = vector.extract %slice3A_92[0] : f32 from vector<1xf32>
    %broadcast_in_dim3A_94 = vector.broadcast %squeeze3A_93 : f32 to vector<16xf32>
    %swap3A_95 = arith.constant 288 : index
    %swap3A_96 = tpu.vector_load %arg13[%swap3A_95] {strides = array<i32>} : memref<1024xf32, #tpu.memory_space<vmem>>, vector<16xf32>,
    tpu.vector_store %arg13[%swap3A_95], %broadcast_in_dim3A_94 {strides = array<i32>} : memref<1024xf32, #tpu.memory_space<vmem>>, vector<16xf32>,
    %slice3A_97 = vector.extract_strided_slice %get3A_81 {offsets = [3], sizes = [1], strides = [1]} : vector<16xf32> to vector<1xf32>
    %squeeze3A_98 = vector.extract %slice3A_97[0] : f32 from vector<1xf32>
    %broadcast_in_dim3A_99 = vector.broadcast %squeeze3A_98 : f32 to vector<16xf32>
    %swap3A_100 = arith.constant 304 : index
    %swap3A_101 = tpu.vector_load %arg13[%swap3A_100] {strides = array<i32>} : memref<1024xf32, #tpu.memory_space<vmem>>, vector<16xf32>,
    tpu.vector_store %arg13[%swap3A_100], %broadcast_in_dim3A_99 {strides = array<i32>} : memref<1024xf32, #tpu.memory_space<vmem>>, vector<16xf32>,
    %slice3A_102 = vector.extract_strided_slice %get3A_81 {offsets = [4], sizes = [1], strides = [1]} : vector<16xf32> to vector<1xf32>
    %squeeze3A_103 = vector.extract %slice3A_102[0] : f32 from vector<1xf32>
    %broadcast_in_dim3A_104 = vector.broadcast %squeeze3A_103 : f32 to vector<16xf32>
    %swap3A_105 = arith.constant 320 : index
    %swap3A_106 = tpu.vector_load %arg13[%swap3A_105] {strides = array<i32>} : memref<1024xf32, #tpu.memory_space<vmem>>, vector<16xf32>,
    tpu.vector_store %arg13[%swap3A_105], %broadcast_in_dim3A_104 {strides = array<i32>} : memref<1024xf32, #tpu.memory_space<vmem>>, vector<16xf32>,
    %slice3A_107 = vector.extract_strided_slice %get3A_81 {offsets = [5], sizes = [1], strides = [1]} : vector<16xf32> to vector<1xf32>
    %squeeze3A_108 = vector.extract %slice3A_107[0] : f32 from vector<1xf32>
    %broadcast_in_dim3A_109 = vector.broadcast %squeeze3A_108 : f32 to vector<16xf32>
    %swap3A_110 = arith.constant 336 : index
    %swap3A_111 = tpu.vector_load %arg13[%swap3A_110] {strides = array<i32>} : memref<1024xf32, #tpu.memory_space<vmem>>, vector<16xf32>,
    tpu.vector_store %arg13[%swap3A_110], %broadcast_in_dim3A_109 {strides = array<i32>} : memref<1024xf32, #tpu.memory_space<vmem>>, vector<16xf32>,
    %slice3A_112 = vector.extract_strided_slice %get3A_81 {offsets = [6], sizes = [1], strides = [1]} : vector<16xf32> to vector<1xf32>
    %squeeze3A_113 = vector.extract %slice3A_112[0] : f32 from vector<1xf32>
    %broadcast_in_dim3A_114 = vector.broadcast %squeeze3A_113 : f32 to vector<16xf32>
    %swap3A_115 = arith.constant 352 : index
    %swap3A_116 = tpu.vector_load %arg13[%swap3A_115] {strides = array<i32>} : memref<1024xf32, #tpu.memory_space<vmem>>, vector<16xf32>,
    tpu.vector_store %arg13[%swap3A_115], %broadcast_in_dim3A_114 {strides = array<i32>} : memref<1024xf32, #tpu.memory_space<vmem>>, vector<16xf32>,
    %slice3A_117 = vector.extract_strided_slice %get3A_81 {offsets = [7], sizes = [1], strides = [1]} : vector<16xf32> to vector<1xf32>
    %squeeze3A_118 = vector.extract %slice3A_117[0] : f32 from vector<1xf32>
    %broadcast_in_dim3A_119 = vector.broadcast %squeeze3A_118 : f32 to vector<16xf32>
    %swap3A_120 = arith.constant 368 : index
    %swap3A_121 = tpu.vector_load %arg13[%swap3A_120] {strides = array<i32>} : memref<1024xf32, #tpu.memory_space<vmem>>, vector<16xf32>,
    tpu.vector_store %arg13[%swap3A_120], %broadcast_in_dim3A_119 {strides = array<i32>} : memref<1024xf32, #tpu.memory_space<vmem>>, vector<16xf32>,
    %slice3A_122 = vector.extract_strided_slice %get3A_81 {offsets = [8], sizes = [1], strides = [1]} : vector<16xf32> to vector<1xf32>
    %squeeze3A_123 = vector.extract %slice3A_122[0] : f32 from vector<1xf32>
    %broadcast_in_dim3A_124 = vector.broadcast %squeeze3A_123 : f32 to vector<16xf32>
    %swap3A_125 = arith.constant 384 : index
    %swap3A_126 = tpu.vector_load %arg13[%swap3A_125] {strides = array<i32>} : memref<1024xf32, #tpu.memory_space<vmem>>, vector<16xf32>,
    tpu.vector_store %arg13[%swap3A_125], %broadcast_in_dim3A_124 {strides = array<i32>} : memref<1024xf32, #tpu.memory_space<vmem>>, vector<16xf32>,
    %slice3A_127 = vector.extract_strided_slice %get3A_81 {offsets = [9], sizes = [1], strides = [1]} : vector<16xf32> to vector<1xf32>
    %squeeze3A_128 = vector.extract %slice3A_127[0] : f32 from vector<1xf32>
    %broadcast_in_dim3A_129 = vector.broadcast %squeeze3A_128 : f32 to vector<16xf32>
    %swap3A_130 = arith.constant 400 : index
    %swap3A_131 = tpu.vector_load %arg13[%swap3A_130] {strides = array<i32>} : memref<1024xf32, #tpu.memory_space<vmem>>, vector<16xf32>,
    tpu.vector_store %arg13[%swap3A_130], %broadcast_in_dim3A_129 {strides = array<i32>} : memref<1024xf32, #tpu.memory_space<vmem>>, vector<16xf32>,
    %slice3A_132 = vector.extract_strided_slice %get3A_81 {offsets = [10], sizes = [1], strides = [1]} : vector<16xf32> to vector<1xf32>
    %squeeze3A_133 = vector.extract %slice3A_132[0] : f32 from vector<1xf32>
    %broadcast_in_dim3A_134 = vector.broadcast %squeeze3A_133 : f32 to vector<16xf32>
    %swap3A_135 = arith.constant 416 : index
    %swap3A_136 = tpu.vector_load %arg13[%swap3A_135] {strides = array<i32>} : memref<1024xf32, #tpu.memory_space<vmem>>, vector<16xf32>,
    tpu.vector_store %arg13[%swap3A_135], %broadcast_in_dim3A_134 {strides = array<i32>} : memref<1024xf32, #tpu.memory_space<vmem>>, vector<16xf32>,
    %slice3A_137 = vector.extract_strided_slice %get3A_81 {offsets = [11], sizes = [1], strides = [1]} : vector<16xf32> to vector<1xf32>
    %squeeze3A_138 = vector.extract %slice3A_137[0] : f32 from vector<1xf32>
    %broadcast_in_dim3A_139 = vector.broadcast %squeeze3A_138 : f32 to vector<16xf32>
    %swap3A_140 = arith.constant 432 : index
    %swap3A_141 = tpu.vector_load %arg13[%swap3A_140] {strides = array<i32>} : memref<1024xf32, #tpu.memory_space<vmem>>, vector<16xf32>,
    tpu.vector_store %arg13[%swap3A_140], %broadcast_in_dim3A_139 {strides = array<i32>} : memref<1024xf32, #tpu.memory_space<vmem>>, vector<16xf32>,
    %slice3A_142 = vector.extract_strided_slice %get3A_81 {offsets = [12], sizes = [1], strides = [1]} : vector<16xf32> to vector<1xf32>
    %squeeze3A_143 = vector.extract %slice3A_142[0] : f32 from vector<1xf32>
    %broadcast_in_dim3A_144 = vector.broadcast %squeeze3A_143 : f32 to vector<16xf32>
    %swap3A_145 = arith.constant 448 : index
    %swap3A_146 = tpu.vector_load %arg13[%swap3A_145] {strides = array<i32>} : memref<1024xf32, #tpu.memory_space<vmem>>, vector<16xf32>,
    tpu.vector_store %arg13[%swap3A_145], %broadcast_in_dim3A_144 {strides = array<i32>} : memref<1024xf32, #tpu.memory_space<vmem>>, vector<16xf32>,
    %slice3A_147 = vector.extract_strided_slice %get3A_81 {offsets = [13], sizes = [1], strides = [1]} : vector<16xf32> to vector<1xf32>
    %squeeze3A_148 = vector.extract %slice3A_147[0] : f32 from vector<1xf32>
    %broadcast_in_dim3A_149 = vector.broadcast %squeeze3A_148 : f32 to vector<16xf32>
    %swap3A_150 = arith.constant 464 : index
    %swap3A_151 = tpu.vector_load %arg13[%swap3A_150] {strides = array<i32>} : memref<1024xf32, #tpu.memory_space<vmem>>, vector<16xf32>,
    tpu.vector_store %arg13[%swap3A_150], %broadcast_in_dim3A_149 {strides = array<i32>} : memref<1024xf32, #tpu.memory_space<vmem>>, vector<16xf32>,
    %slice3A_152 = vector.extract_strided_slice %get3A_81 {offsets = [14], sizes = [1], strides = [1]} : vector<16xf32> to vector<1xf32>
    %squeeze3A_153 = vector.extract %slice3A_152[0] : f32 from vector<1xf32>
    %broadcast_in_dim3A_154 = vector.broadcast %squeeze3A_153 : f32 to vector<16xf32>
    %swap3A_155 = arith.constant 480 : index
    %swap3A_156 = tpu.vector_load %arg13[%swap3A_155] {strides = array<i32>} : memref<1024xf32, #tpu.memory_space<vmem>>, vector<16xf32>,
    tpu.vector_store %arg13[%swap3A_155], %broadcast_in_dim3A_154 {strides = array<i32>} : memref<1024xf32, #tpu.memory_space<vmem>>, vector<16xf32>,
    %slice3A_157 = vector.extract_strided_slice %get3A_81 {offsets = [15], sizes = [1], strides = [1]} : vector<16xf32> to vector<1xf32>
    %squeeze3A_158 = vector.extract %slice3A_157[0] : f32 from vector<1xf32>
    %broadcast_in_dim3A_159 = vector.broadcast %squeeze3A_158 : f32 to vector<16xf32>
    %swap3A_160 = arith.constant 496 : index
    %swap3A_161 = tpu.vector_load %arg13[%swap3A_160] {strides = array<i32>} : memref<1024xf32, #tpu.memory_space<vmem>>, vector<16xf32>,
    tpu.vector_store %arg13[%swap3A_160], %broadcast_in_dim3A_159 {strides = array<i32>} : memref<1024xf32, #tpu.memory_space<vmem>>, vector<16xf32>,
    %get3A_162 = arith.constant 32 : index
    %get3A_163 = tpu.vector_load %arg12[%get3A_162] {strides = array<i32>} : memref<64xf32, #tpu.memory_space<vmem>>, vector<16xf32>,
    %slice3A_164 = vector.extract_strided_slice %get3A_163 {offsets = [0], sizes = [1], strides = [1]} : vector<16xf32> to vector<1xf32>
    %squeeze3A_165 = vector.extract %slice3A_164[0] : f32 from vector<1xf32>
    %broadcast_in_dim3A_166 = vector.broadcast %squeeze3A_165 : f32 to vector<16xf32>
    %swap3A_167 = arith.constant 512 : index
    %swap3A_168 = tpu.vector_load %arg13[%swap3A_167] {strides = array<i32>} : memref<1024xf32, #tpu.memory_space<vmem>>, vector<16xf32>,
    tpu.vector_store %arg13[%swap3A_167], %broadcast_in_dim3A_166 {strides = array<i32>} : memref<1024xf32, #tpu.memory_space<vmem>>, vector<16xf32>,
    %slice3A_169 = vector.extract_strided_slice %get3A_163 {offsets = [1], sizes = [1], strides = [1]} : vector<16xf32> to vector<1xf32>
    %squeeze3A_170 = vector.extract %slice3A_169[0] : f32 from vector<1xf32>
    %broadcast_in_dim3A_171 = vector.broadcast %squeeze3A_170 : f32 to vector<16xf32>
    %swap3A_172 = arith.constant 528 : index
    %swap3A_173 = tpu.vector_load %arg13[%swap3A_172] {strides = array<i32>} : memref<1024xf32, #tpu.memory_space<vmem>>, vector<16xf32>,
    tpu.vector_store %arg13[%swap3A_172], %broadcast_in_dim3A_171 {strides = array<i32>} : memref<1024xf32, #tpu.memory_space<vmem>>, vector<16xf32>,
    %slice3A_174 = vector.extract_strided_slice %get3A_163 {offsets = [2], sizes = [1], strides = [1]} : vector<16xf32> to vector<1xf32>
    %squeeze3A_175 = vector.extract %slice3A_174[0] : f32 from vector<1xf32>
    %broadcast_in_dim3A_176 = vector.broadcast %squeeze3A_175 : f32 to vector<16xf32>
    %swap3A_177 = arith.constant 544 : index
    %swap3A_178 = tpu.vector_load %arg13[%swap3A_177] {strides = array<i32>} : memref<1024xf32, #tpu.memory_space<vmem>>, vector<16xf32>,
    tpu.vector_store %arg13[%swap3A_177], %broadcast_in_dim3A_176 {strides = array<i32>} : memref<1024xf32, #tpu.memory_space<vmem>>, vector<16xf32>,
    %slice3A_179 = vector.extract_strided_slice %get3A_163 {offsets = [3], sizes = [1], strides = [1]} : vector<16xf32> to vector<1xf32>
    %squeeze3A_180 = vector.extract %slice3A_179[0] : f32 from vector<1xf32>
    %broadcast_in_dim3A_181 = vector.broadcast %squeeze3A_180 : f32 to vector<16xf32>
    %swap3A_182 = arith.constant 560 : index
    %swap3A_183 = tpu.vector_load %arg13[%swap3A_182] {strides = array<i32>} : memref<1024xf32, #tpu.memory_space<vmem>>, vector<16xf32>,
    tpu.vector_store %arg13[%swap3A_182], %broadcast_in_dim3A_181 {strides = array<i32>} : memref<1024xf32, #tpu.memory_space<vmem>>, vector<16xf32>,
    %slice3A_184 = vector.extract_strided_slice %get3A_163 {offsets = [4], sizes = [1], strides = [1]} : vector<16xf32> to vector<1xf32>
    %squeeze3A_185 = vector.extract %slice3A_184[0] : f32 from vector<1xf32>
    %broadcast_in_dim3A_186 = vector.broadcast %squeeze3A_185 : f32 to vector<16xf32>
    %swap3A_187 = arith.constant 576 : index
    %swap3A_188 = tpu.vector_load %arg13[%swap3A_187] {strides = array<i32>} : memref<1024xf32, #tpu.memory_space<vmem>>, vector<16xf32>,
    tpu.vector_store %arg13[%swap3A_187], %broadcast_in_dim3A_186 {strides = array<i32>} : memref<1024xf32, #tpu.memory_space<vmem>>, vector<16xf32>,
    %slice3A_189 = vector.extract_strided_slice %get3A_163 {offsets = [5], sizes = [1], strides = [1]} : vector<16xf32> to vector<1xf32>
    %squeeze3A_190 = vector.extract %slice3A_189[0] : f32 from vector<1xf32>
    %broadcast_in_dim3A_191 = vector.broadcast %squeeze3A_190 : f32 to vector<16xf32>
    %swap3A_192 = arith.constant 592 : index
    %swap3A_193 = tpu.vector_load %arg13[%swap3A_192] {strides = array<i32>} : memref<1024xf32, #tpu.memory_space<vmem>>, vector<16xf32>,
    tpu.vector_store %arg13[%swap3A_192], %broadcast_in_dim3A_191 {strides = array<i32>} : memref<1024xf32, #tpu.memory_space<vmem>>, vector<16xf32>,
    %slice3A_194 = vector.extract_strided_slice %get3A_163 {offsets = [6], sizes = [1], strides = [1]} : vector<16xf32> to vector<1xf32>
    %squeeze3A_195 = vector.extract %slice3A_194[0] : f32 from vector<1xf32>
    %broadcast_in_dim3A_196 = vector.broadcast %squeeze3A_195 : f32 to vector<16xf32>
    %swap3A_197 = arith.constant 608 : index
    %swap3A_198 = tpu.vector_load %arg13[%swap3A_197] {strides = array<i32>} : memref<1024xf32, #tpu.memory_space<vmem>>, vector<16xf32>,
    tpu.vector_store %arg13[%swap3A_197], %broadcast_in_dim3A_196 {strides = array<i32>} : memref<1024xf32, #tpu.memory_space<vmem>>, vector<16xf32>,
    %slice3A_199 = vector.extract_strided_slice %get3A_163 {offsets = [7], sizes = [1], strides = [1]} : vector<16xf32> to vector<1xf32>
    %squeeze3A_200 = vector.extract %slice3A_199[0] : f32 from vector<1xf32>
    %broadcast_in_dim3A_201 = vector.broadcast %squeeze3A_200 : f32 to vector<16xf32>
    %swap3A_202 = arith.constant 624 : index
    %swap3A_203 = tpu.vector_load %arg13[%swap3A_202] {strides = array<i32>} : memref<1024xf32, #tpu.memory_space<vmem>>, vector<16xf32>,
    tpu.vector_store %arg13[%swap3A_202], %broadcast_in_dim3A_201 {strides = array<i32>} : memref<1024xf32, #tpu.memory_space<vmem>>, vector<16xf32>,
    %slice3A_204 = vector.extract_strided_slice %get3A_163 {offsets = [8], sizes = [1], strides = [1]} : vector<16xf32> to vector<1xf32>
    %squeeze3A_205 = vector.extract %slice3A_204[0] : f32 from vector<1xf32>
    %broadcast_in_dim3A_206 = vector.broadcast %squeeze3A_205 : f32 to vector<16xf32>
    %swap3A_207 = arith.constant 640 : index
    %swap3A_208 = tpu.vector_load %arg13[%swap3A_207] {strides = array<i32>} : memref<1024xf32, #tpu.memory_space<vmem>>, vector<16xf32>,
    tpu.vector_store %arg13[%swap3A_207], %broadcast_in_dim3A_206 {strides = array<i32>} : memref<1024xf32, #tpu.memory_space<vmem>>, vector<16xf32>,
    %slice3A_209 = vector.extract_strided_slice %get3A_163 {offsets = [9], sizes = [1], strides = [1]} : vector<16xf32> to vector<1xf32>
    %squeeze3A_210 = vector.extract %slice3A_209[0] : f32 from vector<1xf32>
    %broadcast_in_dim3A_211 = vector.broadcast %squeeze3A_210 : f32 to vector<16xf32>
    %swap3A_212 = arith.constant 656 : index
    %swap3A_213 = tpu.vector_load %arg13[%swap3A_212] {strides = array<i32>} : memref<1024xf32, #tpu.memory_space<vmem>>, vector<16xf32>,
    tpu.vector_store %arg13[%swap3A_212], %broadcast_in_dim3A_211 {strides = array<i32>} : memref<1024xf32, #tpu.memory_space<vmem>>, vector<16xf32>,
    %slice3A_214 = vector.extract_strided_slice %get3A_163 {offsets = [10], sizes = [1], strides = [1]} : vector<16xf32> to vector<1xf32>
    %squeeze3A_215 = vector.extract %slice3A_214[0] : f32 from vector<1xf32>
    %broadcast_in_dim3A_216 = vector.broadcast %squeeze3A_215 : f32 to vector<16xf32>
    %swap3A_217 = arith.constant 672 : index
    %swap3A_218 = tpu.vector_load %arg13[%swap3A_217] {strides = array<i32>} : memref<1024xf32, #tpu.memory_space<vmem>>, vector<16xf32>,
    tpu.vector_store %arg13[%swap3A_217], %broadcast_in_dim3A_216 {strides = array<i32>} : memref<1024xf32, #tpu.memory_space<vmem>>, vector<16xf32>,
    %slice3A_219 = vector.extract_strided_slice %get3A_163 {offsets = [11], sizes = [1], strides = [1]} : vector<16xf32> to vector<1xf32>
    %squeeze3A_220 = vector.extract %slice3A_219[0] : f32 from vector<1xf32>
    %broadcast_in_dim3A_221 = vector.broadcast %squeeze3A_220 : f32 to vector<16xf32>
    %swap3A_222 = arith.constant 688 : index
    %swap3A_223 = tpu.vector_load %arg13[%swap3A_222] {strides = array<i32>} : memref<1024xf32, #tpu.memory_space<vmem>>, vector<16xf32>,
    tpu.vector_store %arg13[%swap3A_222], %broadcast_in_dim3A_221 {strides = array<i32>} : memref<1024xf32, #tpu.memory_space<vmem>>, vector<16xf32>,
    %slice3A_224 = vector.extract_strided_slice %get3A_163 {offsets = [12], sizes = [1], strides = [1]} : vector<16xf32> to vector<1xf32>
    %squeeze3A_225 = vector.extract %slice3A_224[0] : f32 from vector<1xf32>
    %broadcast_in_dim3A_226 = vector.broadcast %squeeze3A_225 : f32 to vector<16xf32>
    %swap3A_227 = arith.constant 704 : index
    %swap3A_228 = tpu.vector_load %arg13[%swap3A_227] {strides = array<i32>} : memref<1024xf32, #tpu.memory_space<vmem>>, vector<16xf32>,
    tpu.vector_store %arg13[%swap3A_227], %broadcast_in_dim3A_226 {strides = array<i32>} : memref<1024xf32, #tpu.memory_space<vmem>>, vector<16xf32>,
    %slice3A_229 = vector.extract_strided_slice %get3A_163 {offsets = [13], sizes = [1], strides = [1]} : vector<16xf32> to vector<1xf32>
    %squeeze3A_230 = vector.extract %slice3A_229[0] : f32 from vector<1xf32>
    %broadcast_in_dim3A_231 = vector.broadcast %squeeze3A_230 : f32 to vector<16xf32>
    %swap3A_232 = arith.constant 720 : index
    %swap3A_233 = tpu.vector_load %arg13[%swap3A_232] {strides = array<i32>} : memref<1024xf32, #tpu.memory_space<vmem>>, vector<16xf32>,
    tpu.vector_store %arg13[%swap3A_232], %broadcast_in_dim3A_231 {strides = array<i32>} : memref<1024xf32, #tpu.memory_space<vmem>>, vector<16xf32>,
    %slice3A_234 = vector.extract_strided_slice %get3A_163 {offsets = [14], sizes = [1], strides = [1]} : vector<16xf32> to vector<1xf32>
    %squeeze3A_235 = vector.extract %slice3A_234[0] : f32 from vector<1xf32>
    %broadcast_in_dim3A_236 = vector.broadcast %squeeze3A_235 : f32 to vector<16xf32>
    %swap3A_237 = arith.constant 736 : index
    %swap3A_238 = tpu.vector_load %arg13[%swap3A_237] {strides = array<i32>} : memref<1024xf32, #tpu.memory_space<vmem>>, vector<16xf32>,
    tpu.vector_store %arg13[%swap3A_237], %broadcast_in_dim3A_236 {strides = array<i32>} : memref<1024xf32, #tpu.memory_space<vmem>>, vector<16xf32>,
    %slice3A_239 = vector.extract_strided_slice %get3A_163 {offsets = [15], sizes = [1], strides = [1]} : vector<16xf32> to vector<1xf32>
    %squeeze3A_240 = vector.extract %slice3A_239[0] : f32 from vector<1xf32>
    %broadcast_in_dim3A_241 = vector.broadcast %squeeze3A_240 : f32 to vector<16xf32>
    %swap3A_242 = arith.constant 752 : index
    %swap3A_243 = tpu.vector_load %arg13[%swap3A_242] {strides = array<i32>} : memref<1024xf32, #tpu.memory_space<vmem>>, vector<16xf32>,
    tpu.vector_store %arg13[%swap3A_242], %broadcast_in_dim3A_241 {strides = array<i32>} : memref<1024xf32, #tpu.memory_space<vmem>>, vector<16xf32>,
    %get3A_244 = arith.constant 48 : index
    %get3A_245 = tpu.vector_load %arg12[%get3A_244] {strides = array<i32>} : memref<64xf32, #tpu.memory_space<vmem>>, vector<16xf32>,
    %slice3A_246 = vector.extract_strided_slice %get3A_245 {offsets = [0], sizes = [1], strides = [1]} : vector<16xf32> to vector<1xf32>
    %squeeze3A_247 = vector.extract %slice3A_246[0] : f32 from vector<1xf32>
    %broadcast_in_dim3A_248 = vector.broadcast %squeeze3A_247 : f32 to vector<16xf32>
    %swap3A_249 = arith.constant 768 : index
    %swap3A_250 = tpu.vector_load %arg13[%swap3A_249] {strides = array<i32>} : memref<1024xf32, #tpu.memory_space<vmem>>, vector<16xf32>,
    tpu.vector_store %arg13[%swap3A_249], %broadcast_in_dim3A_248 {strides = array<i32>} : memref<1024xf32, #tpu.memory_space<vmem>>, vector<16xf32>,
    %slice3A_251 = vector.extract_strided_slice %get3A_245 {offsets = [1], sizes = [1], strides = [1]} : vector<16xf32> to vector<1xf32>
    %squeeze3A_252 = vector.extract %slice3A_251[0] : f32 from vector<1xf32>
    %broadcast_in_dim3A_253 = vector.broadcast %squeeze3A_252 : f32 to vector<16xf32>
    %swap3A_254 = arith.constant 784 : index
    %swap3A_255 = tpu.vector_load %arg13[%swap3A_254] {strides = array<i32>} : memref<1024xf32, #tpu.memory_space<vmem>>, vector<16xf32>,
    tpu.vector_store %arg13[%swap3A_254], %broadcast_in_dim3A_253 {strides = array<i32>} : memref<1024xf32, #tpu.memory_space<vmem>>, vector<16xf32>,
    %slice3A_256 = vector.extract_strided_slice %get3A_245 {offsets = [2], sizes = [1], strides = [1]} : vector<16xf32> to vector<1xf32>
    %squeeze3A_257 = vector.extract %slice3A_256[0] : f32 from vector<1xf32>
    %broadcast_in_dim3A_258 = vector.broadcast %squeeze3A_257 : f32 to vector<16xf32>
    %swap3A_259 = arith.constant 800 : index
    %swap3A_260 = tpu.vector_load %arg13[%swap3A_259] {strides = array<i32>} : memref<1024xf32, #tpu.memory_space<vmem>>, vector<16xf32>,
    tpu.vector_store %arg13[%swap3A_259], %broadcast_in_dim3A_258 {strides = array<i32>} : memref<1024xf32, #tpu.memory_space<vmem>>, vector<16xf32>,
    %slice3A_261 = vector.extract_strided_slice %get3A_245 {offsets = [3], sizes = [1], strides = [1]} : vector<16xf32> to vector<1xf32>
    %squeeze3A_262 = vector.extract %slice3A_261[0] : f32 from vector<1xf32>
    %broadcast_in_dim3A_263 = vector.broadcast %squeeze3A_262 : f32 to vector<16xf32>
    %swap3A_264 = arith.constant 816 : index
    %swap3A_265 = tpu.vector_load %arg13[%swap3A_264] {strides = array<i32>} : memref<1024xf32, #tpu.memory_space<vmem>>, vector<16xf32>,
    tpu.vector_store %arg13[%swap3A_264], %broadcast_in_dim3A_263 {strides = array<i32>} : memref<1024xf32, #tpu.memory_space<vmem>>, vector<16xf32>,
    %slice3A_266 = vector.extract_strided_slice %get3A_245 {offsets = [4], sizes = [1], strides = [1]} : vector<16xf32> to vector<1xf32>
    %squeeze3A_267 = vector.extract %slice3A_266[0] : f32 from vector<1xf32>
    %broadcast_in_dim3A_268 = vector.broadcast %squeeze3A_267 : f32 to vector<16xf32>
    %swap3A_269 = arith.constant 832 : index
    %swap3A_270 = tpu.vector_load %arg13[%swap3A_269] {strides = array<i32>} : memref<1024xf32, #tpu.memory_space<vmem>>, vector<16xf32>,
    tpu.vector_store %arg13[%swap3A_269], %broadcast_in_dim3A_268 {strides = array<i32>} : memref<1024xf32, #tpu.memory_space<vmem>>, vector<16xf32>,
    %slice3A_271 = vector.extract_strided_slice %get3A_245 {offsets = [5], sizes = [1], strides = [1]} : vector<16xf32> to vector<1xf32>
    %squeeze3A_272 = vector.extract %slice3A_271[0] : f32 from vector<1xf32>
    %broadcast_in_dim3A_273 = vector.broadcast %squeeze3A_272 : f32 to vector<16xf32>
    %swap3A_274 = arith.constant 848 : index
    %swap3A_275 = tpu.vector_load %arg13[%swap3A_274] {strides = array<i32>} : memref<1024xf32, #tpu.memory_space<vmem>>, vector<16xf32>,
    tpu.vector_store %arg13[%swap3A_274], %broadcast_in_dim3A_273 {strides = array<i32>} : memref<1024xf32, #tpu.memory_space<vmem>>, vector<16xf32>,
    %slice3A_276 = vector.extract_strided_slice %get3A_245 {offsets = [6], sizes = [1], strides = [1]} : vector<16xf32> to vector<1xf32>
    %squeeze3A_277 = vector.extract %slice3A_276[0] : f32 from vector<1xf32>
    %broadcast_in_dim3A_278 = vector.broadcast %squeeze3A_277 : f32 to vector<16xf32>
    %swap3A_279 = arith.constant 864 : index
    %swap3A_280 = tpu.vector_load %arg13[%swap3A_279] {strides = array<i32>} : memref<1024xf32, #tpu.memory_space<vmem>>, vector<16xf32>,
    tpu.vector_store %arg13[%swap3A_279], %broadcast_in_dim3A_278 {strides = array<i32>} : memref<1024xf32, #tpu.memory_space<vmem>>, vector<16xf32>,
    %slice3A_281 = vector.extract_strided_slice %get3A_245 {offsets = [7], sizes = [1], strides = [1]} : vector<16xf32> to vector<1xf32>
    %squeeze3A_282 = vector.extract %slice3A_281[0] : f32 from vector<1xf32>
    %broadcast_in_dim3A_283 = vector.broadcast %squeeze3A_282 : f32 to vector<16xf32>
    %swap3A_284 = arith.constant 880 : index
    %swap3A_285 = tpu.vector_load %arg13[%swap3A_284] {strides = array<i32>} : memref<1024xf32, #tpu.memory_space<vmem>>, vector<16xf32>,
    tpu.vector_store %arg13[%swap3A_284], %broadcast_in_dim3A_283 {strides = array<i32>} : memref<1024xf32, #tpu.memory_space<vmem>>, vector<16xf32>,
    %slice3A_286 = vector.extract_strided_slice %get3A_245 {offsets = [8], sizes = [1], strides = [1]} : vector<16xf32> to vector<1xf32>
    %squeeze3A_287 = vector.extract %slice3A_286[0] : f32 from vector<1xf32>
    %broadcast_in_dim3A_288 = vector.broadcast %squeeze3A_287 : f32 to vector<16xf32>
    %swap3A_289 = arith.constant 896 : index
    %swap3A_290 = tpu.vector_load %arg13[%swap3A_289] {strides = array<i32>} : memref<1024xf32, #tpu.memory_space<vmem>>, vector<16xf32>,
    tpu.vector_store %arg13[%swap3A_289], %broadcast_in_dim3A_288 {strides = array<i32>} : memref<1024xf32, #tpu.memory_space<vmem>>, vector<16xf32>,
    %slice3A_291 = vector.extract_strided_slice %get3A_245 {offsets = [9], sizes = [1], strides = [1]} : vector<16xf32> to vector<1xf32>
    %squeeze3A_292 = vector.extract %slice3A_291[0] : f32 from vector<1xf32>
    %broadcast_in_dim3A_293 = vector.broadcast %squeeze3A_292 : f32 to vector<16xf32>
    %swap3A_294 = arith.constant 912 : index
    %swap3A_295 = tpu.vector_load %arg13[%swap3A_294] {strides = array<i32>} : memref<1024xf32, #tpu.memory_space<vmem>>, vector<16xf32>,
    tpu.vector_store %arg13[%swap3A_294], %broadcast_in_dim3A_293 {strides = array<i32>} : memref<1024xf32, #tpu.memory_space<vmem>>, vector<16xf32>,
    %slice3A_296 = vector.extract_strided_slice %get3A_245 {offsets = [10], sizes = [1], strides = [1]} : vector<16xf32> to vector<1xf32>
    %squeeze3A_297 = vector.extract %slice3A_296[0] : f32 from vector<1xf32>
    %broadcast_in_dim3A_298 = vector.broadcast %squeeze3A_297 : f32 to vector<16xf32>
    %swap3A_299 = arith.constant 928 : index
    %swap3A_300 = tpu.vector_load %arg13[%swap3A_299] {strides = array<i32>} : memref<1024xf32, #tpu.memory_space<vmem>>, vector<16xf32>,
    tpu.vector_store %arg13[%swap3A_299], %broadcast_in_dim3A_298 {strides = array<i32>} : memref<1024xf32, #tpu.memory_space<vmem>>, vector<16xf32>,
    %slice3A_301 = vector.extract_strided_slice %get3A_245 {offsets = [11], sizes = [1], strides = [1]} : vector<16xf32> to vector<1xf32>
    %squeeze3A_302 = vector.extract %slice3A_301[0] : f32 from vector<1xf32>
    %broadcast_in_dim3A_303 = vector.broadcast %squeeze3A_302 : f32 to vector<16xf32>
    %swap3A_304 = arith.constant 944 : index
    %swap3A_305 = tpu.vector_load %arg13[%swap3A_304] {strides = array<i32>} : memref<1024xf32, #tpu.memory_space<vmem>>, vector<16xf32>,
    tpu.vector_store %arg13[%swap3A_304], %broadcast_in_dim3A_303 {strides = array<i32>} : memref<1024xf32, #tpu.memory_space<vmem>>, vector<16xf32>,
    %slice3A_306 = vector.extract_strided_slice %get3A_245 {offsets = [12], sizes = [1], strides = [1]} : vector<16xf32> to vector<1xf32>
    %squeeze3A_307 = vector.extract %slice3A_306[0] : f32 from vector<1xf32>
    %broadcast_in_dim3A_308 = vector.broadcast %squeeze3A_307 : f32 to vector<16xf32>
    %swap3A_309 = arith.constant 960 : index
    %swap3A_310 = tpu.vector_load %arg13[%swap3A_309] {strides = array<i32>} : memref<1024xf32, #tpu.memory_space<vmem>>, vector<16xf32>,
    tpu.vector_store %arg13[%swap3A_309], %broadcast_in_dim3A_308 {strides = array<i32>} : memref<1024xf32, #tpu.memory_space<vmem>>, vector<16xf32>,
    %slice3A_311 = vector.extract_strided_slice %get3A_245 {offsets = [13], sizes = [1], strides = [1]} : vector<16xf32> to vector<1xf32>
    %squeeze3A_312 = vector.extract %slice3A_311[0] : f32 from vector<1xf32>
    %broadcast_in_dim3A_313 = vector.broadcast %squeeze3A_312 : f32 to vector<16xf32>
    %swap3A_314 = arith.constant 976 : index
    %swap3A_315 = tpu.vector_load %arg13[%swap3A_314] {strides = array<i32>} : memref<1024xf32, #tpu.memory_space<vmem>>, vector<16xf32>,
    tpu.vector_store %arg13[%swap3A_314], %broadcast_in_dim3A_313 {strides = array<i32>} : memref<1024xf32, #tpu.memory_space<vmem>>, vector<16xf32>,
    %slice3A_316 = vector.extract_strided_slice %get3A_245 {offsets = [14], sizes = [1], strides = [1]} : vector<16xf32> to vector<1xf32>
    %squeeze3A_317 = vector.extract %slice3A_316[0] : f32 from vector<1xf32>
    %broadcast_in_dim3A_318 = vector.broadcast %squeeze3A_317 : f32 to vector<16xf32>
    %swap3A_319 = arith.constant 992 : index
    %swap3A_320 = tpu.vector_load %arg13[%swap3A_319] {strides = array<i32>} : memref<1024xf32, #tpu.memory_space<vmem>>, vector<16xf32>,
    tpu.vector_store %arg13[%swap3A_319], %broadcast_in_dim3A_318 {strides = array<i32>} : memref<1024xf32, #tpu.memory_space<vmem>>, vector<16xf32>,
    %slice3A_321 = vector.extract_strided_slice %get3A_245 {offsets = [15], sizes = [1], strides = [1]} : vector<16xf32> to vector<1xf32>
    %squeeze3A_322 = vector.extract %slice3A_321[0] : f32 from vector<1xf32>
    %broadcast_in_dim3A_323 = vector.broadcast %squeeze3A_322 : f32 to vector<16xf32>
    %swap3A_324 = arith.constant 1008 : index
    %swap3A_325 = tpu.vector_load %arg13[%swap3A_324] {strides = array<i32>} : memref<1024xf32, #tpu.memory_space<vmem>>, vector<16xf32>,
    tpu.vector_store %arg13[%swap3A_324], %broadcast_in_dim3A_323 {strides = array<i32>} : memref<1024xf32, #tpu.memory_space<vmem>>, vector<16xf32>,
    %mul3A_326 = arith.constant 512 : i32
    %mul3A_327 = arith.muli %add3A, %mul3A_326 : i32
    %mul3A_328 = arith.constant 26 : i32
    %mul3A_329 = arith.muli %mul3A_327, %mul3A_328 : i32
    "tpu.region"() ({
      %run_scoped3A = tpu.sem_alloc : memref<!tpu.dma_semaphore, #tpu.memory_space<semaphore_mem>>
      %dma_start3A_352 = tpu.memref_slice %arg2[%mul3A_329] : memref<425984xi32, #tpu.memory_space<hbm>> -> memref<416xi32, #tpu.memory_space<hbm>>
      %dma_start3A_353 = tpu.memref_slice %arg2[%mul3A_329] : memref<425984xi32, #tpu.memory_space<hbm>> -> memref<416xi32, #tpu.memory_space<hbm>>
      tpu.enqueue_dma source(%dma_start3A_353 : memref<416xi32, #tpu.memory_space<hbm>>) target(%arg6 : memref<416xi32, #tpu.memory_space<vmem>>) target_semaphore(%run_scoped3A : memref<!tpu.dma_semaphore, #tpu.memory_space<semaphore_mem>>)
      %dma_wait3A_354 = tpu.memref_slice %arg2[%mul3A_329] : memref<425984xi32, #tpu.memory_space<hbm>> -> memref<416xi32, #tpu.memory_space<hbm>>
      %dma_wait3A_355 = tpu.memref_slice %arg2[%mul3A_329] : memref<425984xi32, #tpu.memory_space<hbm>> -> memref<416xi32, #tpu.memory_space<hbm>>
      tpu.wait_dma2 semaphore(%run_scoped3A : memref<!tpu.dma_semaphore, #tpu.memory_space<semaphore_mem>>) src(%dma_wait3A_355 : memref<416xi32, #tpu.memory_space<hbm>>) dst(%arg6 : memref<416xi32, #tpu.memory_space<vmem>>)
      tpu.yield
    }) : () -> ()
    %dma_start3A = arith.constant 0 : i32
    %dma_start3A_330 = arith.constant 0 : i32
    %dma_start3A_331 = tpu.memref_slice %arg3[%dma_start3A, %dma_start3A_330] : memref<1000000x64xf32, #tpu.memory_space<hbm>> -> memref<1000000x64xf32, #tpu.memory_space<hbm>>
    tpu.enqueue_indirect_dma source(%dma_start3A_331 : memref<1000000x64xf32, #tpu.memory_space<hbm>>) target(%arg8 : memref<416x64xf32, #tpu.memory_space<vmem>>) offsets(%arg6 : memref<416xi32, #tpu.memory_space<vmem>>) semaphore(%arg14 : memref<!tpu.dma_semaphore, #tpu.memory_space<semaphore_mem>>)
    %scan3A = arith.constant 0 : i32
    %scan3A_332 = arith.constant 0 : i32
    %scan3A_333 = arith.constant 16 : i32
    %scan3A_334 = arith.addi %scan3A_332, %scan3A_333 : i32
    %scan3A_335 = arith.constant 1 : i32
    scf.for %scan3A_352 = %scan3A_332 to %scan3A_334 step %scan3A_335  : i32 {
      %mul3A_353 = arith.constant 2 : i32
      %mul3A_354 = arith.muli %scan3A_352, %mul3A_353 : i32
      %add3A_355 = arith.constant 0 : i32
      %add3A_356 = arith.addi %mul3A_354, %add3A_355 : i32
      %mul3A_357 = arith.constant 16 : i32
      %mul3A_358 = arith.muli %add3A_356, %mul3A_357 : i32
      %add3A_359 = arith.addi %mul3A_2, %mul3A_358 : i32
      %mul3A_360 = arith.constant 416 : i32
      %mul3A_361 = arith.muli %add3A_356, %mul3A_360 : i32
      %add3A_362 = arith.addi %mul3A_329, %mul3A_361 : i32
      %add3A_363 = arith.constant 1 : i32
      %add3A_364 = arith.addi %add3A_356, %add3A_363 : i32
      %lt3A = arith.constant 32 : i32
      %lt3A_365 = arith.cmpi slt, %add3A_364, %lt3A : i32
      %convert_element_type3A = arith.extui %lt3A_365 : i1 to i32
      %cond3A = arith.constant 0 : i32
      %cond3A_366 = arith.cmpi ne, %convert_element_type3A, %cond3A : i32
      scf.if %cond3A_366 {
        %add3A_416 = arith.constant 416 : i32
        %add3A_417 = arith.addi %add3A_362, %add3A_416 : i32
        "tpu.region"() ({
          %run_scoped3A = tpu.sem_alloc : memref<!tpu.dma_semaphore, #tpu.memory_space<semaphore_mem>>
          %dma_start3A_421 = tpu.memref_slice %arg2[%add3A_417] : memref<425984xi32, #tpu.memory_space<hbm>> -> memref<416xi32, #tpu.memory_space<hbm>>
          %dma_start3A_422 = tpu.memref_slice %arg2[%add3A_417] : memref<425984xi32, #tpu.memory_space<hbm>> -> memref<416xi32, #tpu.memory_space<hbm>>
          tpu.enqueue_dma source(%dma_start3A_422 : memref<416xi32, #tpu.memory_space<hbm>>) target(%arg7 : memref<416xi32, #tpu.memory_space<vmem>>) target_semaphore(%run_scoped3A : memref<!tpu.dma_semaphore, #tpu.memory_space<semaphore_mem>>)
          %dma_wait3A_423 = tpu.memref_slice %arg2[%add3A_417] : memref<425984xi32, #tpu.memory_space<hbm>> -> memref<416xi32, #tpu.memory_space<hbm>>
          %dma_wait3A_424 = tpu.memref_slice %arg2[%add3A_417] : memref<425984xi32, #tpu.memory_space<hbm>> -> memref<416xi32, #tpu.memory_space<hbm>>
          tpu.wait_dma2 semaphore(%run_scoped3A : memref<!tpu.dma_semaphore, #tpu.memory_space<semaphore_mem>>) src(%dma_wait3A_424 : memref<416xi32, #tpu.memory_space<hbm>>) dst(%arg7 : memref<416xi32, #tpu.memory_space<vmem>>)
          tpu.yield
        }) : () -> ()
        %dma_start3A_418 = arith.constant 0 : i32
        %dma_start3A_419 = arith.constant 0 : i32
        %dma_start3A_420 = tpu.memref_slice %arg3[%dma_start3A_418, %dma_start3A_419] : memref<1000000x64xf32, #tpu.memory_space<hbm>> -> memref<1000000x64xf32, #tpu.memory_space<hbm>>
        tpu.enqueue_indirect_dma source(%dma_start3A_420 : memref<1000000x64xf32, #tpu.memory_space<hbm>>) target(%arg9 : memref<416x64xf32, #tpu.memory_space<vmem>>) offsets(%arg7 : memref<416xi32, #tpu.memory_space<vmem>>) semaphore(%arg15 : memref<!tpu.dma_semaphore, #tpu.memory_space<semaphore_mem>>)
      } else {
      }
      %dma_wait3A_367 = arith.constant 0 : i32
      %dma_wait3A_368 = arith.constant 0 : i32
      %dma_wait3A_369 = tpu.memref_slice %arg3[%dma_wait3A_367, %dma_wait3A_368] : memref<1000000x64xf32, #tpu.memory_space<hbm>> -> memref<1000000x64xf32, #tpu.memory_space<hbm>>
      tpu.wait_indirect_dma semaphore(%arg14 : memref<!tpu.dma_semaphore, #tpu.memory_space<semaphore_mem>>) src(%dma_wait3A_369 : memref<1000000x64xf32, #tpu.memory_space<hbm>>) dst(%arg8 : memref<416x64xf32, #tpu.memory_space<vmem>>)
      %ge3A = arith.constant 2 : i32
      %ge3A_370 = arith.cmpi sge, %add3A_356, %ge3A : i32
      %convert_element_type3A_371 = arith.extui %ge3A_370 : i1 to i32
      %cond3A_372 = arith.constant 0 : i32
      %cond3A_373 = arith.cmpi ne, %convert_element_type3A_371, %cond3A_372 : i32
      scf.if %cond3A_373 {
        %dma_wait3A_416 = arith.constant 0 : i32
        %dma_wait3A_417 = arith.constant 0 : i32
        %dma_wait3A_418 = tpu.memref_slice %arg5[%add3A_359, %dma_wait3A_416, %dma_wait3A_417] : memref<16384x26x64xf32, #tpu.memory_space<hbm>> -> memref<16x26x64xf32, #tpu.memory_space<hbm>>
        %dma_wait3A_419 = arith.constant 0 : i32
        %dma_wait3A_420 = arith.constant 0 : i32
        %dma_wait3A_421 = tpu.memref_slice %arg5[%add3A_359, %dma_wait3A_419, %dma_wait3A_420] : memref<16384x26x64xf32, #tpu.memory_space<hbm>> -> memref<16x26x64xf32, #tpu.memory_space<hbm>>
        tpu.wait_dma2 semaphore(%arg16 : memref<!tpu.dma_semaphore, #tpu.memory_space<semaphore_mem>>) src(%arg10 : memref<16x26x64xf32, #tpu.memory_space<vmem>>) dst(%dma_wait3A_421 : memref<16x26x64xf32, #tpu.memory_space<hbm>>)
      } else {
      }
      %parallel_loop3A = arith.constant 0 : i32
      %parallel_loop3A_374 = arith.constant 26 : i32
      %parallel_loop3A_375 = arith.constant 1 : i32
      scf.for %parallel_loop3A_416 = %parallel_loop3A to %parallel_loop3A_374 step %parallel_loop3A_375  : i32 {
        %parallel_loop3A_417 = arith.constant 16 : i32
        %parallel_loop3A_418 = arith.muli %parallel_loop3A_416, %parallel_loop3A_417 : i32
        %parallel_loop3A_419 = vector.broadcast %parallel_loop3A_418 : i32 to vector<16xi32>
        %parallel_loop3A_420 = arith.addi %parallel_loop3A_419, %iota3A : vector<16xi32>
        %parallel_loop3A_421 = arith.constant 26 : i32
        %parallel_loop3A_422 = vector.broadcast %parallel_loop3A_421 : i32 to vector<16xi32>
        %parallel_loop3A_423 = arith.divsi %parallel_loop3A_420, %parallel_loop3A_422 : vector<16xi32>
        %parallel_loop3A_424 = arith.constant 0 : i32
        %parallel_loop3A_425 = vector.broadcast %parallel_loop3A_424 : i32 to vector<16xi32>
        %parallel_loop3A_426 = arith.cmpi sgt, %parallel_loop3A_420, %parallel_loop3A_425 : vector<16xi32>
        %parallel_loop3A_427 = arith.extui %parallel_loop3A_426 : vector<16xi1> to vector<16xi32>
        %parallel_loop3A_428 = arith.constant 0 : i32
        %parallel_loop3A_429 = vector.broadcast %parallel_loop3A_428 : i32 to vector<16xi32>
        %parallel_loop3A_430 = arith.cmpi slt, %parallel_loop3A_420, %parallel_loop3A_429 : vector<16xi32>
        %parallel_loop3A_431 = arith.extui %parallel_loop3A_430 : vector<16xi1> to vector<16xi32>
        %parallel_loop3A_432 = arith.subi %parallel_loop3A_427, %parallel_loop3A_431 : vector<16xi32>
        %parallel_loop3A_433 = arith.constant 0 : i32
        %parallel_loop3A_434 = arith.cmpi sgt, %parallel_loop3A_421, %parallel_loop3A_433 : i32
        %parallel_loop3A_435 = arith.extui %parallel_loop3A_434 : i1 to i32
        %parallel_loop3A_436 = arith.constant 0 : i32
        %parallel_loop3A_437 = arith.cmpi slt, %parallel_loop3A_421, %parallel_loop3A_436 : i32
        %parallel_loop3A_438 = arith.extui %parallel_loop3A_437 : i1 to i32
        %parallel_loop3A_439 = arith.subi %parallel_loop3A_435, %parallel_loop3A_438 : i32
        %parallel_loop3A_440 = vector.broadcast %parallel_loop3A_439 : i32 to vector<16xi32>
        %parallel_loop3A_441 = arith.cmpi ne, %parallel_loop3A_432, %parallel_loop3A_440 : vector<16xi32>
        %parallel_loop3A_442 = vector.broadcast %parallel_loop3A_421 : i32 to vector<16xi32>
        %parallel_loop3A_443 = arith.remsi %parallel_loop3A_420, %parallel_loop3A_442 : vector<16xi32>
        %parallel_loop3A_444 = arith.constant 0 : i32
        %parallel_loop3A_445 = vector.broadcast %parallel_loop3A_444 : i32 to vector<16xi32>
        %parallel_loop3A_446 = arith.cmpi ne, %parallel_loop3A_443, %parallel_loop3A_445 : vector<16xi32>
        %parallel_loop3A_447 = arith.andi %parallel_loop3A_441, %parallel_loop3A_446 : vector<16xi1>
        %parallel_loop3A_448 = arith.constant 1 : i32
        %parallel_loop3A_449 = vector.broadcast %parallel_loop3A_448 : i32 to vector<16xi32>
        %parallel_loop3A_450 = arith.subi %parallel_loop3A_423, %parallel_loop3A_449 : vector<16xi32>
        %parallel_loop3A_451 = arith.select %parallel_loop3A_447, %parallel_loop3A_450, %parallel_loop3A_423 : vector<16xi1>, vector<16xi32>
        %parallel_loop3A_452 = arith.constant 26 : i32
        %parallel_loop3A_453 = arith.constant 0 : i32
        %parallel_loop3A_454 = arith.cmpi eq, %parallel_loop3A_452, %parallel_loop3A_453 : i32
        %parallel_loop3A_455 = arith.constant 1 : i32
        %parallel_loop3A_456 = arith.select %parallel_loop3A_454, %parallel_loop3A_455, %parallel_loop3A_452 : i32
        %parallel_loop3A_457 = vector.broadcast %parallel_loop3A_456 : i32 to vector<16xi32>
        %parallel_loop3A_458 = arith.remsi %parallel_loop3A_420, %parallel_loop3A_457 : vector<16xi32>
        %parallel_loop3A_459 = arith.constant 0 : i32
        %parallel_loop3A_460 = vector.broadcast %parallel_loop3A_459 : i32 to vector<16xi32>
        %parallel_loop3A_461 = arith.cmpi ne, %parallel_loop3A_458, %parallel_loop3A_460 : vector<16xi32>
        %parallel_loop3A_462 = arith.constant 0 : i32
        %parallel_loop3A_463 = vector.broadcast %parallel_loop3A_462 : i32 to vector<16xi32>
        %parallel_loop3A_464 = arith.cmpi slt, %parallel_loop3A_458, %parallel_loop3A_463 : vector<16xi32>
        %parallel_loop3A_465 = arith.constant 0 : i32
        %parallel_loop3A_466 = arith.cmpi slt, %parallel_loop3A_456, %parallel_loop3A_465 : i32
        %parallel_loop3A_467 = vector.broadcast %parallel_loop3A_466 : i1 to vector<16xi1>
        %parallel_loop3A_468 = vector.broadcast %parallel_loop3A_467 : vector<16xi1> to vector<16xi1>
        %parallel_loop3A_469 = arith.xori %parallel_loop3A_464, %parallel_loop3A_468 : vector<16xi1>
        %parallel_loop3A_470 = arith.andi %parallel_loop3A_469, %parallel_loop3A_461 : vector<16xi1>
        %parallel_loop3A_471 = vector.broadcast %parallel_loop3A_456 : i32 to vector<16xi32>
        %parallel_loop3A_472 = arith.addi %parallel_loop3A_458, %parallel_loop3A_471 : vector<16xi32>
        %parallel_loop3A_473 = arith.select %parallel_loop3A_470, %parallel_loop3A_472, %parallel_loop3A_458 : vector<16xi1>, vector<16xi32>
        %parallel_loop3A_474 = arith.constant 0.000000e+00 : f32
        %parallel_loop3A_475 = vector.broadcast %parallel_loop3A_474 : f32 to vector<16xf32>
        %parallel_loop3A_476 = arith.constant 0.000000e+00 : f32
        %parallel_loop3A_477 = vector.broadcast %parallel_loop3A_476 : f32 to vector<16xf32>
        %parallel_loop3A_478 = arith.constant 0.000000e+00 : f32
        %parallel_loop3A_479 = vector.broadcast %parallel_loop3A_478 : f32 to vector<16xf32>
        %parallel_loop3A_480 = arith.constant 0.000000e+00 : f32
        %parallel_loop3A_481 = vector.broadcast %parallel_loop3A_480 : f32 to vector<16xf32>
        %parallel_loop3A_482 = arith.constant 0.000000e+00 : f32
        %parallel_loop3A_483 = vector.broadcast %parallel_loop3A_482 : f32 to vector<16xf32>
        %parallel_loop3A_484 = arith.constant 0.000000e+00 : f32
        %parallel_loop3A_485 = vector.broadcast %parallel_loop3A_484 : f32 to vector<16xf32>
        %parallel_loop3A_486 = arith.constant 0.000000e+00 : f32
        %parallel_loop3A_487 = vector.broadcast %parallel_loop3A_486 : f32 to vector<16xf32>
        %parallel_loop3A_488 = arith.constant 0.000000e+00 : f32
        %parallel_loop3A_489 = vector.broadcast %parallel_loop3A_488 : f32 to vector<16xf32>
        %parallel_loop3A_490 = arith.constant 0 : i32
        %parallel_loop3A_491 = vector.broadcast %parallel_loop3A_490 : i32 to vector<16xi32>
        %parallel_loop3A_492 = arith.constant 1 : i32
        %parallel_loop3A_493 = vector.broadcast %parallel_loop3A_492 : i32 to vector<16xi32>
        %parallel_loop3A_494 = arith.constant 2 : i32
        %parallel_loop3A_495 = vector.broadcast %parallel_loop3A_494 : i32 to vector<16xi32>
        %parallel_loop3A_496 = arith.constant 3 : i32
        %parallel_loop3A_497 = vector.broadcast %parallel_loop3A_496 : i32 to vector<16xi32>
        %parallel_loop3A_498 = arith.constant 4 : i32
        %parallel_loop3A_499 = vector.broadcast %parallel_loop3A_498 : i32 to vector<16xi32>
        %parallel_loop3A_500 = arith.constant 5 : i32
        %parallel_loop3A_501 = vector.broadcast %parallel_loop3A_500 : i32 to vector<16xi32>
        %parallel_loop3A_502 = arith.constant 6 : i32
        %parallel_loop3A_503 = vector.broadcast %parallel_loop3A_502 : i32 to vector<16xi32>
        %parallel_loop3A_504 = arith.constant 7 : i32
        %parallel_loop3A_505 = vector.broadcast %parallel_loop3A_504 : i32 to vector<16xi32>
        %parallel_loop3A_506 = tpu.vector_load_idx %arg8[%parallel_loop3A_420, %parallel_loop3A_491] : memref<416x64xf32, #tpu.memory_space<vmem>>[vector<16xi32>, vector<16xi32>], vector<16xf32>,
        %parallel_loop3A_507 = tpu.vector_load_idx %arg8[%parallel_loop3A_420, %parallel_loop3A_493] : memref<416x64xf32, #tpu.memory_space<vmem>>[vector<16xi32>, vector<16xi32>], vector<16xf32>,
        %parallel_loop3A_508 = tpu.vector_load_idx %arg8[%parallel_loop3A_420, %parallel_loop3A_495] : memref<416x64xf32, #tpu.memory_space<vmem>>[vector<16xi32>, vector<16xi32>], vector<16xf32>,
        %parallel_loop3A_509 = tpu.vector_load_idx %arg8[%parallel_loop3A_420, %parallel_loop3A_497] : memref<416x64xf32, #tpu.memory_space<vmem>>[vector<16xi32>, vector<16xi32>], vector<16xf32>,
        %parallel_loop3A_510 = tpu.vector_load_idx %arg8[%parallel_loop3A_420, %parallel_loop3A_499] : memref<416x64xf32, #tpu.memory_space<vmem>>[vector<16xi32>, vector<16xi32>], vector<16xf32>,
        %parallel_loop3A_511 = tpu.vector_load_idx %arg8[%parallel_loop3A_420, %parallel_loop3A_501] : memref<416x64xf32, #tpu.memory_space<vmem>>[vector<16xi32>, vector<16xi32>], vector<16xf32>,
        %parallel_loop3A_512 = tpu.vector_load_idx %arg8[%parallel_loop3A_420, %parallel_loop3A_503] : memref<416x64xf32, #tpu.memory_space<vmem>>[vector<16xi32>, vector<16xi32>], vector<16xf32>,
        %parallel_loop3A_513 = tpu.vector_load_idx %arg8[%parallel_loop3A_420, %parallel_loop3A_505] : memref<416x64xf32, #tpu.memory_space<vmem>>[vector<16xi32>, vector<16xi32>], vector<16xf32>,
        %parallel_loop3A_514 = arith.constant 0 : index
        %parallel_loop3A_515 = tpu.vector_load %arg13[%parallel_loop3A_514] {strides = array<i32>} : memref<1024xf32, #tpu.memory_space<vmem>>, vector<16xf32>,
        %parallel_loop3A_516 = arith.constant 16 : index
        %parallel_loop3A_517 = tpu.vector_load %arg13[%parallel_loop3A_516] {strides = array<i32>} : memref<1024xf32, #tpu.memory_space<vmem>>, vector<16xf32>,
        %parallel_loop3A_518 = arith.constant 32 : index
        %parallel_loop3A_519 = tpu.vector_load %arg13[%parallel_loop3A_518] {strides = array<i32>} : memref<1024xf32, #tpu.memory_space<vmem>>, vector<16xf32>,
        %parallel_loop3A_520 = arith.constant 48 : index
        %parallel_loop3A_521 = tpu.vector_load %arg13[%parallel_loop3A_520] {strides = array<i32>} : memref<1024xf32, #tpu.memory_space<vmem>>, vector<16xf32>,
        %parallel_loop3A_522 = arith.constant 64 : index
        %parallel_loop3A_523 = tpu.vector_load %arg13[%parallel_loop3A_522] {strides = array<i32>} : memref<1024xf32, #tpu.memory_space<vmem>>, vector<16xf32>,
        %parallel_loop3A_524 = arith.constant 80 : index
        %parallel_loop3A_525 = tpu.vector_load %arg13[%parallel_loop3A_524] {strides = array<i32>} : memref<1024xf32, #tpu.memory_space<vmem>>, vector<16xf32>,
        %parallel_loop3A_526 = arith.constant 96 : index
        %parallel_loop3A_527 = tpu.vector_load %arg13[%parallel_loop3A_526] {strides = array<i32>} : memref<1024xf32, #tpu.memory_space<vmem>>, vector<16xf32>,
        %parallel_loop3A_528 = arith.constant 112 : index
        %parallel_loop3A_529 = tpu.vector_load %arg13[%parallel_loop3A_528] {strides = array<i32>} : memref<1024xf32, #tpu.memory_space<vmem>>, vector<16xf32>,
        %parallel_loop3A_530 = arith.addf %parallel_loop3A_506, %parallel_loop3A_515 : vector<16xf32>
        %parallel_loop3A_531 = arith.addf %parallel_loop3A_507, %parallel_loop3A_517 : vector<16xf32>
        %parallel_loop3A_532 = arith.addf %parallel_loop3A_508, %parallel_loop3A_519 : vector<16xf32>
        %parallel_loop3A_533 = arith.addf %parallel_loop3A_509, %parallel_loop3A_521 : vector<16xf32>
        %parallel_loop3A_534 = arith.addf %parallel_loop3A_510, %parallel_loop3A_523 : vector<16xf32>
        %parallel_loop3A_535 = arith.addf %parallel_loop3A_511, %parallel_loop3A_525 : vector<16xf32>
        %parallel_loop3A_536 = arith.addf %parallel_loop3A_512, %parallel_loop3A_527 : vector<16xf32>
        %parallel_loop3A_537 = arith.addf %parallel_loop3A_513, %parallel_loop3A_529 : vector<16xf32>
        %parallel_loop3A_538 = arith.mulf %parallel_loop3A_530, %parallel_loop3A_530 : vector<16xf32>
        %parallel_loop3A_539 = arith.addf %parallel_loop3A_475, %parallel_loop3A_538 : vector<16xf32>
        %parallel_loop3A_540 = arith.mulf %parallel_loop3A_531, %parallel_loop3A_531 : vector<16xf32>
        %parallel_loop3A_541 = arith.addf %parallel_loop3A_477, %parallel_loop3A_540 : vector<16xf32>
        %parallel_loop3A_542 = arith.mulf %parallel_loop3A_532, %parallel_loop3A_532 : vector<16xf32>
        %parallel_loop3A_543 = arith.addf %parallel_loop3A_479, %parallel_loop3A_542 : vector<16xf32>
        %parallel_loop3A_544 = arith.mulf %parallel_loop3A_533, %parallel_loop3A_533 : vector<16xf32>
        %parallel_loop3A_545 = arith.addf %parallel_loop3A_481, %parallel_loop3A_544 : vector<16xf32>
        %parallel_loop3A_546 = arith.mulf %parallel_loop3A_534, %parallel_loop3A_534 : vector<16xf32>
        %parallel_loop3A_547 = arith.addf %parallel_loop3A_483, %parallel_loop3A_546 : vector<16xf32>
        %parallel_loop3A_548 = arith.mulf %parallel_loop3A_535, %parallel_loop3A_535 : vector<16xf32>
        %parallel_loop3A_549 = arith.addf %parallel_loop3A_485, %parallel_loop3A_548 : vector<16xf32>
        %parallel_loop3A_550 = arith.mulf %parallel_loop3A_536, %parallel_loop3A_536 : vector<16xf32>
        %parallel_loop3A_551 = arith.addf %parallel_loop3A_487, %parallel_loop3A_550 : vector<16xf32>
        %parallel_loop3A_552 = arith.mulf %parallel_loop3A_537, %parallel_loop3A_537 : vector<16xf32>
        %parallel_loop3A_553 = arith.addf %parallel_loop3A_489, %parallel_loop3A_552 : vector<16xf32>
        %parallel_loop3A_554 = arith.constant 8 : i32
        %parallel_loop3A_555 = vector.broadcast %parallel_loop3A_554 : i32 to vector<16xi32>
        %parallel_loop3A_556 = arith.constant 9 : i32
        %parallel_loop3A_557 = vector.broadcast %parallel_loop3A_556 : i32 to vector<16xi32>
        %parallel_loop3A_558 = arith.constant 10 : i32
        %parallel_loop3A_559 = vector.broadcast %parallel_loop3A_558 : i32 to vector<16xi32>
        %parallel_loop3A_560 = arith.constant 11 : i32
        %parallel_loop3A_561 = vector.broadcast %parallel_loop3A_560 : i32 to vector<16xi32>
        %parallel_loop3A_562 = arith.constant 12 : i32
        %parallel_loop3A_563 = vector.broadcast %parallel_loop3A_562 : i32 to vector<16xi32>
        %parallel_loop3A_564 = arith.constant 13 : i32
        %parallel_loop3A_565 = vector.broadcast %parallel_loop3A_564 : i32 to vector<16xi32>
        %parallel_loop3A_566 = arith.constant 14 : i32
        %parallel_loop3A_567 = vector.broadcast %parallel_loop3A_566 : i32 to vector<16xi32>
        %parallel_loop3A_568 = arith.constant 15 : i32
        %parallel_loop3A_569 = vector.broadcast %parallel_loop3A_568 : i32 to vector<16xi32>
        %parallel_loop3A_570 = tpu.vector_load_idx %arg8[%parallel_loop3A_420, %parallel_loop3A_555] : memref<416x64xf32, #tpu.memory_space<vmem>>[vector<16xi32>, vector<16xi32>], vector<16xf32>,
        %parallel_loop3A_571 = tpu.vector_load_idx %arg8[%parallel_loop3A_420, %parallel_loop3A_557] : memref<416x64xf32, #tpu.memory_space<vmem>>[vector<16xi32>, vector<16xi32>], vector<16xf32>,
        %parallel_loop3A_572 = tpu.vector_load_idx %arg8[%parallel_loop3A_420, %parallel_loop3A_559] : memref<416x64xf32, #tpu.memory_space<vmem>>[vector<16xi32>, vector<16xi32>], vector<16xf32>,
        %parallel_loop3A_573 = tpu.vector_load_idx %arg8[%parallel_loop3A_420, %parallel_loop3A_561] : memref<416x64xf32, #tpu.memory_space<vmem>>[vector<16xi32>, vector<16xi32>], vector<16xf32>,
        %parallel_loop3A_574 = tpu.vector_load_idx %arg8[%parallel_loop3A_420, %parallel_loop3A_563] : memref<416x64xf32, #tpu.memory_space<vmem>>[vector<16xi32>, vector<16xi32>], vector<16xf32>,
        %parallel_loop3A_575 = tpu.vector_load_idx %arg8[%parallel_loop3A_420, %parallel_loop3A_565] : memref<416x64xf32, #tpu.memory_space<vmem>>[vector<16xi32>, vector<16xi32>], vector<16xf32>,
        %parallel_loop3A_576 = tpu.vector_load_idx %arg8[%parallel_loop3A_420, %parallel_loop3A_567] : memref<416x64xf32, #tpu.memory_space<vmem>>[vector<16xi32>, vector<16xi32>], vector<16xf32>,
        %parallel_loop3A_577 = tpu.vector_load_idx %arg8[%parallel_loop3A_420, %parallel_loop3A_569] : memref<416x64xf32, #tpu.memory_space<vmem>>[vector<16xi32>, vector<16xi32>], vector<16xf32>,
        %parallel_loop3A_578 = arith.constant 128 : index
        %parallel_loop3A_579 = tpu.vector_load %arg13[%parallel_loop3A_578] {strides = array<i32>} : memref<1024xf32, #tpu.memory_space<vmem>>, vector<16xf32>,
        %parallel_loop3A_580 = arith.constant 144 : index
        %parallel_loop3A_581 = tpu.vector_load %arg13[%parallel_loop3A_580] {strides = array<i32>} : memref<1024xf32, #tpu.memory_space<vmem>>, vector<16xf32>,
        %parallel_loop3A_582 = arith.constant 160 : index
        %parallel_loop3A_583 = tpu.vector_load %arg13[%parallel_loop3A_582] {strides = array<i32>} : memref<1024xf32, #tpu.memory_space<vmem>>, vector<16xf32>,
        %parallel_loop3A_584 = arith.constant 176 : index
        %parallel_loop3A_585 = tpu.vector_load %arg13[%parallel_loop3A_584] {strides = array<i32>} : memref<1024xf32, #tpu.memory_space<vmem>>, vector<16xf32>,
        %parallel_loop3A_586 = arith.constant 192 : index
        %parallel_loop3A_587 = tpu.vector_load %arg13[%parallel_loop3A_586] {strides = array<i32>} : memref<1024xf32, #tpu.memory_space<vmem>>, vector<16xf32>,
        %parallel_loop3A_588 = arith.constant 208 : index
        %parallel_loop3A_589 = tpu.vector_load %arg13[%parallel_loop3A_588] {strides = array<i32>} : memref<1024xf32, #tpu.memory_space<vmem>>, vector<16xf32>,
        %parallel_loop3A_590 = arith.constant 224 : index
        %parallel_loop3A_591 = tpu.vector_load %arg13[%parallel_loop3A_590] {strides = array<i32>} : memref<1024xf32, #tpu.memory_space<vmem>>, vector<16xf32>,
        %parallel_loop3A_592 = arith.constant 240 : index
        %parallel_loop3A_593 = tpu.vector_load %arg13[%parallel_loop3A_592] {strides = array<i32>} : memref<1024xf32, #tpu.memory_space<vmem>>, vector<16xf32>,
        %parallel_loop3A_594 = arith.addf %parallel_loop3A_570, %parallel_loop3A_579 : vector<16xf32>
        %parallel_loop3A_595 = arith.addf %parallel_loop3A_571, %parallel_loop3A_581 : vector<16xf32>
        %parallel_loop3A_596 = arith.addf %parallel_loop3A_572, %parallel_loop3A_583 : vector<16xf32>
        %parallel_loop3A_597 = arith.addf %parallel_loop3A_573, %parallel_loop3A_585 : vector<16xf32>
        %parallel_loop3A_598 = arith.addf %parallel_loop3A_574, %parallel_loop3A_587 : vector<16xf32>
        %parallel_loop3A_599 = arith.addf %parallel_loop3A_575, %parallel_loop3A_589 : vector<16xf32>
        %parallel_loop3A_600 = arith.addf %parallel_loop3A_576, %parallel_loop3A_591 : vector<16xf32>
        %parallel_loop3A_601 = arith.addf %parallel_loop3A_577, %parallel_loop3A_593 : vector<16xf32>
        %parallel_loop3A_602 = arith.mulf %parallel_loop3A_594, %parallel_loop3A_594 : vector<16xf32>
        %parallel_loop3A_603 = arith.addf %parallel_loop3A_539, %parallel_loop3A_602 : vector<16xf32>
        %parallel_loop3A_604 = arith.mulf %parallel_loop3A_595, %parallel_loop3A_595 : vector<16xf32>
        %parallel_loop3A_605 = arith.addf %parallel_loop3A_541, %parallel_loop3A_604 : vector<16xf32>
        %parallel_loop3A_606 = arith.mulf %parallel_loop3A_596, %parallel_loop3A_596 : vector<16xf32>
        %parallel_loop3A_607 = arith.addf %parallel_loop3A_543, %parallel_loop3A_606 : vector<16xf32>
        %parallel_loop3A_608 = arith.mulf %parallel_loop3A_597, %parallel_loop3A_597 : vector<16xf32>
        %parallel_loop3A_609 = arith.addf %parallel_loop3A_545, %parallel_loop3A_608 : vector<16xf32>
        %parallel_loop3A_610 = arith.mulf %parallel_loop3A_598, %parallel_loop3A_598 : vector<16xf32>
        %parallel_loop3A_611 = arith.addf %parallel_loop3A_547, %parallel_loop3A_610 : vector<16xf32>
        %parallel_loop3A_612 = arith.mulf %parallel_loop3A_599, %parallel_loop3A_599 : vector<16xf32>
        %parallel_loop3A_613 = arith.addf %parallel_loop3A_549, %parallel_loop3A_612 : vector<16xf32>
        %parallel_loop3A_614 = arith.mulf %parallel_loop3A_600, %parallel_loop3A_600 : vector<16xf32>
        %parallel_loop3A_615 = arith.addf %parallel_loop3A_551, %parallel_loop3A_614 : vector<16xf32>
        %parallel_loop3A_616 = arith.mulf %parallel_loop3A_601, %parallel_loop3A_601 : vector<16xf32>
        %parallel_loop3A_617 = arith.addf %parallel_loop3A_553, %parallel_loop3A_616 : vector<16xf32>
        %parallel_loop3A_618 = arith.constant 16 : i32
        %parallel_loop3A_619 = vector.broadcast %parallel_loop3A_618 : i32 to vector<16xi32>
        %parallel_loop3A_620 = arith.constant 17 : i32
        %parallel_loop3A_621 = vector.broadcast %parallel_loop3A_620 : i32 to vector<16xi32>
        %parallel_loop3A_622 = arith.constant 18 : i32
        %parallel_loop3A_623 = vector.broadcast %parallel_loop3A_622 : i32 to vector<16xi32>
        %parallel_loop3A_624 = arith.constant 19 : i32
        %parallel_loop3A_625 = vector.broadcast %parallel_loop3A_624 : i32 to vector<16xi32>
        %parallel_loop3A_626 = arith.constant 20 : i32
        %parallel_loop3A_627 = vector.broadcast %parallel_loop3A_626 : i32 to vector<16xi32>
        %parallel_loop3A_628 = arith.constant 21 : i32
        %parallel_loop3A_629 = vector.broadcast %parallel_loop3A_628 : i32 to vector<16xi32>
        %parallel_loop3A_630 = arith.constant 22 : i32
        %parallel_loop3A_631 = vector.broadcast %parallel_loop3A_630 : i32 to vector<16xi32>
        %parallel_loop3A_632 = arith.constant 23 : i32
        %parallel_loop3A_633 = vector.broadcast %parallel_loop3A_632 : i32 to vector<16xi32>
        %parallel_loop3A_634 = tpu.vector_load_idx %arg8[%parallel_loop3A_420, %parallel_loop3A_619] : memref<416x64xf32, #tpu.memory_space<vmem>>[vector<16xi32>, vector<16xi32>], vector<16xf32>,
        %parallel_loop3A_635 = tpu.vector_load_idx %arg8[%parallel_loop3A_420, %parallel_loop3A_621] : memref<416x64xf32, #tpu.memory_space<vmem>>[vector<16xi32>, vector<16xi32>], vector<16xf32>,
        %parallel_loop3A_636 = tpu.vector_load_idx %arg8[%parallel_loop3A_420, %parallel_loop3A_623] : memref<416x64xf32, #tpu.memory_space<vmem>>[vector<16xi32>, vector<16xi32>], vector<16xf32>,
        %parallel_loop3A_637 = tpu.vector_load_idx %arg8[%parallel_loop3A_420, %parallel_loop3A_625] : memref<416x64xf32, #tpu.memory_space<vmem>>[vector<16xi32>, vector<16xi32>], vector<16xf32>,
        %parallel_loop3A_638 = tpu.vector_load_idx %arg8[%parallel_loop3A_420, %parallel_loop3A_627] : memref<416x64xf32, #tpu.memory_space<vmem>>[vector<16xi32>, vector<16xi32>], vector<16xf32>,
        %parallel_loop3A_639 = tpu.vector_load_idx %arg8[%parallel_loop3A_420, %parallel_loop3A_629] : memref<416x64xf32, #tpu.memory_space<vmem>>[vector<16xi32>, vector<16xi32>], vector<16xf32>,
        %parallel_loop3A_640 = tpu.vector_load_idx %arg8[%parallel_loop3A_420, %parallel_loop3A_631] : memref<416x64xf32, #tpu.memory_space<vmem>>[vector<16xi32>, vector<16xi32>], vector<16xf32>,
        %parallel_loop3A_641 = tpu.vector_load_idx %arg8[%parallel_loop3A_420, %parallel_loop3A_633] : memref<416x64xf32, #tpu.memory_space<vmem>>[vector<16xi32>, vector<16xi32>], vector<16xf32>,
        %parallel_loop3A_642 = arith.constant 256 : index
        %parallel_loop3A_643 = tpu.vector_load %arg13[%parallel_loop3A_642] {strides = array<i32>} : memref<1024xf32, #tpu.memory_space<vmem>>, vector<16xf32>,
        %parallel_loop3A_644 = arith.constant 272 : index
        %parallel_loop3A_645 = tpu.vector_load %arg13[%parallel_loop3A_644] {strides = array<i32>} : memref<1024xf32, #tpu.memory_space<vmem>>, vector<16xf32>,
        %parallel_loop3A_646 = arith.constant 288 : index
        %parallel_loop3A_647 = tpu.vector_load %arg13[%parallel_loop3A_646] {strides = array<i32>} : memref<1024xf32, #tpu.memory_space<vmem>>, vector<16xf32>,
        %parallel_loop3A_648 = arith.constant 304 : index
        %parallel_loop3A_649 = tpu.vector_load %arg13[%parallel_loop3A_648] {strides = array<i32>} : memref<1024xf32, #tpu.memory_space<vmem>>, vector<16xf32>,
        %parallel_loop3A_650 = arith.constant 320 : index
        %parallel_loop3A_651 = tpu.vector_load %arg13[%parallel_loop3A_650] {strides = array<i32>} : memref<1024xf32, #tpu.memory_space<vmem>>, vector<16xf32>,
        %parallel_loop3A_652 = arith.constant 336 : index
        %parallel_loop3A_653 = tpu.vector_load %arg13[%parallel_loop3A_652] {strides = array<i32>} : memref<1024xf32, #tpu.memory_space<vmem>>, vector<16xf32>,
        %parallel_loop3A_654 = arith.constant 352 : index
        %parallel_loop3A_655 = tpu.vector_load %arg13[%parallel_loop3A_654] {strides = array<i32>} : memref<1024xf32, #tpu.memory_space<vmem>>, vector<16xf32>,
        %parallel_loop3A_656 = arith.constant 368 : index
        %parallel_loop3A_657 = tpu.vector_load %arg13[%parallel_loop3A_656] {strides = array<i32>} : memref<1024xf32, #tpu.memory_space<vmem>>, vector<16xf32>,
        %parallel_loop3A_658 = arith.addf %parallel_loop3A_634, %parallel_loop3A_643 : vector<16xf32>
        %parallel_loop3A_659 = arith.addf %parallel_loop3A_635, %parallel_loop3A_645 : vector<16xf32>
        %parallel_loop3A_660 = arith.addf %parallel_loop3A_636, %parallel_loop3A_647 : vector<16xf32>
        %parallel_loop3A_661 = arith.addf %parallel_loop3A_637, %parallel_loop3A_649 : vector<16xf32>
        %parallel_loop3A_662 = arith.addf %parallel_loop3A_638, %parallel_loop3A_651 : vector<16xf32>
        %parallel_loop3A_663 = arith.addf %parallel_loop3A_639, %parallel_loop3A_653 : vector<16xf32>
        %parallel_loop3A_664 = arith.addf %parallel_loop3A_640, %parallel_loop3A_655 : vector<16xf32>
        %parallel_loop3A_665 = arith.addf %parallel_loop3A_641, %parallel_loop3A_657 : vector<16xf32>
        %parallel_loop3A_666 = arith.mulf %parallel_loop3A_658, %parallel_loop3A_658 : vector<16xf32>
        %parallel_loop3A_667 = arith.addf %parallel_loop3A_603, %parallel_loop3A_666 : vector<16xf32>
        %parallel_loop3A_668 = arith.mulf %parallel_loop3A_659, %parallel_loop3A_659 : vector<16xf32>
        %parallel_loop3A_669 = arith.addf %parallel_loop3A_605, %parallel_loop3A_668 : vector<16xf32>
        %parallel_loop3A_670 = arith.mulf %parallel_loop3A_660, %parallel_loop3A_660 : vector<16xf32>
        %parallel_loop3A_671 = arith.addf %parallel_loop3A_607, %parallel_loop3A_670 : vector<16xf32>
        %parallel_loop3A_672 = arith.mulf %parallel_loop3A_661, %parallel_loop3A_661 : vector<16xf32>
        %parallel_loop3A_673 = arith.addf %parallel_loop3A_609, %parallel_loop3A_672 : vector<16xf32>
        %parallel_loop3A_674 = arith.mulf %parallel_loop3A_662, %parallel_loop3A_662 : vector<16xf32>
        %parallel_loop3A_675 = arith.addf %parallel_loop3A_611, %parallel_loop3A_674 : vector<16xf32>
        %parallel_loop3A_676 = arith.mulf %parallel_loop3A_663, %parallel_loop3A_663 : vector<16xf32>
        %parallel_loop3A_677 = arith.addf %parallel_loop3A_613, %parallel_loop3A_676 : vector<16xf32>
        %parallel_loop3A_678 = arith.mulf %parallel_loop3A_664, %parallel_loop3A_664 : vector<16xf32>
        %parallel_loop3A_679 = arith.addf %parallel_loop3A_615, %parallel_loop3A_678 : vector<16xf32>
        %parallel_loop3A_680 = arith.mulf %parallel_loop3A_665, %parallel_loop3A_665 : vector<16xf32>
        %parallel_loop3A_681 = arith.addf %parallel_loop3A_617, %parallel_loop3A_680 : vector<16xf32>
        %parallel_loop3A_682 = arith.constant 24 : i32
        %parallel_loop3A_683 = vector.broadcast %parallel_loop3A_682 : i32 to vector<16xi32>
        %parallel_loop3A_684 = arith.constant 25 : i32
        %parallel_loop3A_685 = vector.broadcast %parallel_loop3A_684 : i32 to vector<16xi32>
        %parallel_loop3A_686 = arith.constant 26 : i32
        %parallel_loop3A_687 = vector.broadcast %parallel_loop3A_686 : i32 to vector<16xi32>
        %parallel_loop3A_688 = arith.constant 27 : i32
        %parallel_loop3A_689 = vector.broadcast %parallel_loop3A_688 : i32 to vector<16xi32>
        %parallel_loop3A_690 = arith.constant 28 : i32
        %parallel_loop3A_691 = vector.broadcast %parallel_loop3A_690 : i32 to vector<16xi32>
        %parallel_loop3A_692 = arith.constant 29 : i32
        %parallel_loop3A_693 = vector.broadcast %parallel_loop3A_692 : i32 to vector<16xi32>
        %parallel_loop3A_694 = arith.constant 30 : i32
        %parallel_loop3A_695 = vector.broadcast %parallel_loop3A_694 : i32 to vector<16xi32>
        %parallel_loop3A_696 = arith.constant 31 : i32
        %parallel_loop3A_697 = vector.broadcast %parallel_loop3A_696 : i32 to vector<16xi32>
        %parallel_loop3A_698 = tpu.vector_load_idx %arg8[%parallel_loop3A_420, %parallel_loop3A_683] : memref<416x64xf32, #tpu.memory_space<vmem>>[vector<16xi32>, vector<16xi32>], vector<16xf32>,
        %parallel_loop3A_699 = tpu.vector_load_idx %arg8[%parallel_loop3A_420, %parallel_loop3A_685] : memref<416x64xf32, #tpu.memory_space<vmem>>[vector<16xi32>, vector<16xi32>], vector<16xf32>,
        %parallel_loop3A_700 = tpu.vector_load_idx %arg8[%parallel_loop3A_420, %parallel_loop3A_687] : memref<416x64xf32, #tpu.memory_space<vmem>>[vector<16xi32>, vector<16xi32>], vector<16xf32>,
        %parallel_loop3A_701 = tpu.vector_load_idx %arg8[%parallel_loop3A_420, %parallel_loop3A_689] : memref<416x64xf32, #tpu.memory_space<vmem>>[vector<16xi32>, vector<16xi32>], vector<16xf32>,
        %parallel_loop3A_702 = tpu.vector_load_idx %arg8[%parallel_loop3A_420, %parallel_loop3A_691] : memref<416x64xf32, #tpu.memory_space<vmem>>[vector<16xi32>, vector<16xi32>], vector<16xf32>,
        %parallel_loop3A_703 = tpu.vector_load_idx %arg8[%parallel_loop3A_420, %parallel_loop3A_693] : memref<416x64xf32, #tpu.memory_space<vmem>>[vector<16xi32>, vector<16xi32>], vector<16xf32>,
        %parallel_loop3A_704 = tpu.vector_load_idx %arg8[%parallel_loop3A_420, %parallel_loop3A_695] : memref<416x64xf32, #tpu.memory_space<vmem>>[vector<16xi32>, vector<16xi32>], vector<16xf32>,
        %parallel_loop3A_705 = tpu.vector_load_idx %arg8[%parallel_loop3A_420, %parallel_loop3A_697] : memref<416x64xf32, #tpu.memory_space<vmem>>[vector<16xi32>, vector<16xi32>], vector<16xf32>,
        %parallel_loop3A_706 = arith.constant 384 : index
        %parallel_loop3A_707 = tpu.vector_load %arg13[%parallel_loop3A_706] {strides = array<i32>} : memref<1024xf32, #tpu.memory_space<vmem>>, vector<16xf32>,
        %parallel_loop3A_708 = arith.constant 400 : index
        %parallel_loop3A_709 = tpu.vector_load %arg13[%parallel_loop3A_708] {strides = array<i32>} : memref<1024xf32, #tpu.memory_space<vmem>>, vector<16xf32>,
        %parallel_loop3A_710 = arith.constant 416 : index
        %parallel_loop3A_711 = tpu.vector_load %arg13[%parallel_loop3A_710] {strides = array<i32>} : memref<1024xf32, #tpu.memory_space<vmem>>, vector<16xf32>,
        %parallel_loop3A_712 = arith.constant 432 : index
        %parallel_loop3A_713 = tpu.vector_load %arg13[%parallel_loop3A_712] {strides = array<i32>} : memref<1024xf32, #tpu.memory_space<vmem>>, vector<16xf32>,
        %parallel_loop3A_714 = arith.constant 448 : index
        %parallel_loop3A_715 = tpu.vector_load %arg13[%parallel_loop3A_714] {strides = array<i32>} : memref<1024xf32, #tpu.memory_space<vmem>>, vector<16xf32>,
        %parallel_loop3A_716 = arith.constant 464 : index
        %parallel_loop3A_717 = tpu.vector_load %arg13[%parallel_loop3A_716] {strides = array<i32>} : memref<1024xf32, #tpu.memory_space<vmem>>, vector<16xf32>,
        %parallel_loop3A_718 = arith.constant 480 : index
        %parallel_loop3A_719 = tpu.vector_load %arg13[%parallel_loop3A_718] {strides = array<i32>} : memref<1024xf32, #tpu.memory_space<vmem>>, vector<16xf32>,
        %parallel_loop3A_720 = arith.constant 496 : index
        %parallel_loop3A_721 = tpu.vector_load %arg13[%parallel_loop3A_720] {strides = array<i32>} : memref<1024xf32, #tpu.memory_space<vmem>>, vector<16xf32>,
        %parallel_loop3A_722 = arith.addf %parallel_loop3A_698, %parallel_loop3A_707 : vector<16xf32>
        %parallel_loop3A_723 = arith.addf %parallel_loop3A_699, %parallel_loop3A_709 : vector<16xf32>
        %parallel_loop3A_724 = arith.addf %parallel_loop3A_700, %parallel_loop3A_711 : vector<16xf32>
        %parallel_loop3A_725 = arith.addf %parallel_loop3A_701, %parallel_loop3A_713 : vector<16xf32>
        %parallel_loop3A_726 = arith.addf %parallel_loop3A_702, %parallel_loop3A_715 : vector<16xf32>
        %parallel_loop3A_727 = arith.addf %parallel_loop3A_703, %parallel_loop3A_717 : vector<16xf32>
        %parallel_loop3A_728 = arith.addf %parallel_loop3A_704, %parallel_loop3A_719 : vector<16xf32>
        %parallel_loop3A_729 = arith.addf %parallel_loop3A_705, %parallel_loop3A_721 : vector<16xf32>
        %parallel_loop3A_730 = arith.mulf %parallel_loop3A_722, %parallel_loop3A_722 : vector<16xf32>
        %parallel_loop3A_731 = arith.addf %parallel_loop3A_667, %parallel_loop3A_730 : vector<16xf32>
        %parallel_loop3A_732 = arith.mulf %parallel_loop3A_723, %parallel_loop3A_723 : vector<16xf32>
        %parallel_loop3A_733 = arith.addf %parallel_loop3A_669, %parallel_loop3A_732 : vector<16xf32>
        %parallel_loop3A_734 = arith.mulf %parallel_loop3A_724, %parallel_loop3A_724 : vector<16xf32>
        %parallel_loop3A_735 = arith.addf %parallel_loop3A_671, %parallel_loop3A_734 : vector<16xf32>
        %parallel_loop3A_736 = arith.mulf %parallel_loop3A_725, %parallel_loop3A_725 : vector<16xf32>
        %parallel_loop3A_737 = arith.addf %parallel_loop3A_673, %parallel_loop3A_736 : vector<16xf32>
        %parallel_loop3A_738 = arith.mulf %parallel_loop3A_726, %parallel_loop3A_726 : vector<16xf32>
        %parallel_loop3A_739 = arith.addf %parallel_loop3A_675, %parallel_loop3A_738 : vector<16xf32>
        %parallel_loop3A_740 = arith.mulf %parallel_loop3A_727, %parallel_loop3A_727 : vector<16xf32>
        %parallel_loop3A_741 = arith.addf %parallel_loop3A_677, %parallel_loop3A_740 : vector<16xf32>
        %parallel_loop3A_742 = arith.mulf %parallel_loop3A_728, %parallel_loop3A_728 : vector<16xf32>
        %parallel_loop3A_743 = arith.addf %parallel_loop3A_679, %parallel_loop3A_742 : vector<16xf32>
        %parallel_loop3A_744 = arith.mulf %parallel_loop3A_729, %parallel_loop3A_729 : vector<16xf32>
        %parallel_loop3A_745 = arith.addf %parallel_loop3A_681, %parallel_loop3A_744 : vector<16xf32>
        %parallel_loop3A_746 = arith.constant 32 : i32
        %parallel_loop3A_747 = vector.broadcast %parallel_loop3A_746 : i32 to vector<16xi32>
        %parallel_loop3A_748 = arith.constant 33 : i32
        %parallel_loop3A_749 = vector.broadcast %parallel_loop3A_748 : i32 to vector<16xi32>
        %parallel_loop3A_750 = arith.constant 34 : i32
        %parallel_loop3A_751 = vector.broadcast %parallel_loop3A_750 : i32 to vector<16xi32>
        %parallel_loop3A_752 = arith.constant 35 : i32
        %parallel_loop3A_753 = vector.broadcast %parallel_loop3A_752 : i32 to vector<16xi32>
        %parallel_loop3A_754 = arith.constant 36 : i32
        %parallel_loop3A_755 = vector.broadcast %parallel_loop3A_754 : i32 to vector<16xi32>
        %parallel_loop3A_756 = arith.constant 37 : i32
        %parallel_loop3A_757 = vector.broadcast %parallel_loop3A_756 : i32 to vector<16xi32>
        %parallel_loop3A_758 = arith.constant 38 : i32
        %parallel_loop3A_759 = vector.broadcast %parallel_loop3A_758 : i32 to vector<16xi32>
        %parallel_loop3A_760 = arith.constant 39 : i32
        %parallel_loop3A_761 = vector.broadcast %parallel_loop3A_760 : i32 to vector<16xi32>
        %parallel_loop3A_762 = tpu.vector_load_idx %arg8[%parallel_loop3A_420, %parallel_loop3A_747] : memref<416x64xf32, #tpu.memory_space<vmem>>[vector<16xi32>, vector<16xi32>], vector<16xf32>,
        %parallel_loop3A_763 = tpu.vector_load_idx %arg8[%parallel_loop3A_420, %parallel_loop3A_749] : memref<416x64xf32, #tpu.memory_space<vmem>>[vector<16xi32>, vector<16xi32>], vector<16xf32>,
        %parallel_loop3A_764 = tpu.vector_load_idx %arg8[%parallel_loop3A_420, %parallel_loop3A_751] : memref<416x64xf32, #tpu.memory_space<vmem>>[vector<16xi32>, vector<16xi32>], vector<16xf32>,
        %parallel_loop3A_765 = tpu.vector_load_idx %arg8[%parallel_loop3A_420, %parallel_loop3A_753] : memref<416x64xf32, #tpu.memory_space<vmem>>[vector<16xi32>, vector<16xi32>], vector<16xf32>,
        %parallel_loop3A_766 = tpu.vector_load_idx %arg8[%parallel_loop3A_420, %parallel_loop3A_755] : memref<416x64xf32, #tpu.memory_space<vmem>>[vector<16xi32>, vector<16xi32>], vector<16xf32>,
        %parallel_loop3A_767 = tpu.vector_load_idx %arg8[%parallel_loop3A_420, %parallel_loop3A_757] : memref<416x64xf32, #tpu.memory_space<vmem>>[vector<16xi32>, vector<16xi32>], vector<16xf32>,
        %parallel_loop3A_768 = tpu.vector_load_idx %arg8[%parallel_loop3A_420, %parallel_loop3A_759] : memref<416x64xf32, #tpu.memory_space<vmem>>[vector<16xi32>, vector<16xi32>], vector<16xf32>,
        %parallel_loop3A_769 = tpu.vector_load_idx %arg8[%parallel_loop3A_420, %parallel_loop3A_761] : memref<416x64xf32, #tpu.memory_space<vmem>>[vector<16xi32>, vector<16xi32>], vector<16xf32>,
        %parallel_loop3A_770 = arith.constant 512 : index
        %parallel_loop3A_771 = tpu.vector_load %arg13[%parallel_loop3A_770] {strides = array<i32>} : memref<1024xf32, #tpu.memory_space<vmem>>, vector<16xf32>,
        %parallel_loop3A_772 = arith.constant 528 : index
        %parallel_loop3A_773 = tpu.vector_load %arg13[%parallel_loop3A_772] {strides = array<i32>} : memref<1024xf32, #tpu.memory_space<vmem>>, vector<16xf32>,
        %parallel_loop3A_774 = arith.constant 544 : index
        %parallel_loop3A_775 = tpu.vector_load %arg13[%parallel_loop3A_774] {strides = array<i32>} : memref<1024xf32, #tpu.memory_space<vmem>>, vector<16xf32>,
        %parallel_loop3A_776 = arith.constant 560 : index
        %parallel_loop3A_777 = tpu.vector_load %arg13[%parallel_loop3A_776] {strides = array<i32>} : memref<1024xf32, #tpu.memory_space<vmem>>, vector<16xf32>,
        %parallel_loop3A_778 = arith.constant 576 : index
        %parallel_loop3A_779 = tpu.vector_load %arg13[%parallel_loop3A_778] {strides = array<i32>} : memref<1024xf32, #tpu.memory_space<vmem>>, vector<16xf32>,
        %parallel_loop3A_780 = arith.constant 592 : index
        %parallel_loop3A_781 = tpu.vector_load %arg13[%parallel_loop3A_780] {strides = array<i32>} : memref<1024xf32, #tpu.memory_space<vmem>>, vector<16xf32>,
        %parallel_loop3A_782 = arith.constant 608 : index
        %parallel_loop3A_783 = tpu.vector_load %arg13[%parallel_loop3A_782] {strides = array<i32>} : memref<1024xf32, #tpu.memory_space<vmem>>, vector<16xf32>,
        %parallel_loop3A_784 = arith.constant 624 : index
        %parallel_loop3A_785 = tpu.vector_load %arg13[%parallel_loop3A_784] {strides = array<i32>} : memref<1024xf32, #tpu.memory_space<vmem>>, vector<16xf32>,
        %parallel_loop3A_786 = arith.addf %parallel_loop3A_762, %parallel_loop3A_771 : vector<16xf32>
        %parallel_loop3A_787 = arith.addf %parallel_loop3A_763, %parallel_loop3A_773 : vector<16xf32>
        %parallel_loop3A_788 = arith.addf %parallel_loop3A_764, %parallel_loop3A_775 : vector<16xf32>
        %parallel_loop3A_789 = arith.addf %parallel_loop3A_765, %parallel_loop3A_777 : vector<16xf32>
        %parallel_loop3A_790 = arith.addf %parallel_loop3A_766, %parallel_loop3A_779 : vector<16xf32>
        %parallel_loop3A_791 = arith.addf %parallel_loop3A_767, %parallel_loop3A_781 : vector<16xf32>
        %parallel_loop3A_792 = arith.addf %parallel_loop3A_768, %parallel_loop3A_783 : vector<16xf32>
        %parallel_loop3A_793 = arith.addf %parallel_loop3A_769, %parallel_loop3A_785 : vector<16xf32>
        %parallel_loop3A_794 = arith.mulf %parallel_loop3A_786, %parallel_loop3A_786 : vector<16xf32>
        %parallel_loop3A_795 = arith.addf %parallel_loop3A_731, %parallel_loop3A_794 : vector<16xf32>
        %parallel_loop3A_796 = arith.mulf %parallel_loop3A_787, %parallel_loop3A_787 : vector<16xf32>
        %parallel_loop3A_797 = arith.addf %parallel_loop3A_733, %parallel_loop3A_796 : vector<16xf32>
        %parallel_loop3A_798 = arith.mulf %parallel_loop3A_788, %parallel_loop3A_788 : vector<16xf32>
        %parallel_loop3A_799 = arith.addf %parallel_loop3A_735, %parallel_loop3A_798 : vector<16xf32>
        %parallel_loop3A_800 = arith.mulf %parallel_loop3A_789, %parallel_loop3A_789 : vector<16xf32>
        %parallel_loop3A_801 = arith.addf %parallel_loop3A_737, %parallel_loop3A_800 : vector<16xf32>
        %parallel_loop3A_802 = arith.mulf %parallel_loop3A_790, %parallel_loop3A_790 : vector<16xf32>
        %parallel_loop3A_803 = arith.addf %parallel_loop3A_739, %parallel_loop3A_802 : vector<16xf32>
        %parallel_loop3A_804 = arith.mulf %parallel_loop3A_791, %parallel_loop3A_791 : vector<16xf32>
        %parallel_loop3A_805 = arith.addf %parallel_loop3A_741, %parallel_loop3A_804 : vector<16xf32>
        %parallel_loop3A_806 = arith.mulf %parallel_loop3A_792, %parallel_loop3A_792 : vector<16xf32>
        %parallel_loop3A_807 = arith.addf %parallel_loop3A_743, %parallel_loop3A_806 : vector<16xf32>
        %parallel_loop3A_808 = arith.mulf %parallel_loop3A_793, %parallel_loop3A_793 : vector<16xf32>
        %parallel_loop3A_809 = arith.addf %parallel_loop3A_745, %parallel_loop3A_808 : vector<16xf32>
        %parallel_loop3A_810 = arith.constant 40 : i32
        %parallel_loop3A_811 = vector.broadcast %parallel_loop3A_810 : i32 to vector<16xi32>
        %parallel_loop3A_812 = arith.constant 41 : i32
        %parallel_loop3A_813 = vector.broadcast %parallel_loop3A_812 : i32 to vector<16xi32>
        %parallel_loop3A_814 = arith.constant 42 : i32
        %parallel_loop3A_815 = vector.broadcast %parallel_loop3A_814 : i32 to vector<16xi32>
        %parallel_loop3A_816 = arith.constant 43 : i32
        %parallel_loop3A_817 = vector.broadcast %parallel_loop3A_816 : i32 to vector<16xi32>
        %parallel_loop3A_818 = arith.constant 44 : i32
        %parallel_loop3A_819 = vector.broadcast %parallel_loop3A_818 : i32 to vector<16xi32>
        %parallel_loop3A_820 = arith.constant 45 : i32
        %parallel_loop3A_821 = vector.broadcast %parallel_loop3A_820 : i32 to vector<16xi32>
        %parallel_loop3A_822 = arith.constant 46 : i32
        %parallel_loop3A_823 = vector.broadcast %parallel_loop3A_822 : i32 to vector<16xi32>
        %parallel_loop3A_824 = arith.constant 47 : i32
        %parallel_loop3A_825 = vector.broadcast %parallel_loop3A_824 : i32 to vector<16xi32>
        %parallel_loop3A_826 = tpu.vector_load_idx %arg8[%parallel_loop3A_420, %parallel_loop3A_811] : memref<416x64xf32, #tpu.memory_space<vmem>>[vector<16xi32>, vector<16xi32>], vector<16xf32>,
        %parallel_loop3A_827 = tpu.vector_load_idx %arg8[%parallel_loop3A_420, %parallel_loop3A_813] : memref<416x64xf32, #tpu.memory_space<vmem>>[vector<16xi32>, vector<16xi32>], vector<16xf32>,
        %parallel_loop3A_828 = tpu.vector_load_idx %arg8[%parallel_loop3A_420, %parallel_loop3A_815] : memref<416x64xf32, #tpu.memory_space<vmem>>[vector<16xi32>, vector<16xi32>], vector<16xf32>,
        %parallel_loop3A_829 = tpu.vector_load_idx %arg8[%parallel_loop3A_420, %parallel_loop3A_817] : memref<416x64xf32, #tpu.memory_space<vmem>>[vector<16xi32>, vector<16xi32>], vector<16xf32>,
        %parallel_loop3A_830 = tpu.vector_load_idx %arg8[%parallel_loop3A_420, %parallel_loop3A_819] : memref<416x64xf32, #tpu.memory_space<vmem>>[vector<16xi32>, vector<16xi32>], vector<16xf32>,
        %parallel_loop3A_831 = tpu.vector_load_idx %arg8[%parallel_loop3A_420, %parallel_loop3A_821] : memref<416x64xf32, #tpu.memory_space<vmem>>[vector<16xi32>, vector<16xi32>], vector<16xf32>,
        %parallel_loop3A_832 = tpu.vector_load_idx %arg8[%parallel_loop3A_420, %parallel_loop3A_823] : memref<416x64xf32, #tpu.memory_space<vmem>>[vector<16xi32>, vector<16xi32>], vector<16xf32>,
        %parallel_loop3A_833 = tpu.vector_load_idx %arg8[%parallel_loop3A_420, %parallel_loop3A_825] : memref<416x64xf32, #tpu.memory_space<vmem>>[vector<16xi32>, vector<16xi32>], vector<16xf32>,
        %parallel_loop3A_834 = arith.constant 640 : index
        %parallel_loop3A_835 = tpu.vector_load %arg13[%parallel_loop3A_834] {strides = array<i32>} : memref<1024xf32, #tpu.memory_space<vmem>>, vector<16xf32>,
        %parallel_loop3A_836 = arith.constant 656 : index
        %parallel_loop3A_837 = tpu.vector_load %arg13[%parallel_loop3A_836] {strides = array<i32>} : memref<1024xf32, #tpu.memory_space<vmem>>, vector<16xf32>,
        %parallel_loop3A_838 = arith.constant 672 : index
        %parallel_loop3A_839 = tpu.vector_load %arg13[%parallel_loop3A_838] {strides = array<i32>} : memref<1024xf32, #tpu.memory_space<vmem>>, vector<16xf32>,
        %parallel_loop3A_840 = arith.constant 688 : index
        %parallel_loop3A_841 = tpu.vector_load %arg13[%parallel_loop3A_840] {strides = array<i32>} : memref<1024xf32, #tpu.memory_space<vmem>>, vector<16xf32>,
        %parallel_loop3A_842 = arith.constant 704 : index
        %parallel_loop3A_843 = tpu.vector_load %arg13[%parallel_loop3A_842] {strides = array<i32>} : memref<1024xf32, #tpu.memory_space<vmem>>, vector<16xf32>,
        %parallel_loop3A_844 = arith.constant 720 : index
        %parallel_loop3A_845 = tpu.vector_load %arg13[%parallel_loop3A_844] {strides = array<i32>} : memref<1024xf32, #tpu.memory_space<vmem>>, vector<16xf32>,
        %parallel_loop3A_846 = arith.constant 736 : index
        %parallel_loop3A_847 = tpu.vector_load %arg13[%parallel_loop3A_846] {strides = array<i32>} : memref<1024xf32, #tpu.memory_space<vmem>>, vector<16xf32>,
        %parallel_loop3A_848 = arith.constant 752 : index
        %parallel_loop3A_849 = tpu.vector_load %arg13[%parallel_loop3A_848] {strides = array<i32>} : memref<1024xf32, #tpu.memory_space<vmem>>, vector<16xf32>,
        %parallel_loop3A_850 = arith.addf %parallel_loop3A_826, %parallel_loop3A_835 : vector<16xf32>
        %parallel_loop3A_851 = arith.addf %parallel_loop3A_827, %parallel_loop3A_837 : vector<16xf32>
        %parallel_loop3A_852 = arith.addf %parallel_loop3A_828, %parallel_loop3A_839 : vector<16xf32>
        %parallel_loop3A_853 = arith.addf %parallel_loop3A_829, %parallel_loop3A_841 : vector<16xf32>
        %parallel_loop3A_854 = arith.addf %parallel_loop3A_830, %parallel_loop3A_843 : vector<16xf32>
        %parallel_loop3A_855 = arith.addf %parallel_loop3A_831, %parallel_loop3A_845 : vector<16xf32>
        %parallel_loop3A_856 = arith.addf %parallel_loop3A_832, %parallel_loop3A_847 : vector<16xf32>
        %parallel_loop3A_857 = arith.addf %parallel_loop3A_833, %parallel_loop3A_849 : vector<16xf32>
        %parallel_loop3A_858 = arith.mulf %parallel_loop3A_850, %parallel_loop3A_850 : vector<16xf32>
        %parallel_loop3A_859 = arith.addf %parallel_loop3A_795, %parallel_loop3A_858 : vector<16xf32>
        %parallel_loop3A_860 = arith.mulf %parallel_loop3A_851, %parallel_loop3A_851 : vector<16xf32>
        %parallel_loop3A_861 = arith.addf %parallel_loop3A_797, %parallel_loop3A_860 : vector<16xf32>
        %parallel_loop3A_862 = arith.mulf %parallel_loop3A_852, %parallel_loop3A_852 : vector<16xf32>
        %parallel_loop3A_863 = arith.addf %parallel_loop3A_799, %parallel_loop3A_862 : vector<16xf32>
        %parallel_loop3A_864 = arith.mulf %parallel_loop3A_853, %parallel_loop3A_853 : vector<16xf32>
        %parallel_loop3A_865 = arith.addf %parallel_loop3A_801, %parallel_loop3A_864 : vector<16xf32>
        %parallel_loop3A_866 = arith.mulf %parallel_loop3A_854, %parallel_loop3A_854 : vector<16xf32>
        %parallel_loop3A_867 = arith.addf %parallel_loop3A_803, %parallel_loop3A_866 : vector<16xf32>
        %parallel_loop3A_868 = arith.mulf %parallel_loop3A_855, %parallel_loop3A_855 : vector<16xf32>
        %parallel_loop3A_869 = arith.addf %parallel_loop3A_805, %parallel_loop3A_868 : vector<16xf32>
        %parallel_loop3A_870 = arith.mulf %parallel_loop3A_856, %parallel_loop3A_856 : vector<16xf32>
        %parallel_loop3A_871 = arith.addf %parallel_loop3A_807, %parallel_loop3A_870 : vector<16xf32>
        %parallel_loop3A_872 = arith.mulf %parallel_loop3A_857, %parallel_loop3A_857 : vector<16xf32>
        %parallel_loop3A_873 = arith.addf %parallel_loop3A_809, %parallel_loop3A_872 : vector<16xf32>
        %parallel_loop3A_874 = arith.constant 48 : i32
        %parallel_loop3A_875 = vector.broadcast %parallel_loop3A_874 : i32 to vector<16xi32>
        %parallel_loop3A_876 = arith.constant 49 : i32
        %parallel_loop3A_877 = vector.broadcast %parallel_loop3A_876 : i32 to vector<16xi32>
        %parallel_loop3A_878 = arith.constant 50 : i32
        %parallel_loop3A_879 = vector.broadcast %parallel_loop3A_878 : i32 to vector<16xi32>
        %parallel_loop3A_880 = arith.constant 51 : i32
        %parallel_loop3A_881 = vector.broadcast %parallel_loop3A_880 : i32 to vector<16xi32>
        %parallel_loop3A_882 = arith.constant 52 : i32
        %parallel_loop3A_883 = vector.broadcast %parallel_loop3A_882 : i32 to vector<16xi32>
        %parallel_loop3A_884 = arith.constant 53 : i32
        %parallel_loop3A_885 = vector.broadcast %parallel_loop3A_884 : i32 to vector<16xi32>
        %parallel_loop3A_886 = arith.constant 54 : i32
        %parallel_loop3A_887 = vector.broadcast %parallel_loop3A_886 : i32 to vector<16xi32>
        %parallel_loop3A_888 = arith.constant 55 : i32
        %parallel_loop3A_889 = vector.broadcast %parallel_loop3A_888 : i32 to vector<16xi32>
        %parallel_loop3A_890 = tpu.vector_load_idx %arg8[%parallel_loop3A_420, %parallel_loop3A_875] : memref<416x64xf32, #tpu.memory_space<vmem>>[vector<16xi32>, vector<16xi32>], vector<16xf32>,
        %parallel_loop3A_891 = tpu.vector_load_idx %arg8[%parallel_loop3A_420, %parallel_loop3A_877] : memref<416x64xf32, #tpu.memory_space<vmem>>[vector<16xi32>, vector<16xi32>], vector<16xf32>,
        %parallel_loop3A_892 = tpu.vector_load_idx %arg8[%parallel_loop3A_420, %parallel_loop3A_879] : memref<416x64xf32, #tpu.memory_space<vmem>>[vector<16xi32>, vector<16xi32>], vector<16xf32>,
        %parallel_loop3A_893 = tpu.vector_load_idx %arg8[%parallel_loop3A_420, %parallel_loop3A_881] : memref<416x64xf32, #tpu.memory_space<vmem>>[vector<16xi32>, vector<16xi32>], vector<16xf32>,
        %parallel_loop3A_894 = tpu.vector_load_idx %arg8[%parallel_loop3A_420, %parallel_loop3A_883] : memref<416x64xf32, #tpu.memory_space<vmem>>[vector<16xi32>, vector<16xi32>], vector<16xf32>,
        %parallel_loop3A_895 = tpu.vector_load_idx %arg8[%parallel_loop3A_420, %parallel_loop3A_885] : memref<416x64xf32, #tpu.memory_space<vmem>>[vector<16xi32>, vector<16xi32>], vector<16xf32>,
        %parallel_loop3A_896 = tpu.vector_load_idx %arg8[%parallel_loop3A_420, %parallel_loop3A_887] : memref<416x64xf32, #tpu.memory_space<vmem>>[vector<16xi32>, vector<16xi32>], vector<16xf32>,
        %parallel_loop3A_897 = tpu.vector_load_idx %arg8[%parallel_loop3A_420, %parallel_loop3A_889] : memref<416x64xf32, #tpu.memory_space<vmem>>[vector<16xi32>, vector<16xi32>], vector<16xf32>,
        %parallel_loop3A_898 = arith.constant 768 : index
        %parallel_loop3A_899 = tpu.vector_load %arg13[%parallel_loop3A_898] {strides = array<i32>} : memref<1024xf32, #tpu.memory_space<vmem>>, vector<16xf32>,
        %parallel_loop3A_900 = arith.constant 784 : index
        %parallel_loop3A_901 = tpu.vector_load %arg13[%parallel_loop3A_900] {strides = array<i32>} : memref<1024xf32, #tpu.memory_space<vmem>>, vector<16xf32>,
        %parallel_loop3A_902 = arith.constant 800 : index
        %parallel_loop3A_903 = tpu.vector_load %arg13[%parallel_loop3A_902] {strides = array<i32>} : memref<1024xf32, #tpu.memory_space<vmem>>, vector<16xf32>,
        %parallel_loop3A_904 = arith.constant 816 : index
        %parallel_loop3A_905 = tpu.vector_load %arg13[%parallel_loop3A_904] {strides = array<i32>} : memref<1024xf32, #tpu.memory_space<vmem>>, vector<16xf32>,
        %parallel_loop3A_906 = arith.constant 832 : index
        %parallel_loop3A_907 = tpu.vector_load %arg13[%parallel_loop3A_906] {strides = array<i32>} : memref<1024xf32, #tpu.memory_space<vmem>>, vector<16xf32>,
        %parallel_loop3A_908 = arith.constant 848 : index
        %parallel_loop3A_909 = tpu.vector_load %arg13[%parallel_loop3A_908] {strides = array<i32>} : memref<1024xf32, #tpu.memory_space<vmem>>, vector<16xf32>,
        %parallel_loop3A_910 = arith.constant 864 : index
        %parallel_loop3A_911 = tpu.vector_load %arg13[%parallel_loop3A_910] {strides = array<i32>} : memref<1024xf32, #tpu.memory_space<vmem>>, vector<16xf32>,
        %parallel_loop3A_912 = arith.constant 880 : index
        %parallel_loop3A_913 = tpu.vector_load %arg13[%parallel_loop3A_912] {strides = array<i32>} : memref<1024xf32, #tpu.memory_space<vmem>>, vector<16xf32>,
        %parallel_loop3A_914 = arith.addf %parallel_loop3A_890, %parallel_loop3A_899 : vector<16xf32>
        %parallel_loop3A_915 = arith.addf %parallel_loop3A_891, %parallel_loop3A_901 : vector<16xf32>
        %parallel_loop3A_916 = arith.addf %parallel_loop3A_892, %parallel_loop3A_903 : vector<16xf32>
        %parallel_loop3A_917 = arith.addf %parallel_loop3A_893, %parallel_loop3A_905 : vector<16xf32>
        %parallel_loop3A_918 = arith.addf %parallel_loop3A_894, %parallel_loop3A_907 : vector<16xf32>
        %parallel_loop3A_919 = arith.addf %parallel_loop3A_895, %parallel_loop3A_909 : vector<16xf32>
        %parallel_loop3A_920 = arith.addf %parallel_loop3A_896, %parallel_loop3A_911 : vector<16xf32>
        %parallel_loop3A_921 = arith.addf %parallel_loop3A_897, %parallel_loop3A_913 : vector<16xf32>
        %parallel_loop3A_922 = arith.mulf %parallel_loop3A_914, %parallel_loop3A_914 : vector<16xf32>
        %parallel_loop3A_923 = arith.addf %parallel_loop3A_859, %parallel_loop3A_922 : vector<16xf32>
        %parallel_loop3A_924 = arith.mulf %parallel_loop3A_915, %parallel_loop3A_915 : vector<16xf32>
        %parallel_loop3A_925 = arith.addf %parallel_loop3A_861, %parallel_loop3A_924 : vector<16xf32>
        %parallel_loop3A_926 = arith.mulf %parallel_loop3A_916, %parallel_loop3A_916 : vector<16xf32>
        %parallel_loop3A_927 = arith.addf %parallel_loop3A_863, %parallel_loop3A_926 : vector<16xf32>
        %parallel_loop3A_928 = arith.mulf %parallel_loop3A_917, %parallel_loop3A_917 : vector<16xf32>
        %parallel_loop3A_929 = arith.addf %parallel_loop3A_865, %parallel_loop3A_928 : vector<16xf32>
        %parallel_loop3A_930 = arith.mulf %parallel_loop3A_918, %parallel_loop3A_918 : vector<16xf32>
        %parallel_loop3A_931 = arith.addf %parallel_loop3A_867, %parallel_loop3A_930 : vector<16xf32>
        %parallel_loop3A_932 = arith.mulf %parallel_loop3A_919, %parallel_loop3A_919 : vector<16xf32>
        %parallel_loop3A_933 = arith.addf %parallel_loop3A_869, %parallel_loop3A_932 : vector<16xf32>
        %parallel_loop3A_934 = arith.mulf %parallel_loop3A_920, %parallel_loop3A_920 : vector<16xf32>
        %parallel_loop3A_935 = arith.addf %parallel_loop3A_871, %parallel_loop3A_934 : vector<16xf32>
        %parallel_loop3A_936 = arith.mulf %parallel_loop3A_921, %parallel_loop3A_921 : vector<16xf32>
        %parallel_loop3A_937 = arith.addf %parallel_loop3A_873, %parallel_loop3A_936 : vector<16xf32>
        %parallel_loop3A_938 = arith.constant 56 : i32
        %parallel_loop3A_939 = vector.broadcast %parallel_loop3A_938 : i32 to vector<16xi32>
        %parallel_loop3A_940 = arith.constant 57 : i32
        %parallel_loop3A_941 = vector.broadcast %parallel_loop3A_940 : i32 to vector<16xi32>
        %parallel_loop3A_942 = arith.constant 58 : i32
        %parallel_loop3A_943 = vector.broadcast %parallel_loop3A_942 : i32 to vector<16xi32>
        %parallel_loop3A_944 = arith.constant 59 : i32
        %parallel_loop3A_945 = vector.broadcast %parallel_loop3A_944 : i32 to vector<16xi32>
        %parallel_loop3A_946 = arith.constant 60 : i32
        %parallel_loop3A_947 = vector.broadcast %parallel_loop3A_946 : i32 to vector<16xi32>
        %parallel_loop3A_948 = arith.constant 61 : i32
        %parallel_loop3A_949 = vector.broadcast %parallel_loop3A_948 : i32 to vector<16xi32>
        %parallel_loop3A_950 = arith.constant 62 : i32
        %parallel_loop3A_951 = vector.broadcast %parallel_loop3A_950 : i32 to vector<16xi32>
        %parallel_loop3A_952 = arith.constant 63 : i32
        %parallel_loop3A_953 = vector.broadcast %parallel_loop3A_952 : i32 to vector<16xi32>
        %parallel_loop3A_954 = tpu.vector_load_idx %arg8[%parallel_loop3A_420, %parallel_loop3A_939] : memref<416x64xf32, #tpu.memory_space<vmem>>[vector<16xi32>, vector<16xi32>], vector<16xf32>,
        %parallel_loop3A_955 = tpu.vector_load_idx %arg8[%parallel_loop3A_420, %parallel_loop3A_941] : memref<416x64xf32, #tpu.memory_space<vmem>>[vector<16xi32>, vector<16xi32>], vector<16xf32>,
        %parallel_loop3A_956 = tpu.vector_load_idx %arg8[%parallel_loop3A_420, %parallel_loop3A_943] : memref<416x64xf32, #tpu.memory_space<vmem>>[vector<16xi32>, vector<16xi32>], vector<16xf32>,
        %parallel_loop3A_957 = tpu.vector_load_idx %arg8[%parallel_loop3A_420, %parallel_loop3A_945] : memref<416x64xf32, #tpu.memory_space<vmem>>[vector<16xi32>, vector<16xi32>], vector<16xf32>,
        %parallel_loop3A_958 = tpu.vector_load_idx %arg8[%parallel_loop3A_420, %parallel_loop3A_947] : memref<416x64xf32, #tpu.memory_space<vmem>>[vector<16xi32>, vector<16xi32>], vector<16xf32>,
        %parallel_loop3A_959 = tpu.vector_load_idx %arg8[%parallel_loop3A_420, %parallel_loop3A_949] : memref<416x64xf32, #tpu.memory_space<vmem>>[vector<16xi32>, vector<16xi32>], vector<16xf32>,
        %parallel_loop3A_960 = tpu.vector_load_idx %arg8[%parallel_loop3A_420, %parallel_loop3A_951] : memref<416x64xf32, #tpu.memory_space<vmem>>[vector<16xi32>, vector<16xi32>], vector<16xf32>,
        %parallel_loop3A_961 = tpu.vector_load_idx %arg8[%parallel_loop3A_420, %parallel_loop3A_953] : memref<416x64xf32, #tpu.memory_space<vmem>>[vector<16xi32>, vector<16xi32>], vector<16xf32>,
        %parallel_loop3A_962 = arith.constant 896 : index
        %parallel_loop3A_963 = tpu.vector_load %arg13[%parallel_loop3A_962] {strides = array<i32>} : memref<1024xf32, #tpu.memory_space<vmem>>, vector<16xf32>,
        %parallel_loop3A_964 = arith.constant 912 : index
        %parallel_loop3A_965 = tpu.vector_load %arg13[%parallel_loop3A_964] {strides = array<i32>} : memref<1024xf32, #tpu.memory_space<vmem>>, vector<16xf32>,
        %parallel_loop3A_966 = arith.constant 928 : index
        %parallel_loop3A_967 = tpu.vector_load %arg13[%parallel_loop3A_966] {strides = array<i32>} : memref<1024xf32, #tpu.memory_space<vmem>>, vector<16xf32>,
        %parallel_loop3A_968 = arith.constant 944 : index
        %parallel_loop3A_969 = tpu.vector_load %arg13[%parallel_loop3A_968] {strides = array<i32>} : memref<1024xf32, #tpu.memory_space<vmem>>, vector<16xf32>,
        %parallel_loop3A_970 = arith.constant 960 : index
        %parallel_loop3A_971 = tpu.vector_load %arg13[%parallel_loop3A_970] {strides = array<i32>} : memref<1024xf32, #tpu.memory_space<vmem>>, vector<16xf32>,
        %parallel_loop3A_972 = arith.constant 976 : index
        %parallel_loop3A_973 = tpu.vector_load %arg13[%parallel_loop3A_972] {strides = array<i32>} : memref<1024xf32, #tpu.memory_space<vmem>>, vector<16xf32>,
        %parallel_loop3A_974 = arith.constant 992 : index
        %parallel_loop3A_975 = tpu.vector_load %arg13[%parallel_loop3A_974] {strides = array<i32>} : memref<1024xf32, #tpu.memory_space<vmem>>, vector<16xf32>,
        %parallel_loop3A_976 = arith.constant 1008 : index
        %parallel_loop3A_977 = tpu.vector_load %arg13[%parallel_loop3A_976] {strides = array<i32>} : memref<1024xf32, #tpu.memory_space<vmem>>, vector<16xf32>,
        %parallel_loop3A_978 = arith.addf %parallel_loop3A_954, %parallel_loop3A_963 : vector<16xf32>
        %parallel_loop3A_979 = arith.addf %parallel_loop3A_955, %parallel_loop3A_965 : vector<16xf32>
        %parallel_loop3A_980 = arith.addf %parallel_loop3A_956, %parallel_loop3A_967 : vector<16xf32>
        %parallel_loop3A_981 = arith.addf %parallel_loop3A_957, %parallel_loop3A_969 : vector<16xf32>
        %parallel_loop3A_982 = arith.addf %parallel_loop3A_958, %parallel_loop3A_971 : vector<16xf32>
        %parallel_loop3A_983 = arith.addf %parallel_loop3A_959, %parallel_loop3A_973 : vector<16xf32>
        %parallel_loop3A_984 = arith.addf %parallel_loop3A_960, %parallel_loop3A_975 : vector<16xf32>
        %parallel_loop3A_985 = arith.addf %parallel_loop3A_961, %parallel_loop3A_977 : vector<16xf32>
        %parallel_loop3A_986 = arith.mulf %parallel_loop3A_978, %parallel_loop3A_978 : vector<16xf32>
        %parallel_loop3A_987 = arith.addf %parallel_loop3A_923, %parallel_loop3A_986 : vector<16xf32>
        %parallel_loop3A_988 = arith.mulf %parallel_loop3A_979, %parallel_loop3A_979 : vector<16xf32>
        %parallel_loop3A_989 = arith.addf %parallel_loop3A_925, %parallel_loop3A_988 : vector<16xf32>
        %parallel_loop3A_990 = arith.mulf %parallel_loop3A_980, %parallel_loop3A_980 : vector<16xf32>
        %parallel_loop3A_991 = arith.addf %parallel_loop3A_927, %parallel_loop3A_990 : vector<16xf32>
        %parallel_loop3A_992 = arith.mulf %parallel_loop3A_981, %parallel_loop3A_981 : vector<16xf32>
        %parallel_loop3A_993 = arith.addf %parallel_loop3A_929, %parallel_loop3A_992 : vector<16xf32>
        %parallel_loop3A_994 = arith.mulf %parallel_loop3A_982, %parallel_loop3A_982 : vector<16xf32>
        %parallel_loop3A_995 = arith.addf %parallel_loop3A_931, %parallel_loop3A_994 : vector<16xf32>
        %parallel_loop3A_996 = arith.mulf %parallel_loop3A_983, %parallel_loop3A_983 : vector<16xf32>
        %parallel_loop3A_997 = arith.addf %parallel_loop3A_933, %parallel_loop3A_996 : vector<16xf32>
        %parallel_loop3A_998 = arith.mulf %parallel_loop3A_984, %parallel_loop3A_984 : vector<16xf32>
        %parallel_loop3A_999 = arith.addf %parallel_loop3A_935, %parallel_loop3A_998 : vector<16xf32>
        %parallel_loop3A_1000 = arith.mulf %parallel_loop3A_985, %parallel_loop3A_985 : vector<16xf32>
        %parallel_loop3A_1001 = arith.addf %parallel_loop3A_937, %parallel_loop3A_1000 : vector<16xf32>
        %parallel_loop3A_1002 = arith.addf %parallel_loop3A_987, %parallel_loop3A_989 : vector<16xf32>
        %parallel_loop3A_1003 = arith.addf %parallel_loop3A_991, %parallel_loop3A_993 : vector<16xf32>
        %parallel_loop3A_1004 = arith.addf %parallel_loop3A_995, %parallel_loop3A_997 : vector<16xf32>
        %parallel_loop3A_1005 = arith.addf %parallel_loop3A_999, %parallel_loop3A_1001 : vector<16xf32>
        %parallel_loop3A_1006 = arith.addf %parallel_loop3A_1002, %parallel_loop3A_1003 : vector<16xf32>
        %parallel_loop3A_1007 = arith.addf %parallel_loop3A_1004, %parallel_loop3A_1005 : vector<16xf32>
        %parallel_loop3A_1008 = arith.addf %parallel_loop3A_1006, %parallel_loop3A_1007 : vector<16xf32>
        %parallel_loop3A_1009 = tpu.bitcast %parallel_loop3A_1008 : vector<16xf32> -> vector<16xi32>
        %parallel_loop3A_1010 = arith.constant 1 : i32
        %parallel_loop3A_1011 = vector.broadcast %parallel_loop3A_1010 : i32 to vector<16xi32>
        %parallel_loop3A_1012 = arith.shrsi %parallel_loop3A_1009, %parallel_loop3A_1011 : vector<16xi32>
        %parallel_loop3A_1013 = arith.constant 1597463007 : i32
        %parallel_loop3A_1014 = vector.broadcast %parallel_loop3A_1013 : i32 to vector<16xi32>
        %parallel_loop3A_1015 = arith.subi %parallel_loop3A_1014, %parallel_loop3A_1012 : vector<16xi32>
        %parallel_loop3A_1016 = tpu.bitcast %parallel_loop3A_1015 : vector<16xi32> -> vector<16xf32>
        %parallel_loop3A_1017 = arith.constant 5.000000e-01 : f32
        %parallel_loop3A_1018 = vector.broadcast %parallel_loop3A_1017 : f32 to vector<16xf32>
        %parallel_loop3A_1019 = arith.mulf %parallel_loop3A_1018, %parallel_loop3A_1008 : vector<16xf32>
        %parallel_loop3A_1020 = arith.mulf %parallel_loop3A_1019, %parallel_loop3A_1016 : vector<16xf32>
        %parallel_loop3A_1021 = arith.mulf %parallel_loop3A_1020, %parallel_loop3A_1016 : vector<16xf32>
        %parallel_loop3A_1022 = arith.constant 1.500000e+00 : f32
        %parallel_loop3A_1023 = vector.broadcast %parallel_loop3A_1022 : f32 to vector<16xf32>
        %parallel_loop3A_1024 = arith.subf %parallel_loop3A_1023, %parallel_loop3A_1021 : vector<16xf32>
        %parallel_loop3A_1025 = arith.mulf %parallel_loop3A_1016, %parallel_loop3A_1024 : vector<16xf32>
        %parallel_loop3A_1026 = arith.constant 5.000000e-01 : f32
        %parallel_loop3A_1027 = vector.broadcast %parallel_loop3A_1026 : f32 to vector<16xf32>
        %parallel_loop3A_1028 = arith.mulf %parallel_loop3A_1027, %parallel_loop3A_1008 : vector<16xf32>
        %parallel_loop3A_1029 = arith.mulf %parallel_loop3A_1028, %parallel_loop3A_1025 : vector<16xf32>
        %parallel_loop3A_1030 = arith.mulf %parallel_loop3A_1029, %parallel_loop3A_1025 : vector<16xf32>
        %parallel_loop3A_1031 = arith.constant 1.500000e+00 : f32
        %parallel_loop3A_1032 = vector.broadcast %parallel_loop3A_1031 : f32 to vector<16xf32>
        %parallel_loop3A_1033 = arith.subf %parallel_loop3A_1032, %parallel_loop3A_1030 : vector<16xf32>
        %parallel_loop3A_1034 = arith.mulf %parallel_loop3A_1025, %parallel_loop3A_1033 : vector<16xf32>
        %parallel_loop3A_1035 = arith.constant 5.000000e-01 : f32
        %parallel_loop3A_1036 = vector.broadcast %parallel_loop3A_1035 : f32 to vector<16xf32>
        %parallel_loop3A_1037 = arith.mulf %parallel_loop3A_1036, %parallel_loop3A_1008 : vector<16xf32>
        %parallel_loop3A_1038 = arith.mulf %parallel_loop3A_1037, %parallel_loop3A_1034 : vector<16xf32>
        %parallel_loop3A_1039 = arith.mulf %parallel_loop3A_1038, %parallel_loop3A_1034 : vector<16xf32>
        %parallel_loop3A_1040 = arith.constant 1.500000e+00 : f32
        %parallel_loop3A_1041 = vector.broadcast %parallel_loop3A_1040 : f32 to vector<16xf32>
        %parallel_loop3A_1042 = arith.subf %parallel_loop3A_1041, %parallel_loop3A_1039 : vector<16xf32>
        %parallel_loop3A_1043 = arith.mulf %parallel_loop3A_1034, %parallel_loop3A_1042 : vector<16xf32>
        %parallel_loop3A_1044 = arith.mulf %parallel_loop3A_1008, %parallel_loop3A_1043 : vector<16xf32>
        %parallel_loop3A_1045 = arith.constant 9.99999996E-13 : f32
        %parallel_loop3A_1046 = vector.broadcast %parallel_loop3A_1045 : f32 to vector<16xf32>
        %parallel_loop3A_1047 = arith.maximumf %parallel_loop3A_1044, %parallel_loop3A_1046 : vector<16xf32>
        %parallel_loop3A_1048 = arith.constant 1.000000e+00 : f32
        %parallel_loop3A_1049 = vector.broadcast %parallel_loop3A_1048 : f32 to vector<16xf32>
        %parallel_loop3A_1050 = arith.divf %parallel_loop3A_1049, %parallel_loop3A_1047 : vector<16xf32>
        %parallel_loop3A_1051 = arith.constant 0 : i32
        %parallel_loop3A_1052 = vector.broadcast %parallel_loop3A_1051 : i32 to vector<16xi32>
        %parallel_loop3A_1053 = arith.constant 1 : i32
        %parallel_loop3A_1054 = vector.broadcast %parallel_loop3A_1053 : i32 to vector<16xi32>
        %parallel_loop3A_1055 = arith.constant 2 : i32
        %parallel_loop3A_1056 = vector.broadcast %parallel_loop3A_1055 : i32 to vector<16xi32>
        %parallel_loop3A_1057 = arith.constant 3 : i32
        %parallel_loop3A_1058 = vector.broadcast %parallel_loop3A_1057 : i32 to vector<16xi32>
        %parallel_loop3A_1059 = arith.constant 4 : i32
        %parallel_loop3A_1060 = vector.broadcast %parallel_loop3A_1059 : i32 to vector<16xi32>
        %parallel_loop3A_1061 = arith.constant 5 : i32
        %parallel_loop3A_1062 = vector.broadcast %parallel_loop3A_1061 : i32 to vector<16xi32>
        %parallel_loop3A_1063 = arith.constant 6 : i32
        %parallel_loop3A_1064 = vector.broadcast %parallel_loop3A_1063 : i32 to vector<16xi32>
        %parallel_loop3A_1065 = arith.constant 7 : i32
        %parallel_loop3A_1066 = vector.broadcast %parallel_loop3A_1065 : i32 to vector<16xi32>
        %parallel_loop3A_1067 = tpu.vector_load_idx %arg8[%parallel_loop3A_420, %parallel_loop3A_1052] : memref<416x64xf32, #tpu.memory_space<vmem>>[vector<16xi32>, vector<16xi32>], vector<16xf32>,
        %parallel_loop3A_1068 = tpu.vector_load_idx %arg8[%parallel_loop3A_420, %parallel_loop3A_1054] : memref<416x64xf32, #tpu.memory_space<vmem>>[vector<16xi32>, vector<16xi32>], vector<16xf32>,
        %parallel_loop3A_1069 = tpu.vector_load_idx %arg8[%parallel_loop3A_420, %parallel_loop3A_1056] : memref<416x64xf32, #tpu.memory_space<vmem>>[vector<16xi32>, vector<16xi32>], vector<16xf32>,
        %parallel_loop3A_1070 = tpu.vector_load_idx %arg8[%parallel_loop3A_420, %parallel_loop3A_1058] : memref<416x64xf32, #tpu.memory_space<vmem>>[vector<16xi32>, vector<16xi32>], vector<16xf32>,
        %parallel_loop3A_1071 = tpu.vector_load_idx %arg8[%parallel_loop3A_420, %parallel_loop3A_1060] : memref<416x64xf32, #tpu.memory_space<vmem>>[vector<16xi32>, vector<16xi32>], vector<16xf32>,
        %parallel_loop3A_1072 = tpu.vector_load_idx %arg8[%parallel_loop3A_420, %parallel_loop3A_1062] : memref<416x64xf32, #tpu.memory_space<vmem>>[vector<16xi32>, vector<16xi32>], vector<16xf32>,
        %parallel_loop3A_1073 = tpu.vector_load_idx %arg8[%parallel_loop3A_420, %parallel_loop3A_1064] : memref<416x64xf32, #tpu.memory_space<vmem>>[vector<16xi32>, vector<16xi32>], vector<16xf32>,
        %parallel_loop3A_1074 = tpu.vector_load_idx %arg8[%parallel_loop3A_420, %parallel_loop3A_1066] : memref<416x64xf32, #tpu.memory_space<vmem>>[vector<16xi32>, vector<16xi32>], vector<16xf32>,
        %parallel_loop3A_1075 = arith.constant 0 : index
        %parallel_loop3A_1076 = tpu.vector_load %arg13[%parallel_loop3A_1075] {strides = array<i32>} : memref<1024xf32, #tpu.memory_space<vmem>>, vector<16xf32>,
        %parallel_loop3A_1077 = arith.constant 16 : index
        %parallel_loop3A_1078 = tpu.vector_load %arg13[%parallel_loop3A_1077] {strides = array<i32>} : memref<1024xf32, #tpu.memory_space<vmem>>, vector<16xf32>,
        %parallel_loop3A_1079 = arith.constant 32 : index
        %parallel_loop3A_1080 = tpu.vector_load %arg13[%parallel_loop3A_1079] {strides = array<i32>} : memref<1024xf32, #tpu.memory_space<vmem>>, vector<16xf32>,
        %parallel_loop3A_1081 = arith.constant 48 : index
        %parallel_loop3A_1082 = tpu.vector_load %arg13[%parallel_loop3A_1081] {strides = array<i32>} : memref<1024xf32, #tpu.memory_space<vmem>>, vector<16xf32>,
        %parallel_loop3A_1083 = arith.constant 64 : index
        %parallel_loop3A_1084 = tpu.vector_load %arg13[%parallel_loop3A_1083] {strides = array<i32>} : memref<1024xf32, #tpu.memory_space<vmem>>, vector<16xf32>,
        %parallel_loop3A_1085 = arith.constant 80 : index
        %parallel_loop3A_1086 = tpu.vector_load %arg13[%parallel_loop3A_1085] {strides = array<i32>} : memref<1024xf32, #tpu.memory_space<vmem>>, vector<16xf32>,
        %parallel_loop3A_1087 = arith.constant 96 : index
        %parallel_loop3A_1088 = tpu.vector_load %arg13[%parallel_loop3A_1087] {strides = array<i32>} : memref<1024xf32, #tpu.memory_space<vmem>>, vector<16xf32>,
        %parallel_loop3A_1089 = arith.constant 112 : index
        %parallel_loop3A_1090 = tpu.vector_load %arg13[%parallel_loop3A_1089] {strides = array<i32>} : memref<1024xf32, #tpu.memory_space<vmem>>, vector<16xf32>,
        %parallel_loop3A_1091 = arith.addf %parallel_loop3A_1067, %parallel_loop3A_1076 : vector<16xf32>
        %parallel_loop3A_1092 = arith.mulf %parallel_loop3A_1091, %parallel_loop3A_1050 : vector<16xf32>
        %parallel_loop3A_1093 = arith.addf %parallel_loop3A_1068, %parallel_loop3A_1078 : vector<16xf32>
        %parallel_loop3A_1094 = arith.mulf %parallel_loop3A_1093, %parallel_loop3A_1050 : vector<16xf32>
        %parallel_loop3A_1095 = arith.addf %parallel_loop3A_1069, %parallel_loop3A_1080 : vector<16xf32>
        %parallel_loop3A_1096 = arith.mulf %parallel_loop3A_1095, %parallel_loop3A_1050 : vector<16xf32>
        %parallel_loop3A_1097 = arith.addf %parallel_loop3A_1070, %parallel_loop3A_1082 : vector<16xf32>
        %parallel_loop3A_1098 = arith.mulf %parallel_loop3A_1097, %parallel_loop3A_1050 : vector<16xf32>
        %parallel_loop3A_1099 = arith.addf %parallel_loop3A_1071, %parallel_loop3A_1084 : vector<16xf32>
        %parallel_loop3A_1100 = arith.mulf %parallel_loop3A_1099, %parallel_loop3A_1050 : vector<16xf32>
        %parallel_loop3A_1101 = arith.addf %parallel_loop3A_1072, %parallel_loop3A_1086 : vector<16xf32>
        %parallel_loop3A_1102 = arith.mulf %parallel_loop3A_1101, %parallel_loop3A_1050 : vector<16xf32>
        %parallel_loop3A_1103 = arith.addf %parallel_loop3A_1073, %parallel_loop3A_1088 : vector<16xf32>
        %parallel_loop3A_1104 = arith.mulf %parallel_loop3A_1103, %parallel_loop3A_1050 : vector<16xf32>
        %parallel_loop3A_1105 = arith.addf %parallel_loop3A_1074, %parallel_loop3A_1090 : vector<16xf32>
        %parallel_loop3A_1106 = arith.mulf %parallel_loop3A_1105, %parallel_loop3A_1050 : vector<16xf32>
        tpu.vector_store_idx %arg10[%parallel_loop3A_451, %parallel_loop3A_473, %parallel_loop3A_1052], %parallel_loop3A_1092 : memref<16x26x64xf32, #tpu.memory_space<vmem>>[vector<16xi32>, vector<16xi32>, vector<16xi32>], vector<16xf32>,
        tpu.vector_store_idx %arg10[%parallel_loop3A_451, %parallel_loop3A_473, %parallel_loop3A_1054], %parallel_loop3A_1094 : memref<16x26x64xf32, #tpu.memory_space<vmem>>[vector<16xi32>, vector<16xi32>, vector<16xi32>], vector<16xf32>,
        tpu.vector_store_idx %arg10[%parallel_loop3A_451, %parallel_loop3A_473, %parallel_loop3A_1056], %parallel_loop3A_1096 : memref<16x26x64xf32, #tpu.memory_space<vmem>>[vector<16xi32>, vector<16xi32>, vector<16xi32>], vector<16xf32>,
        tpu.vector_store_idx %arg10[%parallel_loop3A_451, %parallel_loop3A_473, %parallel_loop3A_1058], %parallel_loop3A_1098 : memref<16x26x64xf32, #tpu.memory_space<vmem>>[vector<16xi32>, vector<16xi32>, vector<16xi32>], vector<16xf32>,
        tpu.vector_store_idx %arg10[%parallel_loop3A_451, %parallel_loop3A_473, %parallel_loop3A_1060], %parallel_loop3A_1100 : memref<16x26x64xf32, #tpu.memory_space<vmem>>[vector<16xi32>, vector<16xi32>, vector<16xi32>], vector<16xf32>,
        tpu.vector_store_idx %arg10[%parallel_loop3A_451, %parallel_loop3A_473, %parallel_loop3A_1062], %parallel_loop3A_1102 : memref<16x26x64xf32, #tpu.memory_space<vmem>>[vector<16xi32>, vector<16xi32>, vector<16xi32>], vector<16xf32>,
        tpu.vector_store_idx %arg10[%parallel_loop3A_451, %parallel_loop3A_473, %parallel_loop3A_1064], %parallel_loop3A_1104 : memref<16x26x64xf32, #tpu.memory_space<vmem>>[vector<16xi32>, vector<16xi32>, vector<16xi32>], vector<16xf32>,
        tpu.vector_store_idx %arg10[%parallel_loop3A_451, %parallel_loop3A_473, %parallel_loop3A_1066], %parallel_loop3A_1106 : memref<16x26x64xf32, #tpu.memory_space<vmem>>[vector<16xi32>, vector<16xi32>, vector<16xi32>], vector<16xf32>,
        %parallel_loop3A_1107 = arith.constant 8 : i32
        %parallel_loop3A_1108 = vector.broadcast %parallel_loop3A_1107 : i32 to vector<16xi32>
        %parallel_loop3A_1109 = arith.constant 9 : i32
        %parallel_loop3A_1110 = vector.broadcast %parallel_loop3A_1109 : i32 to vector<16xi32>
        %parallel_loop3A_1111 = arith.constant 10 : i32
        %parallel_loop3A_1112 = vector.broadcast %parallel_loop3A_1111 : i32 to vector<16xi32>
        %parallel_loop3A_1113 = arith.constant 11 : i32
        %parallel_loop3A_1114 = vector.broadcast %parallel_loop3A_1113 : i32 to vector<16xi32>
        %parallel_loop3A_1115 = arith.constant 12 : i32
        %parallel_loop3A_1116 = vector.broadcast %parallel_loop3A_1115 : i32 to vector<16xi32>
        %parallel_loop3A_1117 = arith.constant 13 : i32
        %parallel_loop3A_1118 = vector.broadcast %parallel_loop3A_1117 : i32 to vector<16xi32>
        %parallel_loop3A_1119 = arith.constant 14 : i32
        %parallel_loop3A_1120 = vector.broadcast %parallel_loop3A_1119 : i32 to vector<16xi32>
        %parallel_loop3A_1121 = arith.constant 15 : i32
        %parallel_loop3A_1122 = vector.broadcast %parallel_loop3A_1121 : i32 to vector<16xi32>
        %parallel_loop3A_1123 = tpu.vector_load_idx %arg8[%parallel_loop3A_420, %parallel_loop3A_1108] : memref<416x64xf32, #tpu.memory_space<vmem>>[vector<16xi32>, vector<16xi32>], vector<16xf32>,
        %parallel_loop3A_1124 = tpu.vector_load_idx %arg8[%parallel_loop3A_420, %parallel_loop3A_1110] : memref<416x64xf32, #tpu.memory_space<vmem>>[vector<16xi32>, vector<16xi32>], vector<16xf32>,
        %parallel_loop3A_1125 = tpu.vector_load_idx %arg8[%parallel_loop3A_420, %parallel_loop3A_1112] : memref<416x64xf32, #tpu.memory_space<vmem>>[vector<16xi32>, vector<16xi32>], vector<16xf32>,
        %parallel_loop3A_1126 = tpu.vector_load_idx %arg8[%parallel_loop3A_420, %parallel_loop3A_1114] : memref<416x64xf32, #tpu.memory_space<vmem>>[vector<16xi32>, vector<16xi32>], vector<16xf32>,
        %parallel_loop3A_1127 = tpu.vector_load_idx %arg8[%parallel_loop3A_420, %parallel_loop3A_1116] : memref<416x64xf32, #tpu.memory_space<vmem>>[vector<16xi32>, vector<16xi32>], vector<16xf32>,
        %parallel_loop3A_1128 = tpu.vector_load_idx %arg8[%parallel_loop3A_420, %parallel_loop3A_1118] : memref<416x64xf32, #tpu.memory_space<vmem>>[vector<16xi32>, vector<16xi32>], vector<16xf32>,
        %parallel_loop3A_1129 = tpu.vector_load_idx %arg8[%parallel_loop3A_420, %parallel_loop3A_1120] : memref<416x64xf32, #tpu.memory_space<vmem>>[vector<16xi32>, vector<16xi32>], vector<16xf32>,
        %parallel_loop3A_1130 = tpu.vector_load_idx %arg8[%parallel_loop3A_420, %parallel_loop3A_1122] : memref<416x64xf32, #tpu.memory_space<vmem>>[vector<16xi32>, vector<16xi32>], vector<16xf32>,
        %parallel_loop3A_1131 = arith.constant 128 : index
        %parallel_loop3A_1132 = tpu.vector_load %arg13[%parallel_loop3A_1131] {strides = array<i32>} : memref<1024xf32, #tpu.memory_space<vmem>>, vector<16xf32>,
        %parallel_loop3A_1133 = arith.constant 144 : index
        %parallel_loop3A_1134 = tpu.vector_load %arg13[%parallel_loop3A_1133] {strides = array<i32>} : memref<1024xf32, #tpu.memory_space<vmem>>, vector<16xf32>,
        %parallel_loop3A_1135 = arith.constant 160 : index
        %parallel_loop3A_1136 = tpu.vector_load %arg13[%parallel_loop3A_1135] {strides = array<i32>} : memref<1024xf32, #tpu.memory_space<vmem>>, vector<16xf32>,
        %parallel_loop3A_1137 = arith.constant 176 : index
        %parallel_loop3A_1138 = tpu.vector_load %arg13[%parallel_loop3A_1137] {strides = array<i32>} : memref<1024xf32, #tpu.memory_space<vmem>>, vector<16xf32>,
        %parallel_loop3A_1139 = arith.constant 192 : index
        %parallel_loop3A_1140 = tpu.vector_load %arg13[%parallel_loop3A_1139] {strides = array<i32>} : memref<1024xf32, #tpu.memory_space<vmem>>, vector<16xf32>,
        %parallel_loop3A_1141 = arith.constant 208 : index
        %parallel_loop3A_1142 = tpu.vector_load %arg13[%parallel_loop3A_1141] {strides = array<i32>} : memref<1024xf32, #tpu.memory_space<vmem>>, vector<16xf32>,
        %parallel_loop3A_1143 = arith.constant 224 : index
        %parallel_loop3A_1144 = tpu.vector_load %arg13[%parallel_loop3A_1143] {strides = array<i32>} : memref<1024xf32, #tpu.memory_space<vmem>>, vector<16xf32>,
        %parallel_loop3A_1145 = arith.constant 240 : index
        %parallel_loop3A_1146 = tpu.vector_load %arg13[%parallel_loop3A_1145] {strides = array<i32>} : memref<1024xf32, #tpu.memory_space<vmem>>, vector<16xf32>,
        %parallel_loop3A_1147 = arith.addf %parallel_loop3A_1123, %parallel_loop3A_1132 : vector<16xf32>
        %parallel_loop3A_1148 = arith.mulf %parallel_loop3A_1147, %parallel_loop3A_1050 : vector<16xf32>
        %parallel_loop3A_1149 = arith.addf %parallel_loop3A_1124, %parallel_loop3A_1134 : vector<16xf32>
        %parallel_loop3A_1150 = arith.mulf %parallel_loop3A_1149, %parallel_loop3A_1050 : vector<16xf32>
        %parallel_loop3A_1151 = arith.addf %parallel_loop3A_1125, %parallel_loop3A_1136 : vector<16xf32>
        %parallel_loop3A_1152 = arith.mulf %parallel_loop3A_1151, %parallel_loop3A_1050 : vector<16xf32>
        %parallel_loop3A_1153 = arith.addf %parallel_loop3A_1126, %parallel_loop3A_1138 : vector<16xf32>
        %parallel_loop3A_1154 = arith.mulf %parallel_loop3A_1153, %parallel_loop3A_1050 : vector<16xf32>
        %parallel_loop3A_1155 = arith.addf %parallel_loop3A_1127, %parallel_loop3A_1140 : vector<16xf32>
        %parallel_loop3A_1156 = arith.mulf %parallel_loop3A_1155, %parallel_loop3A_1050 : vector<16xf32>
        %parallel_loop3A_1157 = arith.addf %parallel_loop3A_1128, %parallel_loop3A_1142 : vector<16xf32>
        %parallel_loop3A_1158 = arith.mulf %parallel_loop3A_1157, %parallel_loop3A_1050 : vector<16xf32>
        %parallel_loop3A_1159 = arith.addf %parallel_loop3A_1129, %parallel_loop3A_1144 : vector<16xf32>
        %parallel_loop3A_1160 = arith.mulf %parallel_loop3A_1159, %parallel_loop3A_1050 : vector<16xf32>
        %parallel_loop3A_1161 = arith.addf %parallel_loop3A_1130, %parallel_loop3A_1146 : vector<16xf32>
        %parallel_loop3A_1162 = arith.mulf %parallel_loop3A_1161, %parallel_loop3A_1050 : vector<16xf32>
        tpu.vector_store_idx %arg10[%parallel_loop3A_451, %parallel_loop3A_473, %parallel_loop3A_1108], %parallel_loop3A_1148 : memref<16x26x64xf32, #tpu.memory_space<vmem>>[vector<16xi32>, vector<16xi32>, vector<16xi32>], vector<16xf32>,
        tpu.vector_store_idx %arg10[%parallel_loop3A_451, %parallel_loop3A_473, %parallel_loop3A_1110], %parallel_loop3A_1150 : memref<16x26x64xf32, #tpu.memory_space<vmem>>[vector<16xi32>, vector<16xi32>, vector<16xi32>], vector<16xf32>,
        tpu.vector_store_idx %arg10[%parallel_loop3A_451, %parallel_loop3A_473, %parallel_loop3A_1112], %parallel_loop3A_1152 : memref<16x26x64xf32, #tpu.memory_space<vmem>>[vector<16xi32>, vector<16xi32>, vector<16xi32>], vector<16xf32>,
        tpu.vector_store_idx %arg10[%parallel_loop3A_451, %parallel_loop3A_473, %parallel_loop3A_1114], %parallel_loop3A_1154 : memref<16x26x64xf32, #tpu.memory_space<vmem>>[vector<16xi32>, vector<16xi32>, vector<16xi32>], vector<16xf32>,
        tpu.vector_store_idx %arg10[%parallel_loop3A_451, %parallel_loop3A_473, %parallel_loop3A_1116], %parallel_loop3A_1156 : memref<16x26x64xf32, #tpu.memory_space<vmem>>[vector<16xi32>, vector<16xi32>, vector<16xi32>], vector<16xf32>,
        tpu.vector_store_idx %arg10[%parallel_loop3A_451, %parallel_loop3A_473, %parallel_loop3A_1118], %parallel_loop3A_1158 : memref<16x26x64xf32, #tpu.memory_space<vmem>>[vector<16xi32>, vector<16xi32>, vector<16xi32>], vector<16xf32>,
        tpu.vector_store_idx %arg10[%parallel_loop3A_451, %parallel_loop3A_473, %parallel_loop3A_1120], %parallel_loop3A_1160 : memref<16x26x64xf32, #tpu.memory_space<vmem>>[vector<16xi32>, vector<16xi32>, vector<16xi32>], vector<16xf32>,
        tpu.vector_store_idx %arg10[%parallel_loop3A_451, %parallel_loop3A_473, %parallel_loop3A_1122], %parallel_loop3A_1162 : memref<16x26x64xf32, #tpu.memory_space<vmem>>[vector<16xi32>, vector<16xi32>, vector<16xi32>], vector<16xf32>,
        %parallel_loop3A_1163 = arith.constant 16 : i32
        %parallel_loop3A_1164 = vector.broadcast %parallel_loop3A_1163 : i32 to vector<16xi32>
        %parallel_loop3A_1165 = arith.constant 17 : i32
        %parallel_loop3A_1166 = vector.broadcast %parallel_loop3A_1165 : i32 to vector<16xi32>
        %parallel_loop3A_1167 = arith.constant 18 : i32
        %parallel_loop3A_1168 = vector.broadcast %parallel_loop3A_1167 : i32 to vector<16xi32>
        %parallel_loop3A_1169 = arith.constant 19 : i32
        %parallel_loop3A_1170 = vector.broadcast %parallel_loop3A_1169 : i32 to vector<16xi32>
        %parallel_loop3A_1171 = arith.constant 20 : i32
        %parallel_loop3A_1172 = vector.broadcast %parallel_loop3A_1171 : i32 to vector<16xi32>
        %parallel_loop3A_1173 = arith.constant 21 : i32
        %parallel_loop3A_1174 = vector.broadcast %parallel_loop3A_1173 : i32 to vector<16xi32>
        %parallel_loop3A_1175 = arith.constant 22 : i32
        %parallel_loop3A_1176 = vector.broadcast %parallel_loop3A_1175 : i32 to vector<16xi32>
        %parallel_loop3A_1177 = arith.constant 23 : i32
        %parallel_loop3A_1178 = vector.broadcast %parallel_loop3A_1177 : i32 to vector<16xi32>
        %parallel_loop3A_1179 = tpu.vector_load_idx %arg8[%parallel_loop3A_420, %parallel_loop3A_1164] : memref<416x64xf32, #tpu.memory_space<vmem>>[vector<16xi32>, vector<16xi32>], vector<16xf32>,
        %parallel_loop3A_1180 = tpu.vector_load_idx %arg8[%parallel_loop3A_420, %parallel_loop3A_1166] : memref<416x64xf32, #tpu.memory_space<vmem>>[vector<16xi32>, vector<16xi32>], vector<16xf32>,
        %parallel_loop3A_1181 = tpu.vector_load_idx %arg8[%parallel_loop3A_420, %parallel_loop3A_1168] : memref<416x64xf32, #tpu.memory_space<vmem>>[vector<16xi32>, vector<16xi32>], vector<16xf32>,
        %parallel_loop3A_1182 = tpu.vector_load_idx %arg8[%parallel_loop3A_420, %parallel_loop3A_1170] : memref<416x64xf32, #tpu.memory_space<vmem>>[vector<16xi32>, vector<16xi32>], vector<16xf32>,
        %parallel_loop3A_1183 = tpu.vector_load_idx %arg8[%parallel_loop3A_420, %parallel_loop3A_1172] : memref<416x64xf32, #tpu.memory_space<vmem>>[vector<16xi32>, vector<16xi32>], vector<16xf32>,
        %parallel_loop3A_1184 = tpu.vector_load_idx %arg8[%parallel_loop3A_420, %parallel_loop3A_1174] : memref<416x64xf32, #tpu.memory_space<vmem>>[vector<16xi32>, vector<16xi32>], vector<16xf32>,
        %parallel_loop3A_1185 = tpu.vector_load_idx %arg8[%parallel_loop3A_420, %parallel_loop3A_1176] : memref<416x64xf32, #tpu.memory_space<vmem>>[vector<16xi32>, vector<16xi32>], vector<16xf32>,
        %parallel_loop3A_1186 = tpu.vector_load_idx %arg8[%parallel_loop3A_420, %parallel_loop3A_1178] : memref<416x64xf32, #tpu.memory_space<vmem>>[vector<16xi32>, vector<16xi32>], vector<16xf32>,
        %parallel_loop3A_1187 = arith.constant 256 : index
        %parallel_loop3A_1188 = tpu.vector_load %arg13[%parallel_loop3A_1187] {strides = array<i32>} : memref<1024xf32, #tpu.memory_space<vmem>>, vector<16xf32>,
        %parallel_loop3A_1189 = arith.constant 272 : index
        %parallel_loop3A_1190 = tpu.vector_load %arg13[%parallel_loop3A_1189] {strides = array<i32>} : memref<1024xf32, #tpu.memory_space<vmem>>, vector<16xf32>,
        %parallel_loop3A_1191 = arith.constant 288 : index
        %parallel_loop3A_1192 = tpu.vector_load %arg13[%parallel_loop3A_1191] {strides = array<i32>} : memref<1024xf32, #tpu.memory_space<vmem>>, vector<16xf32>,
        %parallel_loop3A_1193 = arith.constant 304 : index
        %parallel_loop3A_1194 = tpu.vector_load %arg13[%parallel_loop3A_1193] {strides = array<i32>} : memref<1024xf32, #tpu.memory_space<vmem>>, vector<16xf32>,
        %parallel_loop3A_1195 = arith.constant 320 : index
        %parallel_loop3A_1196 = tpu.vector_load %arg13[%parallel_loop3A_1195] {strides = array<i32>} : memref<1024xf32, #tpu.memory_space<vmem>>, vector<16xf32>,
        %parallel_loop3A_1197 = arith.constant 336 : index
        %parallel_loop3A_1198 = tpu.vector_load %arg13[%parallel_loop3A_1197] {strides = array<i32>} : memref<1024xf32, #tpu.memory_space<vmem>>, vector<16xf32>,
        %parallel_loop3A_1199 = arith.constant 352 : index
        %parallel_loop3A_1200 = tpu.vector_load %arg13[%parallel_loop3A_1199] {strides = array<i32>} : memref<1024xf32, #tpu.memory_space<vmem>>, vector<16xf32>,
        %parallel_loop3A_1201 = arith.constant 368 : index
        %parallel_loop3A_1202 = tpu.vector_load %arg13[%parallel_loop3A_1201] {strides = array<i32>} : memref<1024xf32, #tpu.memory_space<vmem>>, vector<16xf32>,
        %parallel_loop3A_1203 = arith.addf %parallel_loop3A_1179, %parallel_loop3A_1188 : vector<16xf32>
        %parallel_loop3A_1204 = arith.mulf %parallel_loop3A_1203, %parallel_loop3A_1050 : vector<16xf32>
        %parallel_loop3A_1205 = arith.addf %parallel_loop3A_1180, %parallel_loop3A_1190 : vector<16xf32>
        %parallel_loop3A_1206 = arith.mulf %parallel_loop3A_1205, %parallel_loop3A_1050 : vector<16xf32>
        %parallel_loop3A_1207 = arith.addf %parallel_loop3A_1181, %parallel_loop3A_1192 : vector<16xf32>
        %parallel_loop3A_1208 = arith.mulf %parallel_loop3A_1207, %parallel_loop3A_1050 : vector<16xf32>
        %parallel_loop3A_1209 = arith.addf %parallel_loop3A_1182, %parallel_loop3A_1194 : vector<16xf32>
        %parallel_loop3A_1210 = arith.mulf %parallel_loop3A_1209, %parallel_loop3A_1050 : vector<16xf32>
        %parallel_loop3A_1211 = arith.addf %parallel_loop3A_1183, %parallel_loop3A_1196 : vector<16xf32>
        %parallel_loop3A_1212 = arith.mulf %parallel_loop3A_1211, %parallel_loop3A_1050 : vector<16xf32>
        %parallel_loop3A_1213 = arith.addf %parallel_loop3A_1184, %parallel_loop3A_1198 : vector<16xf32>
        %parallel_loop3A_1214 = arith.mulf %parallel_loop3A_1213, %parallel_loop3A_1050 : vector<16xf32>
        %parallel_loop3A_1215 = arith.addf %parallel_loop3A_1185, %parallel_loop3A_1200 : vector<16xf32>
        %parallel_loop3A_1216 = arith.mulf %parallel_loop3A_1215, %parallel_loop3A_1050 : vector<16xf32>
        %parallel_loop3A_1217 = arith.addf %parallel_loop3A_1186, %parallel_loop3A_1202 : vector<16xf32>
        %parallel_loop3A_1218 = arith.mulf %parallel_loop3A_1217, %parallel_loop3A_1050 : vector<16xf32>
        tpu.vector_store_idx %arg10[%parallel_loop3A_451, %parallel_loop3A_473, %parallel_loop3A_1164], %parallel_loop3A_1204 : memref<16x26x64xf32, #tpu.memory_space<vmem>>[vector<16xi32>, vector<16xi32>, vector<16xi32>], vector<16xf32>,
        tpu.vector_store_idx %arg10[%parallel_loop3A_451, %parallel_loop3A_473, %parallel_loop3A_1166], %parallel_loop3A_1206 : memref<16x26x64xf32, #tpu.memory_space<vmem>>[vector<16xi32>, vector<16xi32>, vector<16xi32>], vector<16xf32>,
        tpu.vector_store_idx %arg10[%parallel_loop3A_451, %parallel_loop3A_473, %parallel_loop3A_1168], %parallel_loop3A_1208 : memref<16x26x64xf32, #tpu.memory_space<vmem>>[vector<16xi32>, vector<16xi32>, vector<16xi32>], vector<16xf32>,
        tpu.vector_store_idx %arg10[%parallel_loop3A_451, %parallel_loop3A_473, %parallel_loop3A_1170], %parallel_loop3A_1210 : memref<16x26x64xf32, #tpu.memory_space<vmem>>[vector<16xi32>, vector<16xi32>, vector<16xi32>], vector<16xf32>,
        tpu.vector_store_idx %arg10[%parallel_loop3A_451, %parallel_loop3A_473, %parallel_loop3A_1172], %parallel_loop3A_1212 : memref<16x26x64xf32, #tpu.memory_space<vmem>>[vector<16xi32>, vector<16xi32>, vector<16xi32>], vector<16xf32>,
        tpu.vector_store_idx %arg10[%parallel_loop3A_451, %parallel_loop3A_473, %parallel_loop3A_1174], %parallel_loop3A_1214 : memref<16x26x64xf32, #tpu.memory_space<vmem>>[vector<16xi32>, vector<16xi32>, vector<16xi32>], vector<16xf32>,
        tpu.vector_store_idx %arg10[%parallel_loop3A_451, %parallel_loop3A_473, %parallel_loop3A_1176], %parallel_loop3A_1216 : memref<16x26x64xf32, #tpu.memory_space<vmem>>[vector<16xi32>, vector<16xi32>, vector<16xi32>], vector<16xf32>,
        tpu.vector_store_idx %arg10[%parallel_loop3A_451, %parallel_loop3A_473, %parallel_loop3A_1178], %parallel_loop3A_1218 : memref<16x26x64xf32, #tpu.memory_space<vmem>>[vector<16xi32>, vector<16xi32>, vector<16xi32>], vector<16xf32>,
        %parallel_loop3A_1219 = arith.constant 24 : i32
        %parallel_loop3A_1220 = vector.broadcast %parallel_loop3A_1219 : i32 to vector<16xi32>
        %parallel_loop3A_1221 = arith.constant 25 : i32
        %parallel_loop3A_1222 = vector.broadcast %parallel_loop3A_1221 : i32 to vector<16xi32>
        %parallel_loop3A_1223 = arith.constant 26 : i32
        %parallel_loop3A_1224 = vector.broadcast %parallel_loop3A_1223 : i32 to vector<16xi32>
        %parallel_loop3A_1225 = arith.constant 27 : i32
        %parallel_loop3A_1226 = vector.broadcast %parallel_loop3A_1225 : i32 to vector<16xi32>
        %parallel_loop3A_1227 = arith.constant 28 : i32
        %parallel_loop3A_1228 = vector.broadcast %parallel_loop3A_1227 : i32 to vector<16xi32>
        %parallel_loop3A_1229 = arith.constant 29 : i32
        %parallel_loop3A_1230 = vector.broadcast %parallel_loop3A_1229 : i32 to vector<16xi32>
        %parallel_loop3A_1231 = arith.constant 30 : i32
        %parallel_loop3A_1232 = vector.broadcast %parallel_loop3A_1231 : i32 to vector<16xi32>
        %parallel_loop3A_1233 = arith.constant 31 : i32
        %parallel_loop3A_1234 = vector.broadcast %parallel_loop3A_1233 : i32 to vector<16xi32>
        %parallel_loop3A_1235 = tpu.vector_load_idx %arg8[%parallel_loop3A_420, %parallel_loop3A_1220] : memref<416x64xf32, #tpu.memory_space<vmem>>[vector<16xi32>, vector<16xi32>], vector<16xf32>,
        %parallel_loop3A_1236 = tpu.vector_load_idx %arg8[%parallel_loop3A_420, %parallel_loop3A_1222] : memref<416x64xf32, #tpu.memory_space<vmem>>[vector<16xi32>, vector<16xi32>], vector<16xf32>,
        %parallel_loop3A_1237 = tpu.vector_load_idx %arg8[%parallel_loop3A_420, %parallel_loop3A_1224] : memref<416x64xf32, #tpu.memory_space<vmem>>[vector<16xi32>, vector<16xi32>], vector<16xf32>,
        %parallel_loop3A_1238 = tpu.vector_load_idx %arg8[%parallel_loop3A_420, %parallel_loop3A_1226] : memref<416x64xf32, #tpu.memory_space<vmem>>[vector<16xi32>, vector<16xi32>], vector<16xf32>,
        %parallel_loop3A_1239 = tpu.vector_load_idx %arg8[%parallel_loop3A_420, %parallel_loop3A_1228] : memref<416x64xf32, #tpu.memory_space<vmem>>[vector<16xi32>, vector<16xi32>], vector<16xf32>,
        %parallel_loop3A_1240 = tpu.vector_load_idx %arg8[%parallel_loop3A_420, %parallel_loop3A_1230] : memref<416x64xf32, #tpu.memory_space<vmem>>[vector<16xi32>, vector<16xi32>], vector<16xf32>,
        %parallel_loop3A_1241 = tpu.vector_load_idx %arg8[%parallel_loop3A_420, %parallel_loop3A_1232] : memref<416x64xf32, #tpu.memory_space<vmem>>[vector<16xi32>, vector<16xi32>], vector<16xf32>,
        %parallel_loop3A_1242 = tpu.vector_load_idx %arg8[%parallel_loop3A_420, %parallel_loop3A_1234] : memref<416x64xf32, #tpu.memory_space<vmem>>[vector<16xi32>, vector<16xi32>], vector<16xf32>,
        %parallel_loop3A_1243 = arith.constant 384 : index
        %parallel_loop3A_1244 = tpu.vector_load %arg13[%parallel_loop3A_1243] {strides = array<i32>} : memref<1024xf32, #tpu.memory_space<vmem>>, vector<16xf32>,
        %parallel_loop3A_1245 = arith.constant 400 : index
        %parallel_loop3A_1246 = tpu.vector_load %arg13[%parallel_loop3A_1245] {strides = array<i32>} : memref<1024xf32, #tpu.memory_space<vmem>>, vector<16xf32>,
        %parallel_loop3A_1247 = arith.constant 416 : index
        %parallel_loop3A_1248 = tpu.vector_load %arg13[%parallel_loop3A_1247] {strides = array<i32>} : memref<1024xf32, #tpu.memory_space<vmem>>, vector<16xf32>,
        %parallel_loop3A_1249 = arith.constant 432 : index
        %parallel_loop3A_1250 = tpu.vector_load %arg13[%parallel_loop3A_1249] {strides = array<i32>} : memref<1024xf32, #tpu.memory_space<vmem>>, vector<16xf32>,
        %parallel_loop3A_1251 = arith.constant 448 : index
        %parallel_loop3A_1252 = tpu.vector_load %arg13[%parallel_loop3A_1251] {strides = array<i32>} : memref<1024xf32, #tpu.memory_space<vmem>>, vector<16xf32>,
        %parallel_loop3A_1253 = arith.constant 464 : index
        %parallel_loop3A_1254 = tpu.vector_load %arg13[%parallel_loop3A_1253] {strides = array<i32>} : memref<1024xf32, #tpu.memory_space<vmem>>, vector<16xf32>,
        %parallel_loop3A_1255 = arith.constant 480 : index
        %parallel_loop3A_1256 = tpu.vector_load %arg13[%parallel_loop3A_1255] {strides = array<i32>} : memref<1024xf32, #tpu.memory_space<vmem>>, vector<16xf32>,
        %parallel_loop3A_1257 = arith.constant 496 : index
        %parallel_loop3A_1258 = tpu.vector_load %arg13[%parallel_loop3A_1257] {strides = array<i32>} : memref<1024xf32, #tpu.memory_space<vmem>>, vector<16xf32>,
        %parallel_loop3A_1259 = arith.addf %parallel_loop3A_1235, %parallel_loop3A_1244 : vector<16xf32>
        %parallel_loop3A_1260 = arith.mulf %parallel_loop3A_1259, %parallel_loop3A_1050 : vector<16xf32>
        %parallel_loop3A_1261 = arith.addf %parallel_loop3A_1236, %parallel_loop3A_1246 : vector<16xf32>
        %parallel_loop3A_1262 = arith.mulf %parallel_loop3A_1261, %parallel_loop3A_1050 : vector<16xf32>
        %parallel_loop3A_1263 = arith.addf %parallel_loop3A_1237, %parallel_loop3A_1248 : vector<16xf32>
        %parallel_loop3A_1264 = arith.mulf %parallel_loop3A_1263, %parallel_loop3A_1050 : vector<16xf32>
        %parallel_loop3A_1265 = arith.addf %parallel_loop3A_1238, %parallel_loop3A_1250 : vector<16xf32>
        %parallel_loop3A_1266 = arith.mulf %parallel_loop3A_1265, %parallel_loop3A_1050 : vector<16xf32>
        %parallel_loop3A_1267 = arith.addf %parallel_loop3A_1239, %parallel_loop3A_1252 : vector<16xf32>
        %parallel_loop3A_1268 = arith.mulf %parallel_loop3A_1267, %parallel_loop3A_1050 : vector<16xf32>
        %parallel_loop3A_1269 = arith.addf %parallel_loop3A_1240, %parallel_loop3A_1254 : vector<16xf32>
        %parallel_loop3A_1270 = arith.mulf %parallel_loop3A_1269, %parallel_loop3A_1050 : vector<16xf32>
        %parallel_loop3A_1271 = arith.addf %parallel_loop3A_1241, %parallel_loop3A_1256 : vector<16xf32>
        %parallel_loop3A_1272 = arith.mulf %parallel_loop3A_1271, %parallel_loop3A_1050 : vector<16xf32>
        %parallel_loop3A_1273 = arith.addf %parallel_loop3A_1242, %parallel_loop3A_1258 : vector<16xf32>
        %parallel_loop3A_1274 = arith.mulf %parallel_loop3A_1273, %parallel_loop3A_1050 : vector<16xf32>
        tpu.vector_store_idx %arg10[%parallel_loop3A_451, %parallel_loop3A_473, %parallel_loop3A_1220], %parallel_loop3A_1260 : memref<16x26x64xf32, #tpu.memory_space<vmem>>[vector<16xi32>, vector<16xi32>, vector<16xi32>], vector<16xf32>,
        tpu.vector_store_idx %arg10[%parallel_loop3A_451, %parallel_loop3A_473, %parallel_loop3A_1222], %parallel_loop3A_1262 : memref<16x26x64xf32, #tpu.memory_space<vmem>>[vector<16xi32>, vector<16xi32>, vector<16xi32>], vector<16xf32>,
        tpu.vector_store_idx %arg10[%parallel_loop3A_451, %parallel_loop3A_473, %parallel_loop3A_1224], %parallel_loop3A_1264 : memref<16x26x64xf32, #tpu.memory_space<vmem>>[vector<16xi32>, vector<16xi32>, vector<16xi32>], vector<16xf32>,
        tpu.vector_store_idx %arg10[%parallel_loop3A_451, %parallel_loop3A_473, %parallel_loop3A_1226], %parallel_loop3A_1266 : memref<16x26x64xf32, #tpu.memory_space<vmem>>[vector<16xi32>, vector<16xi32>, vector<16xi32>], vector<16xf32>,
        tpu.vector_store_idx %arg10[%parallel_loop3A_451, %parallel_loop3A_473, %parallel_loop3A_1228], %parallel_loop3A_1268 : memref<16x26x64xf32, #tpu.memory_space<vmem>>[vector<16xi32>, vector<16xi32>, vector<16xi32>], vector<16xf32>,
        tpu.vector_store_idx %arg10[%parallel_loop3A_451, %parallel_loop3A_473, %parallel_loop3A_1230], %parallel_loop3A_1270 : memref<16x26x64xf32, #tpu.memory_space<vmem>>[vector<16xi32>, vector<16xi32>, vector<16xi32>], vector<16xf32>,
        tpu.vector_store_idx %arg10[%parallel_loop3A_451, %parallel_loop3A_473, %parallel_loop3A_1232], %parallel_loop3A_1272 : memref<16x26x64xf32, #tpu.memory_space<vmem>>[vector<16xi32>, vector<16xi32>, vector<16xi32>], vector<16xf32>,
        tpu.vector_store_idx %arg10[%parallel_loop3A_451, %parallel_loop3A_473, %parallel_loop3A_1234], %parallel_loop3A_1274 : memref<16x26x64xf32, #tpu.memory_space<vmem>>[vector<16xi32>, vector<16xi32>, vector<16xi32>], vector<16xf32>,
        %parallel_loop3A_1275 = arith.constant 32 : i32
        %parallel_loop3A_1276 = vector.broadcast %parallel_loop3A_1275 : i32 to vector<16xi32>
        %parallel_loop3A_1277 = arith.constant 33 : i32
        %parallel_loop3A_1278 = vector.broadcast %parallel_loop3A_1277 : i32 to vector<16xi32>
        %parallel_loop3A_1279 = arith.constant 34 : i32
        %parallel_loop3A_1280 = vector.broadcast %parallel_loop3A_1279 : i32 to vector<16xi32>
        %parallel_loop3A_1281 = arith.constant 35 : i32
        %parallel_loop3A_1282 = vector.broadcast %parallel_loop3A_1281 : i32 to vector<16xi32>
        %parallel_loop3A_1283 = arith.constant 36 : i32
        %parallel_loop3A_1284 = vector.broadcast %parallel_loop3A_1283 : i32 to vector<16xi32>
        %parallel_loop3A_1285 = arith.constant 37 : i32
        %parallel_loop3A_1286 = vector.broadcast %parallel_loop3A_1285 : i32 to vector<16xi32>
        %parallel_loop3A_1287 = arith.constant 38 : i32
        %parallel_loop3A_1288 = vector.broadcast %parallel_loop3A_1287 : i32 to vector<16xi32>
        %parallel_loop3A_1289 = arith.constant 39 : i32
        %parallel_loop3A_1290 = vector.broadcast %parallel_loop3A_1289 : i32 to vector<16xi32>
        %parallel_loop3A_1291 = tpu.vector_load_idx %arg8[%parallel_loop3A_420, %parallel_loop3A_1276] : memref<416x64xf32, #tpu.memory_space<vmem>>[vector<16xi32>, vector<16xi32>], vector<16xf32>,
        %parallel_loop3A_1292 = tpu.vector_load_idx %arg8[%parallel_loop3A_420, %parallel_loop3A_1278] : memref<416x64xf32, #tpu.memory_space<vmem>>[vector<16xi32>, vector<16xi32>], vector<16xf32>,
        %parallel_loop3A_1293 = tpu.vector_load_idx %arg8[%parallel_loop3A_420, %parallel_loop3A_1280] : memref<416x64xf32, #tpu.memory_space<vmem>>[vector<16xi32>, vector<16xi32>], vector<16xf32>,
        %parallel_loop3A_1294 = tpu.vector_load_idx %arg8[%parallel_loop3A_420, %parallel_loop3A_1282] : memref<416x64xf32, #tpu.memory_space<vmem>>[vector<16xi32>, vector<16xi32>], vector<16xf32>,
        %parallel_loop3A_1295 = tpu.vector_load_idx %arg8[%parallel_loop3A_420, %parallel_loop3A_1284] : memref<416x64xf32, #tpu.memory_space<vmem>>[vector<16xi32>, vector<16xi32>], vector<16xf32>,
        %parallel_loop3A_1296 = tpu.vector_load_idx %arg8[%parallel_loop3A_420, %parallel_loop3A_1286] : memref<416x64xf32, #tpu.memory_space<vmem>>[vector<16xi32>, vector<16xi32>], vector<16xf32>,
        %parallel_loop3A_1297 = tpu.vector_load_idx %arg8[%parallel_loop3A_420, %parallel_loop3A_1288] : memref<416x64xf32, #tpu.memory_space<vmem>>[vector<16xi32>, vector<16xi32>], vector<16xf32>,
        %parallel_loop3A_1298 = tpu.vector_load_idx %arg8[%parallel_loop3A_420, %parallel_loop3A_1290] : memref<416x64xf32, #tpu.memory_space<vmem>>[vector<16xi32>, vector<16xi32>], vector<16xf32>,
        %parallel_loop3A_1299 = arith.constant 512 : index
        %parallel_loop3A_1300 = tpu.vector_load %arg13[%parallel_loop3A_1299] {strides = array<i32>} : memref<1024xf32, #tpu.memory_space<vmem>>, vector<16xf32>,
        %parallel_loop3A_1301 = arith.constant 528 : index
        %parallel_loop3A_1302 = tpu.vector_load %arg13[%parallel_loop3A_1301] {strides = array<i32>} : memref<1024xf32, #tpu.memory_space<vmem>>, vector<16xf32>,
        %parallel_loop3A_1303 = arith.constant 544 : index
        %parallel_loop3A_1304 = tpu.vector_load %arg13[%parallel_loop3A_1303] {strides = array<i32>} : memref<1024xf32, #tpu.memory_space<vmem>>, vector<16xf32>,
        %parallel_loop3A_1305 = arith.constant 560 : index
        %parallel_loop3A_1306 = tpu.vector_load %arg13[%parallel_loop3A_1305] {strides = array<i32>} : memref<1024xf32, #tpu.memory_space<vmem>>, vector<16xf32>,
        %parallel_loop3A_1307 = arith.constant 576 : index
        %parallel_loop3A_1308 = tpu.vector_load %arg13[%parallel_loop3A_1307] {strides = array<i32>} : memref<1024xf32, #tpu.memory_space<vmem>>, vector<16xf32>,
        %parallel_loop3A_1309 = arith.constant 592 : index
        %parallel_loop3A_1310 = tpu.vector_load %arg13[%parallel_loop3A_1309] {strides = array<i32>} : memref<1024xf32, #tpu.memory_space<vmem>>, vector<16xf32>,
        %parallel_loop3A_1311 = arith.constant 608 : index
        %parallel_loop3A_1312 = tpu.vector_load %arg13[%parallel_loop3A_1311] {strides = array<i32>} : memref<1024xf32, #tpu.memory_space<vmem>>, vector<16xf32>,
        %parallel_loop3A_1313 = arith.constant 624 : index
        %parallel_loop3A_1314 = tpu.vector_load %arg13[%parallel_loop3A_1313] {strides = array<i32>} : memref<1024xf32, #tpu.memory_space<vmem>>, vector<16xf32>,
        %parallel_loop3A_1315 = arith.addf %parallel_loop3A_1291, %parallel_loop3A_1300 : vector<16xf32>
        %parallel_loop3A_1316 = arith.mulf %parallel_loop3A_1315, %parallel_loop3A_1050 : vector<16xf32>
        %parallel_loop3A_1317 = arith.addf %parallel_loop3A_1292, %parallel_loop3A_1302 : vector<16xf32>
        %parallel_loop3A_1318 = arith.mulf %parallel_loop3A_1317, %parallel_loop3A_1050 : vector<16xf32>
        %parallel_loop3A_1319 = arith.addf %parallel_loop3A_1293, %parallel_loop3A_1304 : vector<16xf32>
        %parallel_loop3A_1320 = arith.mulf %parallel_loop3A_1319, %parallel_loop3A_1050 : vector<16xf32>
        %parallel_loop3A_1321 = arith.addf %parallel_loop3A_1294, %parallel_loop3A_1306 : vector<16xf32>
        %parallel_loop3A_1322 = arith.mulf %parallel_loop3A_1321, %parallel_loop3A_1050 : vector<16xf32>
        %parallel_loop3A_1323 = arith.addf %parallel_loop3A_1295, %parallel_loop3A_1308 : vector<16xf32>
        %parallel_loop3A_1324 = arith.mulf %parallel_loop3A_1323, %parallel_loop3A_1050 : vector<16xf32>
        %parallel_loop3A_1325 = arith.addf %parallel_loop3A_1296, %parallel_loop3A_1310 : vector<16xf32>
        %parallel_loop3A_1326 = arith.mulf %parallel_loop3A_1325, %parallel_loop3A_1050 : vector<16xf32>
        %parallel_loop3A_1327 = arith.addf %parallel_loop3A_1297, %parallel_loop3A_1312 : vector<16xf32>
        %parallel_loop3A_1328 = arith.mulf %parallel_loop3A_1327, %parallel_loop3A_1050 : vector<16xf32>
        %parallel_loop3A_1329 = arith.addf %parallel_loop3A_1298, %parallel_loop3A_1314 : vector<16xf32>
        %parallel_loop3A_1330 = arith.mulf %parallel_loop3A_1329, %parallel_loop3A_1050 : vector<16xf32>
        tpu.vector_store_idx %arg10[%parallel_loop3A_451, %parallel_loop3A_473, %parallel_loop3A_1276], %parallel_loop3A_1316 : memref<16x26x64xf32, #tpu.memory_space<vmem>>[vector<16xi32>, vector<16xi32>, vector<16xi32>], vector<16xf32>,
        tpu.vector_store_idx %arg10[%parallel_loop3A_451, %parallel_loop3A_473, %parallel_loop3A_1278], %parallel_loop3A_1318 : memref<16x26x64xf32, #tpu.memory_space<vmem>>[vector<16xi32>, vector<16xi32>, vector<16xi32>], vector<16xf32>,
        tpu.vector_store_idx %arg10[%parallel_loop3A_451, %parallel_loop3A_473, %parallel_loop3A_1280], %parallel_loop3A_1320 : memref<16x26x64xf32, #tpu.memory_space<vmem>>[vector<16xi32>, vector<16xi32>, vector<16xi32>], vector<16xf32>,
        tpu.vector_store_idx %arg10[%parallel_loop3A_451, %parallel_loop3A_473, %parallel_loop3A_1282], %parallel_loop3A_1322 : memref<16x26x64xf32, #tpu.memory_space<vmem>>[vector<16xi32>, vector<16xi32>, vector<16xi32>], vector<16xf32>,
        tpu.vector_store_idx %arg10[%parallel_loop3A_451, %parallel_loop3A_473, %parallel_loop3A_1284], %parallel_loop3A_1324 : memref<16x26x64xf32, #tpu.memory_space<vmem>>[vector<16xi32>, vector<16xi32>, vector<16xi32>], vector<16xf32>,
        tpu.vector_store_idx %arg10[%parallel_loop3A_451, %parallel_loop3A_473, %parallel_loop3A_1286], %parallel_loop3A_1326 : memref<16x26x64xf32, #tpu.memory_space<vmem>>[vector<16xi32>, vector<16xi32>, vector<16xi32>], vector<16xf32>,
        tpu.vector_store_idx %arg10[%parallel_loop3A_451, %parallel_loop3A_473, %parallel_loop3A_1288], %parallel_loop3A_1328 : memref<16x26x64xf32, #tpu.memory_space<vmem>>[vector<16xi32>, vector<16xi32>, vector<16xi32>], vector<16xf32>,
        tpu.vector_store_idx %arg10[%parallel_loop3A_451, %parallel_loop3A_473, %parallel_loop3A_1290], %parallel_loop3A_1330 : memref<16x26x64xf32, #tpu.memory_space<vmem>>[vector<16xi32>, vector<16xi32>, vector<16xi32>], vector<16xf32>,
        %parallel_loop3A_1331 = arith.constant 40 : i32
        %parallel_loop3A_1332 = vector.broadcast %parallel_loop3A_1331 : i32 to vector<16xi32>
        %parallel_loop3A_1333 = arith.constant 41 : i32
        %parallel_loop3A_1334 = vector.broadcast %parallel_loop3A_1333 : i32 to vector<16xi32>
        %parallel_loop3A_1335 = arith.constant 42 : i32
        %parallel_loop3A_1336 = vector.broadcast %parallel_loop3A_1335 : i32 to vector<16xi32>
        %parallel_loop3A_1337 = arith.constant 43 : i32
        %parallel_loop3A_1338 = vector.broadcast %parallel_loop3A_1337 : i32 to vector<16xi32>
        %parallel_loop3A_1339 = arith.constant 44 : i32
        %parallel_loop3A_1340 = vector.broadcast %parallel_loop3A_1339 : i32 to vector<16xi32>
        %parallel_loop3A_1341 = arith.constant 45 : i32
        %parallel_loop3A_1342 = vector.broadcast %parallel_loop3A_1341 : i32 to vector<16xi32>
        %parallel_loop3A_1343 = arith.constant 46 : i32
        %parallel_loop3A_1344 = vector.broadcast %parallel_loop3A_1343 : i32 to vector<16xi32>
        %parallel_loop3A_1345 = arith.constant 47 : i32
        %parallel_loop3A_1346 = vector.broadcast %parallel_loop3A_1345 : i32 to vector<16xi32>
        %parallel_loop3A_1347 = tpu.vector_load_idx %arg8[%parallel_loop3A_420, %parallel_loop3A_1332] : memref<416x64xf32, #tpu.memory_space<vmem>>[vector<16xi32>, vector<16xi32>], vector<16xf32>,
        %parallel_loop3A_1348 = tpu.vector_load_idx %arg8[%parallel_loop3A_420, %parallel_loop3A_1334] : memref<416x64xf32, #tpu.memory_space<vmem>>[vector<16xi32>, vector<16xi32>], vector<16xf32>,
        %parallel_loop3A_1349 = tpu.vector_load_idx %arg8[%parallel_loop3A_420, %parallel_loop3A_1336] : memref<416x64xf32, #tpu.memory_space<vmem>>[vector<16xi32>, vector<16xi32>], vector<16xf32>,
        %parallel_loop3A_1350 = tpu.vector_load_idx %arg8[%parallel_loop3A_420, %parallel_loop3A_1338] : memref<416x64xf32, #tpu.memory_space<vmem>>[vector<16xi32>, vector<16xi32>], vector<16xf32>,
        %parallel_loop3A_1351 = tpu.vector_load_idx %arg8[%parallel_loop3A_420, %parallel_loop3A_1340] : memref<416x64xf32, #tpu.memory_space<vmem>>[vector<16xi32>, vector<16xi32>], vector<16xf32>,
        %parallel_loop3A_1352 = tpu.vector_load_idx %arg8[%parallel_loop3A_420, %parallel_loop3A_1342] : memref<416x64xf32, #tpu.memory_space<vmem>>[vector<16xi32>, vector<16xi32>], vector<16xf32>,
        %parallel_loop3A_1353 = tpu.vector_load_idx %arg8[%parallel_loop3A_420, %parallel_loop3A_1344] : memref<416x64xf32, #tpu.memory_space<vmem>>[vector<16xi32>, vector<16xi32>], vector<16xf32>,
        %parallel_loop3A_1354 = tpu.vector_load_idx %arg8[%parallel_loop3A_420, %parallel_loop3A_1346] : memref<416x64xf32, #tpu.memory_space<vmem>>[vector<16xi32>, vector<16xi32>], vector<16xf32>,
        %parallel_loop3A_1355 = arith.constant 640 : index
        %parallel_loop3A_1356 = tpu.vector_load %arg13[%parallel_loop3A_1355] {strides = array<i32>} : memref<1024xf32, #tpu.memory_space<vmem>>, vector<16xf32>,
        %parallel_loop3A_1357 = arith.constant 656 : index
        %parallel_loop3A_1358 = tpu.vector_load %arg13[%parallel_loop3A_1357] {strides = array<i32>} : memref<1024xf32, #tpu.memory_space<vmem>>, vector<16xf32>,
        %parallel_loop3A_1359 = arith.constant 672 : index
        %parallel_loop3A_1360 = tpu.vector_load %arg13[%parallel_loop3A_1359] {strides = array<i32>} : memref<1024xf32, #tpu.memory_space<vmem>>, vector<16xf32>,
        %parallel_loop3A_1361 = arith.constant 688 : index
        %parallel_loop3A_1362 = tpu.vector_load %arg13[%parallel_loop3A_1361] {strides = array<i32>} : memref<1024xf32, #tpu.memory_space<vmem>>, vector<16xf32>,
        %parallel_loop3A_1363 = arith.constant 704 : index
        %parallel_loop3A_1364 = tpu.vector_load %arg13[%parallel_loop3A_1363] {strides = array<i32>} : memref<1024xf32, #tpu.memory_space<vmem>>, vector<16xf32>,
        %parallel_loop3A_1365 = arith.constant 720 : index
        %parallel_loop3A_1366 = tpu.vector_load %arg13[%parallel_loop3A_1365] {strides = array<i32>} : memref<1024xf32, #tpu.memory_space<vmem>>, vector<16xf32>,
        %parallel_loop3A_1367 = arith.constant 736 : index
        %parallel_loop3A_1368 = tpu.vector_load %arg13[%parallel_loop3A_1367] {strides = array<i32>} : memref<1024xf32, #tpu.memory_space<vmem>>, vector<16xf32>,
        %parallel_loop3A_1369 = arith.constant 752 : index
        %parallel_loop3A_1370 = tpu.vector_load %arg13[%parallel_loop3A_1369] {strides = array<i32>} : memref<1024xf32, #tpu.memory_space<vmem>>, vector<16xf32>,
        %parallel_loop3A_1371 = arith.addf %parallel_loop3A_1347, %parallel_loop3A_1356 : vector<16xf32>
        %parallel_loop3A_1372 = arith.mulf %parallel_loop3A_1371, %parallel_loop3A_1050 : vector<16xf32>
        %parallel_loop3A_1373 = arith.addf %parallel_loop3A_1348, %parallel_loop3A_1358 : vector<16xf32>
        %parallel_loop3A_1374 = arith.mulf %parallel_loop3A_1373, %parallel_loop3A_1050 : vector<16xf32>
        %parallel_loop3A_1375 = arith.addf %parallel_loop3A_1349, %parallel_loop3A_1360 : vector<16xf32>
        %parallel_loop3A_1376 = arith.mulf %parallel_loop3A_1375, %parallel_loop3A_1050 : vector<16xf32>
        %parallel_loop3A_1377 = arith.addf %parallel_loop3A_1350, %parallel_loop3A_1362 : vector<16xf32>
        %parallel_loop3A_1378 = arith.mulf %parallel_loop3A_1377, %parallel_loop3A_1050 : vector<16xf32>
        %parallel_loop3A_1379 = arith.addf %parallel_loop3A_1351, %parallel_loop3A_1364 : vector<16xf32>
        %parallel_loop3A_1380 = arith.mulf %parallel_loop3A_1379, %parallel_loop3A_1050 : vector<16xf32>
        %parallel_loop3A_1381 = arith.addf %parallel_loop3A_1352, %parallel_loop3A_1366 : vector<16xf32>
        %parallel_loop3A_1382 = arith.mulf %parallel_loop3A_1381, %parallel_loop3A_1050 : vector<16xf32>
        %parallel_loop3A_1383 = arith.addf %parallel_loop3A_1353, %parallel_loop3A_1368 : vector<16xf32>
        %parallel_loop3A_1384 = arith.mulf %parallel_loop3A_1383, %parallel_loop3A_1050 : vector<16xf32>
        %parallel_loop3A_1385 = arith.addf %parallel_loop3A_1354, %parallel_loop3A_1370 : vector<16xf32>
        %parallel_loop3A_1386 = arith.mulf %parallel_loop3A_1385, %parallel_loop3A_1050 : vector<16xf32>
        tpu.vector_store_idx %arg10[%parallel_loop3A_451, %parallel_loop3A_473, %parallel_loop3A_1332], %parallel_loop3A_1372 : memref<16x26x64xf32, #tpu.memory_space<vmem>>[vector<16xi32>, vector<16xi32>, vector<16xi32>], vector<16xf32>,
        tpu.vector_store_idx %arg10[%parallel_loop3A_451, %parallel_loop3A_473, %parallel_loop3A_1334], %parallel_loop3A_1374 : memref<16x26x64xf32, #tpu.memory_space<vmem>>[vector<16xi32>, vector<16xi32>, vector<16xi32>], vector<16xf32>,
        tpu.vector_store_idx %arg10[%parallel_loop3A_451, %parallel_loop3A_473, %parallel_loop3A_1336], %parallel_loop3A_1376 : memref<16x26x64xf32, #tpu.memory_space<vmem>>[vector<16xi32>, vector<16xi32>, vector<16xi32>], vector<16xf32>,
        tpu.vector_store_idx %arg10[%parallel_loop3A_451, %parallel_loop3A_473, %parallel_loop3A_1338], %parallel_loop3A_1378 : memref<16x26x64xf32, #tpu.memory_space<vmem>>[vector<16xi32>, vector<16xi32>, vector<16xi32>], vector<16xf32>,
        tpu.vector_store_idx %arg10[%parallel_loop3A_451, %parallel_loop3A_473, %parallel_loop3A_1340], %parallel_loop3A_1380 : memref<16x26x64xf32, #tpu.memory_space<vmem>>[vector<16xi32>, vector<16xi32>, vector<16xi32>], vector<16xf32>,
        tpu.vector_store_idx %arg10[%parallel_loop3A_451, %parallel_loop3A_473, %parallel_loop3A_1342], %parallel_loop3A_1382 : memref<16x26x64xf32, #tpu.memory_space<vmem>>[vector<16xi32>, vector<16xi32>, vector<16xi32>], vector<16xf32>,
        tpu.vector_store_idx %arg10[%parallel_loop3A_451, %parallel_loop3A_473, %parallel_loop3A_1344], %parallel_loop3A_1384 : memref<16x26x64xf32, #tpu.memory_space<vmem>>[vector<16xi32>, vector<16xi32>, vector<16xi32>], vector<16xf32>,
        tpu.vector_store_idx %arg10[%parallel_loop3A_451, %parallel_loop3A_473, %parallel_loop3A_1346], %parallel_loop3A_1386 : memref<16x26x64xf32, #tpu.memory_space<vmem>>[vector<16xi32>, vector<16xi32>, vector<16xi32>], vector<16xf32>,
        %parallel_loop3A_1387 = arith.constant 48 : i32
        %parallel_loop3A_1388 = vector.broadcast %parallel_loop3A_1387 : i32 to vector<16xi32>
        %parallel_loop3A_1389 = arith.constant 49 : i32
        %parallel_loop3A_1390 = vector.broadcast %parallel_loop3A_1389 : i32 to vector<16xi32>
        %parallel_loop3A_1391 = arith.constant 50 : i32
        %parallel_loop3A_1392 = vector.broadcast %parallel_loop3A_1391 : i32 to vector<16xi32>
        %parallel_loop3A_1393 = arith.constant 51 : i32
        %parallel_loop3A_1394 = vector.broadcast %parallel_loop3A_1393 : i32 to vector<16xi32>
        %parallel_loop3A_1395 = arith.constant 52 : i32
        %parallel_loop3A_1396 = vector.broadcast %parallel_loop3A_1395 : i32 to vector<16xi32>
        %parallel_loop3A_1397 = arith.constant 53 : i32
        %parallel_loop3A_1398 = vector.broadcast %parallel_loop3A_1397 : i32 to vector<16xi32>
        %parallel_loop3A_1399 = arith.constant 54 : i32
        %parallel_loop3A_1400 = vector.broadcast %parallel_loop3A_1399 : i32 to vector<16xi32>
        %parallel_loop3A_1401 = arith.constant 55 : i32
        %parallel_loop3A_1402 = vector.broadcast %parallel_loop3A_1401 : i32 to vector<16xi32>
        %parallel_loop3A_1403 = tpu.vector_load_idx %arg8[%parallel_loop3A_420, %parallel_loop3A_1388] : memref<416x64xf32, #tpu.memory_space<vmem>>[vector<16xi32>, vector<16xi32>], vector<16xf32>,
        %parallel_loop3A_1404 = tpu.vector_load_idx %arg8[%parallel_loop3A_420, %parallel_loop3A_1390] : memref<416x64xf32, #tpu.memory_space<vmem>>[vector<16xi32>, vector<16xi32>], vector<16xf32>,
        %parallel_loop3A_1405 = tpu.vector_load_idx %arg8[%parallel_loop3A_420, %parallel_loop3A_1392] : memref<416x64xf32, #tpu.memory_space<vmem>>[vector<16xi32>, vector<16xi32>], vector<16xf32>,
        %parallel_loop3A_1406 = tpu.vector_load_idx %arg8[%parallel_loop3A_420, %parallel_loop3A_1394] : memref<416x64xf32, #tpu.memory_space<vmem>>[vector<16xi32>, vector<16xi32>], vector<16xf32>,
        %parallel_loop3A_1407 = tpu.vector_load_idx %arg8[%parallel_loop3A_420, %parallel_loop3A_1396] : memref<416x64xf32, #tpu.memory_space<vmem>>[vector<16xi32>, vector<16xi32>], vector<16xf32>,
        %parallel_loop3A_1408 = tpu.vector_load_idx %arg8[%parallel_loop3A_420, %parallel_loop3A_1398] : memref<416x64xf32, #tpu.memory_space<vmem>>[vector<16xi32>, vector<16xi32>], vector<16xf32>,
        %parallel_loop3A_1409 = tpu.vector_load_idx %arg8[%parallel_loop3A_420, %parallel_loop3A_1400] : memref<416x64xf32, #tpu.memory_space<vmem>>[vector<16xi32>, vector<16xi32>], vector<16xf32>,
        %parallel_loop3A_1410 = tpu.vector_load_idx %arg8[%parallel_loop3A_420, %parallel_loop3A_1402] : memref<416x64xf32, #tpu.memory_space<vmem>>[vector<16xi32>, vector<16xi32>], vector<16xf32>,
        %parallel_loop3A_1411 = arith.constant 768 : index
        %parallel_loop3A_1412 = tpu.vector_load %arg13[%parallel_loop3A_1411] {strides = array<i32>} : memref<1024xf32, #tpu.memory_space<vmem>>, vector<16xf32>,
        %parallel_loop3A_1413 = arith.constant 784 : index
        %parallel_loop3A_1414 = tpu.vector_load %arg13[%parallel_loop3A_1413] {strides = array<i32>} : memref<1024xf32, #tpu.memory_space<vmem>>, vector<16xf32>,
        %parallel_loop3A_1415 = arith.constant 800 : index
        %parallel_loop3A_1416 = tpu.vector_load %arg13[%parallel_loop3A_1415] {strides = array<i32>} : memref<1024xf32, #tpu.memory_space<vmem>>, vector<16xf32>,
        %parallel_loop3A_1417 = arith.constant 816 : index
        %parallel_loop3A_1418 = tpu.vector_load %arg13[%parallel_loop3A_1417] {strides = array<i32>} : memref<1024xf32, #tpu.memory_space<vmem>>, vector<16xf32>,
        %parallel_loop3A_1419 = arith.constant 832 : index
        %parallel_loop3A_1420 = tpu.vector_load %arg13[%parallel_loop3A_1419] {strides = array<i32>} : memref<1024xf32, #tpu.memory_space<vmem>>, vector<16xf32>,
        %parallel_loop3A_1421 = arith.constant 848 : index
        %parallel_loop3A_1422 = tpu.vector_load %arg13[%parallel_loop3A_1421] {strides = array<i32>} : memref<1024xf32, #tpu.memory_space<vmem>>, vector<16xf32>,
        %parallel_loop3A_1423 = arith.constant 864 : index
        %parallel_loop3A_1424 = tpu.vector_load %arg13[%parallel_loop3A_1423] {strides = array<i32>} : memref<1024xf32, #tpu.memory_space<vmem>>, vector<16xf32>,
        %parallel_loop3A_1425 = arith.constant 880 : index
        %parallel_loop3A_1426 = tpu.vector_load %arg13[%parallel_loop3A_1425] {strides = array<i32>} : memref<1024xf32, #tpu.memory_space<vmem>>, vector<16xf32>,
        %parallel_loop3A_1427 = arith.addf %parallel_loop3A_1403, %parallel_loop3A_1412 : vector<16xf32>
        %parallel_loop3A_1428 = arith.mulf %parallel_loop3A_1427, %parallel_loop3A_1050 : vector<16xf32>
        %parallel_loop3A_1429 = arith.addf %parallel_loop3A_1404, %parallel_loop3A_1414 : vector<16xf32>
        %parallel_loop3A_1430 = arith.mulf %parallel_loop3A_1429, %parallel_loop3A_1050 : vector<16xf32>
        %parallel_loop3A_1431 = arith.addf %parallel_loop3A_1405, %parallel_loop3A_1416 : vector<16xf32>
        %parallel_loop3A_1432 = arith.mulf %parallel_loop3A_1431, %parallel_loop3A_1050 : vector<16xf32>
        %parallel_loop3A_1433 = arith.addf %parallel_loop3A_1406, %parallel_loop3A_1418 : vector<16xf32>
        %parallel_loop3A_1434 = arith.mulf %parallel_loop3A_1433, %parallel_loop3A_1050 : vector<16xf32>
        %parallel_loop3A_1435 = arith.addf %parallel_loop3A_1407, %parallel_loop3A_1420 : vector<16xf32>
        %parallel_loop3A_1436 = arith.mulf %parallel_loop3A_1435, %parallel_loop3A_1050 : vector<16xf32>
        %parallel_loop3A_1437 = arith.addf %parallel_loop3A_1408, %parallel_loop3A_1422 : vector<16xf32>
        %parallel_loop3A_1438 = arith.mulf %parallel_loop3A_1437, %parallel_loop3A_1050 : vector<16xf32>
        %parallel_loop3A_1439 = arith.addf %parallel_loop3A_1409, %parallel_loop3A_1424 : vector<16xf32>
        %parallel_loop3A_1440 = arith.mulf %parallel_loop3A_1439, %parallel_loop3A_1050 : vector<16xf32>
        %parallel_loop3A_1441 = arith.addf %parallel_loop3A_1410, %parallel_loop3A_1426 : vector<16xf32>
        %parallel_loop3A_1442 = arith.mulf %parallel_loop3A_1441, %parallel_loop3A_1050 : vector<16xf32>
        tpu.vector_store_idx %arg10[%parallel_loop3A_451, %parallel_loop3A_473, %parallel_loop3A_1388], %parallel_loop3A_1428 : memref<16x26x64xf32, #tpu.memory_space<vmem>>[vector<16xi32>, vector<16xi32>, vector<16xi32>], vector<16xf32>,
        tpu.vector_store_idx %arg10[%parallel_loop3A_451, %parallel_loop3A_473, %parallel_loop3A_1390], %parallel_loop3A_1430 : memref<16x26x64xf32, #tpu.memory_space<vmem>>[vector<16xi32>, vector<16xi32>, vector<16xi32>], vector<16xf32>,
        tpu.vector_store_idx %arg10[%parallel_loop3A_451, %parallel_loop3A_473, %parallel_loop3A_1392], %parallel_loop3A_1432 : memref<16x26x64xf32, #tpu.memory_space<vmem>>[vector<16xi32>, vector<16xi32>, vector<16xi32>], vector<16xf32>,
        tpu.vector_store_idx %arg10[%parallel_loop3A_451, %parallel_loop3A_473, %parallel_loop3A_1394], %parallel_loop3A_1434 : memref<16x26x64xf32, #tpu.memory_space<vmem>>[vector<16xi32>, vector<16xi32>, vector<16xi32>], vector<16xf32>,
        tpu.vector_store_idx %arg10[%parallel_loop3A_451, %parallel_loop3A_473, %parallel_loop3A_1396], %parallel_loop3A_1436 : memref<16x26x64xf32, #tpu.memory_space<vmem>>[vector<16xi32>, vector<16xi32>, vector<16xi32>], vector<16xf32>,
        tpu.vector_store_idx %arg10[%parallel_loop3A_451, %parallel_loop3A_473, %parallel_loop3A_1398], %parallel_loop3A_1438 : memref<16x26x64xf32, #tpu.memory_space<vmem>>[vector<16xi32>, vector<16xi32>, vector<16xi32>], vector<16xf32>,
        tpu.vector_store_idx %arg10[%parallel_loop3A_451, %parallel_loop3A_473, %parallel_loop3A_1400], %parallel_loop3A_1440 : memref<16x26x64xf32, #tpu.memory_space<vmem>>[vector<16xi32>, vector<16xi32>, vector<16xi32>], vector<16xf32>,
        tpu.vector_store_idx %arg10[%parallel_loop3A_451, %parallel_loop3A_473, %parallel_loop3A_1402], %parallel_loop3A_1442 : memref<16x26x64xf32, #tpu.memory_space<vmem>>[vector<16xi32>, vector<16xi32>, vector<16xi32>], vector<16xf32>,
        %parallel_loop3A_1443 = arith.constant 56 : i32
        %parallel_loop3A_1444 = vector.broadcast %parallel_loop3A_1443 : i32 to vector<16xi32>
        %parallel_loop3A_1445 = arith.constant 57 : i32
        %parallel_loop3A_1446 = vector.broadcast %parallel_loop3A_1445 : i32 to vector<16xi32>
        %parallel_loop3A_1447 = arith.constant 58 : i32
        %parallel_loop3A_1448 = vector.broadcast %parallel_loop3A_1447 : i32 to vector<16xi32>
        %parallel_loop3A_1449 = arith.constant 59 : i32
        %parallel_loop3A_1450 = vector.broadcast %parallel_loop3A_1449 : i32 to vector<16xi32>
        %parallel_loop3A_1451 = arith.constant 60 : i32
        %parallel_loop3A_1452 = vector.broadcast %parallel_loop3A_1451 : i32 to vector<16xi32>
        %parallel_loop3A_1453 = arith.constant 61 : i32
        %parallel_loop3A_1454 = vector.broadcast %parallel_loop3A_1453 : i32 to vector<16xi32>
        %parallel_loop3A_1455 = arith.constant 62 : i32
        %parallel_loop3A_1456 = vector.broadcast %parallel_loop3A_1455 : i32 to vector<16xi32>
        %parallel_loop3A_1457 = arith.constant 63 : i32
        %parallel_loop3A_1458 = vector.broadcast %parallel_loop3A_1457 : i32 to vector<16xi32>
        %parallel_loop3A_1459 = tpu.vector_load_idx %arg8[%parallel_loop3A_420, %parallel_loop3A_1444] : memref<416x64xf32, #tpu.memory_space<vmem>>[vector<16xi32>, vector<16xi32>], vector<16xf32>,
        %parallel_loop3A_1460 = tpu.vector_load_idx %arg8[%parallel_loop3A_420, %parallel_loop3A_1446] : memref<416x64xf32, #tpu.memory_space<vmem>>[vector<16xi32>, vector<16xi32>], vector<16xf32>,
        %parallel_loop3A_1461 = tpu.vector_load_idx %arg8[%parallel_loop3A_420, %parallel_loop3A_1448] : memref<416x64xf32, #tpu.memory_space<vmem>>[vector<16xi32>, vector<16xi32>], vector<16xf32>,
        %parallel_loop3A_1462 = tpu.vector_load_idx %arg8[%parallel_loop3A_420, %parallel_loop3A_1450] : memref<416x64xf32, #tpu.memory_space<vmem>>[vector<16xi32>, vector<16xi32>], vector<16xf32>,
        %parallel_loop3A_1463 = tpu.vector_load_idx %arg8[%parallel_loop3A_420, %parallel_loop3A_1452] : memref<416x64xf32, #tpu.memory_space<vmem>>[vector<16xi32>, vector<16xi32>], vector<16xf32>,
        %parallel_loop3A_1464 = tpu.vector_load_idx %arg8[%parallel_loop3A_420, %parallel_loop3A_1454] : memref<416x64xf32, #tpu.memory_space<vmem>>[vector<16xi32>, vector<16xi32>], vector<16xf32>,
        %parallel_loop3A_1465 = tpu.vector_load_idx %arg8[%parallel_loop3A_420, %parallel_loop3A_1456] : memref<416x64xf32, #tpu.memory_space<vmem>>[vector<16xi32>, vector<16xi32>], vector<16xf32>,
        %parallel_loop3A_1466 = tpu.vector_load_idx %arg8[%parallel_loop3A_420, %parallel_loop3A_1458] : memref<416x64xf32, #tpu.memory_space<vmem>>[vector<16xi32>, vector<16xi32>], vector<16xf32>,
        %parallel_loop3A_1467 = arith.constant 896 : index
        %parallel_loop3A_1468 = tpu.vector_load %arg13[%parallel_loop3A_1467] {strides = array<i32>} : memref<1024xf32, #tpu.memory_space<vmem>>, vector<16xf32>,
        %parallel_loop3A_1469 = arith.constant 912 : index
        %parallel_loop3A_1470 = tpu.vector_load %arg13[%parallel_loop3A_1469] {strides = array<i32>} : memref<1024xf32, #tpu.memory_space<vmem>>, vector<16xf32>,
        %parallel_loop3A_1471 = arith.constant 928 : index
        %parallel_loop3A_1472 = tpu.vector_load %arg13[%parallel_loop3A_1471] {strides = array<i32>} : memref<1024xf32, #tpu.memory_space<vmem>>, vector<16xf32>,
        %parallel_loop3A_1473 = arith.constant 944 : index
        %parallel_loop3A_1474 = tpu.vector_load %arg13[%parallel_loop3A_1473] {strides = array<i32>} : memref<1024xf32, #tpu.memory_space<vmem>>, vector<16xf32>,
        %parallel_loop3A_1475 = arith.constant 960 : index
        %parallel_loop3A_1476 = tpu.vector_load %arg13[%parallel_loop3A_1475] {strides = array<i32>} : memref<1024xf32, #tpu.memory_space<vmem>>, vector<16xf32>,
        %parallel_loop3A_1477 = arith.constant 976 : index
        %parallel_loop3A_1478 = tpu.vector_load %arg13[%parallel_loop3A_1477] {strides = array<i32>} : memref<1024xf32, #tpu.memory_space<vmem>>, vector<16xf32>,
        %parallel_loop3A_1479 = arith.constant 992 : index
        %parallel_loop3A_1480 = tpu.vector_load %arg13[%parallel_loop3A_1479] {strides = array<i32>} : memref<1024xf32, #tpu.memory_space<vmem>>, vector<16xf32>,
        %parallel_loop3A_1481 = arith.constant 1008 : index
        %parallel_loop3A_1482 = tpu.vector_load %arg13[%parallel_loop3A_1481] {strides = array<i32>} : memref<1024xf32, #tpu.memory_space<vmem>>, vector<16xf32>,
        %parallel_loop3A_1483 = arith.addf %parallel_loop3A_1459, %parallel_loop3A_1468 : vector<16xf32>
        %parallel_loop3A_1484 = arith.mulf %parallel_loop3A_1483, %parallel_loop3A_1050 : vector<16xf32>
        %parallel_loop3A_1485 = arith.addf %parallel_loop3A_1460, %parallel_loop3A_1470 : vector<16xf32>
        %parallel_loop3A_1486 = arith.mulf %parallel_loop3A_1485, %parallel_loop3A_1050 : vector<16xf32>
        %parallel_loop3A_1487 = arith.addf %parallel_loop3A_1461, %parallel_loop3A_1472 : vector<16xf32>
        %parallel_loop3A_1488 = arith.mulf %parallel_loop3A_1487, %parallel_loop3A_1050 : vector<16xf32>
        %parallel_loop3A_1489 = arith.addf %parallel_loop3A_1462, %parallel_loop3A_1474 : vector<16xf32>
        %parallel_loop3A_1490 = arith.mulf %parallel_loop3A_1489, %parallel_loop3A_1050 : vector<16xf32>
        %parallel_loop3A_1491 = arith.addf %parallel_loop3A_1463, %parallel_loop3A_1476 : vector<16xf32>
        %parallel_loop3A_1492 = arith.mulf %parallel_loop3A_1491, %parallel_loop3A_1050 : vector<16xf32>
        %parallel_loop3A_1493 = arith.addf %parallel_loop3A_1464, %parallel_loop3A_1478 : vector<16xf32>
        %parallel_loop3A_1494 = arith.mulf %parallel_loop3A_1493, %parallel_loop3A_1050 : vector<16xf32>
        %parallel_loop3A_1495 = arith.addf %parallel_loop3A_1465, %parallel_loop3A_1480 : vector<16xf32>
        %parallel_loop3A_1496 = arith.mulf %parallel_loop3A_1495, %parallel_loop3A_1050 : vector<16xf32>
        %parallel_loop3A_1497 = arith.addf %parallel_loop3A_1466, %parallel_loop3A_1482 : vector<16xf32>
        %parallel_loop3A_1498 = arith.mulf %parallel_loop3A_1497, %parallel_loop3A_1050 : vector<16xf32>
        tpu.vector_store_idx %arg10[%parallel_loop3A_451, %parallel_loop3A_473, %parallel_loop3A_1444], %parallel_loop3A_1484 : memref<16x26x64xf32, #tpu.memory_space<vmem>>[vector<16xi32>, vector<16xi32>, vector<16xi32>], vector<16xf32>,
        tpu.vector_store_idx %arg10[%parallel_loop3A_451, %parallel_loop3A_473, %parallel_loop3A_1446], %parallel_loop3A_1486 : memref<16x26x64xf32, #tpu.memory_space<vmem>>[vector<16xi32>, vector<16xi32>, vector<16xi32>], vector<16xf32>,
        tpu.vector_store_idx %arg10[%parallel_loop3A_451, %parallel_loop3A_473, %parallel_loop3A_1448], %parallel_loop3A_1488 : memref<16x26x64xf32, #tpu.memory_space<vmem>>[vector<16xi32>, vector<16xi32>, vector<16xi32>], vector<16xf32>,
        tpu.vector_store_idx %arg10[%parallel_loop3A_451, %parallel_loop3A_473, %parallel_loop3A_1450], %parallel_loop3A_1490 : memref<16x26x64xf32, #tpu.memory_space<vmem>>[vector<16xi32>, vector<16xi32>, vector<16xi32>], vector<16xf32>,
        tpu.vector_store_idx %arg10[%parallel_loop3A_451, %parallel_loop3A_473, %parallel_loop3A_1452], %parallel_loop3A_1492 : memref<16x26x64xf32, #tpu.memory_space<vmem>>[vector<16xi32>, vector<16xi32>, vector<16xi32>], vector<16xf32>,
        tpu.vector_store_idx %arg10[%parallel_loop3A_451, %parallel_loop3A_473, %parallel_loop3A_1454], %parallel_loop3A_1494 : memref<16x26x64xf32, #tpu.memory_space<vmem>>[vector<16xi32>, vector<16xi32>, vector<16xi32>], vector<16xf32>,
        tpu.vector_store_idx %arg10[%parallel_loop3A_451, %parallel_loop3A_473, %parallel_loop3A_1456], %parallel_loop3A_1496 : memref<16x26x64xf32, #tpu.memory_space<vmem>>[vector<16xi32>, vector<16xi32>, vector<16xi32>], vector<16xf32>,
        tpu.vector_store_idx %arg10[%parallel_loop3A_451, %parallel_loop3A_473, %parallel_loop3A_1458], %parallel_loop3A_1498 : memref<16x26x64xf32, #tpu.memory_space<vmem>>[vector<16xi32>, vector<16xi32>, vector<16xi32>], vector<16xf32>,
      } {sc.loop_unroll_factor = 2 : i64, sc.parallel_access}
      %dma_start3A_376 = arith.constant 0 : i32
      %dma_start3A_377 = arith.constant 0 : i32
      %dma_start3A_378 = tpu.memref_slice %arg5[%add3A_359, %dma_start3A_376, %dma_start3A_377] : memref<16384x26x64xf32, #tpu.memory_space<hbm>> -> memref<16x26x64xf32, #tpu.memory_space<hbm>>
      %dma_start3A_379 = arith.constant 0 : i32
      %dma_start3A_380 = arith.constant 0 : i32
      %dma_start3A_381 = tpu.memref_slice %arg5[%add3A_359, %dma_start3A_379, %dma_start3A_380] : memref<16384x26x64xf32, #tpu.memory_space<hbm>> -> memref<16x26x64xf32, #tpu.memory_space<hbm>>
      tpu.enqueue_dma source(%arg10 : memref<16x26x64xf32, #tpu.memory_space<vmem>>) target(%dma_start3A_381 : memref<16x26x64xf32, #tpu.memory_space<hbm>>) target_semaphore(%arg16 : memref<!tpu.dma_semaphore, #tpu.memory_space<semaphore_mem>>)
      %mul3A_382 = arith.constant 2 : i32
      %mul3A_383 = arith.muli %scan3A_352, %mul3A_382 : i32
      %add3A_384 = arith.constant 1 : i32
      %add3A_385 = arith.addi %mul3A_383, %add3A_384 : i32
      %mul3A_386 = arith.constant 16 : i32
      %mul3A_387 = arith.muli %add3A_385, %mul3A_386 : i32
      %add3A_388 = arith.addi %mul3A_2, %mul3A_387 : i32
      %mul3A_389 = arith.constant 416 : i32
      %mul3A_390 = arith.muli %add3A_385, %mul3A_389 : i32
      %add3A_391 = arith.addi %mul3A_329, %mul3A_390 : i32
      %add3A_392 = arith.constant 1 : i32
      %add3A_393 = arith.addi %add3A_385, %add3A_392 : i32
      %lt3A_394 = arith.constant 32 : i32
      %lt3A_395 = arith.cmpi slt, %add3A_393, %lt3A_394 : i32
      %convert_element_type3A_396 = arith.extui %lt3A_395 : i1 to i32
      %cond3A_397 = arith.constant 0 : i32
      %cond3A_398 = arith.cmpi ne, %convert_element_type3A_396, %cond3A_397 : i32
      scf.if %cond3A_398 {
        %add3A_416 = arith.constant 416 : i32
        %add3A_417 = arith.addi %add3A_391, %add3A_416 : i32
        "tpu.region"() ({
          %run_scoped3A = tpu.sem_alloc : memref<!tpu.dma_semaphore, #tpu.memory_space<semaphore_mem>>
          %dma_start3A_421 = tpu.memref_slice %arg2[%add3A_417] : memref<425984xi32, #tpu.memory_space<hbm>> -> memref<416xi32, #tpu.memory_space<hbm>>
          %dma_start3A_422 = tpu.memref_slice %arg2[%add3A_417] : memref<425984xi32, #tpu.memory_space<hbm>> -> memref<416xi32, #tpu.memory_space<hbm>>
          tpu.enqueue_dma source(%dma_start3A_422 : memref<416xi32, #tpu.memory_space<hbm>>) target(%arg6 : memref<416xi32, #tpu.memory_space<vmem>>) target_semaphore(%run_scoped3A : memref<!tpu.dma_semaphore, #tpu.memory_space<semaphore_mem>>)
          %dma_wait3A_423 = tpu.memref_slice %arg2[%add3A_417] : memref<425984xi32, #tpu.memory_space<hbm>> -> memref<416xi32, #tpu.memory_space<hbm>>
          %dma_wait3A_424 = tpu.memref_slice %arg2[%add3A_417] : memref<425984xi32, #tpu.memory_space<hbm>> -> memref<416xi32, #tpu.memory_space<hbm>>
          tpu.wait_dma2 semaphore(%run_scoped3A : memref<!tpu.dma_semaphore, #tpu.memory_space<semaphore_mem>>) src(%dma_wait3A_424 : memref<416xi32, #tpu.memory_space<hbm>>) dst(%arg6 : memref<416xi32, #tpu.memory_space<vmem>>)
          tpu.yield
        }) : () -> ()
        %dma_start3A_418 = arith.constant 0 : i32
        %dma_start3A_419 = arith.constant 0 : i32
        %dma_start3A_420 = tpu.memref_slice %arg3[%dma_start3A_418, %dma_start3A_419] : memref<1000000x64xf32, #tpu.memory_space<hbm>> -> memref<1000000x64xf32, #tpu.memory_space<hbm>>
        tpu.enqueue_indirect_dma source(%dma_start3A_420 : memref<1000000x64xf32, #tpu.memory_space<hbm>>) target(%arg8 : memref<416x64xf32, #tpu.memory_space<vmem>>) offsets(%arg6 : memref<416xi32, #tpu.memory_space<vmem>>) semaphore(%arg14 : memref<!tpu.dma_semaphore, #tpu.memory_space<semaphore_mem>>)
      } else {
      }
      %dma_wait3A_399 = arith.constant 0 : i32
      %dma_wait3A_400 = arith.constant 0 : i32
      %dma_wait3A_401 = tpu.memref_slice %arg3[%dma_wait3A_399, %dma_wait3A_400] : memref<1000000x64xf32, #tpu.memory_space<hbm>> -> memref<1000000x64xf32, #tpu.memory_space<hbm>>
      tpu.wait_indirect_dma semaphore(%arg15 : memref<!tpu.dma_semaphore, #tpu.memory_space<semaphore_mem>>) src(%dma_wait3A_401 : memref<1000000x64xf32, #tpu.memory_space<hbm>>) dst(%arg9 : memref<416x64xf32, #tpu.memory_space<vmem>>)
      %ge3A_402 = arith.constant 2 : i32
      %ge3A_403 = arith.cmpi sge, %add3A_385, %ge3A_402 : i32
      %convert_element_type3A_404 = arith.extui %ge3A_403 : i1 to i32
      %cond3A_405 = arith.constant 0 : i32
      %cond3A_406 = arith.cmpi ne, %convert_element_type3A_404, %cond3A_405 : i32
      scf.if %cond3A_406 {
        %dma_wait3A_416 = arith.constant 0 : i32
        %dma_wait3A_417 = arith.constant 0 : i32
        %dma_wait3A_418 = tpu.memref_slice %arg5[%add3A_388, %dma_wait3A_416, %dma_wait3A_417] : memref<16384x26x64xf32, #tpu.memory_space<hbm>> -> memref<16x26x64xf32, #tpu.memory_space<hbm>>
        %dma_wait3A_419 = arith.constant 0 : i32
        %dma_wait3A_420 = arith.constant 0 : i32
        %dma_wait3A_421 = tpu.memref_slice %arg5[%add3A_388, %dma_wait3A_419, %dma_wait3A_420] : memref<16384x26x64xf32, #tpu.memory_space<hbm>> -> memref<16x26x64xf32, #tpu.memory_space<hbm>>
        tpu.wait_dma2 semaphore(%arg17 : memref<!tpu.dma_semaphore, #tpu.memory_space<semaphore_mem>>) src(%arg11 : memref<16x26x64xf32, #tpu.memory_space<vmem>>) dst(%dma_wait3A_421 : memref<16x26x64xf32, #tpu.memory_space<hbm>>)
      } else {
      }
      %parallel_loop3A_407 = arith.constant 0 : i32
      %parallel_loop3A_408 = arith.constant 26 : i32
      %parallel_loop3A_409 = arith.constant 1 : i32
      scf.for %parallel_loop3A_416 = %parallel_loop3A_407 to %parallel_loop3A_408 step %parallel_loop3A_409  : i32 {
        %parallel_loop3A_417 = arith.constant 16 : i32
        %parallel_loop3A_418 = arith.muli %parallel_loop3A_416, %parallel_loop3A_417 : i32
        %parallel_loop3A_419 = vector.broadcast %parallel_loop3A_418 : i32 to vector<16xi32>
        %parallel_loop3A_420 = arith.addi %parallel_loop3A_419, %iota3A : vector<16xi32>
        %parallel_loop3A_421 = arith.constant 26 : i32
        %parallel_loop3A_422 = vector.broadcast %parallel_loop3A_421 : i32 to vector<16xi32>
        %parallel_loop3A_423 = arith.divsi %parallel_loop3A_420, %parallel_loop3A_422 : vector<16xi32>
        %parallel_loop3A_424 = arith.constant 0 : i32
        %parallel_loop3A_425 = vector.broadcast %parallel_loop3A_424 : i32 to vector<16xi32>
        %parallel_loop3A_426 = arith.cmpi sgt, %parallel_loop3A_420, %parallel_loop3A_425 : vector<16xi32>
        %parallel_loop3A_427 = arith.extui %parallel_loop3A_426 : vector<16xi1> to vector<16xi32>
        %parallel_loop3A_428 = arith.constant 0 : i32
        %parallel_loop3A_429 = vector.broadcast %parallel_loop3A_428 : i32 to vector<16xi32>
        %parallel_loop3A_430 = arith.cmpi slt, %parallel_loop3A_420, %parallel_loop3A_429 : vector<16xi32>
        %parallel_loop3A_431 = arith.extui %parallel_loop3A_430 : vector<16xi1> to vector<16xi32>
        %parallel_loop3A_432 = arith.subi %parallel_loop3A_427, %parallel_loop3A_431 : vector<16xi32>
        %parallel_loop3A_433 = arith.constant 0 : i32
        %parallel_loop3A_434 = arith.cmpi sgt, %parallel_loop3A_421, %parallel_loop3A_433 : i32
        %parallel_loop3A_435 = arith.extui %parallel_loop3A_434 : i1 to i32
        %parallel_loop3A_436 = arith.constant 0 : i32
        %parallel_loop3A_437 = arith.cmpi slt, %parallel_loop3A_421, %parallel_loop3A_436 : i32
        %parallel_loop3A_438 = arith.extui %parallel_loop3A_437 : i1 to i32
        %parallel_loop3A_439 = arith.subi %parallel_loop3A_435, %parallel_loop3A_438 : i32
        %parallel_loop3A_440 = vector.broadcast %parallel_loop3A_439 : i32 to vector<16xi32>
        %parallel_loop3A_441 = arith.cmpi ne, %parallel_loop3A_432, %parallel_loop3A_440 : vector<16xi32>
        %parallel_loop3A_442 = vector.broadcast %parallel_loop3A_421 : i32 to vector<16xi32>
        %parallel_loop3A_443 = arith.remsi %parallel_loop3A_420, %parallel_loop3A_442 : vector<16xi32>
        %parallel_loop3A_444 = arith.constant 0 : i32
        %parallel_loop3A_445 = vector.broadcast %parallel_loop3A_444 : i32 to vector<16xi32>
        %parallel_loop3A_446 = arith.cmpi ne, %parallel_loop3A_443, %parallel_loop3A_445 : vector<16xi32>
        %parallel_loop3A_447 = arith.andi %parallel_loop3A_441, %parallel_loop3A_446 : vector<16xi1>
        %parallel_loop3A_448 = arith.constant 1 : i32
        %parallel_loop3A_449 = vector.broadcast %parallel_loop3A_448 : i32 to vector<16xi32>
        %parallel_loop3A_450 = arith.subi %parallel_loop3A_423, %parallel_loop3A_449 : vector<16xi32>
        %parallel_loop3A_451 = arith.select %parallel_loop3A_447, %parallel_loop3A_450, %parallel_loop3A_423 : vector<16xi1>, vector<16xi32>
        %parallel_loop3A_452 = arith.constant 26 : i32
        %parallel_loop3A_453 = arith.constant 0 : i32
        %parallel_loop3A_454 = arith.cmpi eq, %parallel_loop3A_452, %parallel_loop3A_453 : i32
        %parallel_loop3A_455 = arith.constant 1 : i32
        %parallel_loop3A_456 = arith.select %parallel_loop3A_454, %parallel_loop3A_455, %parallel_loop3A_452 : i32
        %parallel_loop3A_457 = vector.broadcast %parallel_loop3A_456 : i32 to vector<16xi32>
        %parallel_loop3A_458 = arith.remsi %parallel_loop3A_420, %parallel_loop3A_457 : vector<16xi32>
        %parallel_loop3A_459 = arith.constant 0 : i32
        %parallel_loop3A_460 = vector.broadcast %parallel_loop3A_459 : i32 to vector<16xi32>
        %parallel_loop3A_461 = arith.cmpi ne, %parallel_loop3A_458, %parallel_loop3A_460 : vector<16xi32>
        %parallel_loop3A_462 = arith.constant 0 : i32
        %parallel_loop3A_463 = vector.broadcast %parallel_loop3A_462 : i32 to vector<16xi32>
        %parallel_loop3A_464 = arith.cmpi slt, %parallel_loop3A_458, %parallel_loop3A_463 : vector<16xi32>
        %parallel_loop3A_465 = arith.constant 0 : i32
        %parallel_loop3A_466 = arith.cmpi slt, %parallel_loop3A_456, %parallel_loop3A_465 : i32
        %parallel_loop3A_467 = vector.broadcast %parallel_loop3A_466 : i1 to vector<16xi1>
        %parallel_loop3A_468 = vector.broadcast %parallel_loop3A_467 : vector<16xi1> to vector<16xi1>
        %parallel_loop3A_469 = arith.xori %parallel_loop3A_464, %parallel_loop3A_468 : vector<16xi1>
        %parallel_loop3A_470 = arith.andi %parallel_loop3A_469, %parallel_loop3A_461 : vector<16xi1>
        %parallel_loop3A_471 = vector.broadcast %parallel_loop3A_456 : i32 to vector<16xi32>
        %parallel_loop3A_472 = arith.addi %parallel_loop3A_458, %parallel_loop3A_471 : vector<16xi32>
        %parallel_loop3A_473 = arith.select %parallel_loop3A_470, %parallel_loop3A_472, %parallel_loop3A_458 : vector<16xi1>, vector<16xi32>
        %parallel_loop3A_474 = arith.constant 0.000000e+00 : f32
        %parallel_loop3A_475 = vector.broadcast %parallel_loop3A_474 : f32 to vector<16xf32>
        %parallel_loop3A_476 = arith.constant 0.000000e+00 : f32
        %parallel_loop3A_477 = vector.broadcast %parallel_loop3A_476 : f32 to vector<16xf32>
        %parallel_loop3A_478 = arith.constant 0.000000e+00 : f32
        %parallel_loop3A_479 = vector.broadcast %parallel_loop3A_478 : f32 to vector<16xf32>
        %parallel_loop3A_480 = arith.constant 0.000000e+00 : f32
        %parallel_loop3A_481 = vector.broadcast %parallel_loop3A_480 : f32 to vector<16xf32>
        %parallel_loop3A_482 = arith.constant 0.000000e+00 : f32
        %parallel_loop3A_483 = vector.broadcast %parallel_loop3A_482 : f32 to vector<16xf32>
        %parallel_loop3A_484 = arith.constant 0.000000e+00 : f32
        %parallel_loop3A_485 = vector.broadcast %parallel_loop3A_484 : f32 to vector<16xf32>
        %parallel_loop3A_486 = arith.constant 0.000000e+00 : f32
        %parallel_loop3A_487 = vector.broadcast %parallel_loop3A_486 : f32 to vector<16xf32>
        %parallel_loop3A_488 = arith.constant 0.000000e+00 : f32
        %parallel_loop3A_489 = vector.broadcast %parallel_loop3A_488 : f32 to vector<16xf32>
        %parallel_loop3A_490 = arith.constant 0 : i32
        %parallel_loop3A_491 = vector.broadcast %parallel_loop3A_490 : i32 to vector<16xi32>
        %parallel_loop3A_492 = arith.constant 1 : i32
        %parallel_loop3A_493 = vector.broadcast %parallel_loop3A_492 : i32 to vector<16xi32>
        %parallel_loop3A_494 = arith.constant 2 : i32
        %parallel_loop3A_495 = vector.broadcast %parallel_loop3A_494 : i32 to vector<16xi32>
        %parallel_loop3A_496 = arith.constant 3 : i32
        %parallel_loop3A_497 = vector.broadcast %parallel_loop3A_496 : i32 to vector<16xi32>
        %parallel_loop3A_498 = arith.constant 4 : i32
        %parallel_loop3A_499 = vector.broadcast %parallel_loop3A_498 : i32 to vector<16xi32>
        %parallel_loop3A_500 = arith.constant 5 : i32
        %parallel_loop3A_501 = vector.broadcast %parallel_loop3A_500 : i32 to vector<16xi32>
        %parallel_loop3A_502 = arith.constant 6 : i32
        %parallel_loop3A_503 = vector.broadcast %parallel_loop3A_502 : i32 to vector<16xi32>
        %parallel_loop3A_504 = arith.constant 7 : i32
        %parallel_loop3A_505 = vector.broadcast %parallel_loop3A_504 : i32 to vector<16xi32>
        %parallel_loop3A_506 = tpu.vector_load_idx %arg9[%parallel_loop3A_420, %parallel_loop3A_491] : memref<416x64xf32, #tpu.memory_space<vmem>>[vector<16xi32>, vector<16xi32>], vector<16xf32>,
        %parallel_loop3A_507 = tpu.vector_load_idx %arg9[%parallel_loop3A_420, %parallel_loop3A_493] : memref<416x64xf32, #tpu.memory_space<vmem>>[vector<16xi32>, vector<16xi32>], vector<16xf32>,
        %parallel_loop3A_508 = tpu.vector_load_idx %arg9[%parallel_loop3A_420, %parallel_loop3A_495] : memref<416x64xf32, #tpu.memory_space<vmem>>[vector<16xi32>, vector<16xi32>], vector<16xf32>,
        %parallel_loop3A_509 = tpu.vector_load_idx %arg9[%parallel_loop3A_420, %parallel_loop3A_497] : memref<416x64xf32, #tpu.memory_space<vmem>>[vector<16xi32>, vector<16xi32>], vector<16xf32>,
        %parallel_loop3A_510 = tpu.vector_load_idx %arg9[%parallel_loop3A_420, %parallel_loop3A_499] : memref<416x64xf32, #tpu.memory_space<vmem>>[vector<16xi32>, vector<16xi32>], vector<16xf32>,
        %parallel_loop3A_511 = tpu.vector_load_idx %arg9[%parallel_loop3A_420, %parallel_loop3A_501] : memref<416x64xf32, #tpu.memory_space<vmem>>[vector<16xi32>, vector<16xi32>], vector<16xf32>,
        %parallel_loop3A_512 = tpu.vector_load_idx %arg9[%parallel_loop3A_420, %parallel_loop3A_503] : memref<416x64xf32, #tpu.memory_space<vmem>>[vector<16xi32>, vector<16xi32>], vector<16xf32>,
        %parallel_loop3A_513 = tpu.vector_load_idx %arg9[%parallel_loop3A_420, %parallel_loop3A_505] : memref<416x64xf32, #tpu.memory_space<vmem>>[vector<16xi32>, vector<16xi32>], vector<16xf32>,
        %parallel_loop3A_514 = arith.constant 0 : index
        %parallel_loop3A_515 = tpu.vector_load %arg13[%parallel_loop3A_514] {strides = array<i32>} : memref<1024xf32, #tpu.memory_space<vmem>>, vector<16xf32>,
        %parallel_loop3A_516 = arith.constant 16 : index
        %parallel_loop3A_517 = tpu.vector_load %arg13[%parallel_loop3A_516] {strides = array<i32>} : memref<1024xf32, #tpu.memory_space<vmem>>, vector<16xf32>,
        %parallel_loop3A_518 = arith.constant 32 : index
        %parallel_loop3A_519 = tpu.vector_load %arg13[%parallel_loop3A_518] {strides = array<i32>} : memref<1024xf32, #tpu.memory_space<vmem>>, vector<16xf32>,
        %parallel_loop3A_520 = arith.constant 48 : index
        %parallel_loop3A_521 = tpu.vector_load %arg13[%parallel_loop3A_520] {strides = array<i32>} : memref<1024xf32, #tpu.memory_space<vmem>>, vector<16xf32>,
        %parallel_loop3A_522 = arith.constant 64 : index
        %parallel_loop3A_523 = tpu.vector_load %arg13[%parallel_loop3A_522] {strides = array<i32>} : memref<1024xf32, #tpu.memory_space<vmem>>, vector<16xf32>,
        %parallel_loop3A_524 = arith.constant 80 : index
        %parallel_loop3A_525 = tpu.vector_load %arg13[%parallel_loop3A_524] {strides = array<i32>} : memref<1024xf32, #tpu.memory_space<vmem>>, vector<16xf32>,
        %parallel_loop3A_526 = arith.constant 96 : index
        %parallel_loop3A_527 = tpu.vector_load %arg13[%parallel_loop3A_526] {strides = array<i32>} : memref<1024xf32, #tpu.memory_space<vmem>>, vector<16xf32>,
        %parallel_loop3A_528 = arith.constant 112 : index
        %parallel_loop3A_529 = tpu.vector_load %arg13[%parallel_loop3A_528] {strides = array<i32>} : memref<1024xf32, #tpu.memory_space<vmem>>, vector<16xf32>,
        %parallel_loop3A_530 = arith.addf %parallel_loop3A_506, %parallel_loop3A_515 : vector<16xf32>
        %parallel_loop3A_531 = arith.addf %parallel_loop3A_507, %parallel_loop3A_517 : vector<16xf32>
        %parallel_loop3A_532 = arith.addf %parallel_loop3A_508, %parallel_loop3A_519 : vector<16xf32>
        %parallel_loop3A_533 = arith.addf %parallel_loop3A_509, %parallel_loop3A_521 : vector<16xf32>
        %parallel_loop3A_534 = arith.addf %parallel_loop3A_510, %parallel_loop3A_523 : vector<16xf32>
        %parallel_loop3A_535 = arith.addf %parallel_loop3A_511, %parallel_loop3A_525 : vector<16xf32>
        %parallel_loop3A_536 = arith.addf %parallel_loop3A_512, %parallel_loop3A_527 : vector<16xf32>
        %parallel_loop3A_537 = arith.addf %parallel_loop3A_513, %parallel_loop3A_529 : vector<16xf32>
        %parallel_loop3A_538 = arith.mulf %parallel_loop3A_530, %parallel_loop3A_530 : vector<16xf32>
        %parallel_loop3A_539 = arith.addf %parallel_loop3A_475, %parallel_loop3A_538 : vector<16xf32>
        %parallel_loop3A_540 = arith.mulf %parallel_loop3A_531, %parallel_loop3A_531 : vector<16xf32>
        %parallel_loop3A_541 = arith.addf %parallel_loop3A_477, %parallel_loop3A_540 : vector<16xf32>
        %parallel_loop3A_542 = arith.mulf %parallel_loop3A_532, %parallel_loop3A_532 : vector<16xf32>
        %parallel_loop3A_543 = arith.addf %parallel_loop3A_479, %parallel_loop3A_542 : vector<16xf32>
        %parallel_loop3A_544 = arith.mulf %parallel_loop3A_533, %parallel_loop3A_533 : vector<16xf32>
        %parallel_loop3A_545 = arith.addf %parallel_loop3A_481, %parallel_loop3A_544 : vector<16xf32>
        %parallel_loop3A_546 = arith.mulf %parallel_loop3A_534, %parallel_loop3A_534 : vector<16xf32>
        %parallel_loop3A_547 = arith.addf %parallel_loop3A_483, %parallel_loop3A_546 : vector<16xf32>
        %parallel_loop3A_548 = arith.mulf %parallel_loop3A_535, %parallel_loop3A_535 : vector<16xf32>
        %parallel_loop3A_549 = arith.addf %parallel_loop3A_485, %parallel_loop3A_548 : vector<16xf32>
        %parallel_loop3A_550 = arith.mulf %parallel_loop3A_536, %parallel_loop3A_536 : vector<16xf32>
        %parallel_loop3A_551 = arith.addf %parallel_loop3A_487, %parallel_loop3A_550 : vector<16xf32>
        %parallel_loop3A_552 = arith.mulf %parallel_loop3A_537, %parallel_loop3A_537 : vector<16xf32>
        %parallel_loop3A_553 = arith.addf %parallel_loop3A_489, %parallel_loop3A_552 : vector<16xf32>
        %parallel_loop3A_554 = arith.constant 8 : i32
        %parallel_loop3A_555 = vector.broadcast %parallel_loop3A_554 : i32 to vector<16xi32>
        %parallel_loop3A_556 = arith.constant 9 : i32
        %parallel_loop3A_557 = vector.broadcast %parallel_loop3A_556 : i32 to vector<16xi32>
        %parallel_loop3A_558 = arith.constant 10 : i32
        %parallel_loop3A_559 = vector.broadcast %parallel_loop3A_558 : i32 to vector<16xi32>
        %parallel_loop3A_560 = arith.constant 11 : i32
        %parallel_loop3A_561 = vector.broadcast %parallel_loop3A_560 : i32 to vector<16xi32>
        %parallel_loop3A_562 = arith.constant 12 : i32
        %parallel_loop3A_563 = vector.broadcast %parallel_loop3A_562 : i32 to vector<16xi32>
        %parallel_loop3A_564 = arith.constant 13 : i32
        %parallel_loop3A_565 = vector.broadcast %parallel_loop3A_564 : i32 to vector<16xi32>
        %parallel_loop3A_566 = arith.constant 14 : i32
        %parallel_loop3A_567 = vector.broadcast %parallel_loop3A_566 : i32 to vector<16xi32>
        %parallel_loop3A_568 = arith.constant 15 : i32
        %parallel_loop3A_569 = vector.broadcast %parallel_loop3A_568 : i32 to vector<16xi32>
        %parallel_loop3A_570 = tpu.vector_load_idx %arg9[%parallel_loop3A_420, %parallel_loop3A_555] : memref<416x64xf32, #tpu.memory_space<vmem>>[vector<16xi32>, vector<16xi32>], vector<16xf32>,
        %parallel_loop3A_571 = tpu.vector_load_idx %arg9[%parallel_loop3A_420, %parallel_loop3A_557] : memref<416x64xf32, #tpu.memory_space<vmem>>[vector<16xi32>, vector<16xi32>], vector<16xf32>,
        %parallel_loop3A_572 = tpu.vector_load_idx %arg9[%parallel_loop3A_420, %parallel_loop3A_559] : memref<416x64xf32, #tpu.memory_space<vmem>>[vector<16xi32>, vector<16xi32>], vector<16xf32>,
        %parallel_loop3A_573 = tpu.vector_load_idx %arg9[%parallel_loop3A_420, %parallel_loop3A_561] : memref<416x64xf32, #tpu.memory_space<vmem>>[vector<16xi32>, vector<16xi32>], vector<16xf32>,
        %parallel_loop3A_574 = tpu.vector_load_idx %arg9[%parallel_loop3A_420, %parallel_loop3A_563] : memref<416x64xf32, #tpu.memory_space<vmem>>[vector<16xi32>, vector<16xi32>], vector<16xf32>,
        %parallel_loop3A_575 = tpu.vector_load_idx %arg9[%parallel_loop3A_420, %parallel_loop3A_565] : memref<416x64xf32, #tpu.memory_space<vmem>>[vector<16xi32>, vector<16xi32>], vector<16xf32>,
        %parallel_loop3A_576 = tpu.vector_load_idx %arg9[%parallel_loop3A_420, %parallel_loop3A_567] : memref<416x64xf32, #tpu.memory_space<vmem>>[vector<16xi32>, vector<16xi32>], vector<16xf32>,
        %parallel_loop3A_577 = tpu.vector_load_idx %arg9[%parallel_loop3A_420, %parallel_loop3A_569] : memref<416x64xf32, #tpu.memory_space<vmem>>[vector<16xi32>, vector<16xi32>], vector<16xf32>,
        %parallel_loop3A_578 = arith.constant 128 : index
        %parallel_loop3A_579 = tpu.vector_load %arg13[%parallel_loop3A_578] {strides = array<i32>} : memref<1024xf32, #tpu.memory_space<vmem>>, vector<16xf32>,
        %parallel_loop3A_580 = arith.constant 144 : index
        %parallel_loop3A_581 = tpu.vector_load %arg13[%parallel_loop3A_580] {strides = array<i32>} : memref<1024xf32, #tpu.memory_space<vmem>>, vector<16xf32>,
        %parallel_loop3A_582 = arith.constant 160 : index
        %parallel_loop3A_583 = tpu.vector_load %arg13[%parallel_loop3A_582] {strides = array<i32>} : memref<1024xf32, #tpu.memory_space<vmem>>, vector<16xf32>,
        %parallel_loop3A_584 = arith.constant 176 : index
        %parallel_loop3A_585 = tpu.vector_load %arg13[%parallel_loop3A_584] {strides = array<i32>} : memref<1024xf32, #tpu.memory_space<vmem>>, vector<16xf32>,
        %parallel_loop3A_586 = arith.constant 192 : index
        %parallel_loop3A_587 = tpu.vector_load %arg13[%parallel_loop3A_586] {strides = array<i32>} : memref<1024xf32, #tpu.memory_space<vmem>>, vector<16xf32>,
        %parallel_loop3A_588 = arith.constant 208 : index
        %parallel_loop3A_589 = tpu.vector_load %arg13[%parallel_loop3A_588] {strides = array<i32>} : memref<1024xf32, #tpu.memory_space<vmem>>, vector<16xf32>,
        %parallel_loop3A_590 = arith.constant 224 : index
        %parallel_loop3A_591 = tpu.vector_load %arg13[%parallel_loop3A_590] {strides = array<i32>} : memref<1024xf32, #tpu.memory_space<vmem>>, vector<16xf32>,
        %parallel_loop3A_592 = arith.constant 240 : index
        %parallel_loop3A_593 = tpu.vector_load %arg13[%parallel_loop3A_592] {strides = array<i32>} : memref<1024xf32, #tpu.memory_space<vmem>>, vector<16xf32>,
        %parallel_loop3A_594 = arith.addf %parallel_loop3A_570, %parallel_loop3A_579 : vector<16xf32>
        %parallel_loop3A_595 = arith.addf %parallel_loop3A_571, %parallel_loop3A_581 : vector<16xf32>
        %parallel_loop3A_596 = arith.addf %parallel_loop3A_572, %parallel_loop3A_583 : vector<16xf32>
        %parallel_loop3A_597 = arith.addf %parallel_loop3A_573, %parallel_loop3A_585 : vector<16xf32>
        %parallel_loop3A_598 = arith.addf %parallel_loop3A_574, %parallel_loop3A_587 : vector<16xf32>
        %parallel_loop3A_599 = arith.addf %parallel_loop3A_575, %parallel_loop3A_589 : vector<16xf32>
        %parallel_loop3A_600 = arith.addf %parallel_loop3A_576, %parallel_loop3A_591 : vector<16xf32>
        %parallel_loop3A_601 = arith.addf %parallel_loop3A_577, %parallel_loop3A_593 : vector<16xf32>
        %parallel_loop3A_602 = arith.mulf %parallel_loop3A_594, %parallel_loop3A_594 : vector<16xf32>
        %parallel_loop3A_603 = arith.addf %parallel_loop3A_539, %parallel_loop3A_602 : vector<16xf32>
        %parallel_loop3A_604 = arith.mulf %parallel_loop3A_595, %parallel_loop3A_595 : vector<16xf32>
        %parallel_loop3A_605 = arith.addf %parallel_loop3A_541, %parallel_loop3A_604 : vector<16xf32>
        %parallel_loop3A_606 = arith.mulf %parallel_loop3A_596, %parallel_loop3A_596 : vector<16xf32>
        %parallel_loop3A_607 = arith.addf %parallel_loop3A_543, %parallel_loop3A_606 : vector<16xf32>
        %parallel_loop3A_608 = arith.mulf %parallel_loop3A_597, %parallel_loop3A_597 : vector<16xf32>
        %parallel_loop3A_609 = arith.addf %parallel_loop3A_545, %parallel_loop3A_608 : vector<16xf32>
        %parallel_loop3A_610 = arith.mulf %parallel_loop3A_598, %parallel_loop3A_598 : vector<16xf32>
        %parallel_loop3A_611 = arith.addf %parallel_loop3A_547, %parallel_loop3A_610 : vector<16xf32>
        %parallel_loop3A_612 = arith.mulf %parallel_loop3A_599, %parallel_loop3A_599 : vector<16xf32>
        %parallel_loop3A_613 = arith.addf %parallel_loop3A_549, %parallel_loop3A_612 : vector<16xf32>
        %parallel_loop3A_614 = arith.mulf %parallel_loop3A_600, %parallel_loop3A_600 : vector<16xf32>
        %parallel_loop3A_615 = arith.addf %parallel_loop3A_551, %parallel_loop3A_614 : vector<16xf32>
        %parallel_loop3A_616 = arith.mulf %parallel_loop3A_601, %parallel_loop3A_601 : vector<16xf32>
        %parallel_loop3A_617 = arith.addf %parallel_loop3A_553, %parallel_loop3A_616 : vector<16xf32>
        %parallel_loop3A_618 = arith.constant 16 : i32
        %parallel_loop3A_619 = vector.broadcast %parallel_loop3A_618 : i32 to vector<16xi32>
        %parallel_loop3A_620 = arith.constant 17 : i32
        %parallel_loop3A_621 = vector.broadcast %parallel_loop3A_620 : i32 to vector<16xi32>
        %parallel_loop3A_622 = arith.constant 18 : i32
        %parallel_loop3A_623 = vector.broadcast %parallel_loop3A_622 : i32 to vector<16xi32>
        %parallel_loop3A_624 = arith.constant 19 : i32
        %parallel_loop3A_625 = vector.broadcast %parallel_loop3A_624 : i32 to vector<16xi32>
        %parallel_loop3A_626 = arith.constant 20 : i32
        %parallel_loop3A_627 = vector.broadcast %parallel_loop3A_626 : i32 to vector<16xi32>
        %parallel_loop3A_628 = arith.constant 21 : i32
        %parallel_loop3A_629 = vector.broadcast %parallel_loop3A_628 : i32 to vector<16xi32>
        %parallel_loop3A_630 = arith.constant 22 : i32
        %parallel_loop3A_631 = vector.broadcast %parallel_loop3A_630 : i32 to vector<16xi32>
        %parallel_loop3A_632 = arith.constant 23 : i32
        %parallel_loop3A_633 = vector.broadcast %parallel_loop3A_632 : i32 to vector<16xi32>
        %parallel_loop3A_634 = tpu.vector_load_idx %arg9[%parallel_loop3A_420, %parallel_loop3A_619] : memref<416x64xf32, #tpu.memory_space<vmem>>[vector<16xi32>, vector<16xi32>], vector<16xf32>,
        %parallel_loop3A_635 = tpu.vector_load_idx %arg9[%parallel_loop3A_420, %parallel_loop3A_621] : memref<416x64xf32, #tpu.memory_space<vmem>>[vector<16xi32>, vector<16xi32>], vector<16xf32>,
        %parallel_loop3A_636 = tpu.vector_load_idx %arg9[%parallel_loop3A_420, %parallel_loop3A_623] : memref<416x64xf32, #tpu.memory_space<vmem>>[vector<16xi32>, vector<16xi32>], vector<16xf32>,
        %parallel_loop3A_637 = tpu.vector_load_idx %arg9[%parallel_loop3A_420, %parallel_loop3A_625] : memref<416x64xf32, #tpu.memory_space<vmem>>[vector<16xi32>, vector<16xi32>], vector<16xf32>,
        %parallel_loop3A_638 = tpu.vector_load_idx %arg9[%parallel_loop3A_420, %parallel_loop3A_627] : memref<416x64xf32, #tpu.memory_space<vmem>>[vector<16xi32>, vector<16xi32>], vector<16xf32>,
        %parallel_loop3A_639 = tpu.vector_load_idx %arg9[%parallel_loop3A_420, %parallel_loop3A_629] : memref<416x64xf32, #tpu.memory_space<vmem>>[vector<16xi32>, vector<16xi32>], vector<16xf32>,
        %parallel_loop3A_640 = tpu.vector_load_idx %arg9[%parallel_loop3A_420, %parallel_loop3A_631] : memref<416x64xf32, #tpu.memory_space<vmem>>[vector<16xi32>, vector<16xi32>], vector<16xf32>,
        %parallel_loop3A_641 = tpu.vector_load_idx %arg9[%parallel_loop3A_420, %parallel_loop3A_633] : memref<416x64xf32, #tpu.memory_space<vmem>>[vector<16xi32>, vector<16xi32>], vector<16xf32>,
        %parallel_loop3A_642 = arith.constant 256 : index
        %parallel_loop3A_643 = tpu.vector_load %arg13[%parallel_loop3A_642] {strides = array<i32>} : memref<1024xf32, #tpu.memory_space<vmem>>, vector<16xf32>,
        %parallel_loop3A_644 = arith.constant 272 : index
        %parallel_loop3A_645 = tpu.vector_load %arg13[%parallel_loop3A_644] {strides = array<i32>} : memref<1024xf32, #tpu.memory_space<vmem>>, vector<16xf32>,
        %parallel_loop3A_646 = arith.constant 288 : index
        %parallel_loop3A_647 = tpu.vector_load %arg13[%parallel_loop3A_646] {strides = array<i32>} : memref<1024xf32, #tpu.memory_space<vmem>>, vector<16xf32>,
        %parallel_loop3A_648 = arith.constant 304 : index
        %parallel_loop3A_649 = tpu.vector_load %arg13[%parallel_loop3A_648] {strides = array<i32>} : memref<1024xf32, #tpu.memory_space<vmem>>, vector<16xf32>,
        %parallel_loop3A_650 = arith.constant 320 : index
        %parallel_loop3A_651 = tpu.vector_load %arg13[%parallel_loop3A_650] {strides = array<i32>} : memref<1024xf32, #tpu.memory_space<vmem>>, vector<16xf32>,
        %parallel_loop3A_652 = arith.constant 336 : index
        %parallel_loop3A_653 = tpu.vector_load %arg13[%parallel_loop3A_652] {strides = array<i32>} : memref<1024xf32, #tpu.memory_space<vmem>>, vector<16xf32>,
        %parallel_loop3A_654 = arith.constant 352 : index
        %parallel_loop3A_655 = tpu.vector_load %arg13[%parallel_loop3A_654] {strides = array<i32>} : memref<1024xf32, #tpu.memory_space<vmem>>, vector<16xf32>,
        %parallel_loop3A_656 = arith.constant 368 : index
        %parallel_loop3A_657 = tpu.vector_load %arg13[%parallel_loop3A_656] {strides = array<i32>} : memref<1024xf32, #tpu.memory_space<vmem>>, vector<16xf32>,
        %parallel_loop3A_658 = arith.addf %parallel_loop3A_634, %parallel_loop3A_643 : vector<16xf32>
        %parallel_loop3A_659 = arith.addf %parallel_loop3A_635, %parallel_loop3A_645 : vector<16xf32>
        %parallel_loop3A_660 = arith.addf %parallel_loop3A_636, %parallel_loop3A_647 : vector<16xf32>
        %parallel_loop3A_661 = arith.addf %parallel_loop3A_637, %parallel_loop3A_649 : vector<16xf32>
        %parallel_loop3A_662 = arith.addf %parallel_loop3A_638, %parallel_loop3A_651 : vector<16xf32>
        %parallel_loop3A_663 = arith.addf %parallel_loop3A_639, %parallel_loop3A_653 : vector<16xf32>
        %parallel_loop3A_664 = arith.addf %parallel_loop3A_640, %parallel_loop3A_655 : vector<16xf32>
        %parallel_loop3A_665 = arith.addf %parallel_loop3A_641, %parallel_loop3A_657 : vector<16xf32>
        %parallel_loop3A_666 = arith.mulf %parallel_loop3A_658, %parallel_loop3A_658 : vector<16xf32>
        %parallel_loop3A_667 = arith.addf %parallel_loop3A_603, %parallel_loop3A_666 : vector<16xf32>
        %parallel_loop3A_668 = arith.mulf %parallel_loop3A_659, %parallel_loop3A_659 : vector<16xf32>
        %parallel_loop3A_669 = arith.addf %parallel_loop3A_605, %parallel_loop3A_668 : vector<16xf32>
        %parallel_loop3A_670 = arith.mulf %parallel_loop3A_660, %parallel_loop3A_660 : vector<16xf32>
        %parallel_loop3A_671 = arith.addf %parallel_loop3A_607, %parallel_loop3A_670 : vector<16xf32>
        %parallel_loop3A_672 = arith.mulf %parallel_loop3A_661, %parallel_loop3A_661 : vector<16xf32>
        %parallel_loop3A_673 = arith.addf %parallel_loop3A_609, %parallel_loop3A_672 : vector<16xf32>
        %parallel_loop3A_674 = arith.mulf %parallel_loop3A_662, %parallel_loop3A_662 : vector<16xf32>
        %parallel_loop3A_675 = arith.addf %parallel_loop3A_611, %parallel_loop3A_674 : vector<16xf32>
        %parallel_loop3A_676 = arith.mulf %parallel_loop3A_663, %parallel_loop3A_663 : vector<16xf32>
        %parallel_loop3A_677 = arith.addf %parallel_loop3A_613, %parallel_loop3A_676 : vector<16xf32>
        %parallel_loop3A_678 = arith.mulf %parallel_loop3A_664, %parallel_loop3A_664 : vector<16xf32>
        %parallel_loop3A_679 = arith.addf %parallel_loop3A_615, %parallel_loop3A_678 : vector<16xf32>
        %parallel_loop3A_680 = arith.mulf %parallel_loop3A_665, %parallel_loop3A_665 : vector<16xf32>
        %parallel_loop3A_681 = arith.addf %parallel_loop3A_617, %parallel_loop3A_680 : vector<16xf32>
        %parallel_loop3A_682 = arith.constant 24 : i32
        %parallel_loop3A_683 = vector.broadcast %parallel_loop3A_682 : i32 to vector<16xi32>
        %parallel_loop3A_684 = arith.constant 25 : i32
        %parallel_loop3A_685 = vector.broadcast %parallel_loop3A_684 : i32 to vector<16xi32>
        %parallel_loop3A_686 = arith.constant 26 : i32
        %parallel_loop3A_687 = vector.broadcast %parallel_loop3A_686 : i32 to vector<16xi32>
        %parallel_loop3A_688 = arith.constant 27 : i32
        %parallel_loop3A_689 = vector.broadcast %parallel_loop3A_688 : i32 to vector<16xi32>
        %parallel_loop3A_690 = arith.constant 28 : i32
        %parallel_loop3A_691 = vector.broadcast %parallel_loop3A_690 : i32 to vector<16xi32>
        %parallel_loop3A_692 = arith.constant 29 : i32
        %parallel_loop3A_693 = vector.broadcast %parallel_loop3A_692 : i32 to vector<16xi32>
        %parallel_loop3A_694 = arith.constant 30 : i32
        %parallel_loop3A_695 = vector.broadcast %parallel_loop3A_694 : i32 to vector<16xi32>
        %parallel_loop3A_696 = arith.constant 31 : i32
        %parallel_loop3A_697 = vector.broadcast %parallel_loop3A_696 : i32 to vector<16xi32>
        %parallel_loop3A_698 = tpu.vector_load_idx %arg9[%parallel_loop3A_420, %parallel_loop3A_683] : memref<416x64xf32, #tpu.memory_space<vmem>>[vector<16xi32>, vector<16xi32>], vector<16xf32>,
        %parallel_loop3A_699 = tpu.vector_load_idx %arg9[%parallel_loop3A_420, %parallel_loop3A_685] : memref<416x64xf32, #tpu.memory_space<vmem>>[vector<16xi32>, vector<16xi32>], vector<16xf32>,
        %parallel_loop3A_700 = tpu.vector_load_idx %arg9[%parallel_loop3A_420, %parallel_loop3A_687] : memref<416x64xf32, #tpu.memory_space<vmem>>[vector<16xi32>, vector<16xi32>], vector<16xf32>,
        %parallel_loop3A_701 = tpu.vector_load_idx %arg9[%parallel_loop3A_420, %parallel_loop3A_689] : memref<416x64xf32, #tpu.memory_space<vmem>>[vector<16xi32>, vector<16xi32>], vector<16xf32>,
        %parallel_loop3A_702 = tpu.vector_load_idx %arg9[%parallel_loop3A_420, %parallel_loop3A_691] : memref<416x64xf32, #tpu.memory_space<vmem>>[vector<16xi32>, vector<16xi32>], vector<16xf32>,
        %parallel_loop3A_703 = tpu.vector_load_idx %arg9[%parallel_loop3A_420, %parallel_loop3A_693] : memref<416x64xf32, #tpu.memory_space<vmem>>[vector<16xi32>, vector<16xi32>], vector<16xf32>,
        %parallel_loop3A_704 = tpu.vector_load_idx %arg9[%parallel_loop3A_420, %parallel_loop3A_695] : memref<416x64xf32, #tpu.memory_space<vmem>>[vector<16xi32>, vector<16xi32>], vector<16xf32>,
        %parallel_loop3A_705 = tpu.vector_load_idx %arg9[%parallel_loop3A_420, %parallel_loop3A_697] : memref<416x64xf32, #tpu.memory_space<vmem>>[vector<16xi32>, vector<16xi32>], vector<16xf32>,
        %parallel_loop3A_706 = arith.constant 384 : index
        %parallel_loop3A_707 = tpu.vector_load %arg13[%parallel_loop3A_706] {strides = array<i32>} : memref<1024xf32, #tpu.memory_space<vmem>>, vector<16xf32>,
        %parallel_loop3A_708 = arith.constant 400 : index
        %parallel_loop3A_709 = tpu.vector_load %arg13[%parallel_loop3A_708] {strides = array<i32>} : memref<1024xf32, #tpu.memory_space<vmem>>, vector<16xf32>,
        %parallel_loop3A_710 = arith.constant 416 : index
        %parallel_loop3A_711 = tpu.vector_load %arg13[%parallel_loop3A_710] {strides = array<i32>} : memref<1024xf32, #tpu.memory_space<vmem>>, vector<16xf32>,
        %parallel_loop3A_712 = arith.constant 432 : index
        %parallel_loop3A_713 = tpu.vector_load %arg13[%parallel_loop3A_712] {strides = array<i32>} : memref<1024xf32, #tpu.memory_space<vmem>>, vector<16xf32>,
        %parallel_loop3A_714 = arith.constant 448 : index
        %parallel_loop3A_715 = tpu.vector_load %arg13[%parallel_loop3A_714] {strides = array<i32>} : memref<1024xf32, #tpu.memory_space<vmem>>, vector<16xf32>,
        %parallel_loop3A_716 = arith.constant 464 : index
        %parallel_loop3A_717 = tpu.vector_load %arg13[%parallel_loop3A_716] {strides = array<i32>} : memref<1024xf32, #tpu.memory_space<vmem>>, vector<16xf32>,
        %parallel_loop3A_718 = arith.constant 480 : index
        %parallel_loop3A_719 = tpu.vector_load %arg13[%parallel_loop3A_718] {strides = array<i32>} : memref<1024xf32, #tpu.memory_space<vmem>>, vector<16xf32>,
        %parallel_loop3A_720 = arith.constant 496 : index
        %parallel_loop3A_721 = tpu.vector_load %arg13[%parallel_loop3A_720] {strides = array<i32>} : memref<1024xf32, #tpu.memory_space<vmem>>, vector<16xf32>,
        %parallel_loop3A_722 = arith.addf %parallel_loop3A_698, %parallel_loop3A_707 : vector<16xf32>
        %parallel_loop3A_723 = arith.addf %parallel_loop3A_699, %parallel_loop3A_709 : vector<16xf32>
        %parallel_loop3A_724 = arith.addf %parallel_loop3A_700, %parallel_loop3A_711 : vector<16xf32>
        %parallel_loop3A_725 = arith.addf %parallel_loop3A_701, %parallel_loop3A_713 : vector<16xf32>
        %parallel_loop3A_726 = arith.addf %parallel_loop3A_702, %parallel_loop3A_715 : vector<16xf32>
        %parallel_loop3A_727 = arith.addf %parallel_loop3A_703, %parallel_loop3A_717 : vector<16xf32>
        %parallel_loop3A_728 = arith.addf %parallel_loop3A_704, %parallel_loop3A_719 : vector<16xf32>
        %parallel_loop3A_729 = arith.addf %parallel_loop3A_705, %parallel_loop3A_721 : vector<16xf32>
        %parallel_loop3A_730 = arith.mulf %parallel_loop3A_722, %parallel_loop3A_722 : vector<16xf32>
        %parallel_loop3A_731 = arith.addf %parallel_loop3A_667, %parallel_loop3A_730 : vector<16xf32>
        %parallel_loop3A_732 = arith.mulf %parallel_loop3A_723, %parallel_loop3A_723 : vector<16xf32>
        %parallel_loop3A_733 = arith.addf %parallel_loop3A_669, %parallel_loop3A_732 : vector<16xf32>
        %parallel_loop3A_734 = arith.mulf %parallel_loop3A_724, %parallel_loop3A_724 : vector<16xf32>
        %parallel_loop3A_735 = arith.addf %parallel_loop3A_671, %parallel_loop3A_734 : vector<16xf32>
        %parallel_loop3A_736 = arith.mulf %parallel_loop3A_725, %parallel_loop3A_725 : vector<16xf32>
        %parallel_loop3A_737 = arith.addf %parallel_loop3A_673, %parallel_loop3A_736 : vector<16xf32>
        %parallel_loop3A_738 = arith.mulf %parallel_loop3A_726, %parallel_loop3A_726 : vector<16xf32>
        %parallel_loop3A_739 = arith.addf %parallel_loop3A_675, %parallel_loop3A_738 : vector<16xf32>
        %parallel_loop3A_740 = arith.mulf %parallel_loop3A_727, %parallel_loop3A_727 : vector<16xf32>
        %parallel_loop3A_741 = arith.addf %parallel_loop3A_677, %parallel_loop3A_740 : vector<16xf32>
        %parallel_loop3A_742 = arith.mulf %parallel_loop3A_728, %parallel_loop3A_728 : vector<16xf32>
        %parallel_loop3A_743 = arith.addf %parallel_loop3A_679, %parallel_loop3A_742 : vector<16xf32>
        %parallel_loop3A_744 = arith.mulf %parallel_loop3A_729, %parallel_loop3A_729 : vector<16xf32>
        %parallel_loop3A_745 = arith.addf %parallel_loop3A_681, %parallel_loop3A_744 : vector<16xf32>
        %parallel_loop3A_746 = arith.constant 32 : i32
        %parallel_loop3A_747 = vector.broadcast %parallel_loop3A_746 : i32 to vector<16xi32>
        %parallel_loop3A_748 = arith.constant 33 : i32
        %parallel_loop3A_749 = vector.broadcast %parallel_loop3A_748 : i32 to vector<16xi32>
        %parallel_loop3A_750 = arith.constant 34 : i32
        %parallel_loop3A_751 = vector.broadcast %parallel_loop3A_750 : i32 to vector<16xi32>
        %parallel_loop3A_752 = arith.constant 35 : i32
        %parallel_loop3A_753 = vector.broadcast %parallel_loop3A_752 : i32 to vector<16xi32>
        %parallel_loop3A_754 = arith.constant 36 : i32
        %parallel_loop3A_755 = vector.broadcast %parallel_loop3A_754 : i32 to vector<16xi32>
        %parallel_loop3A_756 = arith.constant 37 : i32
        %parallel_loop3A_757 = vector.broadcast %parallel_loop3A_756 : i32 to vector<16xi32>
        %parallel_loop3A_758 = arith.constant 38 : i32
        %parallel_loop3A_759 = vector.broadcast %parallel_loop3A_758 : i32 to vector<16xi32>
        %parallel_loop3A_760 = arith.constant 39 : i32
        %parallel_loop3A_761 = vector.broadcast %parallel_loop3A_760 : i32 to vector<16xi32>
        %parallel_loop3A_762 = tpu.vector_load_idx %arg9[%parallel_loop3A_420, %parallel_loop3A_747] : memref<416x64xf32, #tpu.memory_space<vmem>>[vector<16xi32>, vector<16xi32>], vector<16xf32>,
        %parallel_loop3A_763 = tpu.vector_load_idx %arg9[%parallel_loop3A_420, %parallel_loop3A_749] : memref<416x64xf32, #tpu.memory_space<vmem>>[vector<16xi32>, vector<16xi32>], vector<16xf32>,
        %parallel_loop3A_764 = tpu.vector_load_idx %arg9[%parallel_loop3A_420, %parallel_loop3A_751] : memref<416x64xf32, #tpu.memory_space<vmem>>[vector<16xi32>, vector<16xi32>], vector<16xf32>,
        %parallel_loop3A_765 = tpu.vector_load_idx %arg9[%parallel_loop3A_420, %parallel_loop3A_753] : memref<416x64xf32, #tpu.memory_space<vmem>>[vector<16xi32>, vector<16xi32>], vector<16xf32>,
        %parallel_loop3A_766 = tpu.vector_load_idx %arg9[%parallel_loop3A_420, %parallel_loop3A_755] : memref<416x64xf32, #tpu.memory_space<vmem>>[vector<16xi32>, vector<16xi32>], vector<16xf32>,
        %parallel_loop3A_767 = tpu.vector_load_idx %arg9[%parallel_loop3A_420, %parallel_loop3A_757] : memref<416x64xf32, #tpu.memory_space<vmem>>[vector<16xi32>, vector<16xi32>], vector<16xf32>,
        %parallel_loop3A_768 = tpu.vector_load_idx %arg9[%parallel_loop3A_420, %parallel_loop3A_759] : memref<416x64xf32, #tpu.memory_space<vmem>>[vector<16xi32>, vector<16xi32>], vector<16xf32>,
        %parallel_loop3A_769 = tpu.vector_load_idx %arg9[%parallel_loop3A_420, %parallel_loop3A_761] : memref<416x64xf32, #tpu.memory_space<vmem>>[vector<16xi32>, vector<16xi32>], vector<16xf32>,
        %parallel_loop3A_770 = arith.constant 512 : index
        %parallel_loop3A_771 = tpu.vector_load %arg13[%parallel_loop3A_770] {strides = array<i32>} : memref<1024xf32, #tpu.memory_space<vmem>>, vector<16xf32>,
        %parallel_loop3A_772 = arith.constant 528 : index
        %parallel_loop3A_773 = tpu.vector_load %arg13[%parallel_loop3A_772] {strides = array<i32>} : memref<1024xf32, #tpu.memory_space<vmem>>, vector<16xf32>,
        %parallel_loop3A_774 = arith.constant 544 : index
        %parallel_loop3A_775 = tpu.vector_load %arg13[%parallel_loop3A_774] {strides = array<i32>} : memref<1024xf32, #tpu.memory_space<vmem>>, vector<16xf32>,
        %parallel_loop3A_776 = arith.constant 560 : index
        %parallel_loop3A_777 = tpu.vector_load %arg13[%parallel_loop3A_776] {strides = array<i32>} : memref<1024xf32, #tpu.memory_space<vmem>>, vector<16xf32>,
        %parallel_loop3A_778 = arith.constant 576 : index
        %parallel_loop3A_779 = tpu.vector_load %arg13[%parallel_loop3A_778] {strides = array<i32>} : memref<1024xf32, #tpu.memory_space<vmem>>, vector<16xf32>,
        %parallel_loop3A_780 = arith.constant 592 : index
        %parallel_loop3A_781 = tpu.vector_load %arg13[%parallel_loop3A_780] {strides = array<i32>} : memref<1024xf32, #tpu.memory_space<vmem>>, vector<16xf32>,
        %parallel_loop3A_782 = arith.constant 608 : index
        %parallel_loop3A_783 = tpu.vector_load %arg13[%parallel_loop3A_782] {strides = array<i32>} : memref<1024xf32, #tpu.memory_space<vmem>>, vector<16xf32>,
        %parallel_loop3A_784 = arith.constant 624 : index
        %parallel_loop3A_785 = tpu.vector_load %arg13[%parallel_loop3A_784] {strides = array<i32>} : memref<1024xf32, #tpu.memory_space<vmem>>, vector<16xf32>,
        %parallel_loop3A_786 = arith.addf %parallel_loop3A_762, %parallel_loop3A_771 : vector<16xf32>
        %parallel_loop3A_787 = arith.addf %parallel_loop3A_763, %parallel_loop3A_773 : vector<16xf32>
        %parallel_loop3A_788 = arith.addf %parallel_loop3A_764, %parallel_loop3A_775 : vector<16xf32>
        %parallel_loop3A_789 = arith.addf %parallel_loop3A_765, %parallel_loop3A_777 : vector<16xf32>
        %parallel_loop3A_790 = arith.addf %parallel_loop3A_766, %parallel_loop3A_779 : vector<16xf32>
        %parallel_loop3A_791 = arith.addf %parallel_loop3A_767, %parallel_loop3A_781 : vector<16xf32>
        %parallel_loop3A_792 = arith.addf %parallel_loop3A_768, %parallel_loop3A_783 : vector<16xf32>
        %parallel_loop3A_793 = arith.addf %parallel_loop3A_769, %parallel_loop3A_785 : vector<16xf32>
        %parallel_loop3A_794 = arith.mulf %parallel_loop3A_786, %parallel_loop3A_786 : vector<16xf32>
        %parallel_loop3A_795 = arith.addf %parallel_loop3A_731, %parallel_loop3A_794 : vector<16xf32>
        %parallel_loop3A_796 = arith.mulf %parallel_loop3A_787, %parallel_loop3A_787 : vector<16xf32>
        %parallel_loop3A_797 = arith.addf %parallel_loop3A_733, %parallel_loop3A_796 : vector<16xf32>
        %parallel_loop3A_798 = arith.mulf %parallel_loop3A_788, %parallel_loop3A_788 : vector<16xf32>
        %parallel_loop3A_799 = arith.addf %parallel_loop3A_735, %parallel_loop3A_798 : vector<16xf32>
        %parallel_loop3A_800 = arith.mulf %parallel_loop3A_789, %parallel_loop3A_789 : vector<16xf32>
        %parallel_loop3A_801 = arith.addf %parallel_loop3A_737, %parallel_loop3A_800 : vector<16xf32>
        %parallel_loop3A_802 = arith.mulf %parallel_loop3A_790, %parallel_loop3A_790 : vector<16xf32>
        %parallel_loop3A_803 = arith.addf %parallel_loop3A_739, %parallel_loop3A_802 : vector<16xf32>
        %parallel_loop3A_804 = arith.mulf %parallel_loop3A_791, %parallel_loop3A_791 : vector<16xf32>
        %parallel_loop3A_805 = arith.addf %parallel_loop3A_741, %parallel_loop3A_804 : vector<16xf32>
        %parallel_loop3A_806 = arith.mulf %parallel_loop3A_792, %parallel_loop3A_792 : vector<16xf32>
        %parallel_loop3A_807 = arith.addf %parallel_loop3A_743, %parallel_loop3A_806 : vector<16xf32>
        %parallel_loop3A_808 = arith.mulf %parallel_loop3A_793, %parallel_loop3A_793 : vector<16xf32>
        %parallel_loop3A_809 = arith.addf %parallel_loop3A_745, %parallel_loop3A_808 : vector<16xf32>
        %parallel_loop3A_810 = arith.constant 40 : i32
        %parallel_loop3A_811 = vector.broadcast %parallel_loop3A_810 : i32 to vector<16xi32>
        %parallel_loop3A_812 = arith.constant 41 : i32
        %parallel_loop3A_813 = vector.broadcast %parallel_loop3A_812 : i32 to vector<16xi32>
        %parallel_loop3A_814 = arith.constant 42 : i32
        %parallel_loop3A_815 = vector.broadcast %parallel_loop3A_814 : i32 to vector<16xi32>
        %parallel_loop3A_816 = arith.constant 43 : i32
        %parallel_loop3A_817 = vector.broadcast %parallel_loop3A_816 : i32 to vector<16xi32>
        %parallel_loop3A_818 = arith.constant 44 : i32
        %parallel_loop3A_819 = vector.broadcast %parallel_loop3A_818 : i32 to vector<16xi32>
        %parallel_loop3A_820 = arith.constant 45 : i32
        %parallel_loop3A_821 = vector.broadcast %parallel_loop3A_820 : i32 to vector<16xi32>
        %parallel_loop3A_822 = arith.constant 46 : i32
        %parallel_loop3A_823 = vector.broadcast %parallel_loop3A_822 : i32 to vector<16xi32>
        %parallel_loop3A_824 = arith.constant 47 : i32
        %parallel_loop3A_825 = vector.broadcast %parallel_loop3A_824 : i32 to vector<16xi32>
        %parallel_loop3A_826 = tpu.vector_load_idx %arg9[%parallel_loop3A_420, %parallel_loop3A_811] : memref<416x64xf32, #tpu.memory_space<vmem>>[vector<16xi32>, vector<16xi32>], vector<16xf32>,
        %parallel_loop3A_827 = tpu.vector_load_idx %arg9[%parallel_loop3A_420, %parallel_loop3A_813] : memref<416x64xf32, #tpu.memory_space<vmem>>[vector<16xi32>, vector<16xi32>], vector<16xf32>,
        %parallel_loop3A_828 = tpu.vector_load_idx %arg9[%parallel_loop3A_420, %parallel_loop3A_815] : memref<416x64xf32, #tpu.memory_space<vmem>>[vector<16xi32>, vector<16xi32>], vector<16xf32>,
        %parallel_loop3A_829 = tpu.vector_load_idx %arg9[%parallel_loop3A_420, %parallel_loop3A_817] : memref<416x64xf32, #tpu.memory_space<vmem>>[vector<16xi32>, vector<16xi32>], vector<16xf32>,
        %parallel_loop3A_830 = tpu.vector_load_idx %arg9[%parallel_loop3A_420, %parallel_loop3A_819] : memref<416x64xf32, #tpu.memory_space<vmem>>[vector<16xi32>, vector<16xi32>], vector<16xf32>,
        %parallel_loop3A_831 = tpu.vector_load_idx %arg9[%parallel_loop3A_420, %parallel_loop3A_821] : memref<416x64xf32, #tpu.memory_space<vmem>>[vector<16xi32>, vector<16xi32>], vector<16xf32>,
        %parallel_loop3A_832 = tpu.vector_load_idx %arg9[%parallel_loop3A_420, %parallel_loop3A_823] : memref<416x64xf32, #tpu.memory_space<vmem>>[vector<16xi32>, vector<16xi32>], vector<16xf32>,
        %parallel_loop3A_833 = tpu.vector_load_idx %arg9[%parallel_loop3A_420, %parallel_loop3A_825] : memref<416x64xf32, #tpu.memory_space<vmem>>[vector<16xi32>, vector<16xi32>], vector<16xf32>,
        %parallel_loop3A_834 = arith.constant 640 : index
        %parallel_loop3A_835 = tpu.vector_load %arg13[%parallel_loop3A_834] {strides = array<i32>} : memref<1024xf32, #tpu.memory_space<vmem>>, vector<16xf32>,
        %parallel_loop3A_836 = arith.constant 656 : index
        %parallel_loop3A_837 = tpu.vector_load %arg13[%parallel_loop3A_836] {strides = array<i32>} : memref<1024xf32, #tpu.memory_space<vmem>>, vector<16xf32>,
        %parallel_loop3A_838 = arith.constant 672 : index
        %parallel_loop3A_839 = tpu.vector_load %arg13[%parallel_loop3A_838] {strides = array<i32>} : memref<1024xf32, #tpu.memory_space<vmem>>, vector<16xf32>,
        %parallel_loop3A_840 = arith.constant 688 : index
        %parallel_loop3A_841 = tpu.vector_load %arg13[%parallel_loop3A_840] {strides = array<i32>} : memref<1024xf32, #tpu.memory_space<vmem>>, vector<16xf32>,
        %parallel_loop3A_842 = arith.constant 704 : index
        %parallel_loop3A_843 = tpu.vector_load %arg13[%parallel_loop3A_842] {strides = array<i32>} : memref<1024xf32, #tpu.memory_space<vmem>>, vector<16xf32>,
        %parallel_loop3A_844 = arith.constant 720 : index
        %parallel_loop3A_845 = tpu.vector_load %arg13[%parallel_loop3A_844] {strides = array<i32>} : memref<1024xf32, #tpu.memory_space<vmem>>, vector<16xf32>,
        %parallel_loop3A_846 = arith.constant 736 : index
        %parallel_loop3A_847 = tpu.vector_load %arg13[%parallel_loop3A_846] {strides = array<i32>} : memref<1024xf32, #tpu.memory_space<vmem>>, vector<16xf32>,
        %parallel_loop3A_848 = arith.constant 752 : index
        %parallel_loop3A_849 = tpu.vector_load %arg13[%parallel_loop3A_848] {strides = array<i32>} : memref<1024xf32, #tpu.memory_space<vmem>>, vector<16xf32>,
        %parallel_loop3A_850 = arith.addf %parallel_loop3A_826, %parallel_loop3A_835 : vector<16xf32>
        %parallel_loop3A_851 = arith.addf %parallel_loop3A_827, %parallel_loop3A_837 : vector<16xf32>
        %parallel_loop3A_852 = arith.addf %parallel_loop3A_828, %parallel_loop3A_839 : vector<16xf32>
        %parallel_loop3A_853 = arith.addf %parallel_loop3A_829, %parallel_loop3A_841 : vector<16xf32>
        %parallel_loop3A_854 = arith.addf %parallel_loop3A_830, %parallel_loop3A_843 : vector<16xf32>
        %parallel_loop3A_855 = arith.addf %parallel_loop3A_831, %parallel_loop3A_845 : vector<16xf32>
        %parallel_loop3A_856 = arith.addf %parallel_loop3A_832, %parallel_loop3A_847 : vector<16xf32>
        %parallel_loop3A_857 = arith.addf %parallel_loop3A_833, %parallel_loop3A_849 : vector<16xf32>
        %parallel_loop3A_858 = arith.mulf %parallel_loop3A_850, %parallel_loop3A_850 : vector<16xf32>
        %parallel_loop3A_859 = arith.addf %parallel_loop3A_795, %parallel_loop3A_858 : vector<16xf32>
        %parallel_loop3A_860 = arith.mulf %parallel_loop3A_851, %parallel_loop3A_851 : vector<16xf32>
        %parallel_loop3A_861 = arith.addf %parallel_loop3A_797, %parallel_loop3A_860 : vector<16xf32>
        %parallel_loop3A_862 = arith.mulf %parallel_loop3A_852, %parallel_loop3A_852 : vector<16xf32>
        %parallel_loop3A_863 = arith.addf %parallel_loop3A_799, %parallel_loop3A_862 : vector<16xf32>
        %parallel_loop3A_864 = arith.mulf %parallel_loop3A_853, %parallel_loop3A_853 : vector<16xf32>
        %parallel_loop3A_865 = arith.addf %parallel_loop3A_801, %parallel_loop3A_864 : vector<16xf32>
        %parallel_loop3A_866 = arith.mulf %parallel_loop3A_854, %parallel_loop3A_854 : vector<16xf32>
        %parallel_loop3A_867 = arith.addf %parallel_loop3A_803, %parallel_loop3A_866 : vector<16xf32>
        %parallel_loop3A_868 = arith.mulf %parallel_loop3A_855, %parallel_loop3A_855 : vector<16xf32>
        %parallel_loop3A_869 = arith.addf %parallel_loop3A_805, %parallel_loop3A_868 : vector<16xf32>
        %parallel_loop3A_870 = arith.mulf %parallel_loop3A_856, %parallel_loop3A_856 : vector<16xf32>
        %parallel_loop3A_871 = arith.addf %parallel_loop3A_807, %parallel_loop3A_870 : vector<16xf32>
        %parallel_loop3A_872 = arith.mulf %parallel_loop3A_857, %parallel_loop3A_857 : vector<16xf32>
        %parallel_loop3A_873 = arith.addf %parallel_loop3A_809, %parallel_loop3A_872 : vector<16xf32>
        %parallel_loop3A_874 = arith.constant 48 : i32
        %parallel_loop3A_875 = vector.broadcast %parallel_loop3A_874 : i32 to vector<16xi32>
        %parallel_loop3A_876 = arith.constant 49 : i32
        %parallel_loop3A_877 = vector.broadcast %parallel_loop3A_876 : i32 to vector<16xi32>
        %parallel_loop3A_878 = arith.constant 50 : i32
        %parallel_loop3A_879 = vector.broadcast %parallel_loop3A_878 : i32 to vector<16xi32>
        %parallel_loop3A_880 = arith.constant 51 : i32
        %parallel_loop3A_881 = vector.broadcast %parallel_loop3A_880 : i32 to vector<16xi32>
        %parallel_loop3A_882 = arith.constant 52 : i32
        %parallel_loop3A_883 = vector.broadcast %parallel_loop3A_882 : i32 to vector<16xi32>
        %parallel_loop3A_884 = arith.constant 53 : i32
        %parallel_loop3A_885 = vector.broadcast %parallel_loop3A_884 : i32 to vector<16xi32>
        %parallel_loop3A_886 = arith.constant 54 : i32
        %parallel_loop3A_887 = vector.broadcast %parallel_loop3A_886 : i32 to vector<16xi32>
        %parallel_loop3A_888 = arith.constant 55 : i32
        %parallel_loop3A_889 = vector.broadcast %parallel_loop3A_888 : i32 to vector<16xi32>
        %parallel_loop3A_890 = tpu.vector_load_idx %arg9[%parallel_loop3A_420, %parallel_loop3A_875] : memref<416x64xf32, #tpu.memory_space<vmem>>[vector<16xi32>, vector<16xi32>], vector<16xf32>,
        %parallel_loop3A_891 = tpu.vector_load_idx %arg9[%parallel_loop3A_420, %parallel_loop3A_877] : memref<416x64xf32, #tpu.memory_space<vmem>>[vector<16xi32>, vector<16xi32>], vector<16xf32>,
        %parallel_loop3A_892 = tpu.vector_load_idx %arg9[%parallel_loop3A_420, %parallel_loop3A_879] : memref<416x64xf32, #tpu.memory_space<vmem>>[vector<16xi32>, vector<16xi32>], vector<16xf32>,
        %parallel_loop3A_893 = tpu.vector_load_idx %arg9[%parallel_loop3A_420, %parallel_loop3A_881] : memref<416x64xf32, #tpu.memory_space<vmem>>[vector<16xi32>, vector<16xi32>], vector<16xf32>,
        %parallel_loop3A_894 = tpu.vector_load_idx %arg9[%parallel_loop3A_420, %parallel_loop3A_883] : memref<416x64xf32, #tpu.memory_space<vmem>>[vector<16xi32>, vector<16xi32>], vector<16xf32>,
        %parallel_loop3A_895 = tpu.vector_load_idx %arg9[%parallel_loop3A_420, %parallel_loop3A_885] : memref<416x64xf32, #tpu.memory_space<vmem>>[vector<16xi32>, vector<16xi32>], vector<16xf32>,
        %parallel_loop3A_896 = tpu.vector_load_idx %arg9[%parallel_loop3A_420, %parallel_loop3A_887] : memref<416x64xf32, #tpu.memory_space<vmem>>[vector<16xi32>, vector<16xi32>], vector<16xf32>,
        %parallel_loop3A_897 = tpu.vector_load_idx %arg9[%parallel_loop3A_420, %parallel_loop3A_889] : memref<416x64xf32, #tpu.memory_space<vmem>>[vector<16xi32>, vector<16xi32>], vector<16xf32>,
        %parallel_loop3A_898 = arith.constant 768 : index
        %parallel_loop3A_899 = tpu.vector_load %arg13[%parallel_loop3A_898] {strides = array<i32>} : memref<1024xf32, #tpu.memory_space<vmem>>, vector<16xf32>,
        %parallel_loop3A_900 = arith.constant 784 : index
        %parallel_loop3A_901 = tpu.vector_load %arg13[%parallel_loop3A_900] {strides = array<i32>} : memref<1024xf32, #tpu.memory_space<vmem>>, vector<16xf32>,
        %parallel_loop3A_902 = arith.constant 800 : index
        %parallel_loop3A_903 = tpu.vector_load %arg13[%parallel_loop3A_902] {strides = array<i32>} : memref<1024xf32, #tpu.memory_space<vmem>>, vector<16xf32>,
        %parallel_loop3A_904 = arith.constant 816 : index
        %parallel_loop3A_905 = tpu.vector_load %arg13[%parallel_loop3A_904] {strides = array<i32>} : memref<1024xf32, #tpu.memory_space<vmem>>, vector<16xf32>,
        %parallel_loop3A_906 = arith.constant 832 : index
        %parallel_loop3A_907 = tpu.vector_load %arg13[%parallel_loop3A_906] {strides = array<i32>} : memref<1024xf32, #tpu.memory_space<vmem>>, vector<16xf32>,
        %parallel_loop3A_908 = arith.constant 848 : index
        %parallel_loop3A_909 = tpu.vector_load %arg13[%parallel_loop3A_908] {strides = array<i32>} : memref<1024xf32, #tpu.memory_space<vmem>>, vector<16xf32>,
        %parallel_loop3A_910 = arith.constant 864 : index
        %parallel_loop3A_911 = tpu.vector_load %arg13[%parallel_loop3A_910] {strides = array<i32>} : memref<1024xf32, #tpu.memory_space<vmem>>, vector<16xf32>,
        %parallel_loop3A_912 = arith.constant 880 : index
        %parallel_loop3A_913 = tpu.vector_load %arg13[%parallel_loop3A_912] {strides = array<i32>} : memref<1024xf32, #tpu.memory_space<vmem>>, vector<16xf32>,
        %parallel_loop3A_914 = arith.addf %parallel_loop3A_890, %parallel_loop3A_899 : vector<16xf32>
        %parallel_loop3A_915 = arith.addf %parallel_loop3A_891, %parallel_loop3A_901 : vector<16xf32>
        %parallel_loop3A_916 = arith.addf %parallel_loop3A_892, %parallel_loop3A_903 : vector<16xf32>
        %parallel_loop3A_917 = arith.addf %parallel_loop3A_893, %parallel_loop3A_905 : vector<16xf32>
        %parallel_loop3A_918 = arith.addf %parallel_loop3A_894, %parallel_loop3A_907 : vector<16xf32>
        %parallel_loop3A_919 = arith.addf %parallel_loop3A_895, %parallel_loop3A_909 : vector<16xf32>
        %parallel_loop3A_920 = arith.addf %parallel_loop3A_896, %parallel_loop3A_911 : vector<16xf32>
        %parallel_loop3A_921 = arith.addf %parallel_loop3A_897, %parallel_loop3A_913 : vector<16xf32>
        %parallel_loop3A_922 = arith.mulf %parallel_loop3A_914, %parallel_loop3A_914 : vector<16xf32>
        %parallel_loop3A_923 = arith.addf %parallel_loop3A_859, %parallel_loop3A_922 : vector<16xf32>
        %parallel_loop3A_924 = arith.mulf %parallel_loop3A_915, %parallel_loop3A_915 : vector<16xf32>
        %parallel_loop3A_925 = arith.addf %parallel_loop3A_861, %parallel_loop3A_924 : vector<16xf32>
        %parallel_loop3A_926 = arith.mulf %parallel_loop3A_916, %parallel_loop3A_916 : vector<16xf32>
        %parallel_loop3A_927 = arith.addf %parallel_loop3A_863, %parallel_loop3A_926 : vector<16xf32>
        %parallel_loop3A_928 = arith.mulf %parallel_loop3A_917, %parallel_loop3A_917 : vector<16xf32>
        %parallel_loop3A_929 = arith.addf %parallel_loop3A_865, %parallel_loop3A_928 : vector<16xf32>
        %parallel_loop3A_930 = arith.mulf %parallel_loop3A_918, %parallel_loop3A_918 : vector<16xf32>
        %parallel_loop3A_931 = arith.addf %parallel_loop3A_867, %parallel_loop3A_930 : vector<16xf32>
        %parallel_loop3A_932 = arith.mulf %parallel_loop3A_919, %parallel_loop3A_919 : vector<16xf32>
        %parallel_loop3A_933 = arith.addf %parallel_loop3A_869, %parallel_loop3A_932 : vector<16xf32>
        %parallel_loop3A_934 = arith.mulf %parallel_loop3A_920, %parallel_loop3A_920 : vector<16xf32>
        %parallel_loop3A_935 = arith.addf %parallel_loop3A_871, %parallel_loop3A_934 : vector<16xf32>
        %parallel_loop3A_936 = arith.mulf %parallel_loop3A_921, %parallel_loop3A_921 : vector<16xf32>
        %parallel_loop3A_937 = arith.addf %parallel_loop3A_873, %parallel_loop3A_936 : vector<16xf32>
        %parallel_loop3A_938 = arith.constant 56 : i32
        %parallel_loop3A_939 = vector.broadcast %parallel_loop3A_938 : i32 to vector<16xi32>
        %parallel_loop3A_940 = arith.constant 57 : i32
        %parallel_loop3A_941 = vector.broadcast %parallel_loop3A_940 : i32 to vector<16xi32>
        %parallel_loop3A_942 = arith.constant 58 : i32
        %parallel_loop3A_943 = vector.broadcast %parallel_loop3A_942 : i32 to vector<16xi32>
        %parallel_loop3A_944 = arith.constant 59 : i32
        %parallel_loop3A_945 = vector.broadcast %parallel_loop3A_944 : i32 to vector<16xi32>
        %parallel_loop3A_946 = arith.constant 60 : i32
        %parallel_loop3A_947 = vector.broadcast %parallel_loop3A_946 : i32 to vector<16xi32>
        %parallel_loop3A_948 = arith.constant 61 : i32
        %parallel_loop3A_949 = vector.broadcast %parallel_loop3A_948 : i32 to vector<16xi32>
        %parallel_loop3A_950 = arith.constant 62 : i32
        %parallel_loop3A_951 = vector.broadcast %parallel_loop3A_950 : i32 to vector<16xi32>
        %parallel_loop3A_952 = arith.constant 63 : i32
        %parallel_loop3A_953 = vector.broadcast %parallel_loop3A_952 : i32 to vector<16xi32>
        %parallel_loop3A_954 = tpu.vector_load_idx %arg9[%parallel_loop3A_420, %parallel_loop3A_939] : memref<416x64xf32, #tpu.memory_space<vmem>>[vector<16xi32>, vector<16xi32>], vector<16xf32>,
        %parallel_loop3A_955 = tpu.vector_load_idx %arg9[%parallel_loop3A_420, %parallel_loop3A_941] : memref<416x64xf32, #tpu.memory_space<vmem>>[vector<16xi32>, vector<16xi32>], vector<16xf32>,
        %parallel_loop3A_956 = tpu.vector_load_idx %arg9[%parallel_loop3A_420, %parallel_loop3A_943] : memref<416x64xf32, #tpu.memory_space<vmem>>[vector<16xi32>, vector<16xi32>], vector<16xf32>,
        %parallel_loop3A_957 = tpu.vector_load_idx %arg9[%parallel_loop3A_420, %parallel_loop3A_945] : memref<416x64xf32, #tpu.memory_space<vmem>>[vector<16xi32>, vector<16xi32>], vector<16xf32>,
        %parallel_loop3A_958 = tpu.vector_load_idx %arg9[%parallel_loop3A_420, %parallel_loop3A_947] : memref<416x64xf32, #tpu.memory_space<vmem>>[vector<16xi32>, vector<16xi32>], vector<16xf32>,
        %parallel_loop3A_959 = tpu.vector_load_idx %arg9[%parallel_loop3A_420, %parallel_loop3A_949] : memref<416x64xf32, #tpu.memory_space<vmem>>[vector<16xi32>, vector<16xi32>], vector<16xf32>,
        %parallel_loop3A_960 = tpu.vector_load_idx %arg9[%parallel_loop3A_420, %parallel_loop3A_951] : memref<416x64xf32, #tpu.memory_space<vmem>>[vector<16xi32>, vector<16xi32>], vector<16xf32>,
        %parallel_loop3A_961 = tpu.vector_load_idx %arg9[%parallel_loop3A_420, %parallel_loop3A_953] : memref<416x64xf32, #tpu.memory_space<vmem>>[vector<16xi32>, vector<16xi32>], vector<16xf32>,
        %parallel_loop3A_962 = arith.constant 896 : index
        %parallel_loop3A_963 = tpu.vector_load %arg13[%parallel_loop3A_962] {strides = array<i32>} : memref<1024xf32, #tpu.memory_space<vmem>>, vector<16xf32>,
        %parallel_loop3A_964 = arith.constant 912 : index
        %parallel_loop3A_965 = tpu.vector_load %arg13[%parallel_loop3A_964] {strides = array<i32>} : memref<1024xf32, #tpu.memory_space<vmem>>, vector<16xf32>,
        %parallel_loop3A_966 = arith.constant 928 : index
        %parallel_loop3A_967 = tpu.vector_load %arg13[%parallel_loop3A_966] {strides = array<i32>} : memref<1024xf32, #tpu.memory_space<vmem>>, vector<16xf32>,
        %parallel_loop3A_968 = arith.constant 944 : index
        %parallel_loop3A_969 = tpu.vector_load %arg13[%parallel_loop3A_968] {strides = array<i32>} : memref<1024xf32, #tpu.memory_space<vmem>>, vector<16xf32>,
        %parallel_loop3A_970 = arith.constant 960 : index
        %parallel_loop3A_971 = tpu.vector_load %arg13[%parallel_loop3A_970] {strides = array<i32>} : memref<1024xf32, #tpu.memory_space<vmem>>, vector<16xf32>,
        %parallel_loop3A_972 = arith.constant 976 : index
        %parallel_loop3A_973 = tpu.vector_load %arg13[%parallel_loop3A_972] {strides = array<i32>} : memref<1024xf32, #tpu.memory_space<vmem>>, vector<16xf32>,
        %parallel_loop3A_974 = arith.constant 992 : index
        %parallel_loop3A_975 = tpu.vector_load %arg13[%parallel_loop3A_974] {strides = array<i32>} : memref<1024xf32, #tpu.memory_space<vmem>>, vector<16xf32>,
        %parallel_loop3A_976 = arith.constant 1008 : index
        %parallel_loop3A_977 = tpu.vector_load %arg13[%parallel_loop3A_976] {strides = array<i32>} : memref<1024xf32, #tpu.memory_space<vmem>>, vector<16xf32>,
        %parallel_loop3A_978 = arith.addf %parallel_loop3A_954, %parallel_loop3A_963 : vector<16xf32>
        %parallel_loop3A_979 = arith.addf %parallel_loop3A_955, %parallel_loop3A_965 : vector<16xf32>
        %parallel_loop3A_980 = arith.addf %parallel_loop3A_956, %parallel_loop3A_967 : vector<16xf32>
        %parallel_loop3A_981 = arith.addf %parallel_loop3A_957, %parallel_loop3A_969 : vector<16xf32>
        %parallel_loop3A_982 = arith.addf %parallel_loop3A_958, %parallel_loop3A_971 : vector<16xf32>
        %parallel_loop3A_983 = arith.addf %parallel_loop3A_959, %parallel_loop3A_973 : vector<16xf32>
        %parallel_loop3A_984 = arith.addf %parallel_loop3A_960, %parallel_loop3A_975 : vector<16xf32>
        %parallel_loop3A_985 = arith.addf %parallel_loop3A_961, %parallel_loop3A_977 : vector<16xf32>
        %parallel_loop3A_986 = arith.mulf %parallel_loop3A_978, %parallel_loop3A_978 : vector<16xf32>
        %parallel_loop3A_987 = arith.addf %parallel_loop3A_923, %parallel_loop3A_986 : vector<16xf32>
        %parallel_loop3A_988 = arith.mulf %parallel_loop3A_979, %parallel_loop3A_979 : vector<16xf32>
        %parallel_loop3A_989 = arith.addf %parallel_loop3A_925, %parallel_loop3A_988 : vector<16xf32>
        %parallel_loop3A_990 = arith.mulf %parallel_loop3A_980, %parallel_loop3A_980 : vector<16xf32>
        %parallel_loop3A_991 = arith.addf %parallel_loop3A_927, %parallel_loop3A_990 : vector<16xf32>
        %parallel_loop3A_992 = arith.mulf %parallel_loop3A_981, %parallel_loop3A_981 : vector<16xf32>
        %parallel_loop3A_993 = arith.addf %parallel_loop3A_929, %parallel_loop3A_992 : vector<16xf32>
        %parallel_loop3A_994 = arith.mulf %parallel_loop3A_982, %parallel_loop3A_982 : vector<16xf32>
        %parallel_loop3A_995 = arith.addf %parallel_loop3A_931, %parallel_loop3A_994 : vector<16xf32>
        %parallel_loop3A_996 = arith.mulf %parallel_loop3A_983, %parallel_loop3A_983 : vector<16xf32>
        %parallel_loop3A_997 = arith.addf %parallel_loop3A_933, %parallel_loop3A_996 : vector<16xf32>
        %parallel_loop3A_998 = arith.mulf %parallel_loop3A_984, %parallel_loop3A_984 : vector<16xf32>
        %parallel_loop3A_999 = arith.addf %parallel_loop3A_935, %parallel_loop3A_998 : vector<16xf32>
        %parallel_loop3A_1000 = arith.mulf %parallel_loop3A_985, %parallel_loop3A_985 : vector<16xf32>
        %parallel_loop3A_1001 = arith.addf %parallel_loop3A_937, %parallel_loop3A_1000 : vector<16xf32>
        %parallel_loop3A_1002 = arith.addf %parallel_loop3A_987, %parallel_loop3A_989 : vector<16xf32>
        %parallel_loop3A_1003 = arith.addf %parallel_loop3A_991, %parallel_loop3A_993 : vector<16xf32>
        %parallel_loop3A_1004 = arith.addf %parallel_loop3A_995, %parallel_loop3A_997 : vector<16xf32>
        %parallel_loop3A_1005 = arith.addf %parallel_loop3A_999, %parallel_loop3A_1001 : vector<16xf32>
        %parallel_loop3A_1006 = arith.addf %parallel_loop3A_1002, %parallel_loop3A_1003 : vector<16xf32>
        %parallel_loop3A_1007 = arith.addf %parallel_loop3A_1004, %parallel_loop3A_1005 : vector<16xf32>
        %parallel_loop3A_1008 = arith.addf %parallel_loop3A_1006, %parallel_loop3A_1007 : vector<16xf32>
        %parallel_loop3A_1009 = tpu.bitcast %parallel_loop3A_1008 : vector<16xf32> -> vector<16xi32>
        %parallel_loop3A_1010 = arith.constant 1 : i32
        %parallel_loop3A_1011 = vector.broadcast %parallel_loop3A_1010 : i32 to vector<16xi32>
        %parallel_loop3A_1012 = arith.shrsi %parallel_loop3A_1009, %parallel_loop3A_1011 : vector<16xi32>
        %parallel_loop3A_1013 = arith.constant 1597463007 : i32
        %parallel_loop3A_1014 = vector.broadcast %parallel_loop3A_1013 : i32 to vector<16xi32>
        %parallel_loop3A_1015 = arith.subi %parallel_loop3A_1014, %parallel_loop3A_1012 : vector<16xi32>
        %parallel_loop3A_1016 = tpu.bitcast %parallel_loop3A_1015 : vector<16xi32> -> vector<16xf32>
        %parallel_loop3A_1017 = arith.constant 5.000000e-01 : f32
        %parallel_loop3A_1018 = vector.broadcast %parallel_loop3A_1017 : f32 to vector<16xf32>
        %parallel_loop3A_1019 = arith.mulf %parallel_loop3A_1018, %parallel_loop3A_1008 : vector<16xf32>
        %parallel_loop3A_1020 = arith.mulf %parallel_loop3A_1019, %parallel_loop3A_1016 : vector<16xf32>
        %parallel_loop3A_1021 = arith.mulf %parallel_loop3A_1020, %parallel_loop3A_1016 : vector<16xf32>
        %parallel_loop3A_1022 = arith.constant 1.500000e+00 : f32
        %parallel_loop3A_1023 = vector.broadcast %parallel_loop3A_1022 : f32 to vector<16xf32>
        %parallel_loop3A_1024 = arith.subf %parallel_loop3A_1023, %parallel_loop3A_1021 : vector<16xf32>
        %parallel_loop3A_1025 = arith.mulf %parallel_loop3A_1016, %parallel_loop3A_1024 : vector<16xf32>
        %parallel_loop3A_1026 = arith.constant 5.000000e-01 : f32
        %parallel_loop3A_1027 = vector.broadcast %parallel_loop3A_1026 : f32 to vector<16xf32>
        %parallel_loop3A_1028 = arith.mulf %parallel_loop3A_1027, %parallel_loop3A_1008 : vector<16xf32>
        %parallel_loop3A_1029 = arith.mulf %parallel_loop3A_1028, %parallel_loop3A_1025 : vector<16xf32>
        %parallel_loop3A_1030 = arith.mulf %parallel_loop3A_1029, %parallel_loop3A_1025 : vector<16xf32>
        %parallel_loop3A_1031 = arith.constant 1.500000e+00 : f32
        %parallel_loop3A_1032 = vector.broadcast %parallel_loop3A_1031 : f32 to vector<16xf32>
        %parallel_loop3A_1033 = arith.subf %parallel_loop3A_1032, %parallel_loop3A_1030 : vector<16xf32>
        %parallel_loop3A_1034 = arith.mulf %parallel_loop3A_1025, %parallel_loop3A_1033 : vector<16xf32>
        %parallel_loop3A_1035 = arith.constant 5.000000e-01 : f32
        %parallel_loop3A_1036 = vector.broadcast %parallel_loop3A_1035 : f32 to vector<16xf32>
        %parallel_loop3A_1037 = arith.mulf %parallel_loop3A_1036, %parallel_loop3A_1008 : vector<16xf32>
        %parallel_loop3A_1038 = arith.mulf %parallel_loop3A_1037, %parallel_loop3A_1034 : vector<16xf32>
        %parallel_loop3A_1039 = arith.mulf %parallel_loop3A_1038, %parallel_loop3A_1034 : vector<16xf32>
        %parallel_loop3A_1040 = arith.constant 1.500000e+00 : f32
        %parallel_loop3A_1041 = vector.broadcast %parallel_loop3A_1040 : f32 to vector<16xf32>
        %parallel_loop3A_1042 = arith.subf %parallel_loop3A_1041, %parallel_loop3A_1039 : vector<16xf32>
        %parallel_loop3A_1043 = arith.mulf %parallel_loop3A_1034, %parallel_loop3A_1042 : vector<16xf32>
        %parallel_loop3A_1044 = arith.mulf %parallel_loop3A_1008, %parallel_loop3A_1043 : vector<16xf32>
        %parallel_loop3A_1045 = arith.constant 9.99999996E-13 : f32
        %parallel_loop3A_1046 = vector.broadcast %parallel_loop3A_1045 : f32 to vector<16xf32>
        %parallel_loop3A_1047 = arith.maximumf %parallel_loop3A_1044, %parallel_loop3A_1046 : vector<16xf32>
        %parallel_loop3A_1048 = arith.constant 1.000000e+00 : f32
        %parallel_loop3A_1049 = vector.broadcast %parallel_loop3A_1048 : f32 to vector<16xf32>
        %parallel_loop3A_1050 = arith.divf %parallel_loop3A_1049, %parallel_loop3A_1047 : vector<16xf32>
        %parallel_loop3A_1051 = arith.constant 0 : i32
        %parallel_loop3A_1052 = vector.broadcast %parallel_loop3A_1051 : i32 to vector<16xi32>
        %parallel_loop3A_1053 = arith.constant 1 : i32
        %parallel_loop3A_1054 = vector.broadcast %parallel_loop3A_1053 : i32 to vector<16xi32>
        %parallel_loop3A_1055 = arith.constant 2 : i32
        %parallel_loop3A_1056 = vector.broadcast %parallel_loop3A_1055 : i32 to vector<16xi32>
        %parallel_loop3A_1057 = arith.constant 3 : i32
        %parallel_loop3A_1058 = vector.broadcast %parallel_loop3A_1057 : i32 to vector<16xi32>
        %parallel_loop3A_1059 = arith.constant 4 : i32
        %parallel_loop3A_1060 = vector.broadcast %parallel_loop3A_1059 : i32 to vector<16xi32>
        %parallel_loop3A_1061 = arith.constant 5 : i32
        %parallel_loop3A_1062 = vector.broadcast %parallel_loop3A_1061 : i32 to vector<16xi32>
        %parallel_loop3A_1063 = arith.constant 6 : i32
        %parallel_loop3A_1064 = vector.broadcast %parallel_loop3A_1063 : i32 to vector<16xi32>
        %parallel_loop3A_1065 = arith.constant 7 : i32
        %parallel_loop3A_1066 = vector.broadcast %parallel_loop3A_1065 : i32 to vector<16xi32>
        %parallel_loop3A_1067 = tpu.vector_load_idx %arg9[%parallel_loop3A_420, %parallel_loop3A_1052] : memref<416x64xf32, #tpu.memory_space<vmem>>[vector<16xi32>, vector<16xi32>], vector<16xf32>,
        %parallel_loop3A_1068 = tpu.vector_load_idx %arg9[%parallel_loop3A_420, %parallel_loop3A_1054] : memref<416x64xf32, #tpu.memory_space<vmem>>[vector<16xi32>, vector<16xi32>], vector<16xf32>,
        %parallel_loop3A_1069 = tpu.vector_load_idx %arg9[%parallel_loop3A_420, %parallel_loop3A_1056] : memref<416x64xf32, #tpu.memory_space<vmem>>[vector<16xi32>, vector<16xi32>], vector<16xf32>,
        %parallel_loop3A_1070 = tpu.vector_load_idx %arg9[%parallel_loop3A_420, %parallel_loop3A_1058] : memref<416x64xf32, #tpu.memory_space<vmem>>[vector<16xi32>, vector<16xi32>], vector<16xf32>,
        %parallel_loop3A_1071 = tpu.vector_load_idx %arg9[%parallel_loop3A_420, %parallel_loop3A_1060] : memref<416x64xf32, #tpu.memory_space<vmem>>[vector<16xi32>, vector<16xi32>], vector<16xf32>,
        %parallel_loop3A_1072 = tpu.vector_load_idx %arg9[%parallel_loop3A_420, %parallel_loop3A_1062] : memref<416x64xf32, #tpu.memory_space<vmem>>[vector<16xi32>, vector<16xi32>], vector<16xf32>,
        %parallel_loop3A_1073 = tpu.vector_load_idx %arg9[%parallel_loop3A_420, %parallel_loop3A_1064] : memref<416x64xf32, #tpu.memory_space<vmem>>[vector<16xi32>, vector<16xi32>], vector<16xf32>,
        %parallel_loop3A_1074 = tpu.vector_load_idx %arg9[%parallel_loop3A_420, %parallel_loop3A_1066] : memref<416x64xf32, #tpu.memory_space<vmem>>[vector<16xi32>, vector<16xi32>], vector<16xf32>,
        %parallel_loop3A_1075 = arith.constant 0 : index
        %parallel_loop3A_1076 = tpu.vector_load %arg13[%parallel_loop3A_1075] {strides = array<i32>} : memref<1024xf32, #tpu.memory_space<vmem>>, vector<16xf32>,
        %parallel_loop3A_1077 = arith.constant 16 : index
        %parallel_loop3A_1078 = tpu.vector_load %arg13[%parallel_loop3A_1077] {strides = array<i32>} : memref<1024xf32, #tpu.memory_space<vmem>>, vector<16xf32>,
        %parallel_loop3A_1079 = arith.constant 32 : index
        %parallel_loop3A_1080 = tpu.vector_load %arg13[%parallel_loop3A_1079] {strides = array<i32>} : memref<1024xf32, #tpu.memory_space<vmem>>, vector<16xf32>,
        %parallel_loop3A_1081 = arith.constant 48 : index
        %parallel_loop3A_1082 = tpu.vector_load %arg13[%parallel_loop3A_1081] {strides = array<i32>} : memref<1024xf32, #tpu.memory_space<vmem>>, vector<16xf32>,
        %parallel_loop3A_1083 = arith.constant 64 : index
        %parallel_loop3A_1084 = tpu.vector_load %arg13[%parallel_loop3A_1083] {strides = array<i32>} : memref<1024xf32, #tpu.memory_space<vmem>>, vector<16xf32>,
        %parallel_loop3A_1085 = arith.constant 80 : index
        %parallel_loop3A_1086 = tpu.vector_load %arg13[%parallel_loop3A_1085] {strides = array<i32>} : memref<1024xf32, #tpu.memory_space<vmem>>, vector<16xf32>,
        %parallel_loop3A_1087 = arith.constant 96 : index
        %parallel_loop3A_1088 = tpu.vector_load %arg13[%parallel_loop3A_1087] {strides = array<i32>} : memref<1024xf32, #tpu.memory_space<vmem>>, vector<16xf32>,
        %parallel_loop3A_1089 = arith.constant 112 : index
        %parallel_loop3A_1090 = tpu.vector_load %arg13[%parallel_loop3A_1089] {strides = array<i32>} : memref<1024xf32, #tpu.memory_space<vmem>>, vector<16xf32>,
        %parallel_loop3A_1091 = arith.addf %parallel_loop3A_1067, %parallel_loop3A_1076 : vector<16xf32>
        %parallel_loop3A_1092 = arith.mulf %parallel_loop3A_1091, %parallel_loop3A_1050 : vector<16xf32>
        %parallel_loop3A_1093 = arith.addf %parallel_loop3A_1068, %parallel_loop3A_1078 : vector<16xf32>
        %parallel_loop3A_1094 = arith.mulf %parallel_loop3A_1093, %parallel_loop3A_1050 : vector<16xf32>
        %parallel_loop3A_1095 = arith.addf %parallel_loop3A_1069, %parallel_loop3A_1080 : vector<16xf32>
        %parallel_loop3A_1096 = arith.mulf %parallel_loop3A_1095, %parallel_loop3A_1050 : vector<16xf32>
        %parallel_loop3A_1097 = arith.addf %parallel_loop3A_1070, %parallel_loop3A_1082 : vector<16xf32>
        %parallel_loop3A_1098 = arith.mulf %parallel_loop3A_1097, %parallel_loop3A_1050 : vector<16xf32>
        %parallel_loop3A_1099 = arith.addf %parallel_loop3A_1071, %parallel_loop3A_1084 : vector<16xf32>
        %parallel_loop3A_1100 = arith.mulf %parallel_loop3A_1099, %parallel_loop3A_1050 : vector<16xf32>
        %parallel_loop3A_1101 = arith.addf %parallel_loop3A_1072, %parallel_loop3A_1086 : vector<16xf32>
        %parallel_loop3A_1102 = arith.mulf %parallel_loop3A_1101, %parallel_loop3A_1050 : vector<16xf32>
        %parallel_loop3A_1103 = arith.addf %parallel_loop3A_1073, %parallel_loop3A_1088 : vector<16xf32>
        %parallel_loop3A_1104 = arith.mulf %parallel_loop3A_1103, %parallel_loop3A_1050 : vector<16xf32>
        %parallel_loop3A_1105 = arith.addf %parallel_loop3A_1074, %parallel_loop3A_1090 : vector<16xf32>
        %parallel_loop3A_1106 = arith.mulf %parallel_loop3A_1105, %parallel_loop3A_1050 : vector<16xf32>
        tpu.vector_store_idx %arg11[%parallel_loop3A_451, %parallel_loop3A_473, %parallel_loop3A_1052], %parallel_loop3A_1092 : memref<16x26x64xf32, #tpu.memory_space<vmem>>[vector<16xi32>, vector<16xi32>, vector<16xi32>], vector<16xf32>,
        tpu.vector_store_idx %arg11[%parallel_loop3A_451, %parallel_loop3A_473, %parallel_loop3A_1054], %parallel_loop3A_1094 : memref<16x26x64xf32, #tpu.memory_space<vmem>>[vector<16xi32>, vector<16xi32>, vector<16xi32>], vector<16xf32>,
        tpu.vector_store_idx %arg11[%parallel_loop3A_451, %parallel_loop3A_473, %parallel_loop3A_1056], %parallel_loop3A_1096 : memref<16x26x64xf32, #tpu.memory_space<vmem>>[vector<16xi32>, vector<16xi32>, vector<16xi32>], vector<16xf32>,
        tpu.vector_store_idx %arg11[%parallel_loop3A_451, %parallel_loop3A_473, %parallel_loop3A_1058], %parallel_loop3A_1098 : memref<16x26x64xf32, #tpu.memory_space<vmem>>[vector<16xi32>, vector<16xi32>, vector<16xi32>], vector<16xf32>,
        tpu.vector_store_idx %arg11[%parallel_loop3A_451, %parallel_loop3A_473, %parallel_loop3A_1060], %parallel_loop3A_1100 : memref<16x26x64xf32, #tpu.memory_space<vmem>>[vector<16xi32>, vector<16xi32>, vector<16xi32>], vector<16xf32>,
        tpu.vector_store_idx %arg11[%parallel_loop3A_451, %parallel_loop3A_473, %parallel_loop3A_1062], %parallel_loop3A_1102 : memref<16x26x64xf32, #tpu.memory_space<vmem>>[vector<16xi32>, vector<16xi32>, vector<16xi32>], vector<16xf32>,
        tpu.vector_store_idx %arg11[%parallel_loop3A_451, %parallel_loop3A_473, %parallel_loop3A_1064], %parallel_loop3A_1104 : memref<16x26x64xf32, #tpu.memory_space<vmem>>[vector<16xi32>, vector<16xi32>, vector<16xi32>], vector<16xf32>,
        tpu.vector_store_idx %arg11[%parallel_loop3A_451, %parallel_loop3A_473, %parallel_loop3A_1066], %parallel_loop3A_1106 : memref<16x26x64xf32, #tpu.memory_space<vmem>>[vector<16xi32>, vector<16xi32>, vector<16xi32>], vector<16xf32>,
        %parallel_loop3A_1107 = arith.constant 8 : i32
        %parallel_loop3A_1108 = vector.broadcast %parallel_loop3A_1107 : i32 to vector<16xi32>
        %parallel_loop3A_1109 = arith.constant 9 : i32
        %parallel_loop3A_1110 = vector.broadcast %parallel_loop3A_1109 : i32 to vector<16xi32>
        %parallel_loop3A_1111 = arith.constant 10 : i32
        %parallel_loop3A_1112 = vector.broadcast %parallel_loop3A_1111 : i32 to vector<16xi32>
        %parallel_loop3A_1113 = arith.constant 11 : i32
        %parallel_loop3A_1114 = vector.broadcast %parallel_loop3A_1113 : i32 to vector<16xi32>
        %parallel_loop3A_1115 = arith.constant 12 : i32
        %parallel_loop3A_1116 = vector.broadcast %parallel_loop3A_1115 : i32 to vector<16xi32>
        %parallel_loop3A_1117 = arith.constant 13 : i32
        %parallel_loop3A_1118 = vector.broadcast %parallel_loop3A_1117 : i32 to vector<16xi32>
        %parallel_loop3A_1119 = arith.constant 14 : i32
        %parallel_loop3A_1120 = vector.broadcast %parallel_loop3A_1119 : i32 to vector<16xi32>
        %parallel_loop3A_1121 = arith.constant 15 : i32
        %parallel_loop3A_1122 = vector.broadcast %parallel_loop3A_1121 : i32 to vector<16xi32>
        %parallel_loop3A_1123 = tpu.vector_load_idx %arg9[%parallel_loop3A_420, %parallel_loop3A_1108] : memref<416x64xf32, #tpu.memory_space<vmem>>[vector<16xi32>, vector<16xi32>], vector<16xf32>,
        %parallel_loop3A_1124 = tpu.vector_load_idx %arg9[%parallel_loop3A_420, %parallel_loop3A_1110] : memref<416x64xf32, #tpu.memory_space<vmem>>[vector<16xi32>, vector<16xi32>], vector<16xf32>,
        %parallel_loop3A_1125 = tpu.vector_load_idx %arg9[%parallel_loop3A_420, %parallel_loop3A_1112] : memref<416x64xf32, #tpu.memory_space<vmem>>[vector<16xi32>, vector<16xi32>], vector<16xf32>,
        %parallel_loop3A_1126 = tpu.vector_load_idx %arg9[%parallel_loop3A_420, %parallel_loop3A_1114] : memref<416x64xf32, #tpu.memory_space<vmem>>[vector<16xi32>, vector<16xi32>], vector<16xf32>,
        %parallel_loop3A_1127 = tpu.vector_load_idx %arg9[%parallel_loop3A_420, %parallel_loop3A_1116] : memref<416x64xf32, #tpu.memory_space<vmem>>[vector<16xi32>, vector<16xi32>], vector<16xf32>,
        %parallel_loop3A_1128 = tpu.vector_load_idx %arg9[%parallel_loop3A_420, %parallel_loop3A_1118] : memref<416x64xf32, #tpu.memory_space<vmem>>[vector<16xi32>, vector<16xi32>], vector<16xf32>,
        %parallel_loop3A_1129 = tpu.vector_load_idx %arg9[%parallel_loop3A_420, %parallel_loop3A_1120] : memref<416x64xf32, #tpu.memory_space<vmem>>[vector<16xi32>, vector<16xi32>], vector<16xf32>,
        %parallel_loop3A_1130 = tpu.vector_load_idx %arg9[%parallel_loop3A_420, %parallel_loop3A_1122] : memref<416x64xf32, #tpu.memory_space<vmem>>[vector<16xi32>, vector<16xi32>], vector<16xf32>,
        %parallel_loop3A_1131 = arith.constant 128 : index
        %parallel_loop3A_1132 = tpu.vector_load %arg13[%parallel_loop3A_1131] {strides = array<i32>} : memref<1024xf32, #tpu.memory_space<vmem>>, vector<16xf32>,
        %parallel_loop3A_1133 = arith.constant 144 : index
        %parallel_loop3A_1134 = tpu.vector_load %arg13[%parallel_loop3A_1133] {strides = array<i32>} : memref<1024xf32, #tpu.memory_space<vmem>>, vector<16xf32>,
        %parallel_loop3A_1135 = arith.constant 160 : index
        %parallel_loop3A_1136 = tpu.vector_load %arg13[%parallel_loop3A_1135] {strides = array<i32>} : memref<1024xf32, #tpu.memory_space<vmem>>, vector<16xf32>,
        %parallel_loop3A_1137 = arith.constant 176 : index
        %parallel_loop3A_1138 = tpu.vector_load %arg13[%parallel_loop3A_1137] {strides = array<i32>} : memref<1024xf32, #tpu.memory_space<vmem>>, vector<16xf32>,
        %parallel_loop3A_1139 = arith.constant 192 : index
        %parallel_loop3A_1140 = tpu.vector_load %arg13[%parallel_loop3A_1139] {strides = array<i32>} : memref<1024xf32, #tpu.memory_space<vmem>>, vector<16xf32>,
        %parallel_loop3A_1141 = arith.constant 208 : index
        %parallel_loop3A_1142 = tpu.vector_load %arg13[%parallel_loop3A_1141] {strides = array<i32>} : memref<1024xf32, #tpu.memory_space<vmem>>, vector<16xf32>,
        %parallel_loop3A_1143 = arith.constant 224 : index
        %parallel_loop3A_1144 = tpu.vector_load %arg13[%parallel_loop3A_1143] {strides = array<i32>} : memref<1024xf32, #tpu.memory_space<vmem>>, vector<16xf32>,
        %parallel_loop3A_1145 = arith.constant 240 : index
        %parallel_loop3A_1146 = tpu.vector_load %arg13[%parallel_loop3A_1145] {strides = array<i32>} : memref<1024xf32, #tpu.memory_space<vmem>>, vector<16xf32>,
        %parallel_loop3A_1147 = arith.addf %parallel_loop3A_1123, %parallel_loop3A_1132 : vector<16xf32>
        %parallel_loop3A_1148 = arith.mulf %parallel_loop3A_1147, %parallel_loop3A_1050 : vector<16xf32>
        %parallel_loop3A_1149 = arith.addf %parallel_loop3A_1124, %parallel_loop3A_1134 : vector<16xf32>
        %parallel_loop3A_1150 = arith.mulf %parallel_loop3A_1149, %parallel_loop3A_1050 : vector<16xf32>
        %parallel_loop3A_1151 = arith.addf %parallel_loop3A_1125, %parallel_loop3A_1136 : vector<16xf32>
        %parallel_loop3A_1152 = arith.mulf %parallel_loop3A_1151, %parallel_loop3A_1050 : vector<16xf32>
        %parallel_loop3A_1153 = arith.addf %parallel_loop3A_1126, %parallel_loop3A_1138 : vector<16xf32>
        %parallel_loop3A_1154 = arith.mulf %parallel_loop3A_1153, %parallel_loop3A_1050 : vector<16xf32>
        %parallel_loop3A_1155 = arith.addf %parallel_loop3A_1127, %parallel_loop3A_1140 : vector<16xf32>
        %parallel_loop3A_1156 = arith.mulf %parallel_loop3A_1155, %parallel_loop3A_1050 : vector<16xf32>
        %parallel_loop3A_1157 = arith.addf %parallel_loop3A_1128, %parallel_loop3A_1142 : vector<16xf32>
        %parallel_loop3A_1158 = arith.mulf %parallel_loop3A_1157, %parallel_loop3A_1050 : vector<16xf32>
        %parallel_loop3A_1159 = arith.addf %parallel_loop3A_1129, %parallel_loop3A_1144 : vector<16xf32>
        %parallel_loop3A_1160 = arith.mulf %parallel_loop3A_1159, %parallel_loop3A_1050 : vector<16xf32>
        %parallel_loop3A_1161 = arith.addf %parallel_loop3A_1130, %parallel_loop3A_1146 : vector<16xf32>
        %parallel_loop3A_1162 = arith.mulf %parallel_loop3A_1161, %parallel_loop3A_1050 : vector<16xf32>
        tpu.vector_store_idx %arg11[%parallel_loop3A_451, %parallel_loop3A_473, %parallel_loop3A_1108], %parallel_loop3A_1148 : memref<16x26x64xf32, #tpu.memory_space<vmem>>[vector<16xi32>, vector<16xi32>, vector<16xi32>], vector<16xf32>,
        tpu.vector_store_idx %arg11[%parallel_loop3A_451, %parallel_loop3A_473, %parallel_loop3A_1110], %parallel_loop3A_1150 : memref<16x26x64xf32, #tpu.memory_space<vmem>>[vector<16xi32>, vector<16xi32>, vector<16xi32>], vector<16xf32>,
        tpu.vector_store_idx %arg11[%parallel_loop3A_451, %parallel_loop3A_473, %parallel_loop3A_1112], %parallel_loop3A_1152 : memref<16x26x64xf32, #tpu.memory_space<vmem>>[vector<16xi32>, vector<16xi32>, vector<16xi32>], vector<16xf32>,
        tpu.vector_store_idx %arg11[%parallel_loop3A_451, %parallel_loop3A_473, %parallel_loop3A_1114], %parallel_loop3A_1154 : memref<16x26x64xf32, #tpu.memory_space<vmem>>[vector<16xi32>, vector<16xi32>, vector<16xi32>], vector<16xf32>,
        tpu.vector_store_idx %arg11[%parallel_loop3A_451, %parallel_loop3A_473, %parallel_loop3A_1116], %parallel_loop3A_1156 : memref<16x26x64xf32, #tpu.memory_space<vmem>>[vector<16xi32>, vector<16xi32>, vector<16xi32>], vector<16xf32>,
        tpu.vector_store_idx %arg11[%parallel_loop3A_451, %parallel_loop3A_473, %parallel_loop3A_1118], %parallel_loop3A_1158 : memref<16x26x64xf32, #tpu.memory_space<vmem>>[vector<16xi32>, vector<16xi32>, vector<16xi32>], vector<16xf32>,
        tpu.vector_store_idx %arg11[%parallel_loop3A_451, %parallel_loop3A_473, %parallel_loop3A_1120], %parallel_loop3A_1160 : memref<16x26x64xf32, #tpu.memory_space<vmem>>[vector<16xi32>, vector<16xi32>, vector<16xi32>], vector<16xf32>,
        tpu.vector_store_idx %arg11[%parallel_loop3A_451, %parallel_loop3A_473, %parallel_loop3A_1122], %parallel_loop3A_1162 : memref<16x26x64xf32, #tpu.memory_space<vmem>>[vector<16xi32>, vector<16xi32>, vector<16xi32>], vector<16xf32>,
        %parallel_loop3A_1163 = arith.constant 16 : i32
        %parallel_loop3A_1164 = vector.broadcast %parallel_loop3A_1163 : i32 to vector<16xi32>
        %parallel_loop3A_1165 = arith.constant 17 : i32
        %parallel_loop3A_1166 = vector.broadcast %parallel_loop3A_1165 : i32 to vector<16xi32>
        %parallel_loop3A_1167 = arith.constant 18 : i32
        %parallel_loop3A_1168 = vector.broadcast %parallel_loop3A_1167 : i32 to vector<16xi32>
        %parallel_loop3A_1169 = arith.constant 19 : i32
        %parallel_loop3A_1170 = vector.broadcast %parallel_loop3A_1169 : i32 to vector<16xi32>
        %parallel_loop3A_1171 = arith.constant 20 : i32
        %parallel_loop3A_1172 = vector.broadcast %parallel_loop3A_1171 : i32 to vector<16xi32>
        %parallel_loop3A_1173 = arith.constant 21 : i32
        %parallel_loop3A_1174 = vector.broadcast %parallel_loop3A_1173 : i32 to vector<16xi32>
        %parallel_loop3A_1175 = arith.constant 22 : i32
        %parallel_loop3A_1176 = vector.broadcast %parallel_loop3A_1175 : i32 to vector<16xi32>
        %parallel_loop3A_1177 = arith.constant 23 : i32
        %parallel_loop3A_1178 = vector.broadcast %parallel_loop3A_1177 : i32 to vector<16xi32>
        %parallel_loop3A_1179 = tpu.vector_load_idx %arg9[%parallel_loop3A_420, %parallel_loop3A_1164] : memref<416x64xf32, #tpu.memory_space<vmem>>[vector<16xi32>, vector<16xi32>], vector<16xf32>,
        %parallel_loop3A_1180 = tpu.vector_load_idx %arg9[%parallel_loop3A_420, %parallel_loop3A_1166] : memref<416x64xf32, #tpu.memory_space<vmem>>[vector<16xi32>, vector<16xi32>], vector<16xf32>,
        %parallel_loop3A_1181 = tpu.vector_load_idx %arg9[%parallel_loop3A_420, %parallel_loop3A_1168] : memref<416x64xf32, #tpu.memory_space<vmem>>[vector<16xi32>, vector<16xi32>], vector<16xf32>,
        %parallel_loop3A_1182 = tpu.vector_load_idx %arg9[%parallel_loop3A_420, %parallel_loop3A_1170] : memref<416x64xf32, #tpu.memory_space<vmem>>[vector<16xi32>, vector<16xi32>], vector<16xf32>,
        %parallel_loop3A_1183 = tpu.vector_load_idx %arg9[%parallel_loop3A_420, %parallel_loop3A_1172] : memref<416x64xf32, #tpu.memory_space<vmem>>[vector<16xi32>, vector<16xi32>], vector<16xf32>,
        %parallel_loop3A_1184 = tpu.vector_load_idx %arg9[%parallel_loop3A_420, %parallel_loop3A_1174] : memref<416x64xf32, #tpu.memory_space<vmem>>[vector<16xi32>, vector<16xi32>], vector<16xf32>,
        %parallel_loop3A_1185 = tpu.vector_load_idx %arg9[%parallel_loop3A_420, %parallel_loop3A_1176] : memref<416x64xf32, #tpu.memory_space<vmem>>[vector<16xi32>, vector<16xi32>], vector<16xf32>,
        %parallel_loop3A_1186 = tpu.vector_load_idx %arg9[%parallel_loop3A_420, %parallel_loop3A_1178] : memref<416x64xf32, #tpu.memory_space<vmem>>[vector<16xi32>, vector<16xi32>], vector<16xf32>,
        %parallel_loop3A_1187 = arith.constant 256 : index
        %parallel_loop3A_1188 = tpu.vector_load %arg13[%parallel_loop3A_1187] {strides = array<i32>} : memref<1024xf32, #tpu.memory_space<vmem>>, vector<16xf32>,
        %parallel_loop3A_1189 = arith.constant 272 : index
        %parallel_loop3A_1190 = tpu.vector_load %arg13[%parallel_loop3A_1189] {strides = array<i32>} : memref<1024xf32, #tpu.memory_space<vmem>>, vector<16xf32>,
        %parallel_loop3A_1191 = arith.constant 288 : index
        %parallel_loop3A_1192 = tpu.vector_load %arg13[%parallel_loop3A_1191] {strides = array<i32>} : memref<1024xf32, #tpu.memory_space<vmem>>, vector<16xf32>,
        %parallel_loop3A_1193 = arith.constant 304 : index
        %parallel_loop3A_1194 = tpu.vector_load %arg13[%parallel_loop3A_1193] {strides = array<i32>} : memref<1024xf32, #tpu.memory_space<vmem>>, vector<16xf32>,
        %parallel_loop3A_1195 = arith.constant 320 : index
        %parallel_loop3A_1196 = tpu.vector_load %arg13[%parallel_loop3A_1195] {strides = array<i32>} : memref<1024xf32, #tpu.memory_space<vmem>>, vector<16xf32>,
        %parallel_loop3A_1197 = arith.constant 336 : index
        %parallel_loop3A_1198 = tpu.vector_load %arg13[%parallel_loop3A_1197] {strides = array<i32>} : memref<1024xf32, #tpu.memory_space<vmem>>, vector<16xf32>,
        %parallel_loop3A_1199 = arith.constant 352 : index
        %parallel_loop3A_1200 = tpu.vector_load %arg13[%parallel_loop3A_1199] {strides = array<i32>} : memref<1024xf32, #tpu.memory_space<vmem>>, vector<16xf32>,
        %parallel_loop3A_1201 = arith.constant 368 : index
        %parallel_loop3A_1202 = tpu.vector_load %arg13[%parallel_loop3A_1201] {strides = array<i32>} : memref<1024xf32, #tpu.memory_space<vmem>>, vector<16xf32>,
        %parallel_loop3A_1203 = arith.addf %parallel_loop3A_1179, %parallel_loop3A_1188 : vector<16xf32>
        %parallel_loop3A_1204 = arith.mulf %parallel_loop3A_1203, %parallel_loop3A_1050 : vector<16xf32>
        %parallel_loop3A_1205 = arith.addf %parallel_loop3A_1180, %parallel_loop3A_1190 : vector<16xf32>
        %parallel_loop3A_1206 = arith.mulf %parallel_loop3A_1205, %parallel_loop3A_1050 : vector<16xf32>
        %parallel_loop3A_1207 = arith.addf %parallel_loop3A_1181, %parallel_loop3A_1192 : vector<16xf32>
        %parallel_loop3A_1208 = arith.mulf %parallel_loop3A_1207, %parallel_loop3A_1050 : vector<16xf32>
        %parallel_loop3A_1209 = arith.addf %parallel_loop3A_1182, %parallel_loop3A_1194 : vector<16xf32>
        %parallel_loop3A_1210 = arith.mulf %parallel_loop3A_1209, %parallel_loop3A_1050 : vector<16xf32>
        %parallel_loop3A_1211 = arith.addf %parallel_loop3A_1183, %parallel_loop3A_1196 : vector<16xf32>
        %parallel_loop3A_1212 = arith.mulf %parallel_loop3A_1211, %parallel_loop3A_1050 : vector<16xf32>
        %parallel_loop3A_1213 = arith.addf %parallel_loop3A_1184, %parallel_loop3A_1198 : vector<16xf32>
        %parallel_loop3A_1214 = arith.mulf %parallel_loop3A_1213, %parallel_loop3A_1050 : vector<16xf32>
        %parallel_loop3A_1215 = arith.addf %parallel_loop3A_1185, %parallel_loop3A_1200 : vector<16xf32>
        %parallel_loop3A_1216 = arith.mulf %parallel_loop3A_1215, %parallel_loop3A_1050 : vector<16xf32>
        %parallel_loop3A_1217 = arith.addf %parallel_loop3A_1186, %parallel_loop3A_1202 : vector<16xf32>
        %parallel_loop3A_1218 = arith.mulf %parallel_loop3A_1217, %parallel_loop3A_1050 : vector<16xf32>
        tpu.vector_store_idx %arg11[%parallel_loop3A_451, %parallel_loop3A_473, %parallel_loop3A_1164], %parallel_loop3A_1204 : memref<16x26x64xf32, #tpu.memory_space<vmem>>[vector<16xi32>, vector<16xi32>, vector<16xi32>], vector<16xf32>,
        tpu.vector_store_idx %arg11[%parallel_loop3A_451, %parallel_loop3A_473, %parallel_loop3A_1166], %parallel_loop3A_1206 : memref<16x26x64xf32, #tpu.memory_space<vmem>>[vector<16xi32>, vector<16xi32>, vector<16xi32>], vector<16xf32>,
        tpu.vector_store_idx %arg11[%parallel_loop3A_451, %parallel_loop3A_473, %parallel_loop3A_1168], %parallel_loop3A_1208 : memref<16x26x64xf32, #tpu.memory_space<vmem>>[vector<16xi32>, vector<16xi32>, vector<16xi32>], vector<16xf32>,
        tpu.vector_store_idx %arg11[%parallel_loop3A_451, %parallel_loop3A_473, %parallel_loop3A_1170], %parallel_loop3A_1210 : memref<16x26x64xf32, #tpu.memory_space<vmem>>[vector<16xi32>, vector<16xi32>, vector<16xi32>], vector<16xf32>,
        tpu.vector_store_idx %arg11[%parallel_loop3A_451, %parallel_loop3A_473, %parallel_loop3A_1172], %parallel_loop3A_1212 : memref<16x26x64xf32, #tpu.memory_space<vmem>>[vector<16xi32>, vector<16xi32>, vector<16xi32>], vector<16xf32>,
        tpu.vector_store_idx %arg11[%parallel_loop3A_451, %parallel_loop3A_473, %parallel_loop3A_1174], %parallel_loop3A_1214 : memref<16x26x64xf32, #tpu.memory_space<vmem>>[vector<16xi32>, vector<16xi32>, vector<16xi32>], vector<16xf32>,
        tpu.vector_store_idx %arg11[%parallel_loop3A_451, %parallel_loop3A_473, %parallel_loop3A_1176], %parallel_loop3A_1216 : memref<16x26x64xf32, #tpu.memory_space<vmem>>[vector<16xi32>, vector<16xi32>, vector<16xi32>], vector<16xf32>,
        tpu.vector_store_idx %arg11[%parallel_loop3A_451, %parallel_loop3A_473, %parallel_loop3A_1178], %parallel_loop3A_1218 : memref<16x26x64xf32, #tpu.memory_space<vmem>>[vector<16xi32>, vector<16xi32>, vector<16xi32>], vector<16xf32>,
        %parallel_loop3A_1219 = arith.constant 24 : i32
        %parallel_loop3A_1220 = vector.broadcast %parallel_loop3A_1219 : i32 to vector<16xi32>
        %parallel_loop3A_1221 = arith.constant 25 : i32
        %parallel_loop3A_1222 = vector.broadcast %parallel_loop3A_1221 : i32 to vector<16xi32>
        %parallel_loop3A_1223 = arith.constant 26 : i32
        %parallel_loop3A_1224 = vector.broadcast %parallel_loop3A_1223 : i32 to vector<16xi32>
        %parallel_loop3A_1225 = arith.constant 27 : i32
        %parallel_loop3A_1226 = vector.broadcast %parallel_loop3A_1225 : i32 to vector<16xi32>
        %parallel_loop3A_1227 = arith.constant 28 : i32
        %parallel_loop3A_1228 = vector.broadcast %parallel_loop3A_1227 : i32 to vector<16xi32>
        %parallel_loop3A_1229 = arith.constant 29 : i32
        %parallel_loop3A_1230 = vector.broadcast %parallel_loop3A_1229 : i32 to vector<16xi32>
        %parallel_loop3A_1231 = arith.constant 30 : i32
        %parallel_loop3A_1232 = vector.broadcast %parallel_loop3A_1231 : i32 to vector<16xi32>
        %parallel_loop3A_1233 = arith.constant 31 : i32
        %parallel_loop3A_1234 = vector.broadcast %parallel_loop3A_1233 : i32 to vector<16xi32>
        %parallel_loop3A_1235 = tpu.vector_load_idx %arg9[%parallel_loop3A_420, %parallel_loop3A_1220] : memref<416x64xf32, #tpu.memory_space<vmem>>[vector<16xi32>, vector<16xi32>], vector<16xf32>,
        %parallel_loop3A_1236 = tpu.vector_load_idx %arg9[%parallel_loop3A_420, %parallel_loop3A_1222] : memref<416x64xf32, #tpu.memory_space<vmem>>[vector<16xi32>, vector<16xi32>], vector<16xf32>,
        %parallel_loop3A_1237 = tpu.vector_load_idx %arg9[%parallel_loop3A_420, %parallel_loop3A_1224] : memref<416x64xf32, #tpu.memory_space<vmem>>[vector<16xi32>, vector<16xi32>], vector<16xf32>,
        %parallel_loop3A_1238 = tpu.vector_load_idx %arg9[%parallel_loop3A_420, %parallel_loop3A_1226] : memref<416x64xf32, #tpu.memory_space<vmem>>[vector<16xi32>, vector<16xi32>], vector<16xf32>,
        %parallel_loop3A_1239 = tpu.vector_load_idx %arg9[%parallel_loop3A_420, %parallel_loop3A_1228] : memref<416x64xf32, #tpu.memory_space<vmem>>[vector<16xi32>, vector<16xi32>], vector<16xf32>,
        %parallel_loop3A_1240 = tpu.vector_load_idx %arg9[%parallel_loop3A_420, %parallel_loop3A_1230] : memref<416x64xf32, #tpu.memory_space<vmem>>[vector<16xi32>, vector<16xi32>], vector<16xf32>,
        %parallel_loop3A_1241 = tpu.vector_load_idx %arg9[%parallel_loop3A_420, %parallel_loop3A_1232] : memref<416x64xf32, #tpu.memory_space<vmem>>[vector<16xi32>, vector<16xi32>], vector<16xf32>,
        %parallel_loop3A_1242 = tpu.vector_load_idx %arg9[%parallel_loop3A_420, %parallel_loop3A_1234] : memref<416x64xf32, #tpu.memory_space<vmem>>[vector<16xi32>, vector<16xi32>], vector<16xf32>,
        %parallel_loop3A_1243 = arith.constant 384 : index
        %parallel_loop3A_1244 = tpu.vector_load %arg13[%parallel_loop3A_1243] {strides = array<i32>} : memref<1024xf32, #tpu.memory_space<vmem>>, vector<16xf32>,
        %parallel_loop3A_1245 = arith.constant 400 : index
        %parallel_loop3A_1246 = tpu.vector_load %arg13[%parallel_loop3A_1245] {strides = array<i32>} : memref<1024xf32, #tpu.memory_space<vmem>>, vector<16xf32>,
        %parallel_loop3A_1247 = arith.constant 416 : index
        %parallel_loop3A_1248 = tpu.vector_load %arg13[%parallel_loop3A_1247] {strides = array<i32>} : memref<1024xf32, #tpu.memory_space<vmem>>, vector<16xf32>,
        %parallel_loop3A_1249 = arith.constant 432 : index
        %parallel_loop3A_1250 = tpu.vector_load %arg13[%parallel_loop3A_1249] {strides = array<i32>} : memref<1024xf32, #tpu.memory_space<vmem>>, vector<16xf32>,
        %parallel_loop3A_1251 = arith.constant 448 : index
        %parallel_loop3A_1252 = tpu.vector_load %arg13[%parallel_loop3A_1251] {strides = array<i32>} : memref<1024xf32, #tpu.memory_space<vmem>>, vector<16xf32>,
        %parallel_loop3A_1253 = arith.constant 464 : index
        %parallel_loop3A_1254 = tpu.vector_load %arg13[%parallel_loop3A_1253] {strides = array<i32>} : memref<1024xf32, #tpu.memory_space<vmem>>, vector<16xf32>,
        %parallel_loop3A_1255 = arith.constant 480 : index
        %parallel_loop3A_1256 = tpu.vector_load %arg13[%parallel_loop3A_1255] {strides = array<i32>} : memref<1024xf32, #tpu.memory_space<vmem>>, vector<16xf32>,
        %parallel_loop3A_1257 = arith.constant 496 : index
        %parallel_loop3A_1258 = tpu.vector_load %arg13[%parallel_loop3A_1257] {strides = array<i32>} : memref<1024xf32, #tpu.memory_space<vmem>>, vector<16xf32>,
        %parallel_loop3A_1259 = arith.addf %parallel_loop3A_1235, %parallel_loop3A_1244 : vector<16xf32>
        %parallel_loop3A_1260 = arith.mulf %parallel_loop3A_1259, %parallel_loop3A_1050 : vector<16xf32>
        %parallel_loop3A_1261 = arith.addf %parallel_loop3A_1236, %parallel_loop3A_1246 : vector<16xf32>
        %parallel_loop3A_1262 = arith.mulf %parallel_loop3A_1261, %parallel_loop3A_1050 : vector<16xf32>
        %parallel_loop3A_1263 = arith.addf %parallel_loop3A_1237, %parallel_loop3A_1248 : vector<16xf32>
        %parallel_loop3A_1264 = arith.mulf %parallel_loop3A_1263, %parallel_loop3A_1050 : vector<16xf32>
        %parallel_loop3A_1265 = arith.addf %parallel_loop3A_1238, %parallel_loop3A_1250 : vector<16xf32>
        %parallel_loop3A_1266 = arith.mulf %parallel_loop3A_1265, %parallel_loop3A_1050 : vector<16xf32>
        %parallel_loop3A_1267 = arith.addf %parallel_loop3A_1239, %parallel_loop3A_1252 : vector<16xf32>
        %parallel_loop3A_1268 = arith.mulf %parallel_loop3A_1267, %parallel_loop3A_1050 : vector<16xf32>
        %parallel_loop3A_1269 = arith.addf %parallel_loop3A_1240, %parallel_loop3A_1254 : vector<16xf32>
        %parallel_loop3A_1270 = arith.mulf %parallel_loop3A_1269, %parallel_loop3A_1050 : vector<16xf32>
        %parallel_loop3A_1271 = arith.addf %parallel_loop3A_1241, %parallel_loop3A_1256 : vector<16xf32>
        %parallel_loop3A_1272 = arith.mulf %parallel_loop3A_1271, %parallel_loop3A_1050 : vector<16xf32>
        %parallel_loop3A_1273 = arith.addf %parallel_loop3A_1242, %parallel_loop3A_1258 : vector<16xf32>
        %parallel_loop3A_1274 = arith.mulf %parallel_loop3A_1273, %parallel_loop3A_1050 : vector<16xf32>
        tpu.vector_store_idx %arg11[%parallel_loop3A_451, %parallel_loop3A_473, %parallel_loop3A_1220], %parallel_loop3A_1260 : memref<16x26x64xf32, #tpu.memory_space<vmem>>[vector<16xi32>, vector<16xi32>, vector<16xi32>], vector<16xf32>,
        tpu.vector_store_idx %arg11[%parallel_loop3A_451, %parallel_loop3A_473, %parallel_loop3A_1222], %parallel_loop3A_1262 : memref<16x26x64xf32, #tpu.memory_space<vmem>>[vector<16xi32>, vector<16xi32>, vector<16xi32>], vector<16xf32>,
        tpu.vector_store_idx %arg11[%parallel_loop3A_451, %parallel_loop3A_473, %parallel_loop3A_1224], %parallel_loop3A_1264 : memref<16x26x64xf32, #tpu.memory_space<vmem>>[vector<16xi32>, vector<16xi32>, vector<16xi32>], vector<16xf32>,
        tpu.vector_store_idx %arg11[%parallel_loop3A_451, %parallel_loop3A_473, %parallel_loop3A_1226], %parallel_loop3A_1266 : memref<16x26x64xf32, #tpu.memory_space<vmem>>[vector<16xi32>, vector<16xi32>, vector<16xi32>], vector<16xf32>,
        tpu.vector_store_idx %arg11[%parallel_loop3A_451, %parallel_loop3A_473, %parallel_loop3A_1228], %parallel_loop3A_1268 : memref<16x26x64xf32, #tpu.memory_space<vmem>>[vector<16xi32>, vector<16xi32>, vector<16xi32>], vector<16xf32>,
        tpu.vector_store_idx %arg11[%parallel_loop3A_451, %parallel_loop3A_473, %parallel_loop3A_1230], %parallel_loop3A_1270 : memref<16x26x64xf32, #tpu.memory_space<vmem>>[vector<16xi32>, vector<16xi32>, vector<16xi32>], vector<16xf32>,
        tpu.vector_store_idx %arg11[%parallel_loop3A_451, %parallel_loop3A_473, %parallel_loop3A_1232], %parallel_loop3A_1272 : memref<16x26x64xf32, #tpu.memory_space<vmem>>[vector<16xi32>, vector<16xi32>, vector<16xi32>], vector<16xf32>,
        tpu.vector_store_idx %arg11[%parallel_loop3A_451, %parallel_loop3A_473, %parallel_loop3A_1234], %parallel_loop3A_1274 : memref<16x26x64xf32, #tpu.memory_space<vmem>>[vector<16xi32>, vector<16xi32>, vector<16xi32>], vector<16xf32>,
        %parallel_loop3A_1275 = arith.constant 32 : i32
        %parallel_loop3A_1276 = vector.broadcast %parallel_loop3A_1275 : i32 to vector<16xi32>
        %parallel_loop3A_1277 = arith.constant 33 : i32
        %parallel_loop3A_1278 = vector.broadcast %parallel_loop3A_1277 : i32 to vector<16xi32>
        %parallel_loop3A_1279 = arith.constant 34 : i32
        %parallel_loop3A_1280 = vector.broadcast %parallel_loop3A_1279 : i32 to vector<16xi32>
        %parallel_loop3A_1281 = arith.constant 35 : i32
        %parallel_loop3A_1282 = vector.broadcast %parallel_loop3A_1281 : i32 to vector<16xi32>
        %parallel_loop3A_1283 = arith.constant 36 : i32
        %parallel_loop3A_1284 = vector.broadcast %parallel_loop3A_1283 : i32 to vector<16xi32>
        %parallel_loop3A_1285 = arith.constant 37 : i32
        %parallel_loop3A_1286 = vector.broadcast %parallel_loop3A_1285 : i32 to vector<16xi32>
        %parallel_loop3A_1287 = arith.constant 38 : i32
        %parallel_loop3A_1288 = vector.broadcast %parallel_loop3A_1287 : i32 to vector<16xi32>
        %parallel_loop3A_1289 = arith.constant 39 : i32
        %parallel_loop3A_1290 = vector.broadcast %parallel_loop3A_1289 : i32 to vector<16xi32>
        %parallel_loop3A_1291 = tpu.vector_load_idx %arg9[%parallel_loop3A_420, %parallel_loop3A_1276] : memref<416x64xf32, #tpu.memory_space<vmem>>[vector<16xi32>, vector<16xi32>], vector<16xf32>,
        %parallel_loop3A_1292 = tpu.vector_load_idx %arg9[%parallel_loop3A_420, %parallel_loop3A_1278] : memref<416x64xf32, #tpu.memory_space<vmem>>[vector<16xi32>, vector<16xi32>], vector<16xf32>,
        %parallel_loop3A_1293 = tpu.vector_load_idx %arg9[%parallel_loop3A_420, %parallel_loop3A_1280] : memref<416x64xf32, #tpu.memory_space<vmem>>[vector<16xi32>, vector<16xi32>], vector<16xf32>,
        %parallel_loop3A_1294 = tpu.vector_load_idx %arg9[%parallel_loop3A_420, %parallel_loop3A_1282] : memref<416x64xf32, #tpu.memory_space<vmem>>[vector<16xi32>, vector<16xi32>], vector<16xf32>,
        %parallel_loop3A_1295 = tpu.vector_load_idx %arg9[%parallel_loop3A_420, %parallel_loop3A_1284] : memref<416x64xf32, #tpu.memory_space<vmem>>[vector<16xi32>, vector<16xi32>], vector<16xf32>,
        %parallel_loop3A_1296 = tpu.vector_load_idx %arg9[%parallel_loop3A_420, %parallel_loop3A_1286] : memref<416x64xf32, #tpu.memory_space<vmem>>[vector<16xi32>, vector<16xi32>], vector<16xf32>,
        %parallel_loop3A_1297 = tpu.vector_load_idx %arg9[%parallel_loop3A_420, %parallel_loop3A_1288] : memref<416x64xf32, #tpu.memory_space<vmem>>[vector<16xi32>, vector<16xi32>], vector<16xf32>,
        %parallel_loop3A_1298 = tpu.vector_load_idx %arg9[%parallel_loop3A_420, %parallel_loop3A_1290] : memref<416x64xf32, #tpu.memory_space<vmem>>[vector<16xi32>, vector<16xi32>], vector<16xf32>,
        %parallel_loop3A_1299 = arith.constant 512 : index
        %parallel_loop3A_1300 = tpu.vector_load %arg13[%parallel_loop3A_1299] {strides = array<i32>} : memref<1024xf32, #tpu.memory_space<vmem>>, vector<16xf32>,
        %parallel_loop3A_1301 = arith.constant 528 : index
        %parallel_loop3A_1302 = tpu.vector_load %arg13[%parallel_loop3A_1301] {strides = array<i32>} : memref<1024xf32, #tpu.memory_space<vmem>>, vector<16xf32>,
        %parallel_loop3A_1303 = arith.constant 544 : index
        %parallel_loop3A_1304 = tpu.vector_load %arg13[%parallel_loop3A_1303] {strides = array<i32>} : memref<1024xf32, #tpu.memory_space<vmem>>, vector<16xf32>,
        %parallel_loop3A_1305 = arith.constant 560 : index
        %parallel_loop3A_1306 = tpu.vector_load %arg13[%parallel_loop3A_1305] {strides = array<i32>} : memref<1024xf32, #tpu.memory_space<vmem>>, vector<16xf32>,
        %parallel_loop3A_1307 = arith.constant 576 : index
        %parallel_loop3A_1308 = tpu.vector_load %arg13[%parallel_loop3A_1307] {strides = array<i32>} : memref<1024xf32, #tpu.memory_space<vmem>>, vector<16xf32>,
        %parallel_loop3A_1309 = arith.constant 592 : index
        %parallel_loop3A_1310 = tpu.vector_load %arg13[%parallel_loop3A_1309] {strides = array<i32>} : memref<1024xf32, #tpu.memory_space<vmem>>, vector<16xf32>,
        %parallel_loop3A_1311 = arith.constant 608 : index
        %parallel_loop3A_1312 = tpu.vector_load %arg13[%parallel_loop3A_1311] {strides = array<i32>} : memref<1024xf32, #tpu.memory_space<vmem>>, vector<16xf32>,
        %parallel_loop3A_1313 = arith.constant 624 : index
        %parallel_loop3A_1314 = tpu.vector_load %arg13[%parallel_loop3A_1313] {strides = array<i32>} : memref<1024xf32, #tpu.memory_space<vmem>>, vector<16xf32>,
        %parallel_loop3A_1315 = arith.addf %parallel_loop3A_1291, %parallel_loop3A_1300 : vector<16xf32>
        %parallel_loop3A_1316 = arith.mulf %parallel_loop3A_1315, %parallel_loop3A_1050 : vector<16xf32>
        %parallel_loop3A_1317 = arith.addf %parallel_loop3A_1292, %parallel_loop3A_1302 : vector<16xf32>
        %parallel_loop3A_1318 = arith.mulf %parallel_loop3A_1317, %parallel_loop3A_1050 : vector<16xf32>
        %parallel_loop3A_1319 = arith.addf %parallel_loop3A_1293, %parallel_loop3A_1304 : vector<16xf32>
        %parallel_loop3A_1320 = arith.mulf %parallel_loop3A_1319, %parallel_loop3A_1050 : vector<16xf32>
        %parallel_loop3A_1321 = arith.addf %parallel_loop3A_1294, %parallel_loop3A_1306 : vector<16xf32>
        %parallel_loop3A_1322 = arith.mulf %parallel_loop3A_1321, %parallel_loop3A_1050 : vector<16xf32>
        %parallel_loop3A_1323 = arith.addf %parallel_loop3A_1295, %parallel_loop3A_1308 : vector<16xf32>
        %parallel_loop3A_1324 = arith.mulf %parallel_loop3A_1323, %parallel_loop3A_1050 : vector<16xf32>
        %parallel_loop3A_1325 = arith.addf %parallel_loop3A_1296, %parallel_loop3A_1310 : vector<16xf32>
        %parallel_loop3A_1326 = arith.mulf %parallel_loop3A_1325, %parallel_loop3A_1050 : vector<16xf32>
        %parallel_loop3A_1327 = arith.addf %parallel_loop3A_1297, %parallel_loop3A_1312 : vector<16xf32>
        %parallel_loop3A_1328 = arith.mulf %parallel_loop3A_1327, %parallel_loop3A_1050 : vector<16xf32>
        %parallel_loop3A_1329 = arith.addf %parallel_loop3A_1298, %parallel_loop3A_1314 : vector<16xf32>
        %parallel_loop3A_1330 = arith.mulf %parallel_loop3A_1329, %parallel_loop3A_1050 : vector<16xf32>
        tpu.vector_store_idx %arg11[%parallel_loop3A_451, %parallel_loop3A_473, %parallel_loop3A_1276], %parallel_loop3A_1316 : memref<16x26x64xf32, #tpu.memory_space<vmem>>[vector<16xi32>, vector<16xi32>, vector<16xi32>], vector<16xf32>,
        tpu.vector_store_idx %arg11[%parallel_loop3A_451, %parallel_loop3A_473, %parallel_loop3A_1278], %parallel_loop3A_1318 : memref<16x26x64xf32, #tpu.memory_space<vmem>>[vector<16xi32>, vector<16xi32>, vector<16xi32>], vector<16xf32>,
        tpu.vector_store_idx %arg11[%parallel_loop3A_451, %parallel_loop3A_473, %parallel_loop3A_1280], %parallel_loop3A_1320 : memref<16x26x64xf32, #tpu.memory_space<vmem>>[vector<16xi32>, vector<16xi32>, vector<16xi32>], vector<16xf32>,
        tpu.vector_store_idx %arg11[%parallel_loop3A_451, %parallel_loop3A_473, %parallel_loop3A_1282], %parallel_loop3A_1322 : memref<16x26x64xf32, #tpu.memory_space<vmem>>[vector<16xi32>, vector<16xi32>, vector<16xi32>], vector<16xf32>,
        tpu.vector_store_idx %arg11[%parallel_loop3A_451, %parallel_loop3A_473, %parallel_loop3A_1284], %parallel_loop3A_1324 : memref<16x26x64xf32, #tpu.memory_space<vmem>>[vector<16xi32>, vector<16xi32>, vector<16xi32>], vector<16xf32>,
        tpu.vector_store_idx %arg11[%parallel_loop3A_451, %parallel_loop3A_473, %parallel_loop3A_1286], %parallel_loop3A_1326 : memref<16x26x64xf32, #tpu.memory_space<vmem>>[vector<16xi32>, vector<16xi32>, vector<16xi32>], vector<16xf32>,
        tpu.vector_store_idx %arg11[%parallel_loop3A_451, %parallel_loop3A_473, %parallel_loop3A_1288], %parallel_loop3A_1328 : memref<16x26x64xf32, #tpu.memory_space<vmem>>[vector<16xi32>, vector<16xi32>, vector<16xi32>], vector<16xf32>,
        tpu.vector_store_idx %arg11[%parallel_loop3A_451, %parallel_loop3A_473, %parallel_loop3A_1290], %parallel_loop3A_1330 : memref<16x26x64xf32, #tpu.memory_space<vmem>>[vector<16xi32>, vector<16xi32>, vector<16xi32>], vector<16xf32>,
        %parallel_loop3A_1331 = arith.constant 40 : i32
        %parallel_loop3A_1332 = vector.broadcast %parallel_loop3A_1331 : i32 to vector<16xi32>
        %parallel_loop3A_1333 = arith.constant 41 : i32
        %parallel_loop3A_1334 = vector.broadcast %parallel_loop3A_1333 : i32 to vector<16xi32>
        %parallel_loop3A_1335 = arith.constant 42 : i32
        %parallel_loop3A_1336 = vector.broadcast %parallel_loop3A_1335 : i32 to vector<16xi32>
        %parallel_loop3A_1337 = arith.constant 43 : i32
        %parallel_loop3A_1338 = vector.broadcast %parallel_loop3A_1337 : i32 to vector<16xi32>
        %parallel_loop3A_1339 = arith.constant 44 : i32
        %parallel_loop3A_1340 = vector.broadcast %parallel_loop3A_1339 : i32 to vector<16xi32>
        %parallel_loop3A_1341 = arith.constant 45 : i32
        %parallel_loop3A_1342 = vector.broadcast %parallel_loop3A_1341 : i32 to vector<16xi32>
        %parallel_loop3A_1343 = arith.constant 46 : i32
        %parallel_loop3A_1344 = vector.broadcast %parallel_loop3A_1343 : i32 to vector<16xi32>
        %parallel_loop3A_1345 = arith.constant 47 : i32
        %parallel_loop3A_1346 = vector.broadcast %parallel_loop3A_1345 : i32 to vector<16xi32>
        %parallel_loop3A_1347 = tpu.vector_load_idx %arg9[%parallel_loop3A_420, %parallel_loop3A_1332] : memref<416x64xf32, #tpu.memory_space<vmem>>[vector<16xi32>, vector<16xi32>], vector<16xf32>,
        %parallel_loop3A_1348 = tpu.vector_load_idx %arg9[%parallel_loop3A_420, %parallel_loop3A_1334] : memref<416x64xf32, #tpu.memory_space<vmem>>[vector<16xi32>, vector<16xi32>], vector<16xf32>,
        %parallel_loop3A_1349 = tpu.vector_load_idx %arg9[%parallel_loop3A_420, %parallel_loop3A_1336] : memref<416x64xf32, #tpu.memory_space<vmem>>[vector<16xi32>, vector<16xi32>], vector<16xf32>,
        %parallel_loop3A_1350 = tpu.vector_load_idx %arg9[%parallel_loop3A_420, %parallel_loop3A_1338] : memref<416x64xf32, #tpu.memory_space<vmem>>[vector<16xi32>, vector<16xi32>], vector<16xf32>,
        %parallel_loop3A_1351 = tpu.vector_load_idx %arg9[%parallel_loop3A_420, %parallel_loop3A_1340] : memref<416x64xf32, #tpu.memory_space<vmem>>[vector<16xi32>, vector<16xi32>], vector<16xf32>,
        %parallel_loop3A_1352 = tpu.vector_load_idx %arg9[%parallel_loop3A_420, %parallel_loop3A_1342] : memref<416x64xf32, #tpu.memory_space<vmem>>[vector<16xi32>, vector<16xi32>], vector<16xf32>,
        %parallel_loop3A_1353 = tpu.vector_load_idx %arg9[%parallel_loop3A_420, %parallel_loop3A_1344] : memref<416x64xf32, #tpu.memory_space<vmem>>[vector<16xi32>, vector<16xi32>], vector<16xf32>,
        %parallel_loop3A_1354 = tpu.vector_load_idx %arg9[%parallel_loop3A_420, %parallel_loop3A_1346] : memref<416x64xf32, #tpu.memory_space<vmem>>[vector<16xi32>, vector<16xi32>], vector<16xf32>,
        %parallel_loop3A_1355 = arith.constant 640 : index
        %parallel_loop3A_1356 = tpu.vector_load %arg13[%parallel_loop3A_1355] {strides = array<i32>} : memref<1024xf32, #tpu.memory_space<vmem>>, vector<16xf32>,
        %parallel_loop3A_1357 = arith.constant 656 : index
        %parallel_loop3A_1358 = tpu.vector_load %arg13[%parallel_loop3A_1357] {strides = array<i32>} : memref<1024xf32, #tpu.memory_space<vmem>>, vector<16xf32>,
        %parallel_loop3A_1359 = arith.constant 672 : index
        %parallel_loop3A_1360 = tpu.vector_load %arg13[%parallel_loop3A_1359] {strides = array<i32>} : memref<1024xf32, #tpu.memory_space<vmem>>, vector<16xf32>,
        %parallel_loop3A_1361 = arith.constant 688 : index
        %parallel_loop3A_1362 = tpu.vector_load %arg13[%parallel_loop3A_1361] {strides = array<i32>} : memref<1024xf32, #tpu.memory_space<vmem>>, vector<16xf32>,
        %parallel_loop3A_1363 = arith.constant 704 : index
        %parallel_loop3A_1364 = tpu.vector_load %arg13[%parallel_loop3A_1363] {strides = array<i32>} : memref<1024xf32, #tpu.memory_space<vmem>>, vector<16xf32>,
        %parallel_loop3A_1365 = arith.constant 720 : index
        %parallel_loop3A_1366 = tpu.vector_load %arg13[%parallel_loop3A_1365] {strides = array<i32>} : memref<1024xf32, #tpu.memory_space<vmem>>, vector<16xf32>,
        %parallel_loop3A_1367 = arith.constant 736 : index
        %parallel_loop3A_1368 = tpu.vector_load %arg13[%parallel_loop3A_1367] {strides = array<i32>} : memref<1024xf32, #tpu.memory_space<vmem>>, vector<16xf32>,
        %parallel_loop3A_1369 = arith.constant 752 : index
        %parallel_loop3A_1370 = tpu.vector_load %arg13[%parallel_loop3A_1369] {strides = array<i32>} : memref<1024xf32, #tpu.memory_space<vmem>>, vector<16xf32>,
        %parallel_loop3A_1371 = arith.addf %parallel_loop3A_1347, %parallel_loop3A_1356 : vector<16xf32>
        %parallel_loop3A_1372 = arith.mulf %parallel_loop3A_1371, %parallel_loop3A_1050 : vector<16xf32>
        %parallel_loop3A_1373 = arith.addf %parallel_loop3A_1348, %parallel_loop3A_1358 : vector<16xf32>
        %parallel_loop3A_1374 = arith.mulf %parallel_loop3A_1373, %parallel_loop3A_1050 : vector<16xf32>
        %parallel_loop3A_1375 = arith.addf %parallel_loop3A_1349, %parallel_loop3A_1360 : vector<16xf32>
        %parallel_loop3A_1376 = arith.mulf %parallel_loop3A_1375, %parallel_loop3A_1050 : vector<16xf32>
        %parallel_loop3A_1377 = arith.addf %parallel_loop3A_1350, %parallel_loop3A_1362 : vector<16xf32>
        %parallel_loop3A_1378 = arith.mulf %parallel_loop3A_1377, %parallel_loop3A_1050 : vector<16xf32>
        %parallel_loop3A_1379 = arith.addf %parallel_loop3A_1351, %parallel_loop3A_1364 : vector<16xf32>
        %parallel_loop3A_1380 = arith.mulf %parallel_loop3A_1379, %parallel_loop3A_1050 : vector<16xf32>
        %parallel_loop3A_1381 = arith.addf %parallel_loop3A_1352, %parallel_loop3A_1366 : vector<16xf32>
        %parallel_loop3A_1382 = arith.mulf %parallel_loop3A_1381, %parallel_loop3A_1050 : vector<16xf32>
        %parallel_loop3A_1383 = arith.addf %parallel_loop3A_1353, %parallel_loop3A_1368 : vector<16xf32>
        %parallel_loop3A_1384 = arith.mulf %parallel_loop3A_1383, %parallel_loop3A_1050 : vector<16xf32>
        %parallel_loop3A_1385 = arith.addf %parallel_loop3A_1354, %parallel_loop3A_1370 : vector<16xf32>
        %parallel_loop3A_1386 = arith.mulf %parallel_loop3A_1385, %parallel_loop3A_1050 : vector<16xf32>
        tpu.vector_store_idx %arg11[%parallel_loop3A_451, %parallel_loop3A_473, %parallel_loop3A_1332], %parallel_loop3A_1372 : memref<16x26x64xf32, #tpu.memory_space<vmem>>[vector<16xi32>, vector<16xi32>, vector<16xi32>], vector<16xf32>,
        tpu.vector_store_idx %arg11[%parallel_loop3A_451, %parallel_loop3A_473, %parallel_loop3A_1334], %parallel_loop3A_1374 : memref<16x26x64xf32, #tpu.memory_space<vmem>>[vector<16xi32>, vector<16xi32>, vector<16xi32>], vector<16xf32>,
        tpu.vector_store_idx %arg11[%parallel_loop3A_451, %parallel_loop3A_473, %parallel_loop3A_1336], %parallel_loop3A_1376 : memref<16x26x64xf32, #tpu.memory_space<vmem>>[vector<16xi32>, vector<16xi32>, vector<16xi32>], vector<16xf32>,
        tpu.vector_store_idx %arg11[%parallel_loop3A_451, %parallel_loop3A_473, %parallel_loop3A_1338], %parallel_loop3A_1378 : memref<16x26x64xf32, #tpu.memory_space<vmem>>[vector<16xi32>, vector<16xi32>, vector<16xi32>], vector<16xf32>,
        tpu.vector_store_idx %arg11[%parallel_loop3A_451, %parallel_loop3A_473, %parallel_loop3A_1340], %parallel_loop3A_1380 : memref<16x26x64xf32, #tpu.memory_space<vmem>>[vector<16xi32>, vector<16xi32>, vector<16xi32>], vector<16xf32>,
        tpu.vector_store_idx %arg11[%parallel_loop3A_451, %parallel_loop3A_473, %parallel_loop3A_1342], %parallel_loop3A_1382 : memref<16x26x64xf32, #tpu.memory_space<vmem>>[vector<16xi32>, vector<16xi32>, vector<16xi32>], vector<16xf32>,
        tpu.vector_store_idx %arg11[%parallel_loop3A_451, %parallel_loop3A_473, %parallel_loop3A_1344], %parallel_loop3A_1384 : memref<16x26x64xf32, #tpu.memory_space<vmem>>[vector<16xi32>, vector<16xi32>, vector<16xi32>], vector<16xf32>,
        tpu.vector_store_idx %arg11[%parallel_loop3A_451, %parallel_loop3A_473, %parallel_loop3A_1346], %parallel_loop3A_1386 : memref<16x26x64xf32, #tpu.memory_space<vmem>>[vector<16xi32>, vector<16xi32>, vector<16xi32>], vector<16xf32>,
        %parallel_loop3A_1387 = arith.constant 48 : i32
        %parallel_loop3A_1388 = vector.broadcast %parallel_loop3A_1387 : i32 to vector<16xi32>
        %parallel_loop3A_1389 = arith.constant 49 : i32
        %parallel_loop3A_1390 = vector.broadcast %parallel_loop3A_1389 : i32 to vector<16xi32>
        %parallel_loop3A_1391 = arith.constant 50 : i32
        %parallel_loop3A_1392 = vector.broadcast %parallel_loop3A_1391 : i32 to vector<16xi32>
        %parallel_loop3A_1393 = arith.constant 51 : i32
        %parallel_loop3A_1394 = vector.broadcast %parallel_loop3A_1393 : i32 to vector<16xi32>
        %parallel_loop3A_1395 = arith.constant 52 : i32
        %parallel_loop3A_1396 = vector.broadcast %parallel_loop3A_1395 : i32 to vector<16xi32>
        %parallel_loop3A_1397 = arith.constant 53 : i32
        %parallel_loop3A_1398 = vector.broadcast %parallel_loop3A_1397 : i32 to vector<16xi32>
        %parallel_loop3A_1399 = arith.constant 54 : i32
        %parallel_loop3A_1400 = vector.broadcast %parallel_loop3A_1399 : i32 to vector<16xi32>
        %parallel_loop3A_1401 = arith.constant 55 : i32
        %parallel_loop3A_1402 = vector.broadcast %parallel_loop3A_1401 : i32 to vector<16xi32>
        %parallel_loop3A_1403 = tpu.vector_load_idx %arg9[%parallel_loop3A_420, %parallel_loop3A_1388] : memref<416x64xf32, #tpu.memory_space<vmem>>[vector<16xi32>, vector<16xi32>], vector<16xf32>,
        %parallel_loop3A_1404 = tpu.vector_load_idx %arg9[%parallel_loop3A_420, %parallel_loop3A_1390] : memref<416x64xf32, #tpu.memory_space<vmem>>[vector<16xi32>, vector<16xi32>], vector<16xf32>,
        %parallel_loop3A_1405 = tpu.vector_load_idx %arg9[%parallel_loop3A_420, %parallel_loop3A_1392] : memref<416x64xf32, #tpu.memory_space<vmem>>[vector<16xi32>, vector<16xi32>], vector<16xf32>,
        %parallel_loop3A_1406 = tpu.vector_load_idx %arg9[%parallel_loop3A_420, %parallel_loop3A_1394] : memref<416x64xf32, #tpu.memory_space<vmem>>[vector<16xi32>, vector<16xi32>], vector<16xf32>,
        %parallel_loop3A_1407 = tpu.vector_load_idx %arg9[%parallel_loop3A_420, %parallel_loop3A_1396] : memref<416x64xf32, #tpu.memory_space<vmem>>[vector<16xi32>, vector<16xi32>], vector<16xf32>,
        %parallel_loop3A_1408 = tpu.vector_load_idx %arg9[%parallel_loop3A_420, %parallel_loop3A_1398] : memref<416x64xf32, #tpu.memory_space<vmem>>[vector<16xi32>, vector<16xi32>], vector<16xf32>,
        %parallel_loop3A_1409 = tpu.vector_load_idx %arg9[%parallel_loop3A_420, %parallel_loop3A_1400] : memref<416x64xf32, #tpu.memory_space<vmem>>[vector<16xi32>, vector<16xi32>], vector<16xf32>,
        %parallel_loop3A_1410 = tpu.vector_load_idx %arg9[%parallel_loop3A_420, %parallel_loop3A_1402] : memref<416x64xf32, #tpu.memory_space<vmem>>[vector<16xi32>, vector<16xi32>], vector<16xf32>,
        %parallel_loop3A_1411 = arith.constant 768 : index
        %parallel_loop3A_1412 = tpu.vector_load %arg13[%parallel_loop3A_1411] {strides = array<i32>} : memref<1024xf32, #tpu.memory_space<vmem>>, vector<16xf32>,
        %parallel_loop3A_1413 = arith.constant 784 : index
        %parallel_loop3A_1414 = tpu.vector_load %arg13[%parallel_loop3A_1413] {strides = array<i32>} : memref<1024xf32, #tpu.memory_space<vmem>>, vector<16xf32>,
        %parallel_loop3A_1415 = arith.constant 800 : index
        %parallel_loop3A_1416 = tpu.vector_load %arg13[%parallel_loop3A_1415] {strides = array<i32>} : memref<1024xf32, #tpu.memory_space<vmem>>, vector<16xf32>,
        %parallel_loop3A_1417 = arith.constant 816 : index
        %parallel_loop3A_1418 = tpu.vector_load %arg13[%parallel_loop3A_1417] {strides = array<i32>} : memref<1024xf32, #tpu.memory_space<vmem>>, vector<16xf32>,
        %parallel_loop3A_1419 = arith.constant 832 : index
        %parallel_loop3A_1420 = tpu.vector_load %arg13[%parallel_loop3A_1419] {strides = array<i32>} : memref<1024xf32, #tpu.memory_space<vmem>>, vector<16xf32>,
        %parallel_loop3A_1421 = arith.constant 848 : index
        %parallel_loop3A_1422 = tpu.vector_load %arg13[%parallel_loop3A_1421] {strides = array<i32>} : memref<1024xf32, #tpu.memory_space<vmem>>, vector<16xf32>,
        %parallel_loop3A_1423 = arith.constant 864 : index
        %parallel_loop3A_1424 = tpu.vector_load %arg13[%parallel_loop3A_1423] {strides = array<i32>} : memref<1024xf32, #tpu.memory_space<vmem>>, vector<16xf32>,
        %parallel_loop3A_1425 = arith.constant 880 : index
        %parallel_loop3A_1426 = tpu.vector_load %arg13[%parallel_loop3A_1425] {strides = array<i32>} : memref<1024xf32, #tpu.memory_space<vmem>>, vector<16xf32>,
        %parallel_loop3A_1427 = arith.addf %parallel_loop3A_1403, %parallel_loop3A_1412 : vector<16xf32>
        %parallel_loop3A_1428 = arith.mulf %parallel_loop3A_1427, %parallel_loop3A_1050 : vector<16xf32>
        %parallel_loop3A_1429 = arith.addf %parallel_loop3A_1404, %parallel_loop3A_1414 : vector<16xf32>
        %parallel_loop3A_1430 = arith.mulf %parallel_loop3A_1429, %parallel_loop3A_1050 : vector<16xf32>
        %parallel_loop3A_1431 = arith.addf %parallel_loop3A_1405, %parallel_loop3A_1416 : vector<16xf32>
        %parallel_loop3A_1432 = arith.mulf %parallel_loop3A_1431, %parallel_loop3A_1050 : vector<16xf32>
        %parallel_loop3A_1433 = arith.addf %parallel_loop3A_1406, %parallel_loop3A_1418 : vector<16xf32>
        %parallel_loop3A_1434 = arith.mulf %parallel_loop3A_1433, %parallel_loop3A_1050 : vector<16xf32>
        %parallel_loop3A_1435 = arith.addf %parallel_loop3A_1407, %parallel_loop3A_1420 : vector<16xf32>
        %parallel_loop3A_1436 = arith.mulf %parallel_loop3A_1435, %parallel_loop3A_1050 : vector<16xf32>
        %parallel_loop3A_1437 = arith.addf %parallel_loop3A_1408, %parallel_loop3A_1422 : vector<16xf32>
        %parallel_loop3A_1438 = arith.mulf %parallel_loop3A_1437, %parallel_loop3A_1050 : vector<16xf32>
        %parallel_loop3A_1439 = arith.addf %parallel_loop3A_1409, %parallel_loop3A_1424 : vector<16xf32>
        %parallel_loop3A_1440 = arith.mulf %parallel_loop3A_1439, %parallel_loop3A_1050 : vector<16xf32>
        %parallel_loop3A_1441 = arith.addf %parallel_loop3A_1410, %parallel_loop3A_1426 : vector<16xf32>
        %parallel_loop3A_1442 = arith.mulf %parallel_loop3A_1441, %parallel_loop3A_1050 : vector<16xf32>
        tpu.vector_store_idx %arg11[%parallel_loop3A_451, %parallel_loop3A_473, %parallel_loop3A_1388], %parallel_loop3A_1428 : memref<16x26x64xf32, #tpu.memory_space<vmem>>[vector<16xi32>, vector<16xi32>, vector<16xi32>], vector<16xf32>,
        tpu.vector_store_idx %arg11[%parallel_loop3A_451, %parallel_loop3A_473, %parallel_loop3A_1390], %parallel_loop3A_1430 : memref<16x26x64xf32, #tpu.memory_space<vmem>>[vector<16xi32>, vector<16xi32>, vector<16xi32>], vector<16xf32>,
        tpu.vector_store_idx %arg11[%parallel_loop3A_451, %parallel_loop3A_473, %parallel_loop3A_1392], %parallel_loop3A_1432 : memref<16x26x64xf32, #tpu.memory_space<vmem>>[vector<16xi32>, vector<16xi32>, vector<16xi32>], vector<16xf32>,
        tpu.vector_store_idx %arg11[%parallel_loop3A_451, %parallel_loop3A_473, %parallel_loop3A_1394], %parallel_loop3A_1434 : memref<16x26x64xf32, #tpu.memory_space<vmem>>[vector<16xi32>, vector<16xi32>, vector<16xi32>], vector<16xf32>,
        tpu.vector_store_idx %arg11[%parallel_loop3A_451, %parallel_loop3A_473, %parallel_loop3A_1396], %parallel_loop3A_1436 : memref<16x26x64xf32, #tpu.memory_space<vmem>>[vector<16xi32>, vector<16xi32>, vector<16xi32>], vector<16xf32>,
        tpu.vector_store_idx %arg11[%parallel_loop3A_451, %parallel_loop3A_473, %parallel_loop3A_1398], %parallel_loop3A_1438 : memref<16x26x64xf32, #tpu.memory_space<vmem>>[vector<16xi32>, vector<16xi32>, vector<16xi32>], vector<16xf32>,
        tpu.vector_store_idx %arg11[%parallel_loop3A_451, %parallel_loop3A_473, %parallel_loop3A_1400], %parallel_loop3A_1440 : memref<16x26x64xf32, #tpu.memory_space<vmem>>[vector<16xi32>, vector<16xi32>, vector<16xi32>], vector<16xf32>,
        tpu.vector_store_idx %arg11[%parallel_loop3A_451, %parallel_loop3A_473, %parallel_loop3A_1402], %parallel_loop3A_1442 : memref<16x26x64xf32, #tpu.memory_space<vmem>>[vector<16xi32>, vector<16xi32>, vector<16xi32>], vector<16xf32>,
        %parallel_loop3A_1443 = arith.constant 56 : i32
        %parallel_loop3A_1444 = vector.broadcast %parallel_loop3A_1443 : i32 to vector<16xi32>
        %parallel_loop3A_1445 = arith.constant 57 : i32
        %parallel_loop3A_1446 = vector.broadcast %parallel_loop3A_1445 : i32 to vector<16xi32>
        %parallel_loop3A_1447 = arith.constant 58 : i32
        %parallel_loop3A_1448 = vector.broadcast %parallel_loop3A_1447 : i32 to vector<16xi32>
        %parallel_loop3A_1449 = arith.constant 59 : i32
        %parallel_loop3A_1450 = vector.broadcast %parallel_loop3A_1449 : i32 to vector<16xi32>
        %parallel_loop3A_1451 = arith.constant 60 : i32
        %parallel_loop3A_1452 = vector.broadcast %parallel_loop3A_1451 : i32 to vector<16xi32>
        %parallel_loop3A_1453 = arith.constant 61 : i32
        %parallel_loop3A_1454 = vector.broadcast %parallel_loop3A_1453 : i32 to vector<16xi32>
        %parallel_loop3A_1455 = arith.constant 62 : i32
        %parallel_loop3A_1456 = vector.broadcast %parallel_loop3A_1455 : i32 to vector<16xi32>
        %parallel_loop3A_1457 = arith.constant 63 : i32
        %parallel_loop3A_1458 = vector.broadcast %parallel_loop3A_1457 : i32 to vector<16xi32>
        %parallel_loop3A_1459 = tpu.vector_load_idx %arg9[%parallel_loop3A_420, %parallel_loop3A_1444] : memref<416x64xf32, #tpu.memory_space<vmem>>[vector<16xi32>, vector<16xi32>], vector<16xf32>,
        %parallel_loop3A_1460 = tpu.vector_load_idx %arg9[%parallel_loop3A_420, %parallel_loop3A_1446] : memref<416x64xf32, #tpu.memory_space<vmem>>[vector<16xi32>, vector<16xi32>], vector<16xf32>,
        %parallel_loop3A_1461 = tpu.vector_load_idx %arg9[%parallel_loop3A_420, %parallel_loop3A_1448] : memref<416x64xf32, #tpu.memory_space<vmem>>[vector<16xi32>, vector<16xi32>], vector<16xf32>,
        %parallel_loop3A_1462 = tpu.vector_load_idx %arg9[%parallel_loop3A_420, %parallel_loop3A_1450] : memref<416x64xf32, #tpu.memory_space<vmem>>[vector<16xi32>, vector<16xi32>], vector<16xf32>,
        %parallel_loop3A_1463 = tpu.vector_load_idx %arg9[%parallel_loop3A_420, %parallel_loop3A_1452] : memref<416x64xf32, #tpu.memory_space<vmem>>[vector<16xi32>, vector<16xi32>], vector<16xf32>,
        %parallel_loop3A_1464 = tpu.vector_load_idx %arg9[%parallel_loop3A_420, %parallel_loop3A_1454] : memref<416x64xf32, #tpu.memory_space<vmem>>[vector<16xi32>, vector<16xi32>], vector<16xf32>,
        %parallel_loop3A_1465 = tpu.vector_load_idx %arg9[%parallel_loop3A_420, %parallel_loop3A_1456] : memref<416x64xf32, #tpu.memory_space<vmem>>[vector<16xi32>, vector<16xi32>], vector<16xf32>,
        %parallel_loop3A_1466 = tpu.vector_load_idx %arg9[%parallel_loop3A_420, %parallel_loop3A_1458] : memref<416x64xf32, #tpu.memory_space<vmem>>[vector<16xi32>, vector<16xi32>], vector<16xf32>,
        %parallel_loop3A_1467 = arith.constant 896 : index
        %parallel_loop3A_1468 = tpu.vector_load %arg13[%parallel_loop3A_1467] {strides = array<i32>} : memref<1024xf32, #tpu.memory_space<vmem>>, vector<16xf32>,
        %parallel_loop3A_1469 = arith.constant 912 : index
        %parallel_loop3A_1470 = tpu.vector_load %arg13[%parallel_loop3A_1469] {strides = array<i32>} : memref<1024xf32, #tpu.memory_space<vmem>>, vector<16xf32>,
        %parallel_loop3A_1471 = arith.constant 928 : index
        %parallel_loop3A_1472 = tpu.vector_load %arg13[%parallel_loop3A_1471] {strides = array<i32>} : memref<1024xf32, #tpu.memory_space<vmem>>, vector<16xf32>,
        %parallel_loop3A_1473 = arith.constant 944 : index
        %parallel_loop3A_1474 = tpu.vector_load %arg13[%parallel_loop3A_1473] {strides = array<i32>} : memref<1024xf32, #tpu.memory_space<vmem>>, vector<16xf32>,
        %parallel_loop3A_1475 = arith.constant 960 : index
        %parallel_loop3A_1476 = tpu.vector_load %arg13[%parallel_loop3A_1475] {strides = array<i32>} : memref<1024xf32, #tpu.memory_space<vmem>>, vector<16xf32>,
        %parallel_loop3A_1477 = arith.constant 976 : index
        %parallel_loop3A_1478 = tpu.vector_load %arg13[%parallel_loop3A_1477] {strides = array<i32>} : memref<1024xf32, #tpu.memory_space<vmem>>, vector<16xf32>,
        %parallel_loop3A_1479 = arith.constant 992 : index
        %parallel_loop3A_1480 = tpu.vector_load %arg13[%parallel_loop3A_1479] {strides = array<i32>} : memref<1024xf32, #tpu.memory_space<vmem>>, vector<16xf32>,
        %parallel_loop3A_1481 = arith.constant 1008 : index
        %parallel_loop3A_1482 = tpu.vector_load %arg13[%parallel_loop3A_1481] {strides = array<i32>} : memref<1024xf32, #tpu.memory_space<vmem>>, vector<16xf32>,
        %parallel_loop3A_1483 = arith.addf %parallel_loop3A_1459, %parallel_loop3A_1468 : vector<16xf32>
        %parallel_loop3A_1484 = arith.mulf %parallel_loop3A_1483, %parallel_loop3A_1050 : vector<16xf32>
        %parallel_loop3A_1485 = arith.addf %parallel_loop3A_1460, %parallel_loop3A_1470 : vector<16xf32>
        %parallel_loop3A_1486 = arith.mulf %parallel_loop3A_1485, %parallel_loop3A_1050 : vector<16xf32>
        %parallel_loop3A_1487 = arith.addf %parallel_loop3A_1461, %parallel_loop3A_1472 : vector<16xf32>
        %parallel_loop3A_1488 = arith.mulf %parallel_loop3A_1487, %parallel_loop3A_1050 : vector<16xf32>
        %parallel_loop3A_1489 = arith.addf %parallel_loop3A_1462, %parallel_loop3A_1474 : vector<16xf32>
        %parallel_loop3A_1490 = arith.mulf %parallel_loop3A_1489, %parallel_loop3A_1050 : vector<16xf32>
        %parallel_loop3A_1491 = arith.addf %parallel_loop3A_1463, %parallel_loop3A_1476 : vector<16xf32>
        %parallel_loop3A_1492 = arith.mulf %parallel_loop3A_1491, %parallel_loop3A_1050 : vector<16xf32>
        %parallel_loop3A_1493 = arith.addf %parallel_loop3A_1464, %parallel_loop3A_1478 : vector<16xf32>
        %parallel_loop3A_1494 = arith.mulf %parallel_loop3A_1493, %parallel_loop3A_1050 : vector<16xf32>
        %parallel_loop3A_1495 = arith.addf %parallel_loop3A_1465, %parallel_loop3A_1480 : vector<16xf32>
        %parallel_loop3A_1496 = arith.mulf %parallel_loop3A_1495, %parallel_loop3A_1050 : vector<16xf32>
        %parallel_loop3A_1497 = arith.addf %parallel_loop3A_1466, %parallel_loop3A_1482 : vector<16xf32>
        %parallel_loop3A_1498 = arith.mulf %parallel_loop3A_1497, %parallel_loop3A_1050 : vector<16xf32>
        tpu.vector_store_idx %arg11[%parallel_loop3A_451, %parallel_loop3A_473, %parallel_loop3A_1444], %parallel_loop3A_1484 : memref<16x26x64xf32, #tpu.memory_space<vmem>>[vector<16xi32>, vector<16xi32>, vector<16xi32>], vector<16xf32>,
        tpu.vector_store_idx %arg11[%parallel_loop3A_451, %parallel_loop3A_473, %parallel_loop3A_1446], %parallel_loop3A_1486 : memref<16x26x64xf32, #tpu.memory_space<vmem>>[vector<16xi32>, vector<16xi32>, vector<16xi32>], vector<16xf32>,
        tpu.vector_store_idx %arg11[%parallel_loop3A_451, %parallel_loop3A_473, %parallel_loop3A_1448], %parallel_loop3A_1488 : memref<16x26x64xf32, #tpu.memory_space<vmem>>[vector<16xi32>, vector<16xi32>, vector<16xi32>], vector<16xf32>,
        tpu.vector_store_idx %arg11[%parallel_loop3A_451, %parallel_loop3A_473, %parallel_loop3A_1450], %parallel_loop3A_1490 : memref<16x26x64xf32, #tpu.memory_space<vmem>>[vector<16xi32>, vector<16xi32>, vector<16xi32>], vector<16xf32>,
        tpu.vector_store_idx %arg11[%parallel_loop3A_451, %parallel_loop3A_473, %parallel_loop3A_1452], %parallel_loop3A_1492 : memref<16x26x64xf32, #tpu.memory_space<vmem>>[vector<16xi32>, vector<16xi32>, vector<16xi32>], vector<16xf32>,
        tpu.vector_store_idx %arg11[%parallel_loop3A_451, %parallel_loop3A_473, %parallel_loop3A_1454], %parallel_loop3A_1494 : memref<16x26x64xf32, #tpu.memory_space<vmem>>[vector<16xi32>, vector<16xi32>, vector<16xi32>], vector<16xf32>,
        tpu.vector_store_idx %arg11[%parallel_loop3A_451, %parallel_loop3A_473, %parallel_loop3A_1456], %parallel_loop3A_1496 : memref<16x26x64xf32, #tpu.memory_space<vmem>>[vector<16xi32>, vector<16xi32>, vector<16xi32>], vector<16xf32>,
        tpu.vector_store_idx %arg11[%parallel_loop3A_451, %parallel_loop3A_473, %parallel_loop3A_1458], %parallel_loop3A_1498 : memref<16x26x64xf32, #tpu.memory_space<vmem>>[vector<16xi32>, vector<16xi32>, vector<16xi32>], vector<16xf32>,
      } {sc.loop_unroll_factor = 2 : i64, sc.parallel_access}
      %dma_start3A_410 = arith.constant 0 : i32
      %dma_start3A_411 = arith.constant 0 : i32
      %dma_start3A_412 = tpu.memref_slice %arg5[%add3A_388, %dma_start3A_410, %dma_start3A_411] : memref<16384x26x64xf32, #tpu.memory_space<hbm>> -> memref<16x26x64xf32, #tpu.memory_space<hbm>>
      %dma_start3A_413 = arith.constant 0 : i32
      %dma_start3A_414 = arith.constant 0 : i32
      %dma_start3A_415 = tpu.memref_slice %arg5[%add3A_388, %dma_start3A_413, %dma_start3A_414] : memref<16384x26x64xf32, #tpu.memory_space<hbm>> -> memref<16x26x64xf32, #tpu.memory_space<hbm>>
      tpu.enqueue_dma source(%arg11 : memref<16x26x64xf32, #tpu.memory_space<vmem>>) target(%dma_start3A_415 : memref<16x26x64xf32, #tpu.memory_space<hbm>>) target_semaphore(%arg17 : memref<!tpu.dma_semaphore, #tpu.memory_space<semaphore_mem>>)
    }
    %scan3A_336 = arith.constant 16 : i32
    %add3A_337 = arith.constant 480 : i32
    %add3A_338 = arith.addi %mul3A_2, %add3A_337 : i32
    %dma_wait3A = arith.constant 0 : i32
    %dma_wait3A_339 = arith.constant 0 : i32
    %dma_wait3A_340 = tpu.memref_slice %arg5[%add3A_338, %dma_wait3A, %dma_wait3A_339] : memref<16384x26x64xf32, #tpu.memory_space<hbm>> -> memref<16x26x64xf32, #tpu.memory_space<hbm>>
    %dma_wait3A_341 = arith.constant 0 : i32
    %dma_wait3A_342 = arith.constant 0 : i32
    %dma_wait3A_343 = tpu.memref_slice %arg5[%add3A_338, %dma_wait3A_341, %dma_wait3A_342] : memref<16384x26x64xf32, #tpu.memory_space<hbm>> -> memref<16x26x64xf32, #tpu.memory_space<hbm>>
    tpu.wait_dma2 semaphore(%arg16 : memref<!tpu.dma_semaphore, #tpu.memory_space<semaphore_mem>>) src(%arg10 : memref<16x26x64xf32, #tpu.memory_space<vmem>>) dst(%dma_wait3A_343 : memref<16x26x64xf32, #tpu.memory_space<hbm>>)
    %add3A_344 = arith.constant 496 : i32
    %add3A_345 = arith.addi %mul3A_2, %add3A_344 : i32
    %dma_wait3A_346 = arith.constant 0 : i32
    %dma_wait3A_347 = arith.constant 0 : i32
    %dma_wait3A_348 = tpu.memref_slice %arg5[%add3A_345, %dma_wait3A_346, %dma_wait3A_347] : memref<16384x26x64xf32, #tpu.memory_space<hbm>> -> memref<16x26x64xf32, #tpu.memory_space<hbm>>
    %dma_wait3A_349 = arith.constant 0 : i32
    %dma_wait3A_350 = arith.constant 0 : i32
    %dma_wait3A_351 = tpu.memref_slice %arg5[%add3A_345, %dma_wait3A_349, %dma_wait3A_350] : memref<16384x26x64xf32, #tpu.memory_space<hbm>> -> memref<16x26x64xf32, #tpu.memory_space<hbm>>
    tpu.wait_dma2 semaphore(%arg17 : memref<!tpu.dma_semaphore, #tpu.memory_space<semaphore_mem>>) src(%arg11 : memref<16x26x64xf32, #tpu.memory_space<vmem>>) dst(%dma_wait3A_351 : memref<16x26x64xf32, #tpu.memory_space<hbm>>)
    return
  }
}

</mosaic_0001>

<sc_bundles>
// kernel: kernel.3.cloned.1.call-start
scs
__scs_entry_jumppad:
0x0: {  	(pc) =	sbr.rel $0x88, $3  }
0x1: {  	(tag) =	ssettag $0x0;
	lr =	simm.s32 $0x1  }
0x2: {  	[smem:$0x3F9E] =	sst lr;
	_ =	strace $0xD0000000  }
0x3: {  	_ = 	snop  }
0x4: {  	_ = 	snop  }
0x5: {  	_ = 	snop  }
0x6: {  	_ = 	snop  }
0x7: {  	_ = 	snop  }
__scs_overlays_trampoline_lowered:
0x8: {  	[smem:$0x3FAD] =	sst s0  }
0x9: {  	[smem:$0x3FAE] =	sst s1  }
0xa: {  	[smem:$0x3FAF] =	sst s2  }
0xb: {  	[smem:$0x3FB0] =	sst s3  }
0xc: {  	[smem:$0x3FB1] =	sst s4  }
0xd: {  	[smem:$0x3FB2] =	sst s5  }
0xe: {  	[smem:$0x3FB3] =	sst s6  }
0xf: {  	[smem:$0x3FB4] =	sst s7  }
0x10: {  	[smem:$0x3FB5] =	sst s8  }
0x11: {  	[smem:$0x3FB6] =	sst s9;
	s0 =	simm.s32 @!p0 $0x0  }
0x12: {  	s1 =	sld [smem:$0x3F9C];
	s0 =	simm.s32 @p0 $0x1  }
0x13: {  	[smem:$0x3FB7] =	sst s0;
	s0 =	simm.s32 @!p1 $0x0  }
0x14: {  	s2 =	sld [smem:$0x3F9B];
	s0 =	simm.s32 @p1 $0x1  }
0x15: {  	[smem:$0x3FB8] =	sst s0;
	s0 =	simm.s32 @!p2 $0x0  }
0x16: {  	s3 =	sld [smem:$0x3FDB];
	s0 =	simm.s32 @p2 $0x1  }
0x17: {  	s4 =	simm.s32 $0x1BF5;
	[smem:$0x3FBA] =	sst s0  }
0x18: {  	s0 =	sld [smem:$0x3F9D];
	_ =	swait.ge [sflag:s4], $0x0  }
0x19: {  	s7 =	sld [smem:$0x3F9E]  }
0x1a: {  	s8 =	sadd.s32 $0xFFFFE003, lr  }
0x1b: {  	s9 =	sadd.s32 $0xFFFFFEF7, lr;
	s5 =	simm.s32 $0xFFFFFFFF;
	p2 =	slt.u32 s8, $0xFFFFF086  }
0x1c: {  	p1 =	slt.u32 s9, $0xF7A;
	s5 =	simm.s32 @!p2 $0x0  }
0x1d: {  	s5 =	simm.s32 @p1 $0x1;
	p0 =	seq.s32 s7, s2  }
0x1e: {  	s7 =	smul.u32 @!p0 $0xF7A, s2;
	p2 =	seq.s32 @!p0 s5, $0x0  }
0x1f: {  	s9 =	smul.u32 $0xF7A, s1;
	s8 =	simm.s32 @!p0 $0x1BF5;
	p2 =	por !p2, p0  }
0x20: {  	[sflag:s8] =	ssyncset.s32 @!p0 $0xFFFFF086;
	s6 =	sadd.s32 @!p0 s3, s7;
	s7 =	simm.s32 @!p0 $0x108  }
0x21: {  	s3 =	sadd.s32 s3, s9;
	s6 =	sadd.s32 @!p0 $0x88, s6;
	s7 =	simm.s32 @p2 $0x1082  }
0x22: {  	[simem:s7], [sflag:s8] =	dma.local @!p0 [hbm:s6], $0xF7A  }
0x23: {  	s9 =	sor.u32 $0xD0000000, s2;
	s6 =	simm.s32 $0x108;
	_ =	swait.ge @!p0 [sflag:s8], $0x0  }
0x24: {  	s3 =	sadd.s32 $0x88, s3;
	s6 =	simm.s32 @!p1 $0x1082;
	[sflag:s4] =	ssyncset.s32 $0xFFFFF086  }
0x25: {  	[simem:s6], [sflag:s4] =	dma.local [hbm:s3], $0xF7A  }
0x26: {  	[smem:$0x3F9E] =	sst s1;
	(tag) =	ssettag s2;
	_ =	strace s9  }
0x27: {  	s1 =	sld [smem:$0x3FAE]  }
0x28: {  	s2 =	sld [smem:$0x3FAF]  }
0x29: {  	s4 =	sld [smem:$0x3FB1]  }
0x2a: {  	p0 =	seq.s32 s5, $0x0;
	s5 =	sld [smem:$0x3FB2]  }
0x2b: {  	s6 =	sld [smem:$0x3FB3]  }
0x2c: {  	s7 =	sld [smem:$0x3FB4]  }
0x2d: {  	s3 =	simm.s32 $0x108;
	s8 =	sld [smem:$0x3FB5]  }
0x2e: {  	s3 =	simm.s32 @!p0 $0x1082;
	s9 =	sld [smem:$0x3FB6]  }
0x2f: {  	lr =	sadd.s32 s0, s3;
	s0 =	sld [smem:$0x3FAD]  }
0x30: {  	s3 =	sld [smem:$0x3FB0]  }
0x31: {  	[smem:$0x3FB9] =	sst s10  }
0x32: {  	s10 =	sld [smem:$0x3FB7];
	_ =	sdelay $0x3  }
0x33: {  	p0 =	seq.s32 s10, $0x1;
	s10 =	sld [smem:$0x3FB9];
	_ =	sdelay $0x3  }
0x34: {  	[smem:$0x3FB9] =	sst s10  }
0x35: {  	s10 =	sld [smem:$0x3FB8];
	_ =	sdelay $0x3  }
0x36: {  	p1 =	seq.s32 s10, $0x1;
	s10 =	sld [smem:$0x3FB9];
	_ =	sdelay $0x3  }
0x37: {  	[smem:$0x3FB9] =	sst s10  }
0x38: {  	s10 =	sld [smem:$0x3FBA]  }
0x39: {  	_ = 	snop;
	(pc) =	sbr.ind lr, $3  }
0x3a: {  	_ = 	snop  }
0x3b: {  	_ = 	snop  }
0x3c: {  	p2 =	seq.s32 s10, $0x1;
	s10 =	sld [smem:$0x3FB9]  }
0x3d: {  	_ =	shalt  }
0x3e: {  	_ =	shalt  }
0x3f: {  	_ =	shalt  }
0x40: {  	_ =	shalt  }
0x41: {  	_ =	shalt  }
0x42: {  	_ =	shalt  }
0x43: {  	_ =	shalt  }
0x44: {  	_ =	shalt  }
0x45: {  	_ =	shalt  }
0x46: {  	_ =	shalt  }
0x47: {  	_ =	shalt  }
0x48: {  	_ =	shalt  }
0x49: {  	_ =	shalt  }
0x4a: {  	_ =	shalt  }
0x4b: {  	_ =	shalt  }
0x4c: {  	_ =	shalt  }
0x4d: {  	_ =	shalt  }
0x4e: {  	_ =	shalt  }
0x4f: {  	_ =	shalt  }
0x50: {  	_ =	shalt  }
0x51: {  	_ =	shalt  }
0x52: {  	_ =	shalt  }
0x53: {  	_ =	shalt  }
0x54: {  	_ =	shalt  }
0x55: {  	_ =	shalt  }
0x56: {  	_ =	shalt  }
0x57: {  	_ =	shalt  }
0x58: {  	_ =	shalt  }
0x59: {  	_ =	shalt  }
0x5a: {  	_ =	shalt  }
0x5b: {  	_ =	shalt  }
0x5c: {  	_ =	shalt  }
0x5d: {  	_ =	shalt  }
0x5e: {  	_ =	shalt  }
0x5f: {  	_ =	shalt  }
0x60: {  	_ =	shalt  }
0x61: {  	_ =	shalt  }
0x62: {  	_ =	shalt  }
0x63: {  	_ =	shalt  }
0x64: {  	_ =	shalt  }
0x65: {  	_ =	shalt  }
0x66: {  	_ =	shalt  }
0x67: {  	_ =	shalt  }
0x68: {  	_ =	shalt  }
0x69: {  	_ =	shalt  }
0x6a: {  	_ =	shalt  }
0x6b: {  	_ =	shalt  }
0x6c: {  	_ =	shalt  }
0x6d: {  	_ =	shalt  }
0x6e: {  	_ =	shalt  }
0x6f: {  	_ =	shalt  }
0x70: {  	_ =	shalt  }
0x71: {  	_ =	shalt  }
0x72: {  	_ =	shalt  }
0x73: {  	_ =	shalt  }
0x74: {  	_ =	shalt  }
0x75: {  	_ =	shalt  }
0x76: {  	_ =	shalt  }
0x77: {  	_ =	shalt  }
0x78: {  	_ =	shalt  }
0x79: {  	_ =	shalt  }
0x7a: {  	_ =	shalt  }
0x7b: {  	_ =	shalt  }
0x7c: {  	_ =	shalt  }
0x7d: {  	_ =	shalt  }
0x7e: {  	_ =	shalt  }
0x7f: {  	_ =	shalt  }
0x80: {  	_ =	shalt  }
0x81: {  	_ =	shalt  }
0x82: {  	_ =	shalt  }
0x83: {  	_ =	shalt  }
0x84: {  	_ =	shalt  }
0x85: {  	_ =	shalt  }
0x86: {  	_ =	shalt  }
0x87: {  	_ =	shalt  }
.Lfunc_end0:
.L_simem_size_0:
called_computation.1_lowered:
.L_overlay_start_0:
0x88: {  	s2 =	sld [smem:$0x3FD9]  }
0x89: {  	s3 =	sld [smem:$0x3FFE];
	_ =	sdelay $0x1  }
0x8a: {  	s1 =	srdreg.scid  }
0x8b: {  	s0 =	sand.u32 $0x1, s1  }
0x8c: {  	s17 =	sshll.u32 s0, $0xA;
	s2 =	sadd.s32 s3, s2  }
0x8d: {  	s2 =	sadd.s32 s2, s17  }
0x8e: {  	[smem:$0x3FC5] =	sst s2  }
0x8f: {  	_ = 	snop  }
0x90: {  	s2 =	sld [smem:$0x3FC7]  }
0x91: {  	s18 =	sld [smem:$0x3FD0];
	(tm) =	ssettm $0x1  }
0x92: {  	s4 =	sld [smem:$0x3FFB];
	_ =	sdelay $0x3  }
0x93: {  	_ =	strace s4  }
0x94: {  	s4 =	sld [smem:$0x3FFC];
	_ =	sdelay $0x3  }
0x95: {  	_ =	strace s4  }
0x96: {  	s4 =	sld [smem:$0x3FFD];
	_ =	sdelay $0x3  }
0x97: {  	_ =	strace s4  }
0x98: {  	_ =	strace $0x8FFFFFFF  }
0x99: {  	s19 =	sld [smem:$0x3FDB];
	_ =	sdelay $0x1  }
0x9a: {  	s5 =	simm.s32 $_scs_section_size  }
0x9b: {  	s6 =	simm.s32 $_size__tile_overlayer_lowered;
	s7 =	simm.s32 $_tile_overlayer_lowered  }
0x9c: {  	s22 =	simm.s32 $0x1BFF;
	s21 =	sshll.u32 s7, $0x1;
	s4 =	sadd.s32 s5, s19  }
0x9d: {  	s8 =	simm.s32 $0x0;
	s20 =	sshll.u32 s6, $0x1;
	s6 =	sadd.s32 s21, s4  }
0x9e: {  	[timem:s8], [sflag:s22] =	dma.local [hbm:s6], s20  }
0x9f: {  	_ =	swait.ge [sflag:s22], s20  }
0xa0: {  	s5 =	ssub.s32 $0x0, s20;
	[sflag:s22] =	ssyncset.done $0x0  }
0xa1: {  	[sflag:s22] =	ssyncadd.s32 s5;
	_ =	sdelay $0x1  }
0xa2: {  	s23 =	simm.s32 $0x1B8B  }
0xa3: {  	_ =	swait.ge [sflag:s23], $0x1  }
0xa4: {  	[sflag:s23] =	ssyncset.done $0x0  }
0xa5: {  	s25 =	simm.s32 $0x1B8E;
	s24 =	sld [smem:$0x3FFE];
	[sflag:s23] =	ssyncadd.s32 $0xFFFFFFFF  }
0xa6: {  	s26 =	simm.s32 $execute0_lowered;
	[smem:$0x3FD2] =	sst s25  }
0xa7: {  	s6 =	sshll.u32 s26, $0x1;
	_ =	strace $0x80000046;
	[dreg:$0x1] =	wrdreg $0xFFFFFFFF  }
0xa8: {  	s28 =	simm.s32 $_size_execute0_lowered;
	s4 =	sadd.s32 s4, s6;
	[dreg:$0x0] =	wrdreg $0x0  }
0xa9: {  	s6 =	sshll.u32 s28, $0x1;
	[dreg:$0x2] =	wrdreg s4  }
0xaa: {  	[dreg:$0x3] =	wrdreg s6  }
0xab: {  	[dreg:$0x4] =	wrdreg $0xC0  }
0xac: {  	_ =	task [dreg:s8], $0x5FFFF  }
0xad: {  	[dreg:$0x1] =	wrdreg $0xFFFFFFFF  }
0xae: {  	[dreg:$0x0] =	wrdreg $0x60  }
0xaf: {  	[dreg:$0x2] =	wrdreg s24  }
0xb0: {  	[dreg:$0x3] =	wrdreg s2  }
0xb1: {  	[dreg:$0x4] =	wrdreg s18  }
0xb2: {  	[dreg:$0x5] =	wrdreg $0x9  }
0xb3: {  	_ =	task.clear_ibuf [dreg:s8], $0x6FFFF;
	_ =	strace $0x90000046  }
0xb4: {  	s29 =	simm.s32 $0x9;
	_ =	strace $0x80000048  }
0xb5: {  	_ =	swait.ge [sflag:s29], $0x1  }
0xb6: {  	[sflag:s29] =	ssyncadd.s32 $0xFFFFFFFF  }
0xb7: {  	_ =	strace $0x90000048  }
0xb8: {  	_ =	sfence  }
0xb9: {  	s30 =	sld [smem:$0x0];
	_ =	sdelay $0x2  }
0xba: {  	s31 =	sshll.u32 s1, $0xD;
	s1 =	sshrl.u32 s1, $0x2  }
0xbb: {  	s3 =	sand.u32 $0x4000, s31;
	s1 =	sadd.s32 s1, s30  }
0xbc: {  	s0 =	sor.u32 s3, s0;
	s1 =	sshll.u32 s1, $0x11  }
0xbd: {  	s0 =	sor.u32 s1, s0  }
0xbe: {  	s0 =	sadd.s32 $0x8F2B, s0  }
0xbf: {  	[sflag:s0] =	ssyncadd.remote.s32 $0x1  }
0xc0: {  	_ =	sfence.sel $0xFFFF  }
0xc1: {  	[dreg:$0x0] =	wrdreg $0xFFFFFFFF;
	(pc) =	sbr.abs _section_cstart, $3  }
0xc2: {  	[dreg:$0x1] =	wrdreg $0xFFFFFFFF  }
0xc3: {  	_ =	task.clear_ibuf [dreg:s8], $0x2FFFF;
	_ =	strace $0x9FFFFFFF  }
0xc4: {  	(tm) =	ssettm $0x7FFFFFFF  }
0xc5: {  	_ =	shalt  }
tec
execute0_lowered:
.L_overlay_start_1:
0x0: {  	(tag) =	ssettag $0x1  }
0x1: {  	s6 =	rddreg [dreg:$0x0]  }
0x2: {  	s2 =	rddreg [dreg:$0x1]  }
0x3: {  	s3 =	rddreg [dreg:$0x2]  }
0x4: {  	s0 =	rddreg [dreg:$0x3];
	s5 =	srdreg.scid  }
0x5: {  	s1 =	stileid.u32;
	s4 =	simm.s32 $0x0;
	s11 =	simm.s32 $0x1A340  }
0x6: {  	s12 =	simm.s32 $0x5;
	s13 =	simm.s32 $0x1A0;
	s14 =	simm.s32 $0x340  }
0x7: {  	s15 =	simm.s32 $0x6B40;
	s16 =	simm.s32 $0x1;
	s17 =	simm.s32 $0xD340  }
0x8: {  	s18 =	simm.s32 $0x2;
	s19 =	simm.s32 $0x4;
	s20 =	simm.s32 $0x13B40  }
0x9: {  	s21 =	simm.s32 $0x3;
	s5 =	sand.u32 $0x1, s5;
	s7 =	sshll.u32 s1, $0x1  }
0xa: {  	s22 =	simm.s32 $0x0;
	[smem:$0x7FF] =	sst s4;
	s7 =	sor.u32 s5, s7  }
0xb: {  	_ =	strace $0x80000047;
	s8 =	ssub.s32 $0x2, s5;
	s9 =	smul.u32 $0x3400, s7  }
0xc: {  	s5 =	sadd.s32 $0xA00, s6;
	s6 =	sadd.s32 $0xF42E00, s6;
	s10 =	sshrl.u32 s8, $0x1  }
0xd: {  	s7 =	sshll.u32 s7, $0x9;
	s10 =	ssub.s32 s8, s10;
	s31 =	sshrl.u32 s9, $0x3  }
0xe: {  	v4 =	vlaneseq.u32;
	s9 =	sor.u32 $0x1A0, s9;
	s10 =	smax.u32 s10, $0x1;
	s8 =	sadd.s32 s5, s31  }
.LBB2_1:
0xf: {  	[tilespmem:s11], [sflag:$0x5] =	stream.linear.gather [hbm4b:s2+s4], $0x40, $0x38;
	[tilespmem:$0x1A780] =	vst v63  }
0x10: {  	_ =	swait.ge [sflag:s12], $0x40  }
0x11: {  	[sflag:s12] =	ssyncset.done $0x0  }
0x12: {  	[sflag:s12] =	ssyncadd.s32 $0xFFFFFFC0  }
0x13: {  	v0 =	vld [tilespmem:$0x1A340];
	_ =	sdelay $0x4  }
0x14: {  	v1 =	vbroadcast v0, $0x0  }
0x15: {  	v2 =	vbroadcast v0, $0x1  }
0x16: {  	v58 =	vbroadcast v0, $0x2;
	[tilespmem:$0x1A380] =	vst v1  }
0x17: {  	v59 =	vbroadcast v0, $0x3;
	[tilespmem:$0x1A390] =	vst v2  }
0x18: {  	v60 =	vbroadcast v0, $0x4;
	[tilespmem:$0x1A3A0] =	vst v58  }
0x19: {  	v61 =	vbroadcast v0, $0x5;
	[tilespmem:$0x1A3B0] =	vst v59  }
0x1a: {  	v62 =	vbroadcast v0, $0x6;
	[tilespmem:$0x1A3C0] =	vst v60  }
0x1b: {  	v63 =	vbroadcast v0, $0x7;
	[tilespmem:$0x1A3D0] =	vst v61  }
0x1c: {  	v8 =	vbroadcast v0, $0x8;
	[tilespmem:$0x1A3E0] =	vst v62  }
0x1d: {  	v9 =	vbroadcast v0, $0x9;
	[tilespmem:$0x1A3F0] =	vst v63  }
0x1e: {  	v10 =	vbroadcast v0, $0xA;
	[tilespmem:$0x1A400] =	vst v8  }
0x1f: {  	v3 =	vld [tilespmem:$0x1A350];
	v11 =	vbroadcast v0, $0xB;
	[tilespmem:$0x1A410] =	vst v9  }
0x20: {  	v12 =	vbroadcast v0, $0xC;
	[tilespmem:$0x1A420] =	vst v10  }
0x21: {  	v13 =	vbroadcast v0, $0xD;
	[tilespmem:$0x1A430] =	vst v11  }
0x22: {  	v14 =	vbroadcast v0, $0xE;
	[tilespmem:$0x1A440] =	vst v12  }
0x23: {  	v0 =	vbroadcast v0, $0xF;
	[tilespmem:$0x1A450] =	vst v13  }
0x24: {  	v15 =	vbroadcast v3, $0x0;
	[tilespmem:$0x1A460] =	vst v14  }
0x25: {  	v16 =	vbroadcast v3, $0x1;
	[tilespmem:$0x1A470] =	vst v0  }
0x26: {  	v17 =	vbroadcast v3, $0x2;
	[tilespmem:$0x1A480] =	vst v15  }
0x27: {  	v18 =	vbroadcast v3, $0x3;
	[tilespmem:$0x1A490] =	vst v16  }
0x28: {  	v19 =	vbroadcast v3, $0x4;
	[tilespmem:$0x1A4A0] =	vst v17  }
0x29: {  	v20 =	vbroadcast v3, $0x5;
	[tilespmem:$0x1A4B0] =	vst v18  }
0x2a: {  	v21 =	vbroadcast v3, $0x6;
	[tilespmem:$0x1A4C0] =	vst v19  }
0x2b: {  	v22 =	vbroadcast v3, $0x7;
	[tilespmem:$0x1A4D0] =	vst v20  }
0x2c: {  	v23 =	vbroadcast v3, $0x8;
	[tilespmem:$0x1A4E0] =	vst v21  }
0x2d: {  	v24 =	vbroadcast v3, $0x9;
	[tilespmem:$0x1A4F0] =	vst v22  }
0x2e: {  	v25 =	vbroadcast v3, $0xA;
	[tilespmem:$0x1A500] =	vst v23  }
0x2f: {  	v27 =	vld [tilespmem:$0x1A360];
	v26 =	vbroadcast v3, $0xB;
	[tilespmem:$0x1A510] =	vst v24  }
0x30: {  	v28 =	vbroadcast v3, $0xC;
	[tilespmem:$0x1A520] =	vst v25  }
0x31: {  	v29 =	vbroadcast v3, $0xD;
	[tilespmem:$0x1A530] =	vst v26  }
0x32: {  	v30 =	vbroadcast v3, $0xE;
	[tilespmem:$0x1A540] =	vst v28  }
0x33: {  	v31 =	vbroadcast v3, $0xF;
	[tilespmem:$0x1A550] =	vst v29  }
0x34: {  	v32 =	vbroadcast v27, $0x0;
	[tilespmem:$0x1A560] =	vst v30  }
0x35: {  	v33 =	vbroadcast v27, $0x1;
	[tilespmem:$0x1A570] =	vst v31  }
0x36: {  	v34 =	vbroadcast v27, $0x2;
	[tilespmem:$0x1A580] =	vst v32  }
0x37: {  	v35 =	vbroadcast v27, $0x3;
	[tilespmem:$0x1A590] =	vst v33  }
0x38: {  	v36 =	vbroadcast v27, $0x4;
	[tilespmem:$0x1A5A0] =	vst v34  }
0x39: {  	v37 =	vbroadcast v27, $0x5;
	[tilespmem:$0x1A5B0] =	vst v35  }
0x3a: {  	v38 =	vbroadcast v27, $0x6;
	[tilespmem:$0x1A5C0] =	vst v36  }
0x3b: {  	v39 =	vbroadcast v27, $0x7;
	[tilespmem:$0x1A5D0] =	vst v37  }
0x3c: {  	v40 =	vbroadcast v27, $0x8;
	[tilespmem:$0x1A5E0] =	vst v38  }
0x3d: {  	v41 =	vbroadcast v27, $0x9;
	[tilespmem:$0x1A5F0] =	vst v39  }
0x3e: {  	v42 =	vbroadcast v27, $0xA;
	[tilespmem:$0x1A600] =	vst v40  }
0x3f: {  	v43 =	vbroadcast v27, $0xB;
	v3 =	vld [tilespmem:$0x1A370];
	[tilespmem:$0x1A610] =	vst v41  }
0x40: {  	v44 =	vbroadcast v27, $0xC;
	[tilespmem:$0x1A620] =	vst v42  }
0x41: {  	v45 =	vbroadcast v27, $0xD;
	[tilespmem:$0x1A630] =	vst v43  }
0x42: {  	v46 =	vbroadcast v27, $0xE;
	[tilespmem:$0x1A640] =	vst v44  }
0x43: {  	v47 =	vbroadcast v27, $0xF;
	[tilespmem:$0x1A650] =	vst v45  }
0x44: {  	[tilespmem:$0x1A660] =	vst v46;
	v48 =	vbroadcast v3, $0x0  }
0x45: {  	[tilespmem:$0x1A670] =	vst v47;
	v49 =	vbroadcast v3, $0x1  }
0x46: {  	v50 =	vbroadcast v3, $0x2;
	[tilespmem:$0x1A680] =	vst v48  }
0x47: {  	v51 =	vbroadcast v3, $0x3;
	[tilespmem:$0x1A690] =	vst v49  }
0x48: {  	v52 =	vbroadcast v3, $0x4;
	[tilespmem:$0x1A6A0] =	vst v50  }
0x49: {  	v53 =	vbroadcast v3, $0x5;
	[tilespmem:$0x1A6B0] =	vst v51  }
0x4a: {  	v54 =	vbroadcast v3, $0x6;
	[tilespmem:$0x1A6C0] =	vst v52  }
0x4b: {  	v55 =	vbroadcast v3, $0x7;
	[tilespmem:$0x1A6D0] =	vst v53  }
0x4c: {  	v56 =	vbroadcast v3, $0x8;
	[tilespmem:$0x1A6E0] =	vst v54  }
0x4d: {  	v57 =	vbroadcast v3, $0x9;
	[tilespmem:$0x1A6F0] =	vst v55  }
0x4e: {  	v58 =	vbroadcast v3, $0xA;
	[tilespmem:$0x1A700] =	vst v56  }
0x4f: {  	v59 =	vbroadcast v3, $0xB;
	[tilespmem:$0x1A710] =	vst v57  }
0x50: {  	v60 =	vbroadcast v3, $0xC;
	[tilespmem:$0x1A720] =	vst v58  }
0x51: {  	v61 =	vbroadcast v3, $0xD;
	[tilespmem:$0x1A730] =	vst v59  }
0x52: {  	v62 =	vbroadcast v3, $0xE;
	[tilespmem:$0x1A740] =	vst v60  }
0x53: {  	v63 =	vbroadcast v3, $0xF;
	[tilespmem:$0x1A750] =	vst v61  }
0x54: {  	[tilespmem:$0x1A760] =	vst v62  }
0x55: {  	[tilespmem:$0x1A770] =	vst v63  }
0x56: {  	[tilespmem:s4], [sflag:$0x5] =	stream.linear.gather [hbm4b:s8+s4], $0x1A0, $0x38;
	[tilespmem:$0x1A780] =	vst v63  }
0x57: {  	_ =	swait.ge [sflag:s12], $0x1A0  }
0x58: {  	[sflag:s12] =	ssyncset.done $0x0  }
0x59: {  	s23 =	simm.s32 $0x0;
	[sflag:s12] =	ssyncadd.s32 $0xFFFFFE60  }
0x5a: {  	[tilespmem:s14], [sflag:$0x1] =	stream.indirect.gather [hbm4b:s6+s13], $0x40, s4, s13, $0xb8;
	[tilespmem:$0x1A780] =	vst v63  }
.LBB2_2:
0x5b: {  	s24 =	smul.u32 $0x340, s23;
	_ =	sdelay $0x1  }
0x5c: {  	s24 =	sadd.s32 s24, s9  }
0x5d: {  	s24 =	sshrl.u32 s24, $0x3  }
0x5e: {  	s24 =	sadd.s32 s5, s24  }
0x5f: {  	[tilespmem:s13], [sflag:$0x5] =	stream.linear.gather [hbm4b:s24+s4], $0x1A0, $0x38;
	[tilespmem:$0x1A780] =	vst v63  }
0x60: {  	_ =	swait.ge [sflag:s12], $0x1A0  }
0x61: {  	[sflag:s12] =	ssyncset.done $0x0  }
0x62: {  	[sflag:s12] =	ssyncadd.s32 $0xFFFFFE60  }
0x63: {  	[tilespmem:s15], [sflag:$0x2] =	stream.indirect.gather [hbm4b:s6+s13], $0x40, s13, s13, $0xb8;
	[tilespmem:$0x1A780] =	vst v63  }
0x64: {  	_ =	swait.ge [sflag:s16], $0x6800  }
0x65: {  	p0 =	seq.s32 s23, $0x0;
	[sflag:s16] =	ssyncset.done $0x0  }
0x66: {  	s26 =	simm.s32 @!p0 $0x3;
	[sflag:s16] =	ssyncadd.s32 $0xFFFF9800  }
0x67: {  	s31 =	sshll.u32 s23, $0x5;
	_ =	swait.ge @!p0 [sflag:s26], $0x6800  }
0x68: {  	s28 =	simm.s32 $0x10;
	s25 =	sadd.s32 s7, s31;
	[sflag:s26] =	ssyncset.done @!p0 $0x0  }
0x69: {  	s24 =	sshllo.u32 s23, $0x1;
	[sflag:s26] =	ssyncadd.s32 @!p0 $0xFFFF9800;
	s26 =	simm.s32 $0xFFFFFFFE  }
.LBB2_3:
0x6a: {  	v16 =	vld [tilespmem:$0x1A390]  }
0x6b: {  	v62 =	vld [tilespmem:$0x1A3A0]  }
0x6c: {  	v21 =	vld [tilespmem:$0x1A3C0]  }
0x6d: {  	v9 =	vld [tilespmem:$0x1A3D0]  }
0x6e: {  	v10 =	vld [tilespmem:$0x1A3E0]  }
0x6f: {  	v13 =	vld [tilespmem:$0x1A3F0]  }
0x70: {  	v23 =	vld [tilespmem:$0x1A400]  }
0x71: {  	v25 =	vld [tilespmem:$0x1A410]  }
0x72: {  	v26 =	vld [tilespmem:$0x1A420]  }
0x73: {  	v27 =	vld [tilespmem:$0x1A430]  }
0x74: {  	v28 =	vld [tilespmem:$0x1A440]  }
0x75: {  	v29 =	vld [tilespmem:$0x1A450]  }
0x76: {  	s29 =	sadd.s32 $0xFFFFFFF0, s28;
	v31 =	vld [tilespmem:$0x1A460]  }
0x77: {  	v33 =	vld [tilespmem:$0x1A470];
	v0 =	vor.u32 s29, v4  }
0x78: {  	v35 =	vld [tilespmem:$0x1A490];
	v5 =	vshll.u32 v0, $0x6  }
0x79: {  	v34 =	vld [tilespmem:$0x1A4A0];
	[tilespmem:$0x1F900] =	vst v0;
	v0 =	vor.u32 $0x1, v5  }
0x7a: {  	v19 =	vld [tilespmem:$0x1A4C0];
	v1 =	vor.u32 $0x2, v5  }
0x7b: {  	v24 =	vld [tilespmem:$0x1A4F0];
	v2 =	vor.u32 $0x3, v5  }
0x7c: {  	v43 =	vld [tilespmem:$0x1A520];
	v3 =	vor.u32 $0x4, v5  }
0x7d: {  	v6 =	vor.u32 $0x5, v5;
	v30 =	vld.idx.msk [tilespmem:v5+s14+$0x0], $0xffff  }
0x7e: {  	v7 =	vor.u32 $0x6, v5;
	v32 =	vld.idx.msk [tilespmem:v0+s14+$0x0], $0xffff  }
0x7f: {  	v8 =	vor.u32 $0x7, v5;
	v60 =	vld.idx.msk [tilespmem:v1+s14+$0x0], $0xffff  }
0x80: {  	v42 =	vld.idx.msk [tilespmem:v2+s14+$0x0], $0xffff  }
0x81: {  	v51 =	vld.idx.msk [tilespmem:v3+s14+$0x0], $0xffff  }
0x82: {  	v48 =	vor.u32 $0x8, v5;
	v52 =	vld.idx.msk [tilespmem:v6+s14+$0x0], $0xffff  }
0x83: {  	v49 =	vor.u32 $0x9, v5;
	v54 =	vld.idx.msk [tilespmem:v7+s14+$0x0], $0xffff  }
0x84: {  	v11 =	vor.u32 $0xC, v5;
	v59 =	vld.idx.msk [tilespmem:v8+s14+$0x0], $0xffff  }
0x85: {  	v14 =	vor.u32 $0xD, v5;
	v0 =	vld [tilespmem:$0x1A380]  }
0x86: {  	v4 =	vor.u32 $0xF, v5;
	v6 =	vld [tilespmem:$0x1A3B0]  }
0x87: {  	v50 =	vor.u32 $0x11, v5;
	v1 =	vld.idx.msk [tilespmem:v48+s14+$0x0], $0xffff  }
0x88: {  	v53 =	vor.u32 $0x12, v5;
	v8 =	vld.idx.msk [tilespmem:v49+s14+$0x0], $0xffff  }
0x89: {  	v55 =	vor.u32 $0x13, v5;
	v17 =	vld.idx.msk [tilespmem:v11+s14+$0x0], $0xffff  }
0x8a: {  	v18 =	vor.u32 $0x14, v5;
	[tilespmem:$0x1F970] =	vst v48;
	v2 =	vld.idx.msk [tilespmem:v14+s14+$0x0], $0xffff  }
0x8b: {  	v56 =	vor.u32 $0x16, v5;
	[tilespmem:$0x1F980] =	vst v49;
	v22 =	vld.idx.msk [tilespmem:v4+s14+$0x0], $0xffff  }
0x8c: {  	v57 =	vor.u32 $0x17, v5;
	[tilespmem:$0x1F9B0] =	vst v11;
	v37 =	vld.idx.msk [tilespmem:v50+s14+$0x0], $0xffff  }
0x8d: {  	v15 =	vor.u32 $0xE, v5;
	[tilespmem:$0x1F9C0] =	vst v14;
	v39 =	vld.idx.msk [tilespmem:v53+s14+$0x0], $0xffff  }
0x8e: {  	[tilespmem:$0x1F9D0] =	vst v15;
	v41 =	vld.idx.msk [tilespmem:v55+s14+$0x0], $0xffff  }
0x8f: {  	[tilespmem:$0x1F9E0] =	vst v4;
	v45 =	vld.idx.msk [tilespmem:v18+s14+$0x0], $0xffff  }
0x90: {  	v58 =	vor.u32 $0x19, v5;
	[tilespmem:$0x1FA00] =	vst v50;
	v48 =	vld.idx.msk [tilespmem:v56+s14+$0x0], $0xffff  }
0x91: {  	v20 =	vor.u32 $0x1A, v5;
	[tilespmem:$0x1FA10] =	vst v53;
	v49 =	vld.idx.msk [tilespmem:v57+s14+$0x0], $0xffff  }
0x92: {  	v38 =	vor.u32 $0x1B, v5;
	[tilespmem:$0x1FA20] =	vst v55;
	v50 =	vld [tilespmem:$0x1A480]  }
0x93: {  	v40 =	vor.u32 $0x1C, v5;
	[tilespmem:$0x1FA30] =	vst v18;
	v14 =	vld [tilespmem:$0x1A4D0]  }
0x94: {  	v44 =	vor.u32 $0x1E, v5;
	[tilespmem:$0x1FA50] =	vst v56;
	v18 =	vld [tilespmem:$0x1A4E0]  }
0x95: {  	[tilespmem:$0x1FA60] =	vst v57;
	v61 =	vld.idx.msk [tilespmem:v58+s14+$0x0], $0xffff  }
0x96: {  	[tilespmem:$0x1FA80] =	vst v58;
	v55 =	vld.idx.msk [tilespmem:v20+s14+$0x0], $0xffff  }
0x97: {  	[tilespmem:$0x1FA90] =	vst v20;
	v56 =	vld.idx.msk [tilespmem:v38+s14+$0x0], $0xffff  }
0x98: {  	[tilespmem:$0x1FAA0] =	vst v38;
	v3 =	vor.u32 $0xA, v5;
	v53 =	vld.idx.msk [tilespmem:v40+s14+$0x0], $0xffff  }
0x99: {  	[tilespmem:$0x1FAB0] =	vst v40;
	v4 =	vor.u32 $0x10, v5;
	v58 =	vld.idx.msk [tilespmem:v44+s14+$0x0], $0xffff  }
0x9a: {  	[tilespmem:$0x1FAD0] =	vst v44;
	v7 =	vor.u32 $0xB, v5;
	v38 =	vld [tilespmem:$0x1A500]  }
0x9b: {  	[tilespmem:$0x1FBE0] =	vst v16;
	v40 =	vld [tilespmem:$0x1A510]  }
0x9c: {  	[tilespmem:$0x1FBF0] =	vst v62;
	v44 =	vld [tilespmem:$0x1A540]  }
0x9d: {  	[tilespmem:$0x1F990] =	vst v3;
	v3 =	vld.idx.msk [tilespmem:v3+s14+$0x0], $0xffff  }
0x9e: {  	[tilespmem:$0x1F9F0] =	vst v4;
	v36 =	vld.idx.msk [tilespmem:v4+s14+$0x0], $0xffff;
	v4 =	vor.u32 $0x15, v5  }
0x9f: {  	[tilespmem:$0x1FC10] =	vst v21;
	v12 =	vld.idx.msk [tilespmem:v7+s14+$0x0], $0xffff  }
0xa0: {  	v20 =	vor.u32 $0x20, v5;
	[tilespmem:$0x1F9A0] =	vst v7;
	v7 =	vld.idx.msk [tilespmem:v15+s14+$0x0], $0xffff  }
0xa1: {  	[tilespmem:$0x1FC20] =	vst v9;
	v11 =	vor.u32 $0x21, v5;
	v15 =	vld [tilespmem:$0x1A4B0]  }
0xa2: {  	[tilespmem:$0x1FC50] =	vst v13;
	v25 =	vadd.f32 v25, v8;
	v2 =	vadd.f32 v29, v2;
	v29 =	vld [tilespmem:$0x1A560]  }
0xa3: {  	v17 =	vadd.f32 v28, v17;
	v9 =	vadd.f32 v9, v52;
	[tilespmem:$0x1FA40] =	vst v4;
	v46 =	vld.idx.msk [tilespmem:v4+s14+$0x0], $0xffff;
	v4 =	vor.u32 $0x18, v5  }
0xa4: {  	[tilespmem:$0x1FAF0] =	vst v20;
	v28 =	vadd.f32 v16, v32;
	v16 =	vld [tilespmem:$0x1A570];
	v60 =	vadd.f32 v62, v60  }
0xa5: {  	v32 =	vld.idx.msk [tilespmem:v20+s14+$0x0], $0xffff;
	v62 =	vadd.f32 v10, v54;
	[tilespmem:$0x1F960] =	vst v9;
	v54 =	vmul.f32 v9, v9;
	v9 =	vor.u32 $0x28, v5  }
0xa6: {  	[tilespmem:$0x1FB00] =	vst v11;
	v8 =	vor.u32 $0x23, v5;
	v3 =	vadd.f32 v26, v3;
	v26 =	vadd.f32 v0, v30;
	v30 =	vld.idx.msk [tilespmem:v11+s14+$0x0], $0xffff  }
0xa7: {  	[tilespmem:$0x1FBD0] =	vst v0;
	v23 =	vadd.f32 v23, v1;
	v1 =	vor.u32 $0x25, v5;
	v36 =	vadd.f32 v50, v36;
	v50 =	vld [tilespmem:$0x1A5D0]  }
0xa8: {  	v47 =	vor.u32 $0x1F, v5;
	v34 =	vadd.f32 v34, v39;
	[tilespmem:$0x1FA70] =	vst v4;
	v63 =	vld.idx.msk [tilespmem:v4+s14+$0x0], $0xffff;
	v4 =	vor.u32 $0x1D, v5  }
0xa9: {  	[tilespmem:$0x1FC00] =	vst v6;
	v23 =	vmul.f32 v23, v23;
	v39 =	vadd.f32 v15, v41;
	v41 =	vld [tilespmem:$0x1A5E0];
	v20 =	vmul.f32 v26, v26  }
0xaa: {  	[tilespmem:$0x1FB70] =	vst v9;
	v0 =	vor.u32 $0x24, v5;
	v9 =	vld.idx.msk [tilespmem:v9+s14+$0x0], $0xffff  }
0xab: {  	[tilespmem:$0x1FB20] =	vst v8;
	v11 =	vor.u32 $0x26, v5;
	v31 =	vadd.f32 v31, v7;
	v7 =	vadd.f32 v23, v20;
	v23 =	vld.idx.msk [tilespmem:v8+s14+$0x0], $0xffff  }
0xac: {  	[tilespmem:$0x1F930] =	vst v60;
	v20 =	vld.idx.msk [tilespmem:v1+s14+$0x0], $0xffff  }
0xad: {  	v33 =	vadd.f32 v33, v22;
	v37 =	vadd.f32 v35, v37;
	[tilespmem:$0x1FB30] =	vst v0;
	v57 =	vld.idx.msk [tilespmem:v4+s14+$0x0], $0xffff  }
0xae: {  	v25 =	vmul.f32 v25, v25;
	v2 =	vmul.f32 v2, v2;
	[tilespmem:$0x1FAC0] =	vst v4;
	v4 =	vld.idx.msk [tilespmem:v47+s14+$0x0], $0xffff  }
0xaf: {  	v35 =	vor.u32 $0x2B, v5;
	[tilespmem:$0x1F910] =	vst v26;
	v26 =	vmul.f32 v28, v28;
	v3 =	vmul.f32 v3, v3;
	v22 =	vld.idx.msk [tilespmem:v0+s14+$0x0], $0xffff  }
0xb0: {  	v31 =	vmul.f32 v31, v31;
	v8 =	vadd.f32 v6, v42;
	v6 =	vadd.f32 v21, v51;
	v21 =	vld.idx.msk [tilespmem:v11+s14+$0x0], $0xffff  }
0xb1: {  	[tilespmem:$0x1FB50] =	vst v11;
	v51 =	vmul.f32 v60, v60;
	v60 =	vadd.f32 v13, v59;
	v13 =	vmul.f32 v62, v62;
	v11 =	vld [tilespmem:$0x1A590]  }
0xb2: {  	v26 =	vadd.f32 v25, v26;
	v42 =	vmul.f32 v17, v17;
	v0 =	vadd.f32 v2, v54;
	v2 =	vld [tilespmem:$0x1A5C0];
	[tilespmem:$0x1F940] =	vst v8  }
0xb3: {  	v52 =	vmul.f32 v8, v8;
	v8 =	vld [tilespmem:$0x1A5A0];
	v31 =	vadd.f32 v31, v13;
	[tilespmem:$0x1F8F0] =	vst v4;
	v4 =	vadd.f32 v27, v12  }
0xb4: {  	v54 =	vor.u32 $0x2C, v5;
	v13 =	vadd.f32 v19, v45;
	v19 =	vadd.f32 v44, v53;
	v53 =	vld [tilespmem:$0x1A650]  }
0xb5: {  	[tilespmem:$0x1FAE0] =	vst v47;
	v47 =	vld [tilespmem:$0x1A530];
	v25 =	vmul.f32 v4, v4;
	v4 =	vadd.f32 v3, v51;
	v3 =	vmul.f32 v6, v6  }
0xb6: {  	v27 =	vld [tilespmem:$0x1A550];
	v12 =	vor.u32 $0x22, v5  }
0xb7: {  	[tilespmem:$0x1FB40] =	vst v1;
	v33 =	vmul.f32 v33, v33;
	v51 =	vmul.f32 v60, v60;
	v59 =	vadd.f32 v42, v3;
	v3 =	vld [tilespmem:$0x1A5B0]  }
0xb8: {  	[tilespmem:$0x1F950] =	vst v6;
	v6 =	vadd.f32 v25, v52;
	v52 =	vadd.f32 v14, v46;
	v46 =	vld [tilespmem:$0x1A5F0]  }
0xb9: {  	v37 =	vmul.f32 v37, v37;
	v1 =	vadd.f32 v33, v51;
	v51 =	vmul.f32 v39, v39;
	v39 =	vld.idx.msk [tilespmem:v35+s14+$0x0], $0xffff  }
0xba: {  	v18 =	vadd.f32 v18, v48;
	v45 =	vadd.f32 v24, v49;
	v13 =	vmul.f32 v13, v13;
	v14 =	vld.idx.msk [tilespmem:v54+s14+$0x0], $0xffff  }
0xbb: {  	v48 =	vor.u32 $0x2E, v5;
	[tilespmem:$0x1F920] =	vst v28;
	v34 =	vmul.f32 v34, v34;
	v26 =	vadd.f32 v37, v26;
	v28 =	vld.idx.msk [tilespmem:v12+s14+$0x0], $0xffff  }
0xbc: {  	[tilespmem:$0x1FBB0] =	vst v54;
	v54 =	vmul.f32 v45, v45;
	v37 =	vadd.f32 v13, v59;
	v59 =	vadd.f32 v40, v61;
	v40 =	vld [tilespmem:$0x1A600]  }
0xbd: {  	v25 =	vor.u32 $0x29, v5;
	v6 =	vadd.f32 v51, v6;
	v51 =	vld [tilespmem:$0x1A610]  }
0xbe: {  	v34 =	vadd.f32 v34, v4;
	v4 =	vmul.f32 v52, v52;
	v1 =	vadd.f32 v54, v1;
	v54 =	vld [tilespmem:$0x1A630]  }
0xbf: {  	v52 =	vmul.f32 v18, v18;
	v61 =	vadd.f32 v43, v55;
	v43 =	vadd.f32 v47, v56;
	v56 =	vld [tilespmem:$0x1A640]  }
0xc0: {  	v33 =	vor.u32 $0x2A, v5;
	v18 =	vadd.f32 v27, v57;
	v57 =	vld [tilespmem:$0x1A670]  }
0xc1: {  	[tilespmem:$0x1FC40] =	vst v10;
	v42 =	vor.u32 $0x2D, v5;
	v10 =	vadd.f32 v52, v31;
	v31 =	vld.idx.msk [tilespmem:v48+s14+$0x0], $0xffff  }
0xc2: {  	[tilespmem:$0x1FB10] =	vst v12;
	v12 =	vor.u32 $0x27, v5;
	v52 =	vld [tilespmem:$0x1A620]  }
0xc3: {  	v36 =	vmul.f32 v36, v36;
	v0 =	vadd.f32 v4, v0;
	v4 =	vadd.f32 v38, v63;
	v63 =	vld [tilespmem:$0x1F8F0]  }
0xc4: {  	v29 =	vadd.f32 v29, v58;
	v49 =	vld.idx.msk [tilespmem:v25+s14+$0x0], $0xffff  }
0xc5: {  	v36 =	vadd.f32 v36, v7;
	v11 =	vadd.f32 v11, v30;
	v7 =	vld.idx.msk [tilespmem:v33+s14+$0x0], $0xffff  }
0xc6: {  	v29 =	vmul.f32 v29, v29;
	v19 =	vmul.f32 v19, v19;
	v2 =	vadd.f32 v2, v22;
	v15 =	vld.idx.msk [tilespmem:v42+s14+$0x0], $0xffff  }
0xc7: {  	[tilespmem:$0x1FBA0] =	vst v35;
	v58 =	vor.u32 $0x34, v5;
	v11 =	vmul.f32 v11, v11;
	v38 =	vmul.f32 v61, v61;
	v17 =	vld.idx.msk [tilespmem:v12+s14+$0x0], $0xffff  }
0xc8: {  	v20 =	vadd.f32 v50, v20;
	v2 =	vmul.f32 v2, v2;
	[tilespmem:$0x1FB60] =	vst v12;
	v35 =	vmul.f32 v59, v59;
	v12 =	vld [tilespmem:$0x1A580]  }
0xc9: {  	v61 =	vor.u32 $0x31, v5;
	v19 =	vadd.f32 v19, v37;
	v34 =	vadd.f32 v38, v34;
	v38 =	vld [tilespmem:$0x1A660]  }
0xca: {  	v18 =	vmul.f32 v18, v18;
	v27 =	vmul.f32 v4, v4;
	v10 =	vadd.f32 v29, v10;
	v29 =	vld [tilespmem:$0x1A690]  }
0xcb: {  	v59 =	vor.u32 $0x35, v5;
	v26 =	vadd.f32 v35, v26;
	v2 =	vadd.f32 v2, v19;
	v19 =	vld [tilespmem:$0x1A6B0]  }
0xcc: {  	v20 =	vmul.f32 v20, v20;
	v0 =	vadd.f32 v18, v0;
	v36 =	vadd.f32 v27, v36;
	v27 =	vld.idx.msk [tilespmem:v58+s14+$0x0], $0xffff  }
0xcd: {  	v43 =	vmul.f32 v43, v43;
	v3 =	vadd.f32 v3, v23;
	v11 =	vadd.f32 v11, v26;
	v26 =	vld [tilespmem:$0x1A680]  }
0xce: {  	[tilespmem:$0x1FB90] =	vst v33;
	v33 =	vor.u32 $0x2F, v5;
	v0 =	vadd.f32 v20, v0;
	v20 =	vld [tilespmem:$0x1A6D0]  }
0xcf: {  	v21 =	vadd.f32 v41, v21;
	v6 =	vadd.f32 v43, v6;
	v3 =	vmul.f32 v3, v3;
	v37 =	vld.idx.msk [tilespmem:v61+s14+$0x0], $0xffff  }
0xd0: {  	v50 =	vadd.f32 v54, v39;
	v22 =	vld.idx.msk [tilespmem:v59+s14+$0x0], $0xffff  }
0xd1: {  	v4 =	vor.u32 $0x30, v5;
	v3 =	vadd.f32 v3, v6;
	v6 =	vmul.f32 v21, v21;
	v21 =	vld [tilespmem:$0x1A6A0]  }
0xd2: {  	[tilespmem:$0x1FC80] =	vst v59;
	v59 =	vmul.f32 v50, v50;
	v50 =	vld [tilespmem:$0x1A710]  }
0xd3: {  	v45 =	vor.u32 $0x38, v5;
	[tilespmem:$0x1FB80] =	vst v25;
	v25 =	vor.u32 $0x33, v5;
	v8 =	vadd.f32 v8, v28;
	v24 =	vld.idx.msk [tilespmem:v33+s14+$0x0], $0xffff  }
0xd4: {  	v9 =	vadd.f32 v40, v9;
	v54 =	vor.u32 $0x3C, v5;
	v47 =	vadd.f32 v51, v49;
	v51 =	vld [tilespmem:$0x1A6E0]  }
0xd5: {  	[tilespmem:$0x1FC70] =	vst v58;
	v14 =	vadd.f32 v56, v14;
	v56 =	vor.u32 $0x3D, v5;
	v15 =	vadd.f32 v53, v15;
	v53 =	vld [tilespmem:$0x1A720]  }
0xd6: {  	[tilespmem:$0x1FF20] =	vst v45;
	v8 =	vmul.f32 v8, v8;
	v58 =	vor.u32 $0x3F, v5;
	v16 =	vadd.f32 v16, v63;
	v55 =	vld.idx.msk [tilespmem:v4+s14+$0x0], $0xffff  }
0xd7: {  	[tilespmem:$0x1FBC0] =	vst v61;
	v63 =	vor.u32 $0x32, v5;
	v61 =	vor.u32 $0x36, v5;
	v6 =	vadd.f32 v6, v10;
	v10 =	vld [tilespmem:$0x1A6C0]  }
0xd8: {  	v9 =	vmul.f32 v9, v9;
	v14 =	vmul.f32 v14, v14;
	v31 =	vadd.f32 v38, v31;
	v38 =	vld.idx.msk [tilespmem:v45+s14+$0x0], $0xffff  }
0xd9: {  	[tilespmem:$0x1FF70] =	vst v56;
	v8 =	vadd.f32 v8, v34;
	v49 =	vor.u32 $0x3A, v5;
	v7 =	vadd.f32 v52, v7;
	v30 =	vld.idx.msk [tilespmem:v54+s14+$0x0], $0xffff  }
0xda: {  	[tilespmem:$0x1FF90] =	vst v58;
	v52 =	vor.u32 $0x3B, v5;
	v16 =	vmul.f32 v16, v16;
	v12 =	vadd.f32 v12, v32;
	v40 =	vld.idx.msk [tilespmem:v56+s14+$0x0], $0xffff  }
0xdb: {  	[tilespmem:$0x1FC30] =	vst v63;
	v17 =	vadd.f32 v46, v17;
	v46 =	vor.u32 $0x39, v5;
	v3 =	vadd.f32 v59, v3;
	v56 =	vld [tilespmem:$0x1A730]  }
0xdc: {  	v2 =	vadd.f32 v14, v2;
	v7 =	vmul.f32 v7, v7;
	v1 =	vadd.f32 v16, v1;
	v16 =	vld.idx.msk [tilespmem:v25+s14+$0x0], $0xffff  }
0xdd: {  	[tilespmem:$0x1FC90] =	vst v61;
	v12 =	vmul.f32 v12, v12;
	v17 =	vmul.f32 v17, v17;
	v18 =	vld.idx.msk [tilespmem:v63+s14+$0x0], $0xffff;
	v63 =	vor.u32 $0x37, v5  }
0xde: {  	v23 =	vld.idx.msk [tilespmem:v61+s14+$0x0], $0xffff;
	v7 =	vadd.f32 v7, v8;
	v61 =	vmul.f32 v15, v15;
	v20 =	vadd.f32 v20, v22  }
0xdf: {  	[tilespmem:$0x1FF40] =	vst v49;
	v12 =	vadd.f32 v12, v36;
	v24 =	vadd.f32 v57, v24;
	v57 =	vor.u32 $0x3E, v5;
	v5 =	vld.idx.msk [tilespmem:v49+s14+$0x0], $0xffff  }
0xe0: {  	[tilespmem:$0x1FF50] =	vst v52;
	v1 =	vadd.f32 v17, v1;
	v17 =	vmul.f32 v47, v47;
	v47 =	vadd.f32 v29, v37;
	v49 =	vld [tilespmem:$0x1A700]  }
0xe1: {  	[tilespmem:$0x1FF30] =	vst v46;
	v39 =	vld.idx.msk [tilespmem:v46+s14+$0x0], $0xffff;
	v0 =	vadd.f32 v61, v0;
	v45 =	vadd.f32 v26, v55  }
0xe2: {  	v46 =	vld.idx.msk [tilespmem:v58+s14+$0x0], $0xffff;
	v10 =	vadd.f32 v10, v27;
	v58 =	vmul.f32 v20, v20;
	v9 =	vadd.f32 v9, v12  }
0xe3: {  	v11 =	vadd.f32 v17, v11;
	v17 =	vld.idx.msk [tilespmem:v52+s14+$0x0], $0xffff;
	v35 =	vmul.f32 v24, v24;
	v52 =	vmul.f32 v47, v47  }
0xe4: {  	v61 =	vld [tilespmem:$0x1A750];
	v16 =	vadd.f32 v19, v16;
	v12 =	vmul.f32 v45, v45;
	v0 =	vadd.f32 v58, v0  }
0xe5: {  	v26 =	vld [tilespmem:$0x1A770];
	v10 =	vmul.f32 v10, v10;
	v1 =	vadd.f32 v35, v1;
	v18 =	vadd.f32 v21, v18  }
0xe6: {  	[tilespmem:$0x1FCA0] =	vst v63;
	v36 =	vld [tilespmem:$0x1A6F0];
	v51 =	vadd.f32 v51, v23;
	v11 =	vadd.f32 v52, v11  }
0xe7: {  	v28 =	vld.idx.msk [tilespmem:v63+s14+$0x0], $0xffff;
	v63 =	vmul.f32 v31, v31;
	v9 =	vadd.f32 v12, v9;
	v2 =	vadd.f32 v10, v2  }
0xe8: {  	v44 =	vld.idx.msk [tilespmem:v57+s14+$0x0], $0xffff;
	v16 =	vmul.f32 v16, v16;
	v27 =	vadd.f32 v49, v38;
	v5 =	vadd.f32 v53, v5  }
0xe9: {  	[tilespmem:$0x1FF80] =	vst v57;
	v57 =	vld [tilespmem:$0x1A740];
	v6 =	vadd.f32 v63, v6;
	v55 =	vmul.f32 v18, v18;
	v19 =	vadd.f32 v50, v39  }
0xea: {  	[tilespmem:$0x1FC60] =	vst v25;
	v25 =	vld [tilespmem:$0x1A760];
	v59 =	vmul.f32 v51, v51;
	v14 =	vadd.f32 v61, v40;
	v12 =	vadd.f32 v26, v46  }
0xeb: {  	v3 =	vadd.f32 v16, v3;
	v17 =	vadd.f32 v56, v17;
	v10 =	vmul.f32 v27, v27  }
0xec: {  	v5 =	vmul.f32 v5, v5;
	v7 =	vadd.f32 v55, v7;
	v6 =	vadd.f32 v59, v6  }
0xed: {  	[tilespmem:$0x1FF60] =	vst v54;
	v19 =	vmul.f32 v19, v19;
	v14 =	vmul.f32 v14, v14;
	v54 =	vadd.f32 v36, v28  }
0xee: {  	v31 =	vmul.f32 v12, v12;
	v9 =	vadd.f32 v10, v9;
	v28 =	vadd.f32 v57, v30  }
0xef: {  	v8 =	vadd.f32 v25, v44;
	v29 =	vadd.f32 v19, v11;
	v63 =	vmul.f32 v54, v54  }
0xf0: {  	v30 =	vmul.f32 v17, v17;
	v5 =	vadd.f32 v5, v7;
	v7 =	vmul.f32 v28, v28  }
0xf1: {  	v0 =	vadd.f32 v14, v0;
	v8 =	vmul.f32 v8, v8;
	v1 =	vadd.f32 v63, v1  }
0xf2: {  	v3 =	vadd.f32 v30, v3;
	v2 =	vadd.f32 v7, v2  }
0xf3: {  	v6 =	vadd.f32 v8, v6;
	v1 =	vadd.f32 v31, v1  }
0xf4: {  	v7 =	vadd.f32 v29, v9;
	v3 =	vadd.f32 v3, v5  }
0xf5: {  	v0 =	vadd.f32 v0, v2;
	v1 =	vadd.f32 v1, v6;
	_ =	sdelay $0x1  }
0xf6: {  	v32 =	vadd.f32 v3, v7;
	v0 =	vadd.f32 v1, v0;
	_ =	sdelay $0x1  }
0xf7: {  	v0 =	vadd.f32 v0, v32;
	_ =	sdelay $0x1  }
0xf8: {  	v34 =	vshra.s32 v0, $0x1;
	v2 =	vmul.f32 $5.000000000e-01, v0  }
0xf9: {  	v1 =	vsub.s32 $0x5F3759DF, v34  }
0xfa: {  	v3 =	vmul.f32 v1, v2;
	_ =	sdelay $0x1  }
0xfb: {  	v3 =	vmul.f32 v1, v3;
	_ =	sdelay $0x1  }
0xfc: {  	v3 =	vsub.f32 $1.500000000e+00, v3;
	_ =	sdelay $0x1  }
0xfd: {  	v1 =	vmul.f32 v1, v3;
	_ =	sdelay $0x1  }
0xfe: {  	v3 =	vmul.f32 v1, v2;
	_ =	sdelay $0x1  }
0xff: {  	v3 =	vmul.f32 v3, v1;
	_ =	sdelay $0x1  }
0x100: {  	v3 =	vsub.f32 $1.500000000e+00, v3;
	_ =	sdelay $0x1  }
0x101: {  	v1 =	vmul.f32 v3, v1;
	_ =	sdelay $0x1  }
0x102: {  	v2 =	vmul.f32 v1, v2  }
0x103: {  	v3 =	vld [tilespmem:$0x1F900]  }
0x104: {  	v2 =	vmul.f32 v2, v1;
	_ =	sdelay $0x1  }
0x105: {  	v2 =	vsub.f32 $1.500000000e+00, v2;
	_ =	sdelay $0x1  }
0x106: {  	v35 =	vmulhi.u32 $0x4EC4EC4F, v3;
	v1 =	vmul.f32 v2, v1;
	_ =	sdelay $0x1  }
0x107: {  	v36 =	vshrl.u32 v35, $0x3;
	v0 =	vmul.f32 v1, v0  }
0x108: {  	v2 =	vmul.u32 $0xFFFFFFE6, v36  }
0x109: {  	v37 =	vmov s29;
	v0 =	vmax.f32 v0, $9.999999960e-13  }
0x10a: {  	v2 =	vadd.s32 v3, v2;
	v3 =	vlaneseq.u32;
	(erf) = vrcp.f32 v0  }
0x10b: {  	vm0 =	veq.s32 v37, v3;
	vm1 =	vne.s32 v2, $0x0  }
0x10c: {  	v38 =	vimm.s32 $0x0;
	vm0 =	vmand vm0, vm1  }
0x10d: {  	v0 =	vsel vm0, $0xFFFFFFFF, v38  }
0x10e: {  	v0 =	vadd.s32 v0, v36  }
0x10f: {  	v40 =	vld [tilespmem:$0x1F910];
	v0 =	vmul.u32 $0x680, v0  }
0x110: {  	v5 =	vld [tilespmem:$0x1F920];
	v39 =	vshll.u32 v2, $0x6  }
0x111: {  	v41 =	vld [tilespmem:$0x1F930];
	v11 =	vadd.s32 v39, v0  }
0x112: {  	v43 =	vld [tilespmem:$0x1F940];
	v0 =	vor.u32 $0x1, v11  }
0x113: {  	v44 =	vld [tilespmem:$0x1F950];
	v1 =	vor.u32 $0x2, v11;
	v10 =	vpop (erf)  }
0x114: {  	v46 =	vld [tilespmem:$0x1F960];
	v3 =	vor.u32 $0x3, v11;
	v2 =	vmul.f32 v10, v40  }
0x115: {  	v6 =	vor.u32 $0x4, v11;
	v5 =	vmul.f32 v10, v5  }
0x116: {  	v50 =	vld [tilespmem:$0x1F970];
	v7 =	vor.u32 $0x5, v11;
	[tilespmem:v11+s17+$0x0] =	vst.idx.msk $0xffff, v2;
	v2 =	vmul.f32 v10, v41  }
0x117: {  	v51 =	vld [tilespmem:$0x1F980];
	[tilespmem:v0+s17+$0x0] =	vst.idx.msk $0xffff, v5;
	v0 =	vmul.f32 v10, v43;
	v5 =	vor.u32 $0x6, v11  }
0x118: {  	v52 =	vld [tilespmem:$0x1F990];
	v45 =	vor.u32 $0x7, v11;
	[tilespmem:v1+s17+$0x0] =	vst.idx.msk $0xffff, v2;
	v1 =	vmul.f32 v10, v44  }
0x119: {  	v53 =	vld [tilespmem:$0x1F9A0];
	[tilespmem:v3+s17+$0x0] =	vst.idx.msk $0xffff, v0;
	v0 =	vmul.f32 v10, v46  }
0x11a: {  	v54 =	vld [tilespmem:$0x1F9B0];
	v47 =	vmul.f32 v10, v62;
	[tilespmem:v6+s17+$0x0] =	vst.idx.msk $0xffff, v1  }
0x11b: {  	v55 =	vld [tilespmem:$0x1F9C0];
	v49 =	vmul.f32 v10, v60;
	[tilespmem:v7+s17+$0x0] =	vst.idx.msk $0xffff, v0  }
0x11c: {  	v56 =	vld [tilespmem:$0x1F9D0];
	[tilespmem:v5+s17+$0x0] =	vst.idx.msk $0xffff, v47  }
0x11d: {  	v58 =	vld [tilespmem:$0x1F9E0];
	[tilespmem:v45+s17+$0x0] =	vst.idx.msk $0xffff, v49  }
0x11e: {  	v0 =	vld.idx.msk [tilespmem:v50+s14+$0x0], $0xffff  }
0x11f: {  	v2 =	vld.idx.msk [tilespmem:v51+s14+$0x0], $0xffff  }
0x120: {  	v3 =	vld.idx.msk [tilespmem:v52+s14+$0x0], $0xffff  }
0x121: {  	v5 =	vld.idx.msk [tilespmem:v53+s14+$0x0], $0xffff  }
0x122: {  	v6 =	vld.idx.msk [tilespmem:v54+s14+$0x0], $0xffff  }
0x123: {  	v7 =	vld.idx.msk [tilespmem:v55+s14+$0x0], $0xffff  }
0x124: {  	v57 =	vld.idx.msk [tilespmem:v56+s14+$0x0], $0xffff  }
0x125: {  	v59 =	vld.idx.msk [tilespmem:v58+s14+$0x0], $0xffff  }
0x126: {  	v37 =	vld [tilespmem:$0x1A400]  }
0x127: {  	v41 =	vld [tilespmem:$0x1A410]  }
0x128: {  	v50 =	vld [tilespmem:$0x1A420]  }
0x129: {  	v23 =	vld [tilespmem:$0x1A430]  }
0x12a: {  	v60 =	vor.u32 $0x8, v11;
	v25 =	vld [tilespmem:$0x1A440]  }
0x12b: {  	v62 =	vor.u32 $0x9, v11;
	v24 =	vld [tilespmem:$0x1A450];
	v61 =	vadd.f32 v37, v0  }
0x12c: {  	v63 =	vor.u32 $0xA, v11;
	v28 =	vld [tilespmem:$0x1A460];
	v2 =	vadd.f32 v41, v2  }
0x12d: {  	v21 =	vor.u32 $0xB, v11;
	v26 =	vld [tilespmem:$0x1A470];
	v3 =	vadd.f32 v50, v3;
	v14 =	vmul.f32 v10, v61  }
0x12e: {  	v22 =	vor.u32 $0xC, v11;
	v5 =	vadd.f32 v23, v5;
	v2 =	vmul.f32 v10, v2  }
0x12f: {  	v34 =	vld [tilespmem:$0x1F9F0];
	v27 =	vor.u32 $0xD, v11;
	v6 =	vadd.f32 v25, v6;
	v3 =	vmul.f32 v10, v3;
	[tilespmem:v60+s17+$0x0] =	vst.idx.msk $0xffff, v14  }
0x130: {  	v35 =	vld [tilespmem:$0x1FA00];
	v29 =	vmul.f32 v10, v5;
	v5 =	vadd.f32 v24, v7;
	v7 =	vor.u32 $0xE, v11;
	[tilespmem:v62+s17+$0x0] =	vst.idx.msk $0xffff, v2  }
0x131: {  	v36 =	vld [tilespmem:$0x1FA10];
	v30 =	vor.u32 $0xF, v11;
	[tilespmem:v63+s17+$0x0] =	vst.idx.msk $0xffff, v3;
	v3 =	vmul.f32 v10, v6;
	v6 =	vadd.f32 v28, v57  }
0x132: {  	v38 =	vld [tilespmem:$0x1FA20];
	v31 =	vmul.f32 v10, v5;
	v5 =	vadd.f32 v26, v59;
	[tilespmem:v21+s17+$0x0] =	vst.idx.msk $0xffff, v29  }
0x133: {  	v39 =	vld [tilespmem:$0x1FA30];
	[tilespmem:v22+s17+$0x0] =	vst.idx.msk $0xffff, v3;
	v3 =	vmul.f32 v10, v6  }
0x134: {  	v55 =	vld [tilespmem:$0x1FA50];
	v32 =	vmul.f32 v10, v5;
	[tilespmem:v27+s17+$0x0] =	vst.idx.msk $0xffff, v31  }
0x135: {  	v40 =	vld [tilespmem:$0x1FA40];
	[tilespmem:v7+s17+$0x0] =	vst.idx.msk $0xffff, v3  }
0x136: {  	v56 =	vld [tilespmem:$0x1FA60];
	[tilespmem:v30+s17+$0x0] =	vst.idx.msk $0xffff, v32  }
0x137: {  	v2 =	vld.idx.msk [tilespmem:v34+s14+$0x0], $0xffff  }
0x138: {  	v3 =	vld.idx.msk [tilespmem:v35+s14+$0x0], $0xffff  }
0x139: {  	v5 =	vld.idx.msk [tilespmem:v36+s14+$0x0], $0xffff  }
0x13a: {  	v7 =	vld.idx.msk [tilespmem:v38+s14+$0x0], $0xffff  }
0x13b: {  	v8 =	vld.idx.msk [tilespmem:v39+s14+$0x0], $0xffff  }
0x13c: {  	v12 =	vld.idx.msk [tilespmem:v55+s14+$0x0], $0xffff  }
0x13d: {  	v39 =	vld [tilespmem:$0x1A480]  }
0x13e: {  	v46 =	vld [tilespmem:$0x1A490]  }
0x13f: {  	v27 =	vld [tilespmem:$0x1A4A0]  }
0x140: {  	v51 =	vld [tilespmem:$0x1A4B0]  }
0x141: {  	v57 =	vor.u32 $0x10, v11;
	v55 =	vld [tilespmem:$0x1A4C0]  }
0x142: {  	v58 =	vor.u32 $0x11, v11;
	v43 =	vld.idx.msk [tilespmem:v40+s14+$0x0], $0xffff;
	v2 =	vadd.f32 v39, v2  }
0x143: {  	v59 =	vor.u32 $0x12, v11;
	v14 =	vld.idx.msk [tilespmem:v56+s14+$0x0], $0xffff;
	v3 =	vadd.f32 v46, v3  }
0x144: {  	v60 =	vor.u32 $0x13, v11;
	v49 =	vld [tilespmem:$0x1A4D0];
	v5 =	vadd.f32 v27, v5;
	v2 =	vmul.f32 v2, v10  }
0x145: {  	v61 =	vor.u32 $0x14, v11;
	v32 =	vld [tilespmem:$0x1A4E0];
	v7 =	vadd.f32 v51, v7;
	v3 =	vmul.f32 v3, v10  }
0x146: {  	v34 =	vld [tilespmem:$0x1A4F0];
	v62 =	vmul.f32 v5, v10;
	v5 =	vadd.f32 v55, v8;
	[tilespmem:v57+s17+$0x0] =	vst.idx.msk $0xffff, v2  }
0x147: {  	[tilespmem:v58+s17+$0x0] =	vst.idx.msk $0xffff, v3;
	v3 =	vmul.f32 v7, v10  }
0x148: {  	v17 =	vmul.f32 v5, v10;
	[tilespmem:v59+s17+$0x0] =	vst.idx.msk $0xffff, v62  }
0x149: {  	[tilespmem:v60+s17+$0x0] =	vst.idx.msk $0xffff, v3  }
0x14a: {  	[tilespmem:v61+s17+$0x0] =	vst.idx.msk $0xffff, v17  }
0x14b: {  	v63 =	vor.u32 $0x15, v11;
	v20 =	vld [tilespmem:$0x1FA70]  }
0x14c: {  	v16 =	vor.u32 $0x16, v11;
	v7 =	vadd.f32 v49, v43;
	v21 =	vld [tilespmem:$0x1FA80]  }
0x14d: {  	v18 =	vor.u32 $0x17, v11;
	v5 =	vadd.f32 v32, v12;
	v22 =	vld [tilespmem:$0x1FA90]  }
0x14e: {  	v3 =	vmul.f32 v7, v10;
	v7 =	vadd.f32 v34, v14;
	v29 =	vld [tilespmem:$0x1FAA0]  }
0x14f: {  	v19 =	vmul.f32 v5, v10;
	v30 =	vld [tilespmem:$0x1FAB0]  }
0x150: {  	v31 =	vld [tilespmem:$0x1FAC0];
	[tilespmem:v63+s17+$0x0] =	vst.idx.msk $0xffff, v3;
	v3 =	vmul.f32 v7, v10  }
0x151: {  	v35 =	vld [tilespmem:$0x1FAD0];
	[tilespmem:v16+s17+$0x0] =	vst.idx.msk $0xffff, v19  }
0x152: {  	v36 =	vld [tilespmem:$0x1FAE0];
	[tilespmem:v18+s17+$0x0] =	vst.idx.msk $0xffff, v3  }
0x153: {  	v40 =	vld [tilespmem:$0x1A500]  }
0x154: {  	v47 =	vld [tilespmem:$0x1A510]  }
0x155: {  	v52 =	vld [tilespmem:$0x1A520]  }
0x156: {  	v45 =	vld [tilespmem:$0x1A530]  }
0x157: {  	v53 =	vld [tilespmem:$0x1A540]  }
0x158: {  	v57 =	vld [tilespmem:$0x1A550]  }
0x159: {  	v61 =	vld [tilespmem:$0x1A560]  }
0x15a: {  	v2 =	vld.idx.msk [tilespmem:v20+s14+$0x0], $0xffff  }
0x15b: {  	v3 =	vld.idx.msk [tilespmem:v21+s14+$0x0], $0xffff  }
0x15c: {  	v5 =	vld.idx.msk [tilespmem:v22+s14+$0x0], $0xffff  }
0x15d: {  	v7 =	vld.idx.msk [tilespmem:v29+s14+$0x0], $0xffff  }
0x15e: {  	v8 =	vld.idx.msk [tilespmem:v30+s14+$0x0], $0xffff  }
0x15f: {  	v54 =	vor.u32 $0x18, v11;
	v9 =	vld.idx.msk [tilespmem:v31+s14+$0x0], $0xffff  }
0x160: {  	v59 =	vor.u32 $0x19, v11;
	v12 =	vld.idx.msk [tilespmem:v35+s14+$0x0], $0xffff;
	v2 =	vadd.f32 v40, v2  }
0x161: {  	v60 =	vor.u32 $0x1A, v11;
	v38 =	vld.idx.msk [tilespmem:v36+s14+$0x0], $0xffff;
	v3 =	vadd.f32 v47, v3  }
0x162: {  	v62 =	vor.u32 $0x1B, v11;
	v35 =	vld [tilespmem:$0x1A570];
	[tilespmem:$0x1FCB0] =	vst v45;
	v5 =	vadd.f32 v52, v5;
	v2 =	vmul.f32 v2, v10  }
0x163: {  	v63 =	vor.u32 $0x1C, v11;
	[tilespmem:$0x1FCC0] =	vst v53;
	v7 =	vadd.f32 v45, v7;
	v3 =	vmul.f32 v3, v10  }
0x164: {  	v16 =	vor.u32 $0x1D, v11;
	v31 =	vld [tilespmem:$0x1FAF0];
	v15 =	vmul.f32 v5, v10;
	v5 =	vadd.f32 v53, v8;
	[tilespmem:v54+s17+$0x0] =	vst.idx.msk $0xffff, v2  }
0x165: {  	v21 =	vor.u32 $0x1E, v11;
	v36 =	vld [tilespmem:$0x1FB00];
	[tilespmem:v59+s17+$0x0] =	vst.idx.msk $0xffff, v3;
	v3 =	vmul.f32 v7, v10;
	v7 =	vadd.f32 v57, v9  }
0x166: {  	v43 =	vld [tilespmem:$0x1FB20];
	v29 =	vor.u32 $0x1F, v11;
	v22 =	vmul.f32 v5, v10;
	v5 =	vadd.f32 v61, v12;
	[tilespmem:v60+s17+$0x0] =	vst.idx.msk $0xffff, v15  }
0x167: {  	v44 =	vld [tilespmem:$0x1FB30];
	[tilespmem:v62+s17+$0x0] =	vst.idx.msk $0xffff, v3;
	v3 =	vmul.f32 v7, v10;
	v7 =	vadd.f32 v35, v38  }
0x168: {  	v45 =	vld [tilespmem:$0x1FB40];
	v30 =	vmul.f32 v5, v10;
	[tilespmem:v63+s17+$0x0] =	vst.idx.msk $0xffff, v22  }
0x169: {  	v53 =	vld [tilespmem:$0x1FB50];
	[tilespmem:v16+s17+$0x0] =	vst.idx.msk $0xffff, v3;
	v3 =	vmul.f32 v7, v10  }
0x16a: {  	v59 =	vld [tilespmem:$0x1FB60];
	[tilespmem:v21+s17+$0x0] =	vst.idx.msk $0xffff, v30  }
0x16b: {  	v38 =	vld [tilespmem:$0x1FB10];
	[tilespmem:v29+s17+$0x0] =	vst.idx.msk $0xffff, v3  }
0x16c: {  	v2 =	vld.idx.msk [tilespmem:v31+s14+$0x0], $0xffff  }
0x16d: {  	v3 =	vld.idx.msk [tilespmem:v36+s14+$0x0], $0xffff  }
0x16e: {  	v7 =	vld.idx.msk [tilespmem:v43+s14+$0x0], $0xffff  }
0x16f: {  	v8 =	vld.idx.msk [tilespmem:v44+s14+$0x0], $0xffff  }
0x170: {  	v9 =	vld.idx.msk [tilespmem:v45+s14+$0x0], $0xffff  }
0x171: {  	v62 =	vld [tilespmem:$0x1A590]  }
0x172: {  	v60 =	vld [tilespmem:$0x1A5A0]  }
0x173: {  	v15 =	vld.idx.msk [tilespmem:v59+s14+$0x0], $0xffff  }
0x174: {  	v59 =	vld [tilespmem:$0x1A580]  }
0x175: {  	v45 =	vld [tilespmem:$0x1A5B0]  }
0x176: {  	v5 =	vld.idx.msk [tilespmem:v38+s14+$0x0], $0xffff  }
0x177: {  	v63 =	vld [tilespmem:$0x1A5C0]  }
0x178: {  	v12 =	vor.u32 $0x20, v11;
	v54 =	vld.idx.msk [tilespmem:v53+s14+$0x0], $0xffff  }
0x179: {  	v13 =	vor.u32 $0x21, v11;
	v6 =	vld [tilespmem:$0x1A5D0];
	v2 =	vadd.f32 v59, v2  }
0x17a: {  	v16 =	vor.u32 $0x22, v11;
	v58 =	vld [tilespmem:$0x1A5E0];
	v3 =	vadd.f32 v62, v3  }
0x17b: {  	v17 =	vor.u32 $0x23, v11;
	v36 =	vld [tilespmem:$0x1A5F0];
	[tilespmem:$0x1FCD0] =	vst v60;
	v2 =	vmul.f32 v2, v10;
	v5 =	vadd.f32 v60, v5  }
0x17c: {  	v29 =	vor.u32 $0x24, v11;
	[tilespmem:$0x1FCE0] =	vst v63;
	v7 =	vadd.f32 v45, v7;
	v3 =	vmul.f32 v3, v10  }
0x17d: {  	v56 =	vld [tilespmem:$0x1FB80];
	v31 =	vor.u32 $0x25, v11;
	[tilespmem:v12+s17+$0x0] =	vst.idx.msk $0xffff, v2;
	v30 =	vmul.f32 v5, v10;
	v5 =	vadd.f32 v63, v8  }
0x17e: {  	v38 =	vor.u32 $0x26, v11;
	v60 =	vld [tilespmem:$0x1FB90];
	[tilespmem:v13+s17+$0x0] =	vst.idx.msk $0xffff, v3;
	v3 =	vmul.f32 v7, v10;
	v7 =	vadd.f32 v6, v9  }
0x17f: {  	v44 =	vor.u32 $0x27, v11;
	v63 =	vld [tilespmem:$0x1FBA0];
	[tilespmem:v16+s17+$0x0] =	vst.idx.msk $0xffff, v30;
	v43 =	vmul.f32 v5, v10;
	v5 =	vadd.f32 v58, v54  }
0x180: {  	v8 =	vld [tilespmem:$0x1FBB0];
	[tilespmem:v17+s17+$0x0] =	vst.idx.msk $0xffff, v3;
	v3 =	vmul.f32 v7, v10;
	v7 =	vadd.f32 v36, v15  }
0x181: {  	[tilespmem:v29+s17+$0x0] =	vst.idx.msk $0xffff, v43;
	v53 =	vmul.f32 v5, v10  }
0x182: {  	[tilespmem:v31+s17+$0x0] =	vst.idx.msk $0xffff, v3;
	v3 =	vmul.f32 v7, v10  }
0x183: {  	[tilespmem:v38+s17+$0x0] =	vst.idx.msk $0xffff, v53  }
0x184: {  	v54 =	vld [tilespmem:$0x1FB70];
	[tilespmem:v44+s17+$0x0] =	vst.idx.msk $0xffff, v3  }
0x185: {  	v3 =	vld.idx.msk [tilespmem:v56+s14+$0x0], $0xffff  }
0x186: {  	v5 =	vld.idx.msk [tilespmem:v60+s14+$0x0], $0xffff  }
0x187: {  	v7 =	vld.idx.msk [tilespmem:v63+s14+$0x0], $0xffff  }
0x188: {  	v14 =	vld.idx.msk [tilespmem:v8+s14+$0x0], $0xffff  }
0x189: {  	v9 =	vld.idx.msk [tilespmem:v42+s14+$0x0], $0xffff  }
0x18a: {  	v18 =	vld.idx.msk [tilespmem:v48+s14+$0x0], $0xffff  }
0x18b: {  	v38 =	vld [tilespmem:$0x1A600]  }
0x18c: {  	v53 =	vld [tilespmem:$0x1A610]  }
0x18d: {  	v2 =	vld.idx.msk [tilespmem:v54+s14+$0x0], $0xffff  }
0x18e: {  	v56 =	vld [tilespmem:$0x1A620]  }
0x18f: {  	v43 =	vld [tilespmem:$0x1A630]  }
0x190: {  	v13 =	vld [tilespmem:$0x1A640]  }
0x191: {  	v16 =	vor.u32 $0x28, v11;
	v19 =	vld.idx.msk [tilespmem:v33+s14+$0x0], $0xffff  }
0x192: {  	v17 =	vor.u32 $0x29, v11;
	v54 =	vld [tilespmem:$0x1A650];
	v2 =	vadd.f32 v38, v2  }
0x193: {  	v22 =	vor.u32 $0x2A, v11;
	v0 =	vld [tilespmem:$0x1A660];
	v3 =	vadd.f32 v53, v3  }
0x194: {  	v63 =	vld [tilespmem:$0x1A670];
	v42 =	vor.u32 $0x2B, v11;
	v5 =	vadd.f32 v56, v5;
	v2 =	vmul.f32 v2, v10  }
0x195: {  	v44 =	vor.u32 $0x2C, v11;
	[tilespmem:$0x1FD00] =	vst v13;
	v7 =	vadd.f32 v43, v7;
	v3 =	vmul.f32 v3, v10  }
0x196: {  	v60 =	vor.u32 $0x2D, v11;
	v48 =	vmul.f32 v5, v10;
	v5 =	vadd.f32 v13, v14;
	[tilespmem:v16+s17+$0x0] =	vst.idx.msk $0xffff, v2  }
0x197: {  	[tilespmem:v17+s17+$0x0] =	vst.idx.msk $0xffff, v3;
	v3 =	vmul.f32 v7, v10;
	v7 =	vadd.f32 v54, v9;
	v9 =	vor.u32 $0x2E, v11  }
0x198: {  	v13 =	vor.u32 $0x2F, v11;
	v12 =	vmul.f32 v5, v10;
	v5 =	vadd.f32 v0, v18;
	[tilespmem:v22+s17+$0x0] =	vst.idx.msk $0xffff, v48  }
0x199: {  	[tilespmem:v42+s17+$0x0] =	vst.idx.msk $0xffff, v3;
	v3 =	vmul.f32 v7, v10;
	v7 =	vadd.f32 v63, v19  }
0x19a: {  	v22 =	vmul.f32 v5, v10;
	[tilespmem:v44+s17+$0x0] =	vst.idx.msk $0xffff, v12  }
0x19b: {  	v21 =	vlaneseq.u32;
	[tilespmem:v60+s17+$0x0] =	vst.idx.msk $0xffff, v3;
	v3 =	vmul.f32 v7, v10  }
0x19c: {  	v48 =	vor.u32 s28, v21;
	[tilespmem:v9+s17+$0x0] =	vst.idx.msk $0xffff, v22  }
0x19d: {  	v29 =	vshll.u32 v48, $0x6;
	[tilespmem:v13+s17+$0x0] =	vst.idx.msk $0xffff, v3  }
0x19e: {  	v60 =	vld.idx.msk [tilespmem:v4+s14+$0x0], $0xffff;
	v4 =	vor.u32 $0x4, v29;
	_ =	sdelay $0x4  }
0x19f: {  	v20 =	vld.idx.msk [tilespmem:v4+s14+$0x0], $0xffff;
	v4 =	vor.u32 $0xA, v29  }
0x1a0: {  	[tilespmem:$0x1FCF0] =	vst v6;
	v6 =	vor.u32 $0xB, v29;
	_ =	sdelay $0x2  }
0x1a1: {  	v22 =	vld.idx.msk [tilespmem:v29+s14+$0x0], $0xffff  }
0x1a2: {  	v1 =	vld.idx.msk [tilespmem:v4+s14+$0x0], $0xffff  }
0x1a3: {  	v5 =	vor.u32 $0x1, v29;
	[tilespmem:$0x1FDC0] =	vst v4;
	v4 =	vld.idx.msk [tilespmem:v6+s14+$0x0], $0xffff  }
0x1a4: {  	[tilespmem:$0x1FDD0] =	vst v6;
	v6 =	vld [tilespmem:$0x1FBD0];
	_ =	sdelay $0x3  }
0x1a5: {  	v33 =	vor.u32 $0x2, v29;
	v5 =	vld.idx.msk [tilespmem:v5+s14+$0x0], $0xffff  }
0x1a6: {  	v22 =	vadd.f32 v22, v6;
	v6 =	vld [tilespmem:$0x1FBE0];
	_ =	sdelay $0x3  }
0x1a7: {  	v3 =	vor.u32 $0x3, v29;
	v18 =	vld.idx.msk [tilespmem:v33+s14+$0x0], $0xffff  }
0x1a8: {  	v14 =	vadd.f32 v5, v6;
	v6 =	vld [tilespmem:$0x1FBF0];
	_ =	sdelay $0x3  }
0x1a9: {  	v3 =	vld.idx.msk [tilespmem:v3+s14+$0x0], $0xffff  }
0x1aa: {  	v15 =	vadd.f32 v18, v6;
	v6 =	vld [tilespmem:$0x1FC00];
	_ =	sdelay $0x3  }
0x1ab: {  	v7 =	vor.u32 $0x5, v29  }
0x1ac: {  	v16 =	vadd.f32 v3, v6;
	v6 =	vld [tilespmem:$0x1FC10];
	_ =	sdelay $0x2  }
0x1ad: {  	v42 =	vld [tilespmem:$0x1FBC0]  }
0x1ae: {  	v17 =	vor.u32 $0x8, v29;
	v7 =	vld.idx.msk [tilespmem:v7+s14+$0x0], $0xffff  }
0x1af: {  	v12 =	vadd.f32 v20, v6;
	v6 =	vld [tilespmem:$0x1FC20];
	_ =	sdelay $0x3  }
0x1b0: {  	[tilespmem:$0x1FD10] =	vst v0;
	v44 =	vor.u32 $0x6, v29;
	v0 =	vld.idx.msk [tilespmem:v17+s14+$0x0], $0xffff  }
0x1b1: {  	v21 =	vor.u32 $0x9, v29;
	[tilespmem:$0x1FDA0] =	vst v17;
	v17 =	vadd.f32 v7, v6;
	v6 =	vld [tilespmem:$0x1FC30]  }
0x1b2: {  	v19 =	vld.idx.msk [tilespmem:v42+s14+$0x0], $0xffff;
	v42 =	vor.u32 $0xC, v29;
	_ =	sdelay $0x2  }
0x1b3: {  	v30 =	vld.idx.msk [tilespmem:v44+s14+$0x0], $0xffff  }
0x1b4: {  	v2 =	vld.idx.msk [tilespmem:v21+s14+$0x0], $0xffff  }
0x1b5: {  	v5 =	vld.idx.msk [tilespmem:v42+s14+$0x0], $0xffff  }
0x1b6: {  	v9 =	vor.u32 $0x7, v29;
	[tilespmem:$0x1FDE0] =	vst v42;
	v42 =	vld [tilespmem:$0x1FC60]  }
0x1b7: {  	[tilespmem:$0x1FDB0] =	vst v21;
	v21 =	vld.idx.msk [tilespmem:v6+s14+$0x0], $0xffff  }
0x1b8: {  	v6 =	vld [tilespmem:$0x1FC40]  }
0x1b9: {  	v8 =	vld [tilespmem:$0x1FC80];
	_ =	sdelay $0x1  }
0x1ba: {  	v44 =	vor.u32 $0xD, v29;
	v33 =	vld.idx.msk [tilespmem:v9+s14+$0x0], $0xffff  }
0x1bb: {  	v7 =	vadd.f32 v1, v50;
	v50 =	vld [tilespmem:$0x1FC70]  }
0x1bc: {  	v13 =	vor.u32 $0xE, v29;
	v9 =	vadd.f32 v30, v6;
	v6 =	vld [tilespmem:$0x1FC50];
	_ =	sdelay $0x1  }
0x1bd: {  	v31 =	vor.u32 $0xF, v29;
	v2 =	vadd.f32 v2, v41;
	v41 =	vld.idx.msk [tilespmem:v42+s14+$0x0], $0xffff  }
0x1be: {  	[tilespmem:$0x1FE10] =	vst v31;
	v3 =	vld.idx.msk [tilespmem:v44+s14+$0x0], $0xffff  }
0x1bf: {  	[tilespmem:$0x1FDF0] =	vst v44;
	v0 =	vadd.f32 v0, v37;
	v30 =	vld.idx.msk [tilespmem:v8+s14+$0x0], $0xffff  }
0x1c0: {  	[tilespmem:$0x1FD20] =	vst v22;
	v18 =	vmul.f32 v22, v22;
	v22 =	vor.u32 $0x13, v29;
	v44 =	vadd.f32 v33, v6;
	v6 =	vld.idx.msk [tilespmem:v13+s14+$0x0], $0xffff  }
0x1c1: {  	[tilespmem:$0x1FE00] =	vst v13;
	v37 =	vor.u32 $0x17, v29;
	v2 =	vmul.f32 v2, v2;
	v8 =	vor.u32 $0x11, v29;
	v13 =	vld [tilespmem:$0x1FC90]  }
0x1c2: {  	v4 =	vadd.f32 v4, v23;
	[tilespmem:$0x1FD30] =	vst v14;
	v42 =	vmul.f32 v14, v14;
	v14 =	vor.u32 $0x12, v29;
	v20 =	vld.idx.msk [tilespmem:v50+s14+$0x0], $0xffff  }
0x1c3: {  	[tilespmem:$0x1FE90] =	vst v37;
	v23 =	vadd.f32 v5, v25;
	v5 =	vor.u32 $0x10, v29;
	v33 =	vld.idx.msk [tilespmem:v31+s14+$0x0], $0xffff  }
0x1c4: {  	v4 =	vmul.f32 v4, v4;
	[tilespmem:$0x1FE20] =	vst v5;
	v50 =	vadd.f32 v2, v42;
	v42 =	vld [tilespmem:$0x1A690]  }
0x1c5: {  	[tilespmem:$0x1FD40] =	vst v15;
	v1 =	vmul.f32 v0, v0;
	v2 =	vmul.f32 v7, v7;
	v7 =	vld.idx.msk [tilespmem:v22+s14+$0x0], $0xffff  }
0x1c6: {  	[tilespmem:$0x1FE40] =	vst v14;
	v3 =	vadd.f32 v3, v24;
	v24 =	vor.u32 $0x14, v29;
	v0 =	vmul.f32 v15, v15;
	v15 =	vld.idx.msk [tilespmem:v8+s14+$0x0], $0xffff  }
0x1c7: {  	v25 =	vor.u32 $0x15, v29;
	v18 =	vadd.f32 v1, v18;
	v1 =	vmul.f32 v16, v16;
	[tilespmem:$0x1FE30] =	vst v8;
	v8 =	vld.idx.msk [tilespmem:v14+s14+$0x0], $0xffff  }
0x1c8: {  	v23 =	vmul.f32 v23, v23;
	[tilespmem:$0x1FD50] =	vst v16;
	v6 =	vadd.f32 v6, v28;
	v26 =	vadd.f32 v33, v26;
	v33 =	vld [tilespmem:$0x1A680]  }
0x1c9: {  	[tilespmem:$0x1FD70] =	vst v17;
	v14 =	vadd.f32 v4, v1;
	v4 =	vmul.f32 v17, v17;
	v28 =	vor.u32 $0x16, v29;
	v31 =	vld.idx.msk [tilespmem:v13+s14+$0x0], $0xffff  }
0x1ca: {  	v16 =	vadd.f32 v2, v0;
	v17 =	vmul.f32 v9, v9;
	v2 =	vmul.f32 v6, v6;
	v13 =	vld.idx.msk [tilespmem:v5+s14+$0x0], $0xffff  }
0x1cb: {  	[tilespmem:$0x1FE60] =	vst v24;
	v6 =	vmul.f32 v12, v12;
	v5 =	vmul.f32 v3, v3;
	v3 =	vld.idx.msk [tilespmem:v24+s14+$0x0], $0xffff  }
0x1cc: {  	[tilespmem:$0x1FD90] =	vst v44;
	v8 =	vadd.f32 v8, v27;
	v24 =	vmul.f32 v44, v44;
	v44 =	vadd.f32 v42, v19;
	v19 =	vld [tilespmem:$0x1A6F0]  }
0x1cd: {  	v23 =	vadd.f32 v23, v6;
	v6 =	vmul.f32 v26, v26;
	v26 =	vld.idx.msk [tilespmem:v25+s14+$0x0], $0xffff;
	v5 =	vadd.f32 v5, v4  }
0x1ce: {  	[tilespmem:$0x1FE50] =	vst v22;
	v4 =	vadd.f32 v2, v17;
	v22 =	vld.idx.msk [tilespmem:v28+s14+$0x0], $0xffff;
	v17 =	vadd.f32 v15, v46  }
0x1cf: {  	[tilespmem:$0x1FD60] =	vst v12;
	v46 =	vadd.f32 v7, v51;
	v12 =	vadd.f32 v6, v24;
	v6 =	vld.idx.msk [tilespmem:v37+s14+$0x0], $0xffff  }
0x1d0: {  	[tilespmem:$0x1FE70] =	vst v25;
	v1 =	vor.u32 $0x31, v11;
	v7 =	vadd.f32 v33, v60;
	v13 =	vadd.f32 v13, v39;
	v39 =	vld [tilespmem:$0x1FCA0]  }
0x1d1: {  	[tilespmem:$0x1FD80] =	vst v9;
	v25 =	vld [tilespmem:$0x1A6B0];
	v2 =	vor.u32 $0x18, v29;
	v44 =	vmul.f32 v44, v10;
	v37 =	vor.u32 $0x1A, v29  }
0x1d2: {  	[tilespmem:$0x1FE80] =	vst v28;
	v28 =	vld [tilespmem:$0x1A6A0];
	v51 =	vmul.f32 v7, v10;
	v7 =	vor.u32 $0x19, v29;
	v9 =	vmul.f32 v17, v17  }
0x1d3: {  	v24 =	vld [tilespmem:$0x1A6C0];
	v55 =	vadd.f32 v3, v55;
	v3 =	vadd.f32 v26, v49;
	v49 =	vor.u32 $0x30, v11  }
0x1d4: {  	v46 =	vmul.f32 v46, v46;
	v26 =	vld [tilespmem:$0x1A6E0];
	v9 =	vadd.f32 v9, v50;
	v27 =	vadd.f32 v6, v34  }
0x1d5: {  	[tilespmem:$0x1FEB0] =	vst v7;
	v50 =	vor.u32 $0x1C, v29;
	v60 =	vadd.f32 v22, v32;
	v22 =	vld [tilespmem:$0x1A6D0];
	v3 =	vmul.f32 v3, v3  }
0x1d6: {  	v15 =	vadd.f32 v46, v14;
	v46 =	vadd.f32 v25, v41;
	v14 =	vld.idx.msk [tilespmem:v2+s14+$0x0], $0xffff;
	v27 =	vmul.f32 v27, v27  }
0x1d7: {  	v13 =	vmul.f32 v13, v13;
	v21 =	vadd.f32 v28, v21;
	v32 =	vld.idx.msk [tilespmem:v7+s14+$0x0], $0xffff;
	v7 =	vadd.f32 v3, v5  }
0x1d8: {  	v5 =	vor.u32 $0x32, v11;
	v12 =	vadd.f32 v27, v12;
	v39 =	vld.idx.msk [tilespmem:v39+s14+$0x0], $0xffff;
	[tilespmem:v49+s17+$0x0] =	vst.idx.msk $0xffff, v51;
	v51 =	vor.u32 $0x1B, v29  }
0x1d9: {  	v27 =	vor.u32 $0x33, v11;
	v49 =	vmul.f32 v55, v55;
	v55 =	vor.u32 $0x1D, v29  }
0x1da: {  	[tilespmem:$0x1FEC0] =	vst v37;
	v41 =	vor.u32 $0x34, v11;
	v34 =	vadd.f32 v24, v20;
	v6 =	vadd.f32 v13, v18  }
0x1db: {  	v13 =	vmul.f32 v60, v60;
	v21 =	vmul.f32 v21, v10;
	[tilespmem:v1+s17+$0x0] =	vst.idx.msk $0xffff, v44;
	v44 =	vor.u32 $0x1E, v29  }
0x1dc: {  	v14 =	vadd.f32 v14, v40;
	v40 =	vmul.f32 v46, v10;
	v23 =	vadd.f32 v49, v23;
	v49 =	vld.idx.msk [tilespmem:v37+s14+$0x0], $0xffff  }
0x1dd: {  	v37 =	vor.u32 $0x1F, v29;
	[tilespmem:v5+s17+$0x0] =	vst.idx.msk $0xffff, v21;
	v5 =	vmul.f32 v34, v10;
	v17 =	vld.idx.msk [tilespmem:v51+s14+$0x0], $0xffff  }
0x1de: {  	v13 =	vadd.f32 v13, v4;
	v34 =	vor.u32 $0x21, v29;
	[tilespmem:v27+s17+$0x0] =	vst.idx.msk $0xffff, v40;
	v4 =	vld.idx.msk [tilespmem:v55+s14+$0x0], $0xffff  }
0x1df: {  	v1 =	vor.u32 $0x35, v11;
	[tilespmem:v41+s17+$0x0] =	vst.idx.msk $0xffff, v5;
	v5 =	vld [tilespmem:$0x1FCB0]  }
0x1e0: {  	v8 =	vmul.f32 v8, v8;
	v0 =	vadd.f32 v22, v30;
	v46 =	vor.u32 $0x20, v29;
	v3 =	vld.idx.msk [tilespmem:v44+s14+$0x0], $0xffff  }
0x1e1: {  	v60 =	vld.idx.msk [tilespmem:v50+s14+$0x0], $0xffff;
	v47 =	vadd.f32 v32, v47;
	v40 =	vadd.f32 v49, v52;
	v52 =	vor.u32 $0x22, v29  }
0x1e2: {  	v8 =	vadd.f32 v8, v16;
	[tilespmem:$0x1FEA0] =	vst v2;
	v0 =	vmul.f32 v0, v10;
	v2 =	vld.idx.msk [tilespmem:v37+s14+$0x0], $0xffff;
	v49 =	vor.u32 $0x23, v29  }
0x1e3: {  	[tilespmem:$0x1FEE0] =	vst v34;
	v41 =	vmul.f32 v47, v47;
	v39 =	vadd.f32 v19, v39;
	v21 =	vld.idx.msk [tilespmem:v34+s14+$0x0], $0xffff;
	v34 =	vor.u32 $0x27, v29  }
0x1e4: {  	v20 =	vor.u32 $0x25, v29;
	[tilespmem:v1+s17+$0x0] =	vst.idx.msk $0xffff, v0;
	v17 =	vadd.f32 v17, v5;
	v5 =	vld [tilespmem:$0x1FCC0];
	v0 =	vadd.f32 v4, v57  }
0x1e5: {  	v18 =	vmul.f32 v40, v40;
	v4 =	vld.idx.msk [tilespmem:v46+s14+$0x0], $0xffff;
	v57 =	vor.u32 $0x26, v29;
	v1 =	vadd.f32 v3, v61  }
0x1e6: {  	v61 =	vor.u32 $0x24, v29;
	v3 =	vmul.f32 v14, v14;
	v30 =	vld.idx.msk [tilespmem:v52+s14+$0x0], $0xffff;
	v0 =	vmul.f32 v0, v0  }
0x1e7: {  	[tilespmem:$0x1FED0] =	vst v46;
	v46 =	vor.u32 $0x36, v11;
	v8 =	vadd.f32 v18, v8;
	v18 =	vld.idx.msk [tilespmem:v49+s14+$0x0], $0xffff;
	v17 =	vmul.f32 v17, v17  }
0x1e8: {  	v3 =	vadd.f32 v3, v6;
	v0 =	vadd.f32 v0, v7;
	v7 =	vmul.f32 v39, v10;
	v39 =	vld.idx.msk [tilespmem:v34+s14+$0x0], $0xffff  }
0x1e9: {  	v47 =	vor.u32 $0x37, v11;
	v6 =	vadd.f32 v26, v31;
	v27 =	vadd.f32 v60, v5;
	v60 =	vld.idx.msk [tilespmem:v20+s14+$0x0], $0xffff  }
0x1ea: {  	v15 =	vadd.f32 v17, v15;
	v17 =	vld.idx.msk [tilespmem:v57+s14+$0x0], $0xffff  }
0x1eb: {  	v9 =	vadd.f32 v41, v9;
	v41 =	vor.u32 $0x2D, v29;
	v6 =	vmul.f32 v6, v10;
	v40 =	vld.idx.msk [tilespmem:v61+s14+$0x0], $0xffff  }
0x1ec: {  	v2 =	vadd.f32 v2, v35;
	v1 =	vmul.f32 v1, v1;
	v35 =	vadd.f32 v18, v45;
	v45 =	vld [tilespmem:$0x1FCE0]  }
0x1ed: {  	v4 =	vadd.f32 v4, v59;
	v59 =	vor.u32 $0x2A, v29;
	[tilespmem:v46+s17+$0x0] =	vst.idx.msk $0xffff, v6;
	v6 =	vadd.f32 v21, v62;
	v46 =	vld [tilespmem:$0x1FCF0]  }
0x1ee: {  	v2 =	vmul.f32 v2, v2;
	v27 =	vmul.f32 v27, v27;
	[tilespmem:v47+s17+$0x0] =	vst.idx.msk $0xffff, v7;
	v7 =	vld [tilespmem:$0x1FCD0]  }
0x1ef: {  	v31 =	vor.u32 $0x28, v29;
	v5 =	vadd.f32 v1, v13;
	v13 =	vld [tilespmem:$0x1A700];
	v6 =	vmul.f32 v6, v6  }
0x1f0: {  	v2 =	vadd.f32 v2, v12;
	v47 =	vor.u32 $0x29, v29;
	v23 =	vadd.f32 v27, v23;
	v16 =	vld [tilespmem:$0x1A710]  }
0x1f1: {  	v12 =	vor.u32 $0x2F, v29;
	v27 =	vadd.f32 v39, v36;
	v39 =	vld.idx.msk [tilespmem:v41+s14+$0x0], $0xffff;
	v6 =	vadd.f32 v6, v9  }
0x1f2: {  	v62 =	vor.u32 $0x2B, v29;
	v9 =	vld.idx.msk [tilespmem:v59+s14+$0x0], $0xffff;
	v18 =	vadd.f32 v60, v46;
	v60 =	vadd.f32 v17, v58  }
0x1f3: {  	v14 =	vadd.f32 v40, v45;
	v17 =	vld [tilespmem:$0x1A720];
	v58 =	vor.u32 $0x2E, v29;
	v7 =	vadd.f32 v30, v7  }
0x1f4: {  	v40 =	vmul.f32 v35, v35;
	v45 =	vor.u32 $0x30, v29;
	v30 =	vld.idx.msk [tilespmem:v31+s14+$0x0], $0xffff;
	v21 =	vmul.f32 v60, v60  }
0x1f5: {  	v46 =	vor.u32 $0x2C, v29;
	v35 =	vld.idx.msk [tilespmem:v47+s14+$0x0], $0xffff;
	v7 =	vmul.f32 v7, v7  }
0x1f6: {  	v15 =	vadd.f32 v40, v15;
	v18 =	vmul.f32 v18, v18;
	v40 =	vadd.f32 v21, v5;
	v21 =	vld.idx.msk [tilespmem:v12+s14+$0x0], $0xffff  }
0x1f7: {  	v4 =	vmul.f32 v4, v4;
	v27 =	vmul.f32 v27, v27;
	v7 =	vadd.f32 v7, v8;
	v8 =	vld.idx.msk [tilespmem:v62+s14+$0x0], $0xffff  }
0x1f8: {  	v1 =	vor.u32 $0x31, v29;
	v0 =	vadd.f32 v18, v0;
	v18 =	vld.idx.msk [tilespmem:v58+s14+$0x0], $0xffff  }
0x1f9: {  	v4 =	vadd.f32 v4, v3;
	v3 =	vadd.f32 v27, v2;
	v14 =	vmul.f32 v14, v14;
	v2 =	vld.idx.msk [tilespmem:v45+s14+$0x0], $0xffff  }
0x1fa: {  	[tilespmem:$0x1FF00] =	vst v45;
	v60 =	vor.u32 $0x33, v29;
	v45 =	vld [tilespmem:$0x1FD10]  }
0x1fb: {  	v23 =	vadd.f32 v14, v23;
	v14 =	vor.u32 $0x34, v29;
	v32 =	vld.idx.msk [tilespmem:v46+s14+$0x0], $0xffff;
	v27 =	vadd.f32 v30, v38  }
0x1fc: {  	v30 =	vadd.f32 v35, v53;
	v38 =	vadd.f32 v8, v43;
	v43 =	vld [tilespmem:$0x1FD00]  }
0x1fd: {  	v36 =	vadd.f32 v39, v54;
	v39 =	vld.idx.msk [tilespmem:v1+s14+$0x0], $0xffff;
	v53 =	vor.u32 $0x35, v29  }
0x1fe: {  	v5 =	vld [tilespmem:$0x1A730];
	v35 =	vadd.f32 v9, v56;
	v9 =	vor.u32 $0x37, v29;
	v30 =	vmul.f32 v30, v30  }
0x1ff: {  	[tilespmem:$0x1FEF0] =	vst v31;
	v31 =	vor.u32 $0x32, v29;
	v56 =	vmul.f32 v36, v36;
	v18 =	vadd.f32 v18, v45;
	v45 =	vld.idx.msk [tilespmem:v60+s14+$0x0], $0xffff  }
0x200: {  	v27 =	vmul.f32 v27, v27;
	v21 =	vadd.f32 v21, v63;
	v30 =	vadd.f32 v30, v6;
	v6 =	vld.idx.msk [tilespmem:v14+s14+$0x0], $0xffff  }
0x201: {  	v8 =	vor.u32 $0x36, v29;
	v33 =	vadd.f32 v2, v33;
	v2 =	vld [tilespmem:$0x1A750];
	v32 =	vadd.f32 v32, v43  }
0x202: {  	v27 =	vadd.f32 v27, v4;
	v36 =	vld.idx.msk [tilespmem:v53+s14+$0x0], $0xffff;
	v63 =	vmul.f32 v21, v21;
	v4 =	vmul.f32 v38, v38  }
0x203: {  	[tilespmem:$0x1FF10] =	vst v1;
	v1 =	vld.idx.msk [tilespmem:v9+s14+$0x0], $0xffff;
	v38 =	vor.u32 $0x38, v29;
	v32 =	vmul.f32 v32, v32  }
0x204: {  	v15 =	vadd.f32 v4, v15;
	v4 =	vmul.f32 v18, v18;
	v18 =	vadd.f32 v63, v3;
	v43 =	vld.idx.msk [tilespmem:v31+s14+$0x0], $0xffff  }
0x205: {  	v63 =	vld [tilespmem:$0x1A770];
	v23 =	vadd.f32 v32, v23;
	v32 =	vadd.f32 v56, v0;
	v0 =	vor.u32 $0x39, v29  }
0x206: {  	v35 =	vmul.f32 v35, v35;
	v33 =	vmul.f32 v33, v33;
	v3 =	vor.u32 $0x3A, v29;
	v21 =	vld.idx.msk [tilespmem:v8+s14+$0x0], $0xffff  }
0x207: {  	v24 =	vadd.f32 v6, v24;
	v6 =	vor.u32 $0x3D, v29;
	v4 =	vadd.f32 v4, v40;
	v40 =	vld [tilespmem:$0x1A740]  }
0x208: {  	[tilespmem:$0x1FFD0] =	vst v13;
	v56 =	vadd.f32 v39, v42;
	v42 =	vadd.f32 v45, v25;
	v45 =	vld [tilespmem:$0x1A760];
	v39 =	vor.u32 $0x3B, v29  }
0x209: {  	v54 =	vmovc v31;
	v19 =	vadd.f32 v1, v19;
	v25 =	vor.u32 $0x3C, v29;
	v28 =	vadd.f32 v43, v28;
	v43 =	vld.idx.msk [tilespmem:v38+s14+$0x0], $0xffff  }
0x20a: {  	v7 =	vadd.f32 v35, v7;
	[tilespmem:$0x1FFB0] =	vst v0;
	v31 =	vmul.f32 v56, v56;
	v56 =	vld.idx.msk [tilespmem:v0+s14+$0x0], $0xffff;
	v0 =	vor.u32 $0x3E, v29  }
0x20b: {  	[tilespmem:$0x1FFA0] =	vst v38;
	v27 =	vadd.f32 v33, v27;
	v19 =	vmul.f32 v19, v19;
	v38 =	vld.idx.msk [tilespmem:v3+s14+$0x0], $0xffff;
	v29 =	vor.u32 $0x3F, v29  }
0x20c: {  	v22 =	vadd.f32 v36, v22;
	v21 =	vadd.f32 v21, v26;
	v33 =	vld.idx.msk [tilespmem:v6+s14+$0x0], $0xffff;
	v28 =	vmul.f32 v28, v28  }
0x20d: {  	v24 =	vmul.f32 v24, v24;
	v18 =	vadd.f32 v19, v18;
	v30 =	vadd.f32 v31, v30;
	v31 =	vld.idx.msk [tilespmem:v39+s14+$0x0], $0xffff  }
0x20e: {  	v22 =	vmul.f32 v22, v22;
	v7 =	vadd.f32 v28, v7;
	v28 =	vld.idx.msk [tilespmem:v25+s14+$0x0], $0xffff;
	v26 =	vadd.f32 v43, v13  }
0x20f: {  	v35 =	vmul.f32 v42, v42;
	v23 =	vadd.f32 v24, v23;
	v21 =	vmul.f32 v21, v21;
	v36 =	vld.idx.msk [tilespmem:v0+s14+$0x0], $0xffff  }
0x210: {  	v22 =	vadd.f32 v22, v32;
	v13 =	vadd.f32 v38, v17;
	v43 =	vmul.f32 v26, v26;
	v26 =	vld.idx.msk [tilespmem:v29+s14+$0x0], $0xffff  }
0x211: {  	v15 =	vadd.f32 v35, v15;
	v1 =	vadd.f32 v21, v4  }
0x212: {  	v38 =	vmovc v17;
	v17 =	vadd.f32 v33, v2;
	v24 =	vmul.f32 v13, v13;
	v42 =	vadd.f32 v56, v16  }
0x213: {  	[tilespmem:$0x1FFE0] =	vst v16;
	v21 =	vadd.f32 v43, v27;
	v16 =	vadd.f32 v31, v5  }
0x214: {  	v28 =	vadd.f32 v28, v40;
	v7 =	vadd.f32 v24, v7;
	v56 =	vmul.f32 v42, v42  }
0x215: {  	v27 =	vmul.f32 v16, v16;
	v33 =	vadd.f32 v36, v45;
	v26 =	vadd.f32 v26, v63  }
0x216: {  	v35 =	vmul.f32 v28, v28;
	v42 =	vmul.f32 v17, v17;
	v19 =	vadd.f32 v56, v30  }
0x217: {  	v15 =	vadd.f32 v27, v15;
	v56 =	vmul.f32 v33, v33;
	v26 =	vmul.f32 v26, v26  }
0x218: {  	v23 =	vadd.f32 v35, v23;
	v22 =	vadd.f32 v42, v22  }
0x219: {  	v1 =	vadd.f32 v56, v1;
	v18 =	vadd.f32 v26, v18  }
0x21a: {  	v19 =	vadd.f32 v19, v21;
	v7 =	vadd.f32 v15, v7  }
0x21b: {  	v36 =	vmov v63;
	v63 =	vadd.f32 v22, v23;
	v1 =	vadd.f32 v18, v1;
	_ =	sdelay $0x1  }
0x21c: {  	v7 =	vadd.f32 v7, v19;
	v1 =	vadd.f32 v1, v63;
	_ =	sdelay $0x1  }
0x21d: {  	v1 =	vadd.f32 v1, v7;
	_ =	sdelay $0x1  }
0x21e: {  	v7 =	vshra.s32 v1, $0x1;
	v21 =	vmul.f32 $5.000000000e-01, v1  }
0x21f: {  	v7 =	vsub.s32 $0x5F3759DF, v7  }
0x220: {  	v22 =	vmul.f32 v7, v21;
	_ =	sdelay $0x1  }
0x221: {  	v18 =	vmul.f32 v7, v22;
	_ =	sdelay $0x1  }
0x222: {  	v18 =	vsub.f32 $1.500000000e+00, v18;
	_ =	sdelay $0x1  }
0x223: {  	v7 =	vmul.f32 v7, v18;
	_ =	sdelay $0x1  }
0x224: {  	v18 =	vmul.f32 v7, v21;
	_ =	sdelay $0x1  }
0x225: {  	v18 =	vmul.f32 v18, v7;
	_ =	sdelay $0x1  }
0x226: {  	v18 =	vsub.f32 $1.500000000e+00, v18;
	_ =	sdelay $0x1  }
0x227: {  	v7 =	vmul.f32 v18, v7;
	_ =	sdelay $0x1  }
0x228: {  	v15 =	vmul.f32 v7, v21;
	_ =	sdelay $0x1  }
0x229: {  	v15 =	vmul.f32 v15, v7;
	_ =	sdelay $0x1  }
0x22a: {  	v15 =	vsub.f32 $1.500000000e+00, v15;
	_ =	sdelay $0x1  }
0x22b: {  	v7 =	vmul.f32 v15, v7;
	_ =	sdelay $0x1  }
0x22c: {  	v1 =	vmul.f32 v7, v1;
	_ =	sdelay $0x1  }
0x22d: {  	v1 =	vmax.f32 v1, $9.999999960e-13  }
0x22e: {  	v23 =	vmulhi.u32 $0x4EC4EC4F, v48;
	(erf) = vrcp.f32 v1;
	_ =	sdelay $0x1  }
0x22f: {  	v1 =	vshrl.u32 v23, $0x3  }
0x230: {  	v7 =	vmul.u32 $0xFFFFFFE6, v1;
	_ =	sdelay $0x1  }
0x231: {  	v24 =	vld [tilespmem:$0x1FD20];
	v1 =	vmul.u32 $0x680, v1;
	v7 =	vadd.s32 v48, v7  }
0x232: {  	v28 =	vld [tilespmem:$0x1FD30];
	v7 =	vshll.u32 v7, $0x6  }
0x233: {  	v32 =	vld [tilespmem:$0x1FD40];
	v63 =	vadd.s32 v7, v1  }
0x234: {  	v48 =	vld [tilespmem:$0x1FD50];
	v1 =	vor.u32 $0x1, v63  }
0x235: {  	v7 =	vor.u32 $0x2, v63;
	v42 =	vpop (erf)  }
0x236: {  	v27 =	vor.u32 $0x3, v63;
	v26 =	vmul.f32 v42, v24  }
0x237: {  	v17 =	vld [tilespmem:$0x1FD60];
	v30 =	vmul.f32 v42, v28  }
0x238: {  	v33 =	vmul.f32 v42, v32;
	v24 =	vld [tilespmem:$0x1FD70];
	[tilespmem:v63+s17+$0x0] =	vst.idx.msk $0xffff, v26  }
0x239: {  	v28 =	vld [tilespmem:$0x1FDA0];
	[tilespmem:v1+s17+$0x0] =	vst.idx.msk $0xffff, v30;
	v1 =	vmul.f32 v42, v48  }
0x23a: {  	v31 =	vor.u32 $0x4, v63;
	v26 =	vld [tilespmem:$0x1FD80];
	[tilespmem:v7+s17+$0x0] =	vst.idx.msk $0xffff, v33  }
0x23b: {  	v35 =	vor.u32 $0x5, v63;
	[tilespmem:v27+s17+$0x0] =	vst.idx.msk $0xffff, v1;
	v27 =	vld [tilespmem:$0x1FD90]  }
0x23c: {  	v56 =	vor.u32 $0x6, v63;
	v30 =	vld [tilespmem:$0x1FDB0]  }
0x23d: {  	v23 =	vor.u32 $0x7, v63;
	v32 =	vld [tilespmem:$0x1FDD0];
	v7 =	vmul.f32 v42, v17  }
0x23e: {  	v33 =	vld [tilespmem:$0x1FDE0];
	v1 =	vmul.f32 v42, v24  }
0x23f: {  	v48 =	vld [tilespmem:$0x1FE00];
	[tilespmem:v31+s17+$0x0] =	vst.idx.msk $0xffff, v7;
	v7 =	vmul.f32 v42, v26  }
0x240: {  	v31 =	vld [tilespmem:$0x1FDC0];
	[tilespmem:v35+s17+$0x0] =	vst.idx.msk $0xffff, v1;
	v1 =	vmul.f32 v42, v27  }
0x241: {  	v35 =	vld [tilespmem:$0x1FDF0];
	[tilespmem:v56+s17+$0x0] =	vst.idx.msk $0xffff, v7  }
0x242: {  	v56 =	vld [tilespmem:$0x1FE10];
	[tilespmem:v23+s17+$0x0] =	vst.idx.msk $0xffff, v1  }
0x243: {  	v1 =	vld.idx.msk [tilespmem:v28+s14+$0x0], $0xffff  }
0x244: {  	v7 =	vld.idx.msk [tilespmem:v30+s14+$0x0], $0xffff  }
0x245: {  	v18 =	vld.idx.msk [tilespmem:v32+s14+$0x0], $0xffff  }
0x246: {  	v19 =	vld.idx.msk [tilespmem:v33+s14+$0x0], $0xffff  }
0x247: {  	v22 =	vld.idx.msk [tilespmem:v48+s14+$0x0], $0xffff  }
0x248: {  	v13 =	vld [tilespmem:$0x1A400]  }
0x249: {  	v16 =	vld [tilespmem:$0x1A410]  }
0x24a: {  	v17 =	vld [tilespmem:$0x1A420]  }
0x24b: {  	v28 =	vld [tilespmem:$0x1A430]  }
0x24c: {  	v30 =	vld [tilespmem:$0x1A440]  }
0x24d: {  	v15 =	vld.idx.msk [tilespmem:v31+s14+$0x0], $0xffff  }
0x24e: {  	v24 =	vld [tilespmem:$0x1A450]  }
0x24f: {  	v26 =	vld [tilespmem:$0x1A460];
	v31 =	vor.u32 $0x8, v63  }
0x250: {  	v48 =	vor.u32 $0x9, v63;
	v21 =	vld.idx.msk [tilespmem:v35+s14+$0x0], $0xffff;
	v1 =	vadd.f32 v13, v1  }
0x251: {  	v35 =	vor.u32 $0xB, v63;
	v23 =	vld.idx.msk [tilespmem:v56+s14+$0x0], $0xffff;
	v56 =	vor.u32 $0xA, v63;
	v7 =	vadd.f32 v16, v7  }
0x252: {  	v27 =	vld [tilespmem:$0x1A470];
	v30 =	vadd.f32 v30, v19;
	v15 =	vadd.f32 v17, v15;
	v1 =	vmul.f32 v42, v1  }
0x253: {  	v18 =	vadd.f32 v28, v18;
	v28 =	vor.u32 $0xC, v63;
	v7 =	vmul.f32 v42, v7  }
0x254: {  	v15 =	vmul.f32 v42, v15;
	[tilespmem:v31+s17+$0x0] =	vst.idx.msk $0xffff, v1;
	v31 =	vor.u32 $0xD, v63;
	v1 =	vmul.f32 v42, v30;
	v30 =	vld [tilespmem:$0x1FE30]  }
0x255: {  	v32 =	vld [tilespmem:$0x1FE50];
	v18 =	vmul.f32 v42, v18;
	[tilespmem:v48+s17+$0x0] =	vst.idx.msk $0xffff, v7;
	v7 =	vadd.f32 v24, v21;
	v48 =	vor.u32 $0xE, v63  }
0x256: {  	v33 =	vld [tilespmem:$0x1FE60];
	v24 =	vor.u32 $0xF, v63;
	[tilespmem:v56+s17+$0x0] =	vst.idx.msk $0xffff, v15;
	v56 =	vadd.f32 v26, v22  }
0x257: {  	v26 =	vadd.f32 v27, v23;
	[tilespmem:v35+s17+$0x0] =	vst.idx.msk $0xffff, v18;
	v7 =	vmul.f32 v42, v7;
	v35 =	vld [tilespmem:$0x1FE70]  }
0x258: {  	[tilespmem:v28+s17+$0x0] =	vst.idx.msk $0xffff, v1;
	v27 =	vmul.f32 v42, v56;
	v28 =	vld [tilespmem:$0x1FE20]  }
0x259: {  	v56 =	vld [tilespmem:$0x1FE90];
	[tilespmem:v31+s17+$0x0] =	vst.idx.msk $0xffff, v7;
	v7 =	vmul.f32 v42, v26  }
0x25a: {  	v31 =	vld [tilespmem:$0x1FE40];
	[tilespmem:v48+s17+$0x0] =	vst.idx.msk $0xffff, v27  }
0x25b: {  	v48 =	vld [tilespmem:$0x1FE80];
	[tilespmem:v24+s17+$0x0] =	vst.idx.msk $0xffff, v7  }
0x25c: {  	v7 =	vld.idx.msk [tilespmem:v30+s14+$0x0], $0xffff  }
0x25d: {  	v18 =	vld.idx.msk [tilespmem:v32+s14+$0x0], $0xffff  }
0x25e: {  	v19 =	vld.idx.msk [tilespmem:v33+s14+$0x0], $0xffff  }
0x25f: {  	v13 =	vld [tilespmem:$0x1A480]  }
0x260: {  	v16 =	vld [tilespmem:$0x1A490]  }
0x261: {  	v17 =	vld [tilespmem:$0x1A4A0]  }
0x262: {  	v24 =	vld [tilespmem:$0x1A4D0]  }
0x263: {  	v1 =	vld.idx.msk [tilespmem:v28+s14+$0x0], $0xffff  }
0x264: {  	v15 =	vld.idx.msk [tilespmem:v31+s14+$0x0], $0xffff  }
0x265: {  	v22 =	vld.idx.msk [tilespmem:v48+s14+$0x0], $0xffff  }
0x266: {  	v48 =	vld [tilespmem:$0x1A4C0]  }
0x267: {  	v28 =	vld [tilespmem:$0x1A4B0]  }
0x268: {  	v23 =	vld.idx.msk [tilespmem:v56+s14+$0x0], $0xffff;
	v56 =	vor.u32 $0x10, v63  }
0x269: {  	v32 =	vor.u32 $0x11, v63;
	v21 =	vld.idx.msk [tilespmem:v35+s14+$0x0], $0xffff;
	v1 =	vadd.f32 v13, v1  }
0x26a: {  	v26 =	vld [tilespmem:$0x1A4E0];
	v33 =	vor.u32 $0x12, v63;
	v35 =	vor.u32 $0x13, v63;
	v7 =	vadd.f32 v16, v7  }
0x26b: {  	v27 =	vld [tilespmem:$0x1A4F0];
	v15 =	vadd.f32 v17, v15;
	v1 =	vmul.f32 v1, v42;
	v48 =	vadd.f32 v48, v19  }
0x26c: {  	v7 =	vmul.f32 v7, v42;
	v18 =	vadd.f32 v28, v18;
	v28 =	vor.u32 $0x14, v63  }
0x26d: {  	v15 =	vmul.f32 v15, v42;
	[tilespmem:v56+s17+$0x0] =	vst.idx.msk $0xffff, v1;
	v56 =	vor.u32 $0x15, v63;
	v1 =	vmul.f32 v48, v42;
	v48 =	vld [tilespmem:$0x1FEC0]  }
0x26e: {  	v18 =	vmul.f32 v18, v42;
	[tilespmem:v32+s17+$0x0] =	vst.idx.msk $0xffff, v7;
	v7 =	vadd.f32 v24, v21;
	v24 =	vor.u32 $0x16, v63  }
0x26f: {  	v30 =	vor.u32 $0x17, v63;
	v26 =	vadd.f32 v26, v22;
	[tilespmem:v33+s17+$0x0] =	vst.idx.msk $0xffff, v15  }
0x270: {  	v31 =	vadd.f32 v27, v23;
	[tilespmem:v35+s17+$0x0] =	vst.idx.msk $0xffff, v18;
	v7 =	vmul.f32 v7, v42  }
0x271: {  	v32 =	vmul.f32 v26, v42;
	[tilespmem:v28+s17+$0x0] =	vst.idx.msk $0xffff, v1  }
0x272: {  	[tilespmem:v56+s17+$0x0] =	vst.idx.msk $0xffff, v7;
	v7 =	vmul.f32 v31, v42  }
0x273: {  	v33 =	vld [tilespmem:$0x1FEA0];
	[tilespmem:v24+s17+$0x0] =	vst.idx.msk $0xffff, v32  }
0x274: {  	v35 =	vld [tilespmem:$0x1FEB0];
	[tilespmem:v30+s17+$0x0] =	vst.idx.msk $0xffff, v7  }
0x275: {  	v15 =	vld.idx.msk [tilespmem:v48+s14+$0x0], $0xffff  }
0x276: {  	v18 =	vld.idx.msk [tilespmem:v51+s14+$0x0], $0xffff  }
0x277: {  	v19 =	vld.idx.msk [tilespmem:v50+s14+$0x0], $0xffff  }
0x278: {  	v21 =	vld.idx.msk [tilespmem:v55+s14+$0x0], $0xffff  }
0x279: {  	v22 =	vld.idx.msk [tilespmem:v44+s14+$0x0], $0xffff  }
0x27a: {  	v16 =	vld.idx.msk [tilespmem:v37+s14+$0x0], $0xffff  }
0x27b: {  	v50 =	vld [tilespmem:$0x1A500]  }
0x27c: {  	v51 =	vld [tilespmem:$0x1A510]  }
0x27d: {  	v55 =	vld [tilespmem:$0x1A520]  }
0x27e: {  	v1 =	vld.idx.msk [tilespmem:v33+s14+$0x0], $0xffff  }
0x27f: {  	v7 =	vld.idx.msk [tilespmem:v35+s14+$0x0], $0xffff  }
0x280: {  	v56 =	vld [tilespmem:$0x1A530]  }
0x281: {  	v28 =	vld [tilespmem:$0x1A540]  }
0x282: {  	v30 =	vor.u32 $0x18, v63;
	v48 =	vld [tilespmem:$0x1A560]  }
0x283: {  	v37 =	vld [tilespmem:$0x1A550];
	v44 =	vor.u32 $0x19, v63;
	v1 =	vadd.f32 v50, v1  }
0x284: {  	v15 =	vadd.f32 v55, v15;
	v50 =	vor.u32 $0x1A, v63;
	v7 =	vadd.f32 v51, v7  }
0x285: {  	v55 =	vor.u32 $0x1B, v63;
	v18 =	vadd.f32 v56, v18;
	v51 =	vld [tilespmem:$0x1A570];
	v1 =	vmul.f32 v1, v42  }
0x286: {  	v56 =	vor.u32 $0x1C, v63;
	v28 =	vadd.f32 v28, v19;
	v7 =	vmul.f32 v7, v42  }
0x287: {  	v32 =	vadd.f32 v48, v22;
	v48 =	vld [tilespmem:$0x1FEE0];
	v15 =	vmul.f32 v15, v42;
	[tilespmem:v30+s17+$0x0] =	vst.idx.msk $0xffff, v1;
	v30 =	vor.u32 $0x1D, v63  }
0x288: {  	v31 =	vor.u32 $0x1E, v63;
	v18 =	vmul.f32 v18, v42;
	[tilespmem:v44+s17+$0x0] =	vst.idx.msk $0xffff, v7;
	v7 =	vadd.f32 v37, v21  }
0x289: {  	v35 =	vor.u32 $0x1F, v63;
	v1 =	vmul.f32 v28, v42;
	[tilespmem:v50+s17+$0x0] =	vst.idx.msk $0xffff, v15  }
0x28a: {  	v16 =	vadd.f32 v51, v16;
	[tilespmem:v55+s17+$0x0] =	vst.idx.msk $0xffff, v18;
	v7 =	vmul.f32 v7, v42  }
0x28b: {  	v15 =	vmul.f32 v32, v42;
	[tilespmem:v56+s17+$0x0] =	vst.idx.msk $0xffff, v1  }
0x28c: {  	v37 =	vmul.f32 v16, v42;
	[tilespmem:v30+s17+$0x0] =	vst.idx.msk $0xffff, v7  }
0x28d: {  	[tilespmem:v31+s17+$0x0] =	vst.idx.msk $0xffff, v15  }
0x28e: {  	v44 =	vld [tilespmem:$0x1FED0];
	[tilespmem:v35+s17+$0x0] =	vst.idx.msk $0xffff, v37  }
0x28f: {  	v7 =	vld.idx.msk [tilespmem:v48+s14+$0x0], $0xffff  }
0x290: {  	v15 =	vld.idx.msk [tilespmem:v52+s14+$0x0], $0xffff  }
0x291: {  	v50 =	vld.idx.msk [tilespmem:v49+s14+$0x0], $0xffff  }
0x292: {  	v18 =	vld.idx.msk [tilespmem:v61+s14+$0x0], $0xffff  }
0x293: {  	v43 =	vmov v5;
	v5 =	vld.idx.msk [tilespmem:v20+s14+$0x0], $0xffff  }
0x294: {  	v19 =	vld.idx.msk [tilespmem:v57+s14+$0x0], $0xffff  }
0x295: {  	v20 =	vld.idx.msk [tilespmem:v34+s14+$0x0], $0xffff  }
0x296: {  	v21 =	vld [tilespmem:$0x1A580]  }
0x297: {  	v1 =	vld.idx.msk [tilespmem:v44+s14+$0x0], $0xffff  }
0x298: {  	v22 =	vld [tilespmem:$0x1A590]  }
0x299: {  	v51 =	vld [tilespmem:$0x1A5A0]  }
0x29a: {  	v52 =	vld [tilespmem:$0x1A5B0]  }
0x29b: {  	v56 =	vor.u32 $0x20, v63;
	v55 =	vld [tilespmem:$0x1A5C0]  }
0x29c: {  	v57 =	vld [tilespmem:$0x1A5D0];
	v61 =	vor.u32 $0x21, v63;
	v1 =	vadd.f32 v21, v1  }
0x29d: {  	v33 =	vor.u32 $0x22, v63;
	v30 =	vld [tilespmem:$0x1A5E0];
	v7 =	vadd.f32 v22, v7  }
0x29e: {  	v31 =	vld [tilespmem:$0x1A5F0];
	v34 =	vor.u32 $0x23, v63;
	v15 =	vadd.f32 v51, v15;
	v1 =	vmul.f32 v1, v42  }
0x29f: {  	v35 =	vor.u32 $0x24, v63;
	v16 =	vadd.f32 v52, v50;
	v7 =	vmul.f32 v7, v42  }
0x2a0: {  	v48 =	vor.u32 $0x25, v63;
	v44 =	vadd.f32 v55, v18;
	v37 =	vmul.f32 v15, v42;
	[tilespmem:v56+s17+$0x0] =	vst.idx.msk $0xffff, v1;
	v56 =	vld [tilespmem:$0x1FEF0]  }
0x2a1: {  	v49 =	vor.u32 $0x26, v63;
	v5 =	vadd.f32 v57, v5;
	[tilespmem:v61+s17+$0x0] =	vst.idx.msk $0xffff, v7;
	v7 =	vmul.f32 v16, v42  }
0x2a2: {  	v51 =	vadd.f32 v30, v19;
	v52 =	vor.u32 $0x27, v63;
	v50 =	vmul.f32 v44, v42;
	[tilespmem:v33+s17+$0x0] =	vst.idx.msk $0xffff, v37  }
0x2a3: {  	v5 =	vmul.f32 v5, v42;
	[tilespmem:v34+s17+$0x0] =	vst.idx.msk $0xffff, v7;
	v7 =	vadd.f32 v31, v20  }
0x2a4: {  	v23 =	vld [tilespmem:$0x1FF80];
	v15 =	vmul.f32 v51, v42;
	[tilespmem:v35+s17+$0x0] =	vst.idx.msk $0xffff, v50  }
0x2a5: {  	v26 =	vld [tilespmem:$0x1FFA0];
	v55 =	vmul.f32 v7, v42;
	[tilespmem:v48+s17+$0x0] =	vst.idx.msk $0xffff, v5  }
0x2a6: {  	v48 =	vld [tilespmem:$0x1FF00];
	[tilespmem:v49+s17+$0x0] =	vst.idx.msk $0xffff, v15  }
0x2a7: {  	v49 =	vld [tilespmem:$0x1FF10];
	[tilespmem:v52+s17+$0x0] =	vst.idx.msk $0xffff, v55  }
0x2a8: {  	v1 =	vld.idx.msk [tilespmem:v56+s14+$0x0], $0xffff  }
0x2a9: {  	v5 =	vld.idx.msk [tilespmem:v47+s14+$0x0], $0xffff  }
0x2aa: {  	v7 =	vld.idx.msk [tilespmem:v59+s14+$0x0], $0xffff  }
0x2ab: {  	v15 =	vld.idx.msk [tilespmem:v62+s14+$0x0], $0xffff  }
0x2ac: {  	v16 =	vld.idx.msk [tilespmem:v46+s14+$0x0], $0xffff  }
0x2ad: {  	v57 =	vld.idx.msk [tilespmem:v41+s14+$0x0], $0xffff  }
0x2ae: {  	v58 =	vld.idx.msk [tilespmem:v58+s14+$0x0], $0xffff  }
0x2af: {  	v18 =	vld [tilespmem:$0x1A600]  }
0x2b0: {  	v19 =	vld [tilespmem:$0x1A610]  }
0x2b1: {  	v59 =	vld [tilespmem:$0x1A620]  }
0x2b2: {  	v21 =	vld [tilespmem:$0x1A630]  }
0x2b3: {  	v24 =	vld [tilespmem:$0x1A650]  }
0x2b4: {  	v61 =	vor.u32 $0x28, v63;
	v22 =	vld [tilespmem:$0x1A640]  }
0x2b5: {  	v12 =	vld.idx.msk [tilespmem:v12+s14+$0x0], $0xffff;
	v62 =	vor.u32 $0x29, v63;
	v1 =	vadd.f32 v18, v1  }
0x2b6: {  	v32 =	vor.u32 $0x2B, v63;
	v31 =	vor.u32 $0x2A, v63;
	v30 =	vld [tilespmem:$0x1A660];
	v5 =	vadd.f32 v19, v5  }
0x2b7: {  	v33 =	vor.u32 $0x2C, v63;
	v27 =	vld [tilespmem:$0x1A670];
	v7 =	vadd.f32 v59, v7;
	v1 =	vmul.f32 v1, v42  }
0x2b8: {  	[tilespmem:$0x1FFC0] =	vst v3;
	v15 =	vadd.f32 v21, v15;
	v13 =	vadd.f32 v24, v57;
	v57 =	vld [tilespmem:$0x1FF20];
	v5 =	vmul.f32 v5, v42  }
0x2b9: {  	v35 =	vor.u32 $0x2D, v63;
	v59 =	vld [tilespmem:$0x1FF30];
	v34 =	vmul.f32 v7, v42;
	v7 =	vadd.f32 v22, v16;
	[tilespmem:v61+s17+$0x0] =	vst.idx.msk $0xffff, v1  }
0x2ba: {  	v37 =	vor.u32 $0x2E, v63;
	v24 =	vld [tilespmem:$0x1FF90];
	[tilespmem:v62+s17+$0x0] =	vst.idx.msk $0xffff, v5;
	v5 =	vmul.f32 v15, v42  }
0x2bb: {  	v44 =	vor.u32 $0x2F, v63;
	v22 =	vld [tilespmem:$0x1FF70];
	v41 =	vmul.f32 v7, v42;
	v7 =	vadd.f32 v30, v58;
	[tilespmem:v31+s17+$0x0] =	vst.idx.msk $0xffff, v34  }
0x2bc: {  	v46 =	vmul.f32 v13, v42;
	v61 =	vld [tilespmem:$0x1FF40];
	[tilespmem:v32+s17+$0x0] =	vst.idx.msk $0xffff, v5;
	v5 =	vadd.f32 v27, v12  }
0x2bd: {  	v30 =	vld [tilespmem:$0x1FFC0];
	v7 =	vmul.f32 v7, v42;
	[tilespmem:v33+s17+$0x0] =	vst.idx.msk $0xffff, v41  }
0x2be: {  	v27 =	vld [tilespmem:$0x1FFB0];
	v47 =	vmul.f32 v5, v42;
	[tilespmem:v35+s17+$0x0] =	vst.idx.msk $0xffff, v46  }
0x2bf: {  	v33 =	vld [tilespmem:$0x1FFD0];
	[tilespmem:v37+s17+$0x0] =	vst.idx.msk $0xffff, v7  }
0x2c0: {  	v35 =	vld [tilespmem:$0x1FFE0];
	[tilespmem:v44+s17+$0x0] =	vst.idx.msk $0xffff, v47  }
0x2c1: {  	v1 =	vld.idx.msk [tilespmem:v48+s14+$0x0], $0xffff  }
0x2c2: {  	v3 =	vld.idx.msk [tilespmem:v49+s14+$0x0], $0xffff  }
0x2c3: {  	v5 =	vld.idx.msk [tilespmem:v54+s14+$0x0], $0xffff  }
0x2c4: {  	v7 =	vld.idx.msk [tilespmem:v60+s14+$0x0], $0xffff  }
0x2c5: {  	v12 =	vld.idx.msk [tilespmem:v14+s14+$0x0], $0xffff  }
0x2c6: {  	v50 =	vld.idx.msk [tilespmem:v53+s14+$0x0], $0xffff  }
0x2c7: {  	v51 =	vld [tilespmem:$0x1A680]  }
0x2c8: {  	v15 =	vld [tilespmem:$0x1A690]  }
0x2c9: {  	v16 =	vld [tilespmem:$0x1A6A0]  }
0x2ca: {  	v8 =	vld.idx.msk [tilespmem:v8+s14+$0x0], $0xffff  }
0x2cb: {  	v52 =	vor.u32 $0x30, v63;
	v9 =	vld.idx.msk [tilespmem:v9+s14+$0x0], $0xffff  }
0x2cc: {  	v17 =	vld [tilespmem:$0x1A6B0];
	v53 =	vor.u32 $0x31, v63;
	v1 =	vadd.f32 v51, v1  }
0x2cd: {  	v19 =	vld [tilespmem:$0x1A6C0];
	v3 =	vadd.f32 v15, v3  }
0x2ce: {  	v20 =	vld [tilespmem:$0x1A6D0];
	v5 =	vadd.f32 v16, v5;
	v1 =	vmul.f32 v1, v42  }
0x2cf: {  	[tilespmem:$0x1FFF0] =	vst v2;
	v54 =	vor.u32 $0x32, v63;
	v21 =	vld [tilespmem:$0x1A6E0];
	v3 =	vmul.f32 v3, v42  }
0x2d0: {  	v55 =	vld [tilespmem:$0x1A6F0];
	v56 =	vmul.f32 v5, v42;
	v5 =	vor.u32 $0x33, v63;
	[tilespmem:v52+s17+$0x0] =	vst.idx.msk $0xffff, v1  }
0x2d1: {  	v47 =	vld [tilespmem:$0x1FFF0];
	[tilespmem:v53+s17+$0x0] =	vst.idx.msk $0xffff, v3;
	v3 =	vadd.f32 v17, v7;
	v7 =	vor.u32 $0x34, v63  }
0x2d2: {  	v58 =	vor.u32 $0x35, v63;
	v62 =	vor.u32 $0x37, v63;
	v18 =	vld.idx.msk [tilespmem:v61+s14+$0x0], $0xffff;
	v12 =	vadd.f32 v19, v12  }
0x2d3: {  	v60 =	vor.u32 $0x36, v63;
	v15 =	vld.idx.msk [tilespmem:v59+s14+$0x0], $0xffff;
	v13 =	vadd.f32 v20, v50;
	v3 =	vmul.f32 v3, v42  }
0x2d4: {  	v8 =	vadd.f32 v21, v8;
	v12 =	vmul.f32 v12, v42;
	v1 =	vld.idx.msk [tilespmem:v57+s14+$0x0], $0xffff;
	[tilespmem:v54+s17+$0x0] =	vst.idx.msk $0xffff, v56  }
0x2d5: {  	v21 =	vmul.f32 v13, v42;
	[tilespmem:v5+s17+$0x0] =	vst.idx.msk $0xffff, v3;
	v3 =	vadd.f32 v55, v9;
	v5 =	vld [tilespmem:$0x1FF50]  }
0x2d6: {  	v8 =	vmul.f32 v8, v42;
	v9 =	vld.idx.msk [tilespmem:v22+s14+$0x0], $0xffff;
	[tilespmem:v7+s17+$0x0] =	vst.idx.msk $0xffff, v12  }
0x2d7: {  	v7 =	vld [tilespmem:$0x1FF60];
	[tilespmem:v58+s17+$0x0] =	vst.idx.msk $0xffff, v21;
	v3 =	vmul.f32 v3, v42  }
0x2d8: {  	v12 =	vld.idx.msk [tilespmem:v24+s14+$0x0], $0xffff;
	[tilespmem:v60+s17+$0x0] =	vst.idx.msk $0xffff, v8  }
0x2d9: {  	v8 =	vld.idx.msk [tilespmem:v23+s14+$0x0], $0xffff;
	[tilespmem:v62+s17+$0x0] =	vst.idx.msk $0xffff, v3  }
0x2da: {  	v3 =	vld.idx.msk [tilespmem:v26+s14+$0x0], $0xffff  }
0x2db: {  	v28 =	vld.idx.msk [tilespmem:v27+s14+$0x0], $0xffff  }
0x2dc: {  	v4 =	vld.idx.msk [tilespmem:v30+s14+$0x0], $0xffff  }
0x2dd: {  	v14 =	vld.idx.msk [tilespmem:v39+s14+$0x0], $0xffff  }
0x2de: {  	v32 =	vld.idx.msk [tilespmem:v25+s14+$0x0], $0xffff  }
0x2df: {  	v5 =	vld.idx.msk [tilespmem:v5+s14+$0x0], $0xffff  }
0x2e0: {  	v31 =	vor.u32 $0x38, v11;
	v7 =	vld.idx.msk [tilespmem:v7+s14+$0x0], $0xffff  }
0x2e1: {  	v34 =	vor.u32 $0x39, v11;
	v1 =	vadd.f32 v33, v1;
	v6 =	vld.idx.msk [tilespmem:v6+s14+$0x0], $0xffff  }
0x2e2: {  	v37 =	vor.u32 $0x3A, v11;
	v15 =	vadd.f32 v35, v15;
	v0 =	vld.idx.msk [tilespmem:v0+s14+$0x0], $0xffff  }
0x2e3: {  	v18 =	vadd.f32 v38, v18;
	v1 =	vmul.f32 v1, v10;
	v39 =	vor.u32 $0x3B, v11;
	v23 =	vld [tilespmem:$0x1A700]  }
0x2e4: {  	v15 =	vmul.f32 v15, v10;
	v41 =	vld.idx.msk [tilespmem:v29+s14+$0x0], $0xffff;
	v5 =	vadd.f32 v43, v5;
	v43 =	vor.u32 $0x3C, v11  }
0x2e5: {  	v44 =	vor.u32 $0x3D, v11;
	v18 =	vmul.f32 v18, v10;
	v46 =	vld [tilespmem:$0x1A710];
	[tilespmem:v31+s17+$0x0] =	vst.idx.msk $0xffff, v1;
	v7 =	vadd.f32 v40, v7  }
0x2e6: {  	v48 =	vor.u32 $0x3E, v11;
	v9 =	vadd.f32 v47, v9;
	v49 =	vld [tilespmem:$0x1A720];
	[tilespmem:v34+s17+$0x0] =	vst.idx.msk $0xffff, v15;
	v5 =	vmul.f32 v5, v10  }
0x2e7: {  	v51 =	vor.u32 $0x38, v63;
	v50 =	vld [tilespmem:$0x1A730];
	v8 =	vadd.f32 v45, v8;
	[tilespmem:v37+s17+$0x0] =	vst.idx.msk $0xffff, v18;
	v7 =	vmul.f32 v7, v10  }
0x2e8: {  	v9 =	vmul.f32 v9, v10;
	v3 =	vadd.f32 v23, v3;
	v11 =	vor.u32 $0x3F, v11;
	[tilespmem:v39+s17+$0x0] =	vst.idx.msk $0xffff, v5;
	v5 =	vld [tilespmem:$0x1A740]  }
0x2e9: {  	v53 =	vor.u32 $0x39, v63;
	v52 =	vld [tilespmem:$0x1A750];
	v12 =	vadd.f32 v36, v12;
	[tilespmem:v43+s17+$0x0] =	vst.idx.msk $0xffff, v7;
	v7 =	vmul.f32 v8, v10  }
0x2ea: {  	v57 =	vor.u32 $0x3A, v63;
	v55 =	vld [tilespmem:$0x1A760];
	v56 =	vadd.f32 v46, v28;
	v3 =	vmul.f32 v3, v42;
	[tilespmem:v44+s17+$0x0] =	vst.idx.msk $0xffff, v9  }
0x2eb: {  	v58 =	vor.u32 $0x3B, v63;
	v54 =	vmul.f32 v12, v10;
	v4 =	vadd.f32 v49, v4;
	[tilespmem:v48+s17+$0x0] =	vst.idx.msk $0xffff, v7;
	v7 =	vld [tilespmem:$0x1A770]  }
0x2ec: {  	v61 =	vor.u32 $0x3C, v63;
	v60 =	vadd.f32 v50, v14;
	v59 =	vmul.f32 v56, v42;
	[tilespmem:v51+s17+$0x0] =	vst.idx.msk $0xffff, v3  }
0x2ed: {  	v3 =	vmul.f32 v4, v42;
	v4 =	vor.u32 $0x3D, v63;
	[tilespmem:v11+s17+$0x0] =	vst.idx.msk $0xffff, v54;
	v2 =	vadd.f32 v5, v32  }
0x2ee: {  	s26 =	sadd.s32 $0x2, s26;
	v62 =	vmul.f32 v60, v42;
	[tilespmem:v53+s17+$0x0] =	vst.idx.msk $0xffff, v59;
	v5 =	vadd.f32 v52, v6;
	v6 =	vor.u32 $0x3E, v63  }
0x2ef: {  	p1 =	slt.u32 s26, $0x18;
	v0 =	vadd.f32 v55, v0;
	[tilespmem:v57+s17+$0x0] =	vst.idx.msk $0xffff, v3;
	v3 =	vor.u32 $0x3F, v63;
	v2 =	vmul.f32 v2, v42  }
.Ltmp0:
0x2f0: {  	[tilespmem:v58+s17+$0x0] =	vst.idx.msk $0xffff, v62;
	v5 =	vmul.f32 v5, v42;
	v63 =	vadd.f32 v7, v41;
	(pc) =	sbr.rel @p1 .LBB2_3-.Ltmp0, $4  }
0x2f1: {  	v0 =	vmul.f32 v0, v42;
	[tilespmem:v61+s17+$0x0] =	vst.idx.msk $0xffff, v2  }
0x2f2: {  	[tilespmem:v4+s17+$0x0] =	vst.idx.msk $0xffff, v5;
	v1 =	vmul.f32 v63, v42  }
0x2f3: {  	[tilespmem:v6+s17+$0x0] =	vst.idx.msk $0xffff, v0  }
0x2f4: {  	s28 =	sadd.s32 $0x20, s28;
	v4 =	vlaneseq.u32;
	[tilespmem:v3+s17+$0x0] =	vst.idx.msk $0xffff, v1  }
0x2f5: {  	p1 =	sne.s32 s23, $0xF  }
.Ltmp1:
0x2f6: {  	_ = 	snop;
	(pc) =	sbr.rel @p1 .LBB2_6-.Ltmp1, $3  }
0x2f7: {  	s25 =	smul.u32 $0xD0, s25;
	_ =	sdelay $0x1  }
0x2f8: {  	s25 =	sadd.s32 s3, s25  }
0x2f9: {  	[hbm4b:s25+s4] =	stream.linear.scatter [tilespmem:s17], [sflag:$0x3], $0x6800, $0x38;
	[tilespmem:$0x1A780] =	vst v63  }
.Ltmp2:
0x2fa: {  	(pc) =	sbr.rel .LBB2_7-.Ltmp2, $4  }
0x2fb: {  	_ = 	snop  }
0x2fc: {  	_ =	swait.ge [sflag:s18], $0x6800  }
0x2fd: {  	[sflag:s18] =	ssyncset.done $0x0  }
0x2fe: {  	[sflag:s18] =	ssyncadd.s32 $0xFFFF9800  }
.LBB2_6:
0x2ff: {  	s25 =	smul.u32 $0x1A0, s24;
	_ =	sdelay $0x1  }
0x300: {  	s25 =	sadd.s32 s25, s9  }
0x301: {  	s25 =	sshrl.u32 s25, $0x3  }
0x302: {  	s25 =	sadd.s32 s5, s25  }
0x303: {  	[tilespmem:s4], [sflag:$0x5] =	stream.linear.gather [hbm4b:s25+s4], $0x1A0, $0x38;
	[tilespmem:$0x1A780] =	vst v63  }
0x304: {  	_ =	swait.ge [sflag:s12], $0x1A0  }
0x305: {  	[sflag:s12] =	ssyncset.done $0x0  }
.Ltmp3:
0x306: {  	[sflag:s12] =	ssyncadd.s32 $0xFFFFFE60;
	(pc) =	sbr.rel @p0 .LBB2_8-.Ltmp3, $4  }
0x307: {  	[tilespmem:s14], [sflag:$0x1] =	stream.indirect.gather [hbm4b:s6+s13], $0x40, s4, s13, $0xb8;
	[tilespmem:$0x1A780] =	vst v63  }
0x308: {  	_ =	swait.ge [sflag:s18], $0x6800  }
0x309: {  	[sflag:s18] =	ssyncset.done $0x0  }
0x30a: {  	[sflag:s18] =	ssyncadd.s32 $0xFFFF9800  }
.LBB2_7:
0x30b: {  	_ =	swait.ge [sflag:s19], $0x6800  }
0x30c: {  	[sflag:s19] =	ssyncset.done $0x0  }
0x30d: {  	[sflag:s19] =	ssyncadd.s32 $0xFFFF9800  }
.LBB2_8:
0x30e: {  	s24 =	sshll.u32 s24, $0x4  }
0x30f: {  	s25 =	simm.s32 $0xFFFFFFFE;
	s26 =	simm.s32 $0x10;
	s24 =	sadd.s32 s7, s24  }
.LBB2_9:
0x310: {  	v42 =	vld [tilespmem:$0x1A380]  }
0x311: {  	v43 =	vld [tilespmem:$0x1A390]  }
0x312: {  	v50 =	vld [tilespmem:$0x1A3A0]  }
0x313: {  	v51 =	vld [tilespmem:$0x1A3B0]  }
0x314: {  	v55 =	vld [tilespmem:$0x1A3C0]  }
0x315: {  	v56 =	vld [tilespmem:$0x1A3D0]  }
0x316: {  	v63 =	vld [tilespmem:$0x1A3E0]  }
0x317: {  	v21 =	vld [tilespmem:$0x1A3F0]  }
0x318: {  	v6 =	vld [tilespmem:$0x1A400]  }
0x319: {  	v11 =	vld [tilespmem:$0x1A410]  }
0x31a: {  	s28 =	sadd.s32 $0xFFFFFFF0, s26;
	v10 =	vld [tilespmem:$0x1A420]  }
0x31b: {  	v12 =	vld [tilespmem:$0x1A430];
	v0 =	vor.u32 s28, v4  }
0x31c: {  	v8 =	vld [tilespmem:$0x1A440];
	v2 =	vshll.u32 v0, $0x6  }
0x31d: {  	v9 =	vld [tilespmem:$0x1A450];
	[tilespmem:$0x1F260] =	vst v0;
	v0 =	vor.u32 $0x1, v2  }
0x31e: {  	v13 =	vld [tilespmem:$0x1A460];
	v1 =	vor.u32 $0x2, v2  }
0x31f: {  	v16 =	vld [tilespmem:$0x1A470];
	v3 =	vor.u32 $0x3, v2  }
0x320: {  	v32 =	vld [tilespmem:$0x1A4E0];
	v4 =	vor.u32 $0x4, v2  }
0x321: {  	v5 =	vor.u32 $0x5, v2;
	v18 =	vld.idx.msk [tilespmem:v2+s15+$0x0], $0xffff  }
0x322: {  	v23 =	vor.u32 $0x6, v2;
	v7 =	vld.idx.msk [tilespmem:v0+s15+$0x0], $0xffff  }
0x323: {  	v25 =	vor.u32 $0x7, v2;
	v26 =	vld.idx.msk [tilespmem:v1+s15+$0x0], $0xffff  }
0x324: {  	v33 =	vor.u32 $0x9, v2;
	v29 =	vld.idx.msk [tilespmem:v3+s15+$0x0], $0xffff  }
0x325: {  	v34 =	vor.u32 $0xA, v2;
	v30 =	vld.idx.msk [tilespmem:v4+s15+$0x0], $0xffff  }
0x326: {  	v35 =	vor.u32 $0xE, v2;
	v31 =	vld.idx.msk [tilespmem:v5+s15+$0x0], $0xffff  }
0x327: {  	v36 =	vor.u32 $0xF, v2;
	[tilespmem:$0x1F310] =	vst v33;
	v39 =	vld.idx.msk [tilespmem:v23+s15+$0x0], $0xffff  }
0x328: {  	v37 =	vor.u32 $0x10, v2;
	[tilespmem:$0x1F320] =	vst v34;
	v41 =	vld.idx.msk [tilespmem:v25+s15+$0x0], $0xffff  }
0x329: {  	v38 =	vor.u32 $0x11, v2;
	[tilespmem:$0x1F360] =	vst v35;
	v23 =	vld.idx.msk [tilespmem:v33+s15+$0x0], $0xffff  }
0x32a: {  	v19 =	vor.u32 $0x12, v2;
	[tilespmem:$0x1F370] =	vst v36;
	v15 =	vld.idx.msk [tilespmem:v34+s15+$0x0], $0xffff  }
0x32b: {  	v20 =	vor.u32 $0x13, v2;
	[tilespmem:$0x1F380] =	vst v37;
	v25 =	vld.idx.msk [tilespmem:v35+s15+$0x0], $0xffff  }
0x32c: {  	[tilespmem:$0x1F390] =	vst v38;
	v3 =	vor.u32 $0xC, v2;
	v28 =	vld.idx.msk [tilespmem:v36+s15+$0x0], $0xffff  }
0x32d: {  	v27 =	vor.u32 $0x14, v2;
	[tilespmem:$0x1F3A0] =	vst v19;
	v45 =	vld.idx.msk [tilespmem:v37+s15+$0x0], $0xffff  }
0x32e: {  	v40 =	vor.u32 $0x16, v2;
	[tilespmem:$0x1F3B0] =	vst v20;
	v47 =	vld.idx.msk [tilespmem:v38+s15+$0x0], $0xffff  }
0x32f: {  	v44 =	vor.u32 $0x17, v2;
	[tilespmem:$0x1F3C0] =	vst v27;
	v48 =	vld.idx.msk [tilespmem:v19+s15+$0x0], $0xffff  }
0x330: {  	[tilespmem:$0x1F3E0] =	vst v40;
	v52 =	vld.idx.msk [tilespmem:v20+s15+$0x0], $0xffff  }
0x331: {  	[tilespmem:$0x1F340] =	vst v3;
	v17 =	vld.idx.msk [tilespmem:v3+s15+$0x0], $0xffff;
	v3 =	vor.u32 $0x15, v2  }
0x332: {  	v46 =	vor.u32 $0x19, v2;
	[tilespmem:$0x1F400] =	vst v44;
	v57 =	vld.idx.msk [tilespmem:v27+s15+$0x0], $0xffff  }
0x333: {  	v49 =	vor.u32 $0x1A, v2;
	[tilespmem:$0x1F430] =	vst v46;
	v54 =	vld.idx.msk [tilespmem:v40+s15+$0x0], $0xffff  }
0x334: {  	v58 =	vor.u32 $0x1B, v2;
	[tilespmem:$0x1F450] =	vst v49;
	v40 =	vld.idx.msk [tilespmem:v44+s15+$0x0], $0xffff  }
0x335: {  	[tilespmem:$0x1F460] =	vst v58;
	v4 =	vor.u32 $0xB, v2;
	v27 =	vld [tilespmem:$0x1A480]  }
0x336: {  	v59 =	vor.u32 $0x1C, v2;
	[tilespmem:$0x1F3D0] =	vst v3;
	v53 =	vld.idx.msk [tilespmem:v3+s15+$0x0], $0xffff;
	v3 =	vor.u32 $0x18, v2  }
0x337: {  	v60 =	vor.u32 $0x1E, v2;
	[tilespmem:$0x1F470] =	vst v59;
	v37 =	vld [tilespmem:$0x1A490]  }
0x338: {  	v61 =	vor.u32 $0x1F, v2;
	[tilespmem:$0x1F490] =	vst v60;
	v1 =	vld.idx.msk [tilespmem:v49+s15+$0x0], $0xffff  }
0x339: {  	[tilespmem:$0x1F4A0] =	vst v61;
	v5 =	vor.u32 $0x8, v2;
	v0 =	vld.idx.msk [tilespmem:v46+s15+$0x0], $0xffff  }
0x33a: {  	[tilespmem:$0x1F300] =	vst v5;
	v14 =	vld.idx.msk [tilespmem:v4+s15+$0x0], $0xffff  }
0x33b: {  	[tilespmem:$0x1F420] =	vst v3;
	v3 =	vld.idx.msk [tilespmem:v3+s15+$0x0], $0xffff  }
0x33c: {  	[tilespmem:$0x1F330] =	vst v4;
	v4 =	vld.idx.msk [tilespmem:v58+s15+$0x0], $0xffff  }
0x33d: {  	v33 =	vld [tilespmem:$0x1A4A0];
	v20 =	vor.u32 $0x23, v2;
	[tilespmem:$0x1F040] =	vst v1;
	v1 =	vor.u32 $0x22, v2  }
0x33e: {  	v38 =	vld [tilespmem:$0x1A4B0];
	[tilespmem:$0x1F560] =	vst v20  }
0x33f: {  	[tilespmem:$0x1F030] =	vst v0;
	v0 =	vld.idx.msk [tilespmem:v60+s15+$0x0], $0xffff  }
0x340: {  	v34 =	vld [tilespmem:$0x1A4C0];
	[tilespmem:$0x1F020] =	vst v3;
	v3 =	vor.u32 $0x1D, v2  }
0x341: {  	[tilespmem:$0x1F050] =	vst v4;
	v4 =	vld.idx.msk [tilespmem:v59+s15+$0x0], $0xffff  }
0x342: {  	v19 =	vor.u32 $0x24, v2;
	[tilespmem:$0x1F550] =	vst v1;
	v1 =	vld.idx.msk [tilespmem:v1+s15+$0x0], $0xffff  }
0x343: {  	v62 =	vld.idx.msk [tilespmem:v61+s15+$0x0], $0xffff;
	[tilespmem:$0x1F570] =	vst v19  }
0x344: {  	v35 =	vld [tilespmem:$0x1A4D0];
	[tilespmem:$0x1F080] =	vst v0  }
0x345: {  	v0 =	vor.u32 $0x21, v2;
	[tilespmem:$0x1F480] =	vst v3;
	v3 =	vld.idx.msk [tilespmem:v3+s15+$0x0], $0xffff  }
0x346: {  	[tilespmem:$0x1F060] =	vst v4;
	v4 =	vld.idx.msk [tilespmem:v20+s15+$0x0], $0xffff  }
0x347: {  	v36 =	vld [tilespmem:$0x1A4F0];
	[tilespmem:$0x1F0E0] =	vst v1;
	v1 =	vor.u32 $0x27, v2  }
0x348: {  	v44 =	vld [tilespmem:$0x1A500];
	[tilespmem:$0x1F090] =	vst v62  }
0x349: {  	v24 =	vld.idx.msk [tilespmem:v5+s15+$0x0], $0xffff;
	[tilespmem:$0x1F540] =	vst v0  }
0x34a: {  	v0 =	vld.idx.msk [tilespmem:v0+s15+$0x0], $0xffff;
	[tilespmem:$0x1F070] =	vst v3;
	v3 =	vor.u32 $0x20, v2  }
0x34b: {  	v5 =	vor.u32 $0xD, v2;
	[tilespmem:$0x1F100] =	vst v4;
	v4 =	vld.idx.msk [tilespmem:v19+s15+$0x0], $0xffff  }
0x34c: {  	v50 =	vadd.f32 v50, v26;
	v26 =	vor.u32 $0x2E, v2;
	[tilespmem:$0x1F350] =	vst v5;
	v19 =	vld.idx.msk [tilespmem:v1+s15+$0x0], $0xffff  }
0x34d: {  	v46 =	vld [tilespmem:$0x1A510];
	[tilespmem:$0x1F690] =	vst v26  }
0x34e: {  	v49 =	vld [tilespmem:$0x1A520];
	[tilespmem:$0x1F2A0] =	vst v50  }
0x34f: {  	[tilespmem:$0x1F530] =	vst v3;
	v3 =	vld.idx.msk [tilespmem:v3+s15+$0x0], $0xffff  }
0x350: {  	v61 =	vld [tilespmem:$0x1A540];
	[tilespmem:$0x1F0C0] =	vst v0;
	v0 =	vor.u32 $0x26, v2  }
0x351: {  	[tilespmem:$0x1F180] =	vst v19;
	v19 =	vld [tilespmem:$0x1A590]  }
0x352: {  	[tilespmem:$0x1F120] =	vst v4;
	v4 =	vld [tilespmem:$0x1A5E0]  }
0x353: {  	v20 =	vld [tilespmem:$0x1A580];
	[tilespmem:$0x1F5A0] =	vst v1  }
0x354: {  	v58 =	vld [tilespmem:$0x1A530];
	[tilespmem:$0x1F0A0] =	vst v3;
	v3 =	vor.u32 $0x25, v2  }
0x355: {  	[tilespmem:$0x1F590] =	vst v0;
	v0 =	vld.idx.msk [tilespmem:v0+s15+$0x0], $0xffff  }
0x356: {  	[tilespmem:$0x1F0D0] =	vst v19;
	v19 =	vld [tilespmem:$0x1A5B0]  }
0x357: {  	[tilespmem:$0x1F170] =	vst v4;
	v4 =	vld [tilespmem:$0x1A5F0]  }
0x358: {  	[tilespmem:$0x1F0B0] =	vst v20;
	v20 =	vld [tilespmem:$0x1A5A0]  }
0x359: {  	[tilespmem:$0x1F580] =	vst v3;
	v3 =	vld.idx.msk [tilespmem:v3+s15+$0x0], $0xffff  }
0x35a: {  	v62 =	vld [tilespmem:$0x1A560];
	[tilespmem:$0x1F160] =	vst v0;
	v0 =	vor.u32 $0x28, v2  }
0x35b: {  	v60 =	vld [tilespmem:$0x1A570];
	[tilespmem:$0x1F110] =	vst v19;
	v19 =	vor.u32 $0x2C, v2  }
0x35c: {  	v22 =	vld.idx.msk [tilespmem:v5+s15+$0x0], $0xffff;
	[tilespmem:$0x1F190] =	vst v4;
	v4 =	vadd.f32 v42, v18;
	v18 =	vor.u32 $0x2D, v2  }
0x35d: {  	[tilespmem:$0x1F0F0] =	vst v20;
	v20 =	vld [tilespmem:$0x1A5C0]  }
0x35e: {  	v5 =	vadd.f32 v51, v29;
	[tilespmem:$0x1F140] =	vst v3;
	v3 =	vld [tilespmem:$0x1A5D0]  }
0x35f: {  	v51 =	vadd.f32 v55, v30;
	v55 =	vor.u32 $0x2F, v2;
	v1 =	vor.u32 $0x29, v2;
	[tilespmem:$0x1F630] =	vst v0;
	v0 =	vld.idx.msk [tilespmem:v0+s15+$0x0], $0xffff  }
0x360: {  	v30 =	vadd.f32 v63, v39;
	v63 =	vadd.f32 v6, v24;
	[tilespmem:$0x1F6A0] =	vst v55;
	v24 =	vld.idx.msk [tilespmem:v19+s15+$0x0], $0xffff  }
0x361: {  	[tilespmem:$0x1F2B0] =	vst v5;
	v6 =	vld.idx.msk [tilespmem:v18+s15+$0x0], $0xffff  }
0x362: {  	[tilespmem:$0x1F670] =	vst v19;
	v19 =	vadd.f32 v11, v23;
	v23 =	vld.idx.msk [tilespmem:v26+s15+$0x0], $0xffff  }
0x363: {  	v21 =	vadd.f32 v21, v41;
	v41 =	vld [tilespmem:$0x1A600];
	[tilespmem:$0x1F150] =	vst v3;
	v3 =	vor.u32 $0x2A, v2  }
0x364: {  	[tilespmem:$0x1F130] =	vst v20;
	v42 =	vld.idx.msk [tilespmem:v1+s15+$0x0], $0xffff  }
0x365: {  	v29 =	vld.idx.msk [tilespmem:v55+s15+$0x0], $0xffff;
	[tilespmem:$0x1F1A0] =	vst v0  }
0x366: {  	[tilespmem:$0x1F1E0] =	vst v6;
	v6 =	vadd.f32 v12, v14;
	v12 =	vld [tilespmem:$0x1A670]  }
0x367: {  	v7 =	vadd.f32 v43, v7;
	v59 =	vld [tilespmem:$0x1A550];
	v39 =	vmul.f32 v50, v50;
	v20 =	vor.u32 $0x2B, v2;
	[tilespmem:$0x1F1F0] =	vst v23  }
0x368: {  	v0 =	vmul.f32 v63, v63;
	v23 =	vor.u32 $0x30, v2;
	[tilespmem:$0x1F650] =	vst v3;
	v43 =	vld.idx.msk [tilespmem:v3+s15+$0x0], $0xffff;
	v3 =	vadd.f32 v10, v15  }
0x369: {  	v50 =	vld [tilespmem:$0x1A620];
	[tilespmem:$0x1F1B0] =	vst v42;
	v26 =	vmul.f32 v4, v4;
	v42 =	vmul.f32 v5, v5;
	v14 =	vadd.f32 v9, v22  }
0x36a: {  	[tilespmem:$0x1F2C0] =	vst v51;
	v55 =	vld [tilespmem:$0x1A640];
	v63 =	vmul.f32 v51, v51;
	v3 =	vmul.f32 v3, v3  }
0x36b: {  	[tilespmem:$0x1F640] =	vst v1;
	v51 =	vld [tilespmem:$0x1A630];
	v5 =	vmul.f32 v14, v14;
	v14 =	vor.u32 $0x33, v2;
	v12 =	vadd.f32 v12, v29  }
0x36c: {  	[tilespmem:$0x1F660] =	vst v20;
	v1 =	vmul.f32 v19, v19;
	v22 =	vld [tilespmem:$0x1A610];
	v15 =	vadd.f32 v13, v25;
	v3 =	vadd.f32 v3, v39  }
0x36d: {  	v39 =	vld.idx.msk [tilespmem:v23+s15+$0x0], $0xffff;
	[tilespmem:$0x1F1C0] =	vst v43;
	v43 =	vadd.f32 v56, v31;
	v31 =	vmul.f32 v7, v7  }
0x36e: {  	[tilespmem:$0x1F730] =	vst v23;
	v25 =	vor.u32 $0x31, v2;
	v23 =	vadd.f32 v27, v45;
	v56 =	vld.idx.msk [tilespmem:v20+s15+$0x0], $0xffff;
	v20 =	vadd.f32 v8, v17  }
0x36f: {  	[tilespmem:$0x1F290] =	vst v7;
	v29 =	vld [tilespmem:$0x1A760];
	v27 =	vadd.f32 v33, v48;
	v19 =	vadd.f32 v1, v31;
	v31 =	vor.u32 $0x34, v2  }
0x370: {  	[tilespmem:$0x1F280] =	vst v4;
	v48 =	vld.idx.msk [tilespmem:v14+s15+$0x0], $0xffff;
	v4 =	vmul.f32 v20, v20;
	v20 =	vadd.f32 v0, v26;
	v0 =	vor.u32 $0x35, v2  }
0x371: {  	[tilespmem:$0x1F2F0] =	vst v21;
	v6 =	vmul.f32 v6, v6;
	v33 =	vadd.f32 v36, v40;
	v40 =	vld [tilespmem:$0x1F020]  }
0x372: {  	[tilespmem:$0x1F760] =	vst v14;
	v14 =	vld [tilespmem:$0x1A690];
	v8 =	vadd.f32 v16, v28;
	v28 =	vmul.f32 v43, v43  }
0x373: {  	[tilespmem:$0x1F2E0] =	vst v30;
	v6 =	vadd.f32 v6, v42;
	v42 =	vld.idx.msk [tilespmem:v25+s15+$0x0], $0xffff  }
0x374: {  	[tilespmem:$0x1F680] =	vst v18;
	v26 =	vor.u32 $0x32, v2;
	v5 =	vadd.f32 v5, v28;
	v28 =	vadd.f32 v38, v52;
	v52 =	vld.idx.msk [tilespmem:v31+s15+$0x0], $0xffff  }
0x375: {  	v18 =	vmul.f32 v21, v21;
	v21 =	vor.u32 $0x36, v2;
	[tilespmem:$0x1F770] =	vst v31;
	v31 =	vadd.f32 v35, v53;
	v53 =	vld.idx.msk [tilespmem:v0+s15+$0x0], $0xffff  }
0x376: {  	v30 =	vmul.f32 v30, v30;
	v7 =	vmul.f32 v15, v15;
	[tilespmem:$0x1F780] =	vst v0;
	v0 =	vadd.f32 v44, v40;
	v44 =	vld [tilespmem:$0x1F040]  }
0x377: {  	v32 =	vadd.f32 v32, v54;
	v16 =	vld [tilespmem:$0x1A6A0]  }
0x378: {  	v9 =	vmul.f32 v23, v23;
	v23 =	vld [tilespmem:$0x1A6D0];
	v7 =	vadd.f32 v7, v30  }
0x379: {  	[tilespmem:$0x1F750] =	vst v26;
	v45 =	vld.idx.msk [tilespmem:v26+s15+$0x0], $0xffff;
	v26 =	vadd.f32 v37, v47;
	v37 =	vmul.f32 v32, v32  }
0x37a: {  	v30 =	vadd.f32 v34, v57;
	v57 =	vld.idx.msk [tilespmem:v21+s15+$0x0], $0xffff  }
0x37b: {  	[tilespmem:$0x1F790] =	vst v21;
	v17 =	vadd.f32 v37, v7;
	v7 =	vadd.f32 v49, v44;
	v49 =	vld [tilespmem:$0x1F060]  }
0x37c: {  	[tilespmem:$0x1F740] =	vst v25;
	v11 =	vmul.f32 v27, v27;
	v21 =	vld [tilespmem:$0x1A6C0]  }
0x37d: {  	v25 =	vor.u32 $0x37, v2;
	[tilespmem:$0x1F2D0] =	vst v43;
	v43 =	vld [tilespmem:$0x1F030]  }
0x37e: {  	v11 =	vadd.f32 v11, v3;
	v3 =	vld [tilespmem:$0x1A680]  }
0x37f: {  	v4 =	vadd.f32 v4, v63;
	v63 =	vld [tilespmem:$0x1A660];
	v35 =	vmul.f32 v30, v30  }
0x380: {  	v27 =	vadd.f32 v61, v49;
	v61 =	vld [tilespmem:$0x1F080]  }
0x381: {  	v8 =	vmul.f32 v8, v8;
	[tilespmem:$0x1F1D0] =	vst v56;
	v56 =	vld [tilespmem:$0x1A650];
	v13 =	vadd.f32 v35, v4;
	v4 =	vlaneseq.u32  }
0x382: {  	v54 =	vld.idx.msk [tilespmem:v25+s15+$0x0], $0xffff;
	v34 =	vmul.f32 v28, v28;
	v4 =	vor.u32 s26, v4  }
0x383: {  	[tilespmem:$0x1F7F0] =	vst v25;
	v8 =	vadd.f32 v8, v18;
	v25 =	vld [tilespmem:$0x1F090];
	v47 =	vshll.u32 v4, $0x6  }
0x384: {  	v38 =	vmul.f32 v33, v33;
	v30 =	vld [tilespmem:$0x1A6E0];
	v6 =	vadd.f32 v34, v6;
	[tilespmem:$0x1F3F0] =	vst v4;
	v4 =	vor.u32 $0x1, v47  }
0x385: {  	v34 =	vld [tilespmem:$0x1A6F0];
	v10 =	vmul.f32 v26, v26;
	v33 =	vadd.f32 v62, v61;
	v62 =	vor.u32 $0x4, v47  }
0x386: {  	v18 =	vor.u32 $0x38, v2;
	v3 =	vadd.f32 v3, v39;
	v39 =	vld [tilespmem:$0x1A3A0];
	v36 =	vmul.f32 v31, v31  }
0x387: {  	v10 =	vadd.f32 v10, v19;
	v19 =	vld [tilespmem:$0x1A6B0]  }
0x388: {  	v15 =	vadd.f32 v36, v5;
	v5 =	vadd.f32 v46, v43;
	v46 =	vld [tilespmem:$0x1F050]  }
0x389: {  	v44 =	vld.idx.msk [tilespmem:v4+s15+$0x0], $0xffff  }
0x38a: {  	v9 =	vadd.f32 v9, v20;
	v20 =	vadd.f32 v38, v8;
	v8 =	vor.u32 $0x2, v47;
	v4 =	vld.idx.msk [tilespmem:v62+s15+$0x0], $0xffff  }
0x38b: {  	v1 =	vld.idx.msk [tilespmem:v18+s15+$0x0], $0xffff;
	v38 =	vor.u32 $0x5, v47  }
0x38c: {  	v37 =	vld [tilespmem:$0x1F0A0]  }
0x38d: {  	v26 =	vadd.f32 v58, v46;
	v58 =	vld [tilespmem:$0x1F070];
	v46 =	vor.u32 $0x6, v47  }
0x38e: {  	v5 =	vmul.f32 v5, v5;
	v19 =	vadd.f32 v19, v48;
	v48 =	vld [tilespmem:$0x1A3D0]  }
0x38f: {  	v49 =	vld.idx.msk [tilespmem:v8+s15+$0x0], $0xffff;
	[tilespmem:$0x1F230] =	vst v4;
	v4 =	vor.u32 $0x3A, v2  }
0x390: {  	v7 =	vmul.f32 v7, v7;
	v10 =	vadd.f32 v5, v10;
	v5 =	vld.idx.msk [tilespmem:v38+s15+$0x0], $0xffff  }
0x391: {  	v31 =	vor.u32 $0x3, v47;
	v38 =	vld [tilespmem:$0x1F0B0];
	v26 =	vmul.f32 v26, v26;
	v61 =	vmul.f32 v27, v27  }
0x392: {  	v36 =	vadd.f32 v60, v25;
	v60 =	vor.u32 $0x39, v2;
	v11 =	vadd.f32 v7, v11;
	v7 =	vld.idx.msk [tilespmem:v46+s15+$0x0], $0xffff  }
0x393: {  	v6 =	vadd.f32 v26, v6;
	v26 =	vadd.f32 v61, v13;
	v61 =	vld [tilespmem:$0x1F100]  }
0x394: {  	v35 =	vld.idx.msk [tilespmem:v4+s15+$0x0], $0xffff  }
0x395: {  	v32 =	vadd.f32 v59, v58;
	[tilespmem:$0x1F830] =	vst v4;
	v4 =	vld [tilespmem:$0x1F110]  }
0x396: {  	v59 =	vld.idx.msk [tilespmem:v31+s15+$0x0], $0xffff  }
0x397: {  	v31 =	vld.idx.msk [tilespmem:v60+s15+$0x0], $0xffff;
	v62 =	vmul.f32 v32, v32  }
0x398: {  	v28 =	vmul.f32 v0, v0;
	v46 =	vld [tilespmem:$0x1F0D0];
	[tilespmem:$0x1F240] =	vst v5;
	v5 =	vor.u32 $0x3B, v2  }
0x399: {  	v0 =	vor.u32 $0x3F, v2;
	v8 =	vor.u32 $0x3D, v2;
	v15 =	vadd.f32 v62, v15;
	v62 =	vld [tilespmem:$0x1F130]  }
0x39a: {  	v13 =	vor.u32 $0x3E, v2;
	[tilespmem:$0x1F250] =	vst v7;
	v7 =	vor.u32 $0x3C, v2;
	v2 =	vadd.f32 v4, v61;
	v4 =	vld [tilespmem:$0x1F120]  }
0x39b: {  	[tilespmem:$0x1F820] =	vst v60;
	v60 =	vld [tilespmem:$0x1F0F0]  }
0x39c: {  	v58 =	vor.u32 $0x7, v47;
	[tilespmem:$0x1F200] =	vst v44;
	v44 =	vld [tilespmem:$0x1F0C0]  }
0x39d: {  	[tilespmem:$0x1F810] =	vst v18;
	v43 =	vadd.f32 v38, v37;
	v18 =	vmul.f32 v33, v33;
	v37 =	vld.idx.msk [tilespmem:v5+s15+$0x0], $0xffff  }
0x39e: {  	[tilespmem:$0x1F840] =	vst v5;
	v5 =	vld [tilespmem:$0x1F150]  }
0x39f: {  	v17 =	vadd.f32 v18, v17;
	v18 =	vadd.f32 v62, v4;
	v4 =	vld [tilespmem:$0x1F140]  }
0x3a0: {  	v38 =	vld [tilespmem:$0x1A720]  }
0x3a1: {  	v9 =	vadd.f32 v28, v9;
	v27 =	vmul.f32 v43, v43;
	v40 =	vld.idx.msk [tilespmem:v58+s15+$0x0], $0xffff  }
0x3a2: {  	[tilespmem:$0x1F220] =	vst v59;
	v59 =	vld [tilespmem:$0x1F0E0]  }
0x3a3: {  	v9 =	vadd.f32 v27, v9;
	v27 =	vld [tilespmem:$0x1A710]  }
0x3a4: {  	v58 =	vadd.f32 v5, v4;
	v4 =	vld [tilespmem:$0x1F160]  }
0x3a5: {  	v5 =	vld [tilespmem:$0x1F170]  }
0x3a6: {  	v36 =	vmul.f32 v36, v36;
	[tilespmem:$0x1F210] =	vst v49;
	v49 =	vadd.f32 v46, v44;
	v44 =	vld.idx.msk [tilespmem:v0+s15+$0x0], $0xffff  }
0x3a7: {  	[tilespmem:$0x1F8E0] =	vst v0;
	v0 =	vld [tilespmem:$0x1A3E0]  }
0x3a8: {  	v20 =	vadd.f32 v36, v20;
	v36 =	vld.idx.msk [tilespmem:v13+s15+$0x0], $0xffff  }
0x3a9: {  	v32 =	vmul.f32 v49, v49;
	v49 =	vld [tilespmem:$0x1F1C0]  }
0x3aa: {  	v33 =	vadd.f32 v60, v59;
	v59 =	vadd.f32 v5, v4;
	v4 =	vld [tilespmem:$0x1F180]  }
0x3ab: {  	v5 =	vld [tilespmem:$0x1F190]  }
0x3ac: {  	[tilespmem:$0x1F870] =	vst v13;
	v13 =	vld [tilespmem:$0x1F1F0]  }
0x3ad: {  	v46 =	vld.idx.msk [tilespmem:v7+s15+$0x0], $0xffff  }
0x3ae: {  	v10 =	vadd.f32 v32, v10;
	v32 =	vld [tilespmem:$0x1A700];
	v62 =	vmul.f32 v18, v18  }
0x3af: {  	v43 =	vadd.f32 v50, v49;
	v49 =	vld [tilespmem:$0x1A730];
	v18 =	vmul.f32 v58, v58;
	v58 =	vmul.f32 v59, v59  }
0x3b0: {  	v26 =	vadd.f32 v62, v26;
	v62 =	vld [tilespmem:$0x1F1B0];
	v60 =	vadd.f32 v5, v4  }
0x3b1: {  	v61 =	vmul.f32 v33, v33;
	v17 =	vadd.f32 v58, v17;
	v58 =	vld [tilespmem:$0x1F1D0]  }
0x3b2: {  	v2 =	vmul.f32 v2, v2;
	v5 =	vor.u32 $0x8, v47;
	v59 =	vmul.f32 v60, v60;
	v60 =	vld [tilespmem:$0x1F1A0]  }
0x3b3: {  	v50 =	vld [tilespmem:$0x1A740];
	v11 =	vadd.f32 v61, v11  }
0x3b4: {  	v33 =	vld.idx.msk [tilespmem:v8+s15+$0x0], $0xffff;
	v6 =	vadd.f32 v2, v6;
	v15 =	vadd.f32 v18, v15  }
0x3b5: {  	[tilespmem:$0x1F860] =	vst v8;
	v8 =	vadd.f32 v22, v62;
	v18 =	vadd.f32 v63, v13;
	v4 =	vld [tilespmem:$0x1A380]  }
0x3b6: {  	v20 =	vadd.f32 v59, v20;
	v59 =	vadd.f32 v51, v58;
	v51 =	vld [tilespmem:$0x1A750]  }
0x3b7: {  	v63 =	vadd.f32 v34, v54;
	v54 =	vld.idx.msk [tilespmem:v5+s15+$0x0], $0xffff;
	v61 =	vadd.f32 v41, v60  }
0x3b8: {  	v25 =	vmul.f32 v59, v59;
	v59 =	vadd.f32 v14, v42;
	v42 =	vld [tilespmem:$0x1A3B0];
	v41 =	vmul.f32 v8, v8  }
0x3b9: {  	v60 =	vadd.f32 v55, v24;
	v55 =	vmul.f32 v43, v43;
	v2 =	vmul.f32 v61, v61;
	v61 =	vld [tilespmem:$0x1F1E0]  }
0x3ba: {  	v58 =	vmul.f32 v18, v18;
	v10 =	vadd.f32 v41, v10;
	v41 =	vld [tilespmem:$0x1A770]  }
0x3bb: {  	[tilespmem:$0x1F4B0] =	vst v5;
	v5 =	vor.u32 $0xF, v47;
	v43 =	vadd.f32 v55, v11;
	v55 =	vld [tilespmem:$0x1A390]  }
0x3bc: {  	v24 =	vadd.f32 v58, v17;
	v22 =	vmul.f32 v60, v60;
	v60 =	vadd.f32 v16, v45;
	v45 =	vld [tilespmem:$0x1A3C0]  }
0x3bd: {  	v17 =	vadd.f32 v29, v36;
	v8 =	vor.u32 $0x11, v47;
	v16 =	vadd.f32 v51, v33;
	v33 =	vld [tilespmem:$0x1A400]  }
0x3be: {  	[tilespmem:$0x1F850] =	vst v7;
	v7 =	vor.u32 $0x9, v47;
	v51 =	vld [tilespmem:$0x1A440]  }
0x3bf: {  	v13 =	vor.u32 $0xB, v47;
	v14 =	vadd.f32 v49, v37;
	v37 =	vmul.f32 v17, v17;
	v17 =	vld [tilespmem:$0x1F220]  }
0x3c0: {  	v12 =	vmul.f32 v12, v12;
	v49 =	vld.idx.msk [tilespmem:v5+s15+$0x0], $0xffff  }
0x3c1: {  	v9 =	vadd.f32 v2, v9;
	v2 =	vld.idx.msk [tilespmem:v47+s15+$0x0], $0xffff;
	v18 =	vmul.f32 v60, v60  }
0x3c2: {  	v28 =	vadd.f32 v12, v20;
	v12 =	vadd.f32 v27, v31;
	v31 =	vld.idx.msk [tilespmem:v8+s15+$0x0], $0xffff  }
0x3c3: {  	v19 =	vmul.f32 v19, v19;
	v60 =	vor.u32 $0xE, v47;
	v34 =	vadd.f32 v18, v43;
	v43 =	vld.idx.msk [tilespmem:v7+s15+$0x0], $0xffff  }
0x3c4: {  	[tilespmem:$0x1F4C0] =	vst v7;
	v6 =	vadd.f32 v25, v6;
	v7 =	vld.idx.msk [tilespmem:v13+s15+$0x0], $0xffff;
	v62 =	vadd.f32 v56, v61  }
0x3c5: {  	v25 =	vor.u32 $0xC, v47;
	v61 =	vadd.f32 v21, v52;
	v21 =	vadd.f32 v23, v53;
	v53 =	vld [tilespmem:$0x1A3F0]  }
0x3c6: {  	v27 =	vmul.f32 v14, v14;
	v6 =	vadd.f32 v19, v6;
	v18 =	vadd.f32 v41, v44;
	v41 =	vld [tilespmem:$0x1A420]  }
0x3c7: {  	v1 =	vadd.f32 v32, v1;
	v32 =	vor.u32 $0x16, v47;
	v44 =	vld [tilespmem:$0x1A430]  }
0x3c8: {  	[tilespmem:$0x1F510] =	vst v60;
	v6 =	vadd.f32 v27, v6;
	v27 =	vor.u32 $0x12, v47;
	v56 =	vmul.f32 v62, v62;
	v60 =	vld.idx.msk [tilespmem:v60+s15+$0x0], $0xffff  }
0x3c9: {  	[tilespmem:$0x1F4E0] =	vst v13;
	v22 =	vadd.f32 v22, v26;
	v13 =	vadd.f32 v38, v35;
	v38 =	vmul.f32 v18, v18;
	v18 =	vld [tilespmem:$0x1A4F0]  }
0x3ca: {  	v52 =	vor.u32 $0xD, v47;
	v61 =	vmul.f32 v61, v61;
	v26 =	vadd.f32 v56, v15;
	v56 =	vld.idx.msk [tilespmem:v25+s15+$0x0], $0xffff  }
0x3cb: {  	v15 =	vadd.f32 v50, v46;
	v46 =	vld [tilespmem:$0x1A410]  }
0x3cc: {  	v22 =	vadd.f32 v61, v22;
	v61 =	vld [tilespmem:$0x1A450]  }
0x3cd: {  	[tilespmem:$0x1F4F0] =	vst v25;
	v62 =	vor.u32 $0xA, v47;
	v25 =	vld.idx.msk [tilespmem:v27+s15+$0x0], $0xffff  }
0x3ce: {  	[tilespmem:$0x1F5D0] =	vst v27;
	v27 =	vld.idx.msk [tilespmem:v32+s15+$0x0], $0xffff  }
0x3cf: {  	v11 =	vmul.f32 v59, v59;
	v21 =	vmul.f32 v21, v21;
	v59 =	vld.idx.msk [tilespmem:v52+s15+$0x0], $0xffff  }
0x3d0: {  	v63 =	vmul.f32 v63, v63;
	[tilespmem:$0x1F520] =	vst v5;
	v5 =	vor.u32 $0x10, v47;
	v20 =	vmul.f32 v15, v15;
	v15 =	vld [tilespmem:$0x1A490]  }
0x3d1: {  	v23 =	vadd.f32 v30, v57;
	v21 =	vadd.f32 v21, v26;
	v26 =	vmul.f32 v13, v13;
	v13 =	vld [tilespmem:$0x1F200]  }
0x3d2: {  	v50 =	vor.u32 $0x13, v47;
	v57 =	vld.idx.msk [tilespmem:v62+s15+$0x0], $0xffff  }
0x3d3: {  	v3 =	vmul.f32 v3, v3;
	[tilespmem:$0x1F4D0] =	vst v62;
	v62 =	vmul.f32 v23, v23;
	v23 =	vadd.f32 v63, v28;
	v63 =	vld [tilespmem:$0x1A470]  }
0x3d4: {  	[tilespmem:$0x1F500] =	vst v52;
	v52 =	vadd.f32 v20, v22;
	v20 =	vld [tilespmem:$0x1A4E0]  }
0x3d5: {  	v1 =	vmul.f32 v1, v1;
	v3 =	vadd.f32 v3, v9;
	v19 =	vadd.f32 v62, v24;
	v62 =	vld [tilespmem:$0x1A460]  }
0x3d6: {  	v58 =	vor.u32 $0x14, v47;
	v9 =	vadd.f32 v11, v10;
	v23 =	vadd.f32 v38, v23;
	v38 =	vld.idx.msk [tilespmem:v5+s15+$0x0], $0xffff  }
0x3d7: {  	v33 =	vadd.f32 v33, v54;
	v22 =	vor.u32 $0x15, v47;
	v24 =	vmul.f32 v12, v12;
	v28 =	vld.idx.msk [tilespmem:v50+s15+$0x0], $0xffff  }
0x3d8: {  	v1 =	vadd.f32 v1, v3;
	v54 =	vadd.f32 v61, v59;
	v59 =	vld [tilespmem:$0x1A500]  }
0x3d9: {  	v61 =	vld [tilespmem:$0x1A510];
	v3 =	vadd.f32 v24, v9;
	v9 =	vadd.f32 v26, v34;
	v26 =	vmul.f32 v16, v16  }
0x3da: {  	v16 =	vld [tilespmem:$0x1F210]  }
0x3db: {  	v30 =	vadd.f32 v26, v21;
	v26 =	vld.idx.msk [tilespmem:v58+s15+$0x0], $0xffff  }
0x3dc: {  	[tilespmem:$0x1F5F0] =	vst v58;
	v19 =	vadd.f32 v37, v19;
	v29 =	vld.idx.msk [tilespmem:v22+s15+$0x0], $0xffff  }
0x3dd: {  	[tilespmem:$0x1F5B0] =	vst v5;
	v5 =	vor.u32 $0x17, v47;
	v58 =	vld [tilespmem:$0x1A480]  }
0x3de: {  	v35 =	vadd.f32 v23, v19;
	v23 =	vld [tilespmem:$0x1A4B0]  }
0x3df: {  	v37 =	vor.u32 $0x1A, v47;
	v21 =	vld [tilespmem:$0x1A4C0]  }
0x3e0: {  	v11 =	vor.u32 $0x1C, v47;
	v14 =	vadd.f32 v4, v2;
	[tilespmem:$0x1F600] =	vst v22;
	v1 =	vadd.f32 v3, v1;
	v22 =	vld [tilespmem:$0x1A4D0]  }
0x3e1: {  	v4 =	vor.u32 $0x1E, v47;
	v3 =	vadd.f32 v6, v9;
	v20 =	vadd.f32 v20, v27;
	v27 =	vld [tilespmem:$0x1A590]  }
0x3e2: {  	v6 =	vadd.f32 v30, v52;
	v30 =	vld.idx.msk [tilespmem:v5+s15+$0x0], $0xffff  }
0x3e3: {  	[tilespmem:$0x1F6F0] =	vst v11;
	v19 =	vor.u32 $0x1F, v47;
	v1 =	vadd.f32 v3, v1;
	v52 =	vld [tilespmem:$0x1A4A0]  }
0x3e4: {  	[tilespmem:$0x1F710] =	vst v4;
	v12 =	vadd.f32 v39, v16;
	v39 =	vld.idx.msk [tilespmem:v37+s15+$0x0], $0xffff;
	v3 =	vadd.f32 v35, v6;
	v6 =	vor.u32 $0x19, v47  }
0x3e5: {  	v33 =	vmul.f32 v33, v33;
	[tilespmem:$0x1F410] =	vst v14;
	v13 =	vadd.f32 v55, v13;
	v35 =	vld.idx.msk [tilespmem:v11+s15+$0x0], $0xffff  }
0x3e6: {  	v2 =	vor.u32 $0x20, v47;
	[tilespmem:$0x1F5E0] =	vst v50;
	v11 =	vadd.f32 v44, v7;
	v44 =	vld.idx.msk [tilespmem:v4+s15+$0x0], $0xffff;
	v50 =	vadd.f32 v3, v1  }
0x3e7: {  	v14 =	vmul.f32 v14, v14;
	v16 =	vmul.f32 v13, v13;
	v4 =	vadd.f32 v62, v60;
	v62 =	vmovc v13;
	v13 =	vld [tilespmem:$0x1A540]  }
0x3e8: {  	[tilespmem:$0x1F620] =	vst v5;
	v41 =	vadd.f32 v41, v57;
	v57 =	vld.idx.msk [tilespmem:v19+s15+$0x0], $0xffff;
	v1 =	vshra.s32 v50, $0x1;
	v5 =	vmul.f32 $5.000000000e-01, v50  }
0x3e9: {  	v33 =	vadd.f32 v33, v14;
	v3 =	vor.u32 $0x18, v47;
	v1 =	vsub.s32 $0x5F3759DF, v1;
	v55 =	vld.idx.msk [tilespmem:v6+s15+$0x0], $0xffff  }
0x3ea: {  	v14 =	vor.u32 $0x21, v47;
	v51 =	vadd.f32 v51, v56;
	[tilespmem:$0x1F6C0] =	vst v6;
	v6 =	vld [tilespmem:$0x1F230];
	v36 =	vmul.f32 v1, v5  }
0x3eb: {  	v9 =	vor.u32 $0x1B, v47;
	[tilespmem:$0x1F720] =	vst v19;
	v60 =	vadd.f32 v63, v49;
	v19 =	vmul.f32 v12, v12;
	v63 =	vmovc v12;
	v12 =	vld [tilespmem:$0x1A550]  }
0x3ec: {  	v41 =	vmul.f32 v41, v41;
	v21 =	vadd.f32 v21, v26;
	v26 =	vld [tilespmem:$0x1A580];
	v10 =	vmul.f32 v1, v36  }
0x3ed: {  	v20 =	vmul.f32 v20, v20;
	v38 =	vadd.f32 v58, v38;
	v22 =	vadd.f32 v22, v29;
	v29 =	vld [tilespmem:$0x1A5A0]  }
0x3ee: {  	v49 =	vor.u32 $0x26, v47;
	v58 =	vlaneseq.u32;
	[tilespmem:$0x1F6B0] =	vst v3;
	v3 =	vld.idx.msk [tilespmem:v3+s15+$0x0], $0xffff;
	v10 =	vsub.f32 $1.500000000e+00, v10  }
0x3ef: {  	v23 =	vadd.f32 v23, v28;
	v38 =	vmul.f32 v38, v38;
	v45 =	vadd.f32 v45, v6;
	v6 =	vld [tilespmem:$0x1F240]  }
0x3f0: {  	v4 =	vmul.f32 v4, v4;
	v18 =	vadd.f32 v18, v30;
	v30 =	vld [tilespmem:$0x1A5B0];
	v1 =	vmul.f32 v1, v10  }
0x3f1: {  	[tilespmem:$0x1F6E0] =	vst v9;
	v60 =	vmul.f32 v60, v60;
	v23 =	vmul.f32 v23, v23;
	v28 =	vadd.f32 v38, v33;
	v38 =	vld [tilespmem:$0x1A5C0]  }
0x3f2: {  	v36 =	vld.idx.msk [tilespmem:v9+s15+$0x0], $0xffff;
	v9 =	vadd.f32 v46, v43;
	v43 =	vmul.f32 v51, v51;
	v24 =	vmul.f32 v1, v5  }
0x3f3: {  	[tilespmem:$0x1F270] =	vst v3;
	v3 =	vor.u32 $0x1D, v47;
	v10 =	vadd.f32 v42, v17;
	v17 =	vld [tilespmem:$0x1A520];
	v34 =	vmul.f32 v45, v45  }
0x3f4: {  	[tilespmem:$0x1F610] =	vst v32;
	v33 =	vmul.f32 v21, v21;
	v32 =	vadd.f32 v48, v6;
	v6 =	vld [tilespmem:$0x1F250];
	v42 =	vmul.f32 v24, v1  }
0x3f5: {  	[tilespmem:$0x1F6D0] =	vst v37;
	v21 =	vor.u32 $0x2B, v47;
	v13 =	vadd.f32 v13, v35;
	v51 =	vld [tilespmem:$0x1A530];
	v43 =	vadd.f32 v43, v34  }
0x3f6: {  	v22 =	vmul.f32 v22, v22;
	[tilespmem:$0x1F440] =	vst v10;
	v37 =	vmul.f32 v10, v10;
	v10 =	vld [tilespmem:$0x1A570];
	v42 =	vsub.f32 $1.500000000e+00, v42  }
0x3f7: {  	v13 =	vmul.f32 v13, v13;
	[tilespmem:$0x1F700] =	vst v3;
	v34 =	vld.idx.msk [tilespmem:v14+s15+$0x0], $0xffff;
	v24 =	vor.u32 $0x22, v47;
	v43 =	vadd.f32 v33, v43  }
0x3f8: {  	v46 =	vld.idx.msk [tilespmem:v3+s15+$0x0], $0xffff;
	v17 =	vadd.f32 v17, v39;
	v56 =	vmul.f32 v42, v1;
	v42 =	vmul.f32 v11, v11  }
0x3f9: {  	v3 =	vmul.f32 v54, v54;
	v54 =	vld.idx.msk [tilespmem:v2+s15+$0x0], $0xffff;
	v48 =	vadd.f32 v0, v6;
	v6 =	vadd.f32 v53, v40  }
0x3fa: {  	v39 =	vld.idx.msk [tilespmem:v21+s15+$0x0], $0xffff;
	v40 =	vmul.f32 v9, v9;
	v7 =	vadd.f32 v42, v37;
	v37 =	vmul.f32 v32, v32  }
0x3fb: {  	[tilespmem:$0x1F7B0] =	vst v14;
	v13 =	vadd.f32 v13, v43;
	v9 =	vadd.f32 v41, v19;
	v11 =	vld [tilespmem:$0x1A560];
	v19 =	vor.u32 $0x23, v47  }
0x3fc: {  	v0 =	vadd.f32 v52, v25;
	v14 =	vmul.f32 v6, v6;
	v41 =	vmovc v6;
	v6 =	vadd.f32 v3, v37;
	v37 =	vld [tilespmem:$0x1F260]  }
0x3fd: {  	[tilespmem:$0x1F5C0] =	vst v8;
	v43 =	vld [tilespmem:$0x1A610];
	v8 =	vadd.f32 v40, v16;
	v16 =	vor.u32 $0x24, v47;
	v1 =	vmul.f32 v48, v48  }
0x3fe: {  	v53 =	vor.u32 $0x25, v47;
	v12 =	vadd.f32 v12, v46;
	v40 =	vmovc v32;
	v32 =	vld.idx.msk [tilespmem:v24+s15+$0x0], $0xffff;
	v3 =	vmul.f32 v56, v5  }
0x3ff: {  	v42 =	vor.u32 $0x27, v47;
	v4 =	vadd.f32 v4, v1;
	v60 =	vadd.f32 v60, v14;
	v14 =	vld.idx.msk [tilespmem:v49+s15+$0x0], $0xffff  }
0x400: {  	[tilespmem:$0x1F7A0] =	vst v2;
	v23 =	vadd.f32 v23, v7;
	v7 =	vld [tilespmem:$0x1A5D0];
	v12 =	vmul.f32 v12, v12;
	v1 =	vmul.f32 v3, v56  }
0x401: {  	[tilespmem:$0x1F7C0] =	vst v24;
	v24 =	vld.idx.msk [tilespmem:v19+s15+$0x0], $0xffff;
	v11 =	vadd.f32 v11, v44;
	v22 =	vadd.f32 v22, v6;
	v5 =	vmulhi.u32 $0x4EC4EC4F, v37  }
0x402: {  	[tilespmem:$0x1F7D0] =	vst v19;
	v6 =	vor.u32 $0x2D, v47;
	v4 =	vadd.f32 v20, v4;
	v19 =	vld.idx.msk [tilespmem:v16+s15+$0x0], $0xffff;
	v1 =	vsub.f32 $1.500000000e+00, v1  }
0x403: {  	[tilespmem:$0x1F7E0] =	vst v16;
	v16 =	vld.idx.msk [tilespmem:v53+s15+$0x0], $0xffff;
	v2 =	vshrl.u32 v5, $0x3;
	v5 =	vadd.f32 v15, v31;
	v15 =	vmov s28  }
0x404: {  	v52 =	vld.idx.msk [tilespmem:v42+s15+$0x0], $0xffff;
	vm0 =	veq.s32 v15, v58;
	v15 =	vmul.f32 v0, v0;
	v0 =	vmul.f32 v18, v18  }
0x405: {  	v11 =	vmul.f32 v11, v11;
	v12 =	vadd.f32 v12, v22;
	v22 =	vld [tilespmem:$0x1A630];
	v25 =	vmul.f32 v1, v56  }
0x406: {  	v56 =	vor.u32 $0x29, v47;
	v31 =	vmul.u32 $0xFFFFFFE6, v2;
	v1 =	vadd.f32 v0, v60;
	v0 =	vld [tilespmem:$0x1F270]  }
0x407: {  	v4 =	vadd.f32 v11, v4;
	v11 =	vld [tilespmem:$0x1A620];
	v58 =	vor.u32 $0x28, v47;
	v5 =	vmul.f32 v5, v5  }
0x408: {  	v36 =	vadd.f32 v51, v36;
	v51 =	vld.idx.msk [tilespmem:v6+s15+$0x0], $0xffff;
	v18 =	vor.u32 $0x2C, v47;
	v37 =	vadd.s32 v37, v31  }
0x409: {  	v15 =	vadd.f32 v15, v9;
	v9 =	vld [tilespmem:$0x1A5F0];
	v31 =	vadd.f32 v5, v8;
	v8 =	vor.u32 $0x2A, v47  }
0x40a: {  	v20 =	vor.u32 $0x2E, v47;
	v5 =	vld [tilespmem:$0x1A5E0]  }
0x40b: {  	v60 =	vld.idx.msk [tilespmem:v56+s15+$0x0], $0xffff;
	v59 =	vadd.f32 v59, v0;
	v0 =	vor.u32 $0x2F, v47  }
0x40c: {  	v61 =	vadd.f32 v61, v55;
	v10 =	vadd.f32 v10, v57;
	v33 =	vld.idx.msk [tilespmem:v58+s15+$0x0], $0xffff  }
0x40d: {  	v17 =	vmul.f32 v17, v17;
	v57 =	vor.u32 $0x31, v47;
	v25 =	vmul.f32 v25, v50;
	v46 =	vld.idx.msk [tilespmem:v18+s15+$0x0], $0xffff  }
0x40e: {  	v10 =	vmul.f32 v10, v10;
	v50 =	vadd.f32 v26, v54;
	v3 =	vld.idx.msk [tilespmem:v8+s15+$0x0], $0xffff;
	v35 =	vmul.f32 v59, v59  }
0x40f: {  	v25 =	vmax.f32 v25, $9.999999960e-13;
	v59 =	vmul.f32 v61, v61;
	v61 =	vmul.f32 v36, v36;
	v36 =	vld.idx.msk [tilespmem:v20+s15+$0x0], $0xffff  }
0x410: {  	v15 =	vadd.f32 v17, v15;
	[tilespmem:$0x1F800] =	vst v0;
	v17 =	vld.idx.msk [tilespmem:v0+s15+$0x0], $0xffff;
	v0 =	vadd.f32 v10, v1;
	v1 =	vor.u32 $0x30, v47  }
0x411: {  	v54 =	vadd.f32 v29, v32;
	(erf) = vrcp.f32 v25;
	v28 =	vadd.f32 v35, v28;
	v35 =	vld [tilespmem:$0x1A600];
	[tilespmem:$0x1F880] =	vst v1  }
0x412: {  	v44 =	vor.u32 $0x33, v47;
	v23 =	vadd.f32 v61, v23;
	v61 =	vadd.f32 v27, v34;
	v27 =	vld [tilespmem:$0x1A640]  }
0x413: {  	v24 =	vadd.f32 v30, v24;
	v26 =	vmul.f32 v54, v54;
	v54 =	vor.u32 $0x35, v47;
	v29 =	vld [tilespmem:$0x1A650]  }
0x414: {  	v5 =	vadd.f32 v5, v14;
	v10 =	vmul.f32 v50, v50;
	v14 =	vld [tilespmem:$0x1A660]  }
0x415: {  	v7 =	vadd.f32 v7, v16;
	v24 =	vmul.f32 v24, v24;
	v16 =	vld [tilespmem:$0x1A670]  }
0x416: {  	v10 =	vadd.f32 v10, v28;
	v28 =	vld.idx.msk [tilespmem:v57+s15+$0x0], $0xffff  }
0x417: {  	v9 =	vadd.f32 v9, v52;
	v52 =	vor.u32 $0x34, v47;
	v23 =	vadd.f32 v24, v23;
	v24 =	vld.idx.msk [tilespmem:v44+s15+$0x0], $0xffff  }
0x418: {  	v31 =	vadd.f32 v59, v31;
	v59 =	vor.u32 $0x32, v47;
	v32 =	vld.idx.msk [tilespmem:v54+s15+$0x0], $0xffff  }
0x419: {  	v3 =	vadd.f32 v11, v3;
	v11 =	vld [tilespmem:$0x1A680]  }
0x41a: {  	v25 =	vmul.f32 v61, v61;
	v34 =	vld [tilespmem:$0x1A6E0]  }
0x41b: {  	v5 =	vmul.f32 v5, v5;
	[tilespmem:$0x1F8D0] =	vst v54;
	v54 =	vld [tilespmem:$0x1F2A0]  }
0x41c: {  	v15 =	vadd.f32 v26, v15;
	v25 =	vadd.f32 v25, v31;
	v31 =	vld.idx.msk [tilespmem:v52+s15+$0x0], $0xffff  }
0x41d: {  	v5 =	vadd.f32 v5, v4;
	v61 =	vor.u32 $0x36, v47;
	v26 =	vld.idx.msk [tilespmem:v59+s15+$0x0], $0xffff;
	v4 =	vadd.f32 v35, v33  }
0x41e: {  	[tilespmem:$0x1F890] =	vst v57;
	v57 =	vor.u32 $0x37, v47;
	v35 =	vadd.f32 v43, v60;
	v43 =	vadd.f32 v22, v39;
	v22 =	vld [tilespmem:$0x1A690]  }
0x41f: {  	v3 =	vmul.f32 v3, v3;
	v33 =	vld [tilespmem:$0x1A6B0]  }
0x420: {  	v7 =	vmul.f32 v7, v7;
	v30 =	vld.idx.msk [tilespmem:v1+s15+$0x0], $0xffff  }
0x421: {  	vm1 =	vne.s32 v37, $0x0;
	v9 =	vmul.f32 v9, v9;
	v3 =	vadd.f32 v3, v15;
	v15 =	vld [tilespmem:$0x1A6D0]  }
0x422: {  	v55 =	vimm.s32 $0x0;
	vm0 =	vmand vm0, vm1;
	v7 =	vadd.f32 v7, v12;
	v12 =	vld.idx.msk [tilespmem:v61+s15+$0x0], $0xffff  }
0x423: {  	v19 =	vadd.f32 v38, v19;
	[tilespmem:$0x1F8A0] =	vst v59;
	v0 =	vadd.f32 v9, v0;
	v59 =	vsel vm0, $0xFFFFFFFF, v55;
	v9 =	vld.idx.msk [tilespmem:v57+s15+$0x0], $0xffff  }
0x424: {  	[tilespmem:$0x1F8B0] =	vst v44;
	v55 =	vor.u32 $0x38, v47;
	v44 =	vadd.f32 v27, v46;
	v27 =	vadd.f32 v29, v51;
	v29 =	vld [tilespmem:$0x1A6A0]  }
0x425: {  	v19 =	vmul.f32 v19, v19;
	v60 =	vor.u32 $0x39, v47;
	v16 =	vadd.f32 v16, v17;
	v17 =	vld [tilespmem:$0x1A6C0]  }
0x426: {  	v39 =	vor.u32 $0x3A, v47;
	v4 =	vmul.f32 v4, v4;
	v14 =	vadd.f32 v14, v36;
	v36 =	vld [tilespmem:$0x1A6F0]  }
0x427: {  	v13 =	vadd.f32 v19, v13;
	v2 =	vadd.s32 v59, v2;
	v19 =	vmul.f32 v35, v35;
	v51 =	vld [tilespmem:$0x1F290]  }
0x428: {  	v2 =	vmul.u32 $0x680, v2;
	v10 =	vadd.f32 v4, v10;
	v4 =	vld [tilespmem:$0x1F280]  }
0x429: {  	v38 =	vshll.u32 v37, $0x6;
	[tilespmem:$0x1F8C0] =	vst v52;
	v52 =	vpop (erf);
	v1 =	vmul.f32 v43, v43;
	v19 =	vadd.f32 v19, v25;
	v25 =	vld.idx.msk [tilespmem:v55+s15+$0x0], $0xffff  }
0x42a: {  	v59 =	vor.u32 $0x3C, v47;
	v43 =	vmul.f32 v52, v54;
	v50 =	vadd.s32 v38, v2;
	v37 =	vld.idx.msk [tilespmem:v60+s15+$0x0], $0xffff  }
0x42b: {  	v1 =	vadd.f32 v1, v23;
	v2 =	vmul.f32 v44, v44;
	v35 =	vor.u32 $0x1, v50;
	v38 =	vld.idx.msk [tilespmem:v39+s15+$0x0], $0xffff  }
0x42c: {  	v44 =	vor.u32 $0x3E, v47;
	v27 =	vmul.f32 v27, v27;
	v11 =	vadd.f32 v11, v30;
	v30 =	vld [tilespmem:$0x1A710]  }
0x42d: {  	v16 =	vmul.f32 v16, v16;
	v15 =	vadd.f32 v15, v32;
	v32 =	vld [tilespmem:$0x1A760];
	v46 =	vmul.f32 v52, v4  }
0x42e: {  	v2 =	vadd.f32 v2, v13;
	v12 =	vadd.f32 v34, v12;
	v34 =	vld [tilespmem:$0x1F2C0];
	v13 =	vmul.f32 v52, v51  }
0x42f: {  	v14 =	vmul.f32 v14, v14;
	v7 =	vadd.f32 v27, v7;
	v27 =	vld [tilespmem:$0x1A740];
	[tilespmem:v50+s20+$0x0] =	vst.idx.msk $0xffff, v46  }
0x430: {  	v23 =	vor.u32 $0x2, v50;
	v24 =	vadd.f32 v33, v24;
	v0 =	vadd.f32 v16, v0;
	[tilespmem:v35+s20+$0x0] =	vst.idx.msk $0xffff, v13;
	v35 =	vld [tilespmem:$0x1F2B0]  }
0x431: {  	v16 =	vadd.f32 v22, v28;
	v22 =	vadd.f32 v29, v26;
	v29 =	vld [tilespmem:$0x1A700];
	v46 =	vor.u32 $0x3D, v47  }
0x432: {  	v11 =	vmul.f32 v11, v11;
	v4 =	vor.u32 $0x3B, v47;
	v26 =	vld.idx.msk [tilespmem:v44+s15+$0x0], $0xffff;
	v47 =	vor.u32 $0x3F, v47  }
0x433: {  	v5 =	vadd.f32 v14, v5;
	v51 =	vor.u32 $0x3, v50;
	v17 =	vadd.f32 v17, v31;
	v13 =	vld.idx.msk [tilespmem:v59+s15+$0x0], $0xffff  }
0x434: {  	v9 =	vadd.f32 v36, v9;
	v10 =	vadd.f32 v11, v10;
	v11 =	vmul.f32 v52, v34;
	v34 =	vld [tilespmem:$0x1A770]  }
0x435: {  	v36 =	vmul.f32 v24, v24;
	[tilespmem:v23+s20+$0x0] =	vst.idx.msk $0xffff, v43;
	v23 =	vmul.f32 v52, v35;
	v35 =	vld [tilespmem:$0x1F2D0]  }
0x436: {  	v15 =	vmul.f32 v15, v15;
	v16 =	vmul.f32 v16, v16;
	v43 =	vor.u32 $0x4, v50;
	v14 =	vld.idx.msk [tilespmem:v46+s15+$0x0], $0xffff  }
0x437: {  	v33 =	vor.u32 $0x5, v50;
	v12 =	vmul.f32 v12, v12;
	v22 =	vmul.f32 v22, v22;
	v28 =	vld.idx.msk [tilespmem:v47+s15+$0x0], $0xffff  }
0x438: {  	v17 =	vmul.f32 v17, v17;
	v1 =	vadd.f32 v36, v1;
	[tilespmem:v51+s20+$0x0] =	vst.idx.msk $0xffff, v23;
	v51 =	vld [tilespmem:$0x1A750]  }
0x439: {  	v31 =	vld [tilespmem:$0x1A720];
	v9 =	vmul.f32 v9, v9;
	v7 =	vadd.f32 v15, v7;
	v16 =	vadd.f32 v16, v19  }
0x43a: {  	v36 =	vld [tilespmem:$0x1F2F0];
	v5 =	vadd.f32 v12, v5;
	v37 =	vadd.f32 v30, v37;
	v19 =	vmul.f32 v52, v35  }
0x43b: {  	v3 =	vadd.f32 v22, v3;
	v22 =	vld [tilespmem:$0x1A730];
	v2 =	vadd.f32 v17, v2;
	[tilespmem:v43+s20+$0x0] =	vst.idx.msk $0xffff, v11  }
0x43c: {  	v13 =	vadd.f32 v27, v13;
	v11 =	vadd.f32 v32, v26;
	[tilespmem:v33+s20+$0x0] =	vst.idx.msk $0xffff, v19;
	v33 =	vld [tilespmem:$0x1F2E0]  }
0x43d: {  	v24 =	vor.u32 $0x6, v50;
	v54 =	vld.idx.msk [tilespmem:v4+s15+$0x0], $0xffff;
	v15 =	vadd.f32 v34, v28;
	v14 =	vadd.f32 v51, v14  }
0x43e: {  	v0 =	vadd.f32 v9, v0;
	v13 =	vmul.f32 v13, v13;
	v11 =	vmul.f32 v11, v11;
	v19 =	vld [tilespmem:$0x1F300]  }
0x43f: {  	v23 =	vld [tilespmem:$0x1F320];
	v43 =	vor.u32 $0x7, v50;
	v15 =	vmul.f32 v15, v15;
	v14 =	vmul.f32 v14, v14  }
0x440: {  	v2 =	vadd.f32 v13, v2;
	v5 =	vadd.f32 v11, v5  }
0x441: {  	v30 =	vld [tilespmem:$0x1F370];
	v0 =	vadd.f32 v15, v0;
	v7 =	vadd.f32 v14, v7;
	v12 =	vmul.f32 v52, v33  }
0x442: {  	v38 =	vadd.f32 v31, v38;
	v17 =	vmul.f32 v52, v36;
	v27 =	vld [tilespmem:$0x1F360];
	v35 =	vadd.f32 v29, v25  }
0x443: {  	v0 =	vadd.f32 v0, v5;
	v5 =	vld [tilespmem:$0x1F340];
	v2 =	vadd.f32 v7, v2;
	[tilespmem:v24+s20+$0x0] =	vst.idx.msk $0xffff, v12  }
0x444: {  	v7 =	vld [tilespmem:$0x1F350];
	v12 =	vmul.f32 v37, v37;
	[tilespmem:v43+s20+$0x0] =	vst.idx.msk $0xffff, v17;
	v43 =	vadd.f32 v22, v54  }
0x445: {  	v9 =	vmul.f32 v35, v35;
	v22 =	vld [tilespmem:$0x1F310]  }
0x446: {  	v51 =	vmul.f32 v38, v38;
	v54 =	vadd.f32 v12, v16;
	v12 =	vld.idx.msk [tilespmem:v19+s15+$0x0], $0xffff;
	v17 =	vmul.f32 v43, v43  }
0x447: {  	v9 =	vadd.f32 v9, v10;
	v11 =	vld.idx.msk [tilespmem:v23+s15+$0x0], $0xffff  }
0x448: {  	v3 =	vadd.f32 v51, v3;
	v24 =	vld [tilespmem:$0x1A400];
	v1 =	vadd.f32 v17, v1  }
0x449: {  	v25 =	vld [tilespmem:$0x1A410]  }
0x44a: {  	v9 =	vadd.f32 v54, v9;
	v1 =	vadd.f32 v1, v3;
	v3 =	vld [tilespmem:$0x1F330]  }
0x44b: {  	v26 =	vld [tilespmem:$0x1A420]  }
0x44c: {  	v0 =	vadd.f32 v0, v2;
	v28 =	vld [tilespmem:$0x1A430];
	v1 =	vadd.f32 v1, v9  }
0x44d: {  	v32 =	vld [tilespmem:$0x1A440]  }
0x44e: {  	v43 =	vld [tilespmem:$0x1A470];
	v0 =	vadd.f32 v0, v1  }
0x44f: {  	v5 =	vld.idx.msk [tilespmem:v5+s15+$0x0], $0xffff  }
0x450: {  	v13 =	vld.idx.msk [tilespmem:v22+s15+$0x0], $0xffff;
	v29 =	vshra.s32 v0, $0x1;
	v16 =	vmul.f32 $5.000000000e-01, v0  }
0x451: {  	v17 =	vld.idx.msk [tilespmem:v30+s15+$0x0], $0xffff;
	v15 =	vsub.s32 $0x5F3759DF, v29  }
0x452: {  	v3 =	vld.idx.msk [tilespmem:v3+s15+$0x0], $0xffff;
	v34 =	vmul.f32 v15, v16  }
0x453: {  	v31 =	vor.u32 $0x8, v50;
	v36 =	vor.u32 $0xA, v50;
	v38 =	vor.u32 $0xB, v50;
	v10 =	vld.idx.msk [tilespmem:v27+s15+$0x0], $0xffff  }
0x454: {  	v33 =	vor.u32 $0x9, v50;
	v35 =	vld [tilespmem:$0x1A450];
	v2 =	vadd.f32 v24, v12;
	v23 =	vmul.f32 v15, v34  }
0x455: {  	v54 =	vor.u32 $0xC, v50;
	v7 =	vld.idx.msk [tilespmem:v7+s15+$0x0], $0xffff;
	v5 =	vadd.f32 v32, v5;
	v9 =	vadd.f32 v25, v13  }
0x456: {  	v37 =	vld [tilespmem:$0x1A460];
	v2 =	vmul.f32 v52, v2;
	v1 =	vadd.f32 v26, v11;
	v51 =	vsub.f32 $1.500000000e+00, v23  }
0x457: {  	v19 =	vld [tilespmem:$0x1F450];
	v27 =	vadd.f32 v43, v17;
	v9 =	vmul.f32 v52, v9;
	v3 =	vadd.f32 v28, v3  }
0x458: {  	v1 =	vmul.f32 v52, v1;
	v25 =	vld [tilespmem:$0x1F3F0];
	[tilespmem:v31+s20+$0x0] =	vst.idx.msk $0xffff, v2;
	v2 =	vmul.f32 v15, v51  }
0x459: {  	v22 =	vor.u32 $0xD, v50;
	v5 =	vmul.f32 v52, v5;
	v31 =	vld [tilespmem:$0x1F390];
	[tilespmem:v33+s20+$0x0] =	vst.idx.msk $0xffff, v9;
	v3 =	vmul.f32 v52, v3  }
0x45a: {  	v33 =	vld [tilespmem:$0x1F3C0];
	[tilespmem:v36+s20+$0x0] =	vst.idx.msk $0xffff, v1;
	v23 =	vadd.f32 v35, v7;
	v7 =	vor.u32 $0xE, v50;
	v28 =	vmul.f32 v2, v16  }
0x45b: {  	v26 =	vor.u32 $0xF, v50;
	v29 =	vmul.f32 v52, v27;
	v27 =	vld [tilespmem:$0x1F400];
	[tilespmem:v38+s20+$0x0] =	vst.idx.msk $0xffff, v3;
	v3 =	vadd.f32 v37, v10  }
0x45c: {  	v1 =	vmul.f32 v52, v23;
	v51 =	vld [tilespmem:$0x1F3E0];
	[tilespmem:v54+s20+$0x0] =	vst.idx.msk $0xffff, v5;
	v5 =	vmul.f32 v28, v2  }
0x45d: {  	v37 =	vld [tilespmem:$0x1F3D0];
	v3 =	vmul.f32 v52, v3  }
0x45e: {  	[tilespmem:v22+s20+$0x0] =	vst.idx.msk $0xffff, v1;
	v30 =	vsub.f32 $1.500000000e+00, v5;
	v5 =	vld [tilespmem:$0x1F3A0]  }
0x45f: {  	[tilespmem:v7+s20+$0x0] =	vst.idx.msk $0xffff, v3;
	v3 =	vld [tilespmem:$0x1F380]  }
0x460: {  	v7 =	vld [tilespmem:$0x1F3B0];
	[tilespmem:v26+s20+$0x0] =	vst.idx.msk $0xffff, v29  }
0x461: {  	v1 =	vmul.f32 v30, v2;
	v2 =	vld.idx.msk [tilespmem:v31+s15+$0x0], $0xffff  }
0x462: {  	v10 =	vld.idx.msk [tilespmem:v33+s15+$0x0], $0xffff  }
0x463: {  	v34 =	vld [tilespmem:$0x1A480]  }
0x464: {  	v35 =	vld [tilespmem:$0x1A490]  }
0x465: {  	v13 =	vld [tilespmem:$0x1A4A0]  }
0x466: {  	v36 =	vld [tilespmem:$0x1A4B0]  }
0x467: {  	v38 =	vld [tilespmem:$0x1A4C0];
	v32 =	vmul.f32 v1, v16  }
0x468: {  	v43 =	vld [tilespmem:$0x1A4D0]  }
0x469: {  	v11 =	vld.idx.msk [tilespmem:v51+s15+$0x0], $0xffff;
	v9 =	vmul.f32 v32, v1  }
0x46a: {  	v22 =	vld [tilespmem:$0x1A4E0]  }
0x46b: {  	v9 =	vsub.f32 $1.500000000e+00, v9;
	v3 =	vld.idx.msk [tilespmem:v3+s15+$0x0], $0xffff  }
0x46c: {  	v15 =	vld.idx.msk [tilespmem:v27+s15+$0x0], $0xffff  }
0x46d: {  	v26 =	vmulhi.u32 $0x4EC4EC4F, v25;
	v5 =	vld.idx.msk [tilespmem:v5+s15+$0x0], $0xffff;
	v1 =	vmul.f32 v9, v1  }
0x46e: {  	v24 =	vor.u32 $0x12, v50;
	v23 =	vor.u32 $0x11, v50;
	v7 =	vld.idx.msk [tilespmem:v7+s15+$0x0], $0xffff  }
0x46f: {  	v54 =	vor.u32 $0x10, v50;
	v31 =	vld [tilespmem:$0x1A4F0];
	v30 =	vshrl.u32 v26, $0x3;
	v0 =	vmul.f32 v1, v0  }
0x470: {  	v28 =	vor.u32 $0x13, v50;
	v51 =	vld [tilespmem:$0x1F410];
	v32 =	vmul.u32 $0xFFFFFFE6, v30;
	v3 =	vadd.f32 v34, v3  }
0x471: {  	v2 =	vadd.f32 v35, v2;
	v10 =	vadd.f32 v38, v10;
	v9 =	vld.idx.msk [tilespmem:v37+s15+$0x0], $0xffff;
	v0 =	vmax.f32 v0, $9.999999960e-13  }
0x472: {  	v27 =	vld [tilespmem:$0x1F490];
	v5 =	vadd.f32 v13, v5;
	(erf) = vrcp.f32 v0;
	v3 =	vmul.f32 v3, v52  }
0x473: {  	v29 =	vmul.f32 v2, v52;
	v2 =	vmul.u32 $0x680, v30;
	v30 =	vld [tilespmem:$0x1F4C0];
	v7 =	vadd.f32 v36, v7  }
0x474: {  	v36 =	vadd.f32 v31, v15;
	v31 =	vld [tilespmem:$0x1F4D0];
	[tilespmem:v54+s20+$0x0] =	vst.idx.msk $0xffff, v3;
	v3 =	vmul.f32 v5, v52;
	v5 =	vor.u32 $0x14, v50  }
0x475: {  	v34 =	vadd.s32 v25, v32;
	v32 =	vld [tilespmem:$0x1F4E0];
	v33 =	vmul.f32 v7, v52;
	v7 =	vor.u32 $0x15, v50;
	[tilespmem:v23+s20+$0x0] =	vst.idx.msk $0xffff, v29  }
0x476: {  	v9 =	vadd.f32 v43, v9;
	v0 =	vshll.u32 v34, $0x6;
	v34 =	vld [tilespmem:$0x1F500];
	[tilespmem:v24+s20+$0x0] =	vst.idx.msk $0xffff, v3;
	v3 =	vor.u32 $0x16, v50  }
0x477: {  	v11 =	vadd.f32 v22, v11;
	v35 =	vor.u32 $0x17, v50;
	v10 =	vmul.f32 v10, v52;
	v29 =	vld [tilespmem:$0x1F4B0]  }
0x478: {  	v37 =	vmul.f32 v9, v52;
	v24 =	vld [tilespmem:$0x1F470];
	[tilespmem:v28+s20+$0x0] =	vst.idx.msk $0xffff, v33  }
0x479: {  	v38 =	vmul.f32 v11, v52;
	v28 =	vld [tilespmem:$0x1F4A0];
	[tilespmem:v5+s20+$0x0] =	vst.idx.msk $0xffff, v10  }
0x47a: {  	v33 =	vld [tilespmem:$0x1F4F0];
	[tilespmem:v7+s20+$0x0] =	vst.idx.msk $0xffff, v37;
	v7 =	vmul.f32 v36, v52  }
0x47b: {  	v1 =	vadd.s32 v0, v2;
	v0 =	vpop (erf);
	v37 =	vld [tilespmem:$0x1F510];
	[tilespmem:v3+s20+$0x0] =	vst.idx.msk $0xffff, v38  }
0x47c: {  	[tilespmem:v35+s20+$0x0] =	vst.idx.msk $0xffff, v7;
	v7 =	vmul.f32 v0, v62;
	v62 =	vld [tilespmem:$0x1F420]  }
0x47d: {  	v9 =	vld.idx.msk [tilespmem:v19+s15+$0x0], $0xffff  }
0x47e: {  	v5 =	vor.u32 $0x1, v1;
	v11 =	vld.idx.msk [tilespmem:v27+s15+$0x0], $0xffff  }
0x47f: {  	v35 =	vld [tilespmem:$0x1A510]  }
0x480: {  	v2 =	vmul.f32 v0, v51;
	v36 =	vld [tilespmem:$0x1A520]  }
0x481: {  	v38 =	vld [tilespmem:$0x1A530]  }
0x482: {  	v26 =	vmul.f32 v0, v41;
	[tilespmem:v1+s20+$0x0] =	vst.idx.msk $0xffff, v2;
	v41 =	vld [tilespmem:$0x1A540]  }
0x483: {  	[tilespmem:v5+s20+$0x0] =	vst.idx.msk $0xffff, v7;
	v5 =	vld [tilespmem:$0x1F430]  }
0x484: {  	v7 =	vld [tilespmem:$0x1F440]  }
0x485: {  	v43 =	vor.u32 $0x2, v1;
	v22 =	vmul.f32 v0, v45;
	v45 =	vld [tilespmem:$0x1A550]  }
0x486: {  	v3 =	vor.u32 $0x3, v1;
	v51 =	vld [tilespmem:$0x1A560]  }
0x487: {  	v10 =	vld.idx.msk [tilespmem:v24+s15+$0x0], $0xffff  }
0x488: {  	v54 =	vor.u32 $0x4, v1;
	v63 =	vmul.f32 v0, v63;
	v12 =	vld.idx.msk [tilespmem:v28+s15+$0x0], $0xffff  }
0x489: {  	v16 =	vor.u32 $0x5, v1;
	v28 =	vld [tilespmem:$0x1F540];
	v7 =	vmul.f32 v0, v7  }
0x48a: {  	v17 =	vor.u32 $0x6, v1;
	[tilespmem:v43+s20+$0x0] =	vst.idx.msk $0xffff, v63;
	v2 =	vld.idx.msk [tilespmem:v62+s15+$0x0], $0xffff  }
0x48b: {  	v23 =	vor.u32 $0x7, v1;
	[tilespmem:v3+s20+$0x0] =	vst.idx.msk $0xffff, v7;
	v3 =	vld [tilespmem:$0x1F460]  }
0x48c: {  	v7 =	vmul.f32 v0, v40;
	v5 =	vld.idx.msk [tilespmem:v5+s15+$0x0], $0xffff  }
0x48d: {  	v25 =	vmul.f32 v0, v48;
	[tilespmem:v54+s20+$0x0] =	vst.idx.msk $0xffff, v22;
	v22 =	vld [tilespmem:$0x1A500]  }
0x48e: {  	v54 =	vld [tilespmem:$0x1A570];
	[tilespmem:v16+s20+$0x0] =	vst.idx.msk $0xffff, v7  }
0x48f: {  	v7 =	vld [tilespmem:$0x1F480];
	[tilespmem:v17+s20+$0x0] =	vst.idx.msk $0xffff, v25  }
0x490: {  	[tilespmem:v23+s20+$0x0] =	vst.idx.msk $0xffff, v26;
	v26 =	vld [tilespmem:$0x1F530]  }
0x491: {  	v13 =	vld.idx.msk [tilespmem:v29+s15+$0x0], $0xffff  }
0x492: {  	v14 =	vld.idx.msk [tilespmem:v30+s15+$0x0], $0xffff  }
0x493: {  	v15 =	vld.idx.msk [tilespmem:v31+s15+$0x0], $0xffff  }
0x494: {  	v16 =	vld.idx.msk [tilespmem:v32+s15+$0x0], $0xffff  }
0x495: {  	v17 =	vld.idx.msk [tilespmem:v33+s15+$0x0], $0xffff  }
0x496: {  	v19 =	vld.idx.msk [tilespmem:v34+s15+$0x0], $0xffff  }
0x497: {  	v25 =	vld.idx.msk [tilespmem:v37+s15+$0x0], $0xffff  }
0x498: {  	v33 =	vld [tilespmem:$0x1A400]  }
0x499: {  	v37 =	vld [tilespmem:$0x1F520]  }
0x49a: {  	v9 =	vadd.f32 v36, v9;
	v40 =	vor.u32 $0x18, v50;
	v36 =	vld [tilespmem:$0x1A420]  }
0x49b: {  	v43 =	vor.u32 $0x19, v50;
	v30 =	vld [tilespmem:$0x1F550];
	v2 =	vadd.f32 v22, v2  }
0x49c: {  	v5 =	vadd.f32 v35, v5;
	v3 =	vld.idx.msk [tilespmem:v3+s15+$0x0], $0xffff  }
0x49d: {  	v35 =	vld [tilespmem:$0x1A410];
	v2 =	vmul.f32 v2, v52  }
0x49e: {  	v48 =	vor.u32 $0x1A, v50;
	v5 =	vmul.f32 v5, v52;
	v7 =	vld.idx.msk [tilespmem:v7+s15+$0x0], $0xffff  }
0x49f: {  	[tilespmem:v40+s20+$0x0] =	vst.idx.msk $0xffff, v2;
	v40 =	vadd.f32 v54, v12;
	v54 =	vld [tilespmem:$0x1A450]  }
0x4a0: {  	[tilespmem:v43+s20+$0x0] =	vst.idx.msk $0xffff, v5;
	v5 =	vadd.f32 v41, v10;
	v41 =	vld [tilespmem:$0x1A430]  }
0x4a1: {  	v62 =	vor.u32 $0x1B, v50;
	v63 =	vadd.f32 v38, v3;
	v3 =	vmul.f32 v9, v52;
	v24 =	vld.idx.msk [tilespmem:v37+s15+$0x0], $0xffff  }
0x4a2: {  	v32 =	vor.u32 $0x1C, v50;
	v37 =	vld [tilespmem:$0x1F5D0]  }
0x4a3: {  	v34 =	vor.u32 $0x1D, v50;
	[tilespmem:v48+s20+$0x0] =	vst.idx.msk $0xffff, v3;
	v48 =	vld [tilespmem:$0x1A440]  }
0x4a4: {  	v11 =	vadd.f32 v51, v11;
	v3 =	vadd.f32 v45, v7;
	v2 =	vmul.f32 v63, v52;
	v63 =	vld [tilespmem:$0x1A460]  }
0x4a5: {  	v5 =	vmul.f32 v5, v52;
	v7 =	vor.u32 $0x1E, v50;
	v22 =	vadd.f32 v41, v16;
	v41 =	vld [tilespmem:$0x1F600]  }
0x4a6: {  	[tilespmem:v62+s20+$0x0] =	vst.idx.msk $0xffff, v2;
	v3 =	vmul.f32 v3, v52;
	v2 =	vmul.f32 v40, v52;
	v40 =	vld [tilespmem:$0x1F5F0]  }
0x4a7: {  	v38 =	vor.u32 $0x1F, v50;
	[tilespmem:v32+s20+$0x0] =	vst.idx.msk $0xffff, v5;
	v5 =	vadd.f32 v33, v13;
	v33 =	vld [tilespmem:$0x1F590]  }
0x4a8: {  	v45 =	vmul.f32 v11, v52;
	[tilespmem:v34+s20+$0x0] =	vst.idx.msk $0xffff, v3;
	v34 =	vld [tilespmem:$0x1F5A0]  }
0x4a9: {  	v3 =	vadd.f32 v35, v14;
	v35 =	vld [tilespmem:$0x1F5B0]  }
0x4aa: {  	[tilespmem:v7+s20+$0x0] =	vst.idx.msk $0xffff, v45;
	v7 =	vadd.f32 v36, v15;
	v36 =	vld [tilespmem:$0x1F5C0]  }
0x4ab: {  	v43 =	vor.u32 $0x8, v1;
	v15 =	vmul.f32 v0, v3;
	v3 =	vld [tilespmem:$0x1A470]  }
0x4ac: {  	[tilespmem:v38+s20+$0x0] =	vst.idx.msk $0xffff, v2;
	v38 =	vld [tilespmem:$0x1F5E0]  }
0x4ad: {  	v11 =	vld.idx.msk [tilespmem:v26+s15+$0x0], $0xffff  }
0x4ae: {  	v5 =	vmul.f32 v0, v5;
	v14 =	vld.idx.msk [tilespmem:v28+s15+$0x0], $0xffff  }
0x4af: {  	v16 =	vld.idx.msk [tilespmem:v30+s15+$0x0], $0xffff  }
0x4b0: {  	v51 =	vor.u32 $0x9, v1;
	[tilespmem:v43+s20+$0x0] =	vst.idx.msk $0xffff, v5;
	v43 =	vld [tilespmem:$0x1A580]  }
0x4b1: {  	v62 =	vor.u32 $0xA, v1;
	v45 =	vld [tilespmem:$0x1A590]  }
0x4b2: {  	v10 =	vadd.f32 v54, v19;
	v54 =	vld [tilespmem:$0x1A5B0]  }
0x4b3: {  	v9 =	vadd.f32 v63, v25;
	v63 =	vld [tilespmem:$0x1A5C0]  }
0x4b4: {  	v5 =	vmul.f32 v0, v7;
	v7 =	vor.u32 $0xB, v1;
	v26 =	vld [tilespmem:$0x1F6C0]  }
0x4b5: {  	v23 =	vor.u32 $0xC, v1;
	v28 =	vld [tilespmem:$0x1F6E0];
	[tilespmem:v51+s20+$0x0] =	vst.idx.msk $0xffff, v15  }
0x4b6: {  	v30 =	vld [tilespmem:$0x1F700];
	[tilespmem:v62+s20+$0x0] =	vst.idx.msk $0xffff, v5;
	v5 =	vadd.f32 v48, v17  }
0x4b7: {  	v27 =	vor.u32 $0xD, v1;
	v2 =	vmul.f32 v0, v22;
	v51 =	vld [tilespmem:$0x1F610]  }
0x4b8: {  	v48 =	vld [tilespmem:$0x1A5A0];
	v5 =	vmul.f32 v0, v5  }
0x4b9: {  	v29 =	vor.u32 $0xE, v1;
	v32 =	vadd.f32 v3, v24;
	v3 =	vld [tilespmem:$0x1F560];
	[tilespmem:v7+s20+$0x0] =	vst.idx.msk $0xffff, v2  }
0x4ba: {  	v7 =	vmul.f32 v0, v10;
	[tilespmem:v23+s20+$0x0] =	vst.idx.msk $0xffff, v5;
	v5 =	vld [tilespmem:$0x1F570]  }
0x4bb: {  	v31 =	vor.u32 $0xF, v1;
	v23 =	vld [tilespmem:$0x1F680]  }
0x4bc: {  	v9 =	vmul.f32 v0, v9;
	[tilespmem:v27+s20+$0x0] =	vst.idx.msk $0xffff, v7;
	v7 =	vld [tilespmem:$0x1F580]  }
0x4bd: {  	v27 =	vld [tilespmem:$0x1F6D0]  }
0x4be: {  	v2 =	vmul.f32 v0, v32;
	[tilespmem:v29+s20+$0x0] =	vst.idx.msk $0xffff, v9;
	v9 =	vld.idx.msk [tilespmem:v33+s15+$0x0], $0xffff  }
0x4bf: {  	v29 =	vld [tilespmem:$0x1F6F0]  }
0x4c0: {  	[tilespmem:v31+s20+$0x0] =	vst.idx.msk $0xffff, v2;
	v2 =	vld.idx.msk [tilespmem:v34+s15+$0x0], $0xffff  }
0x4c1: {  	v34 =	vld [tilespmem:$0x1A5D0]  }
0x4c2: {  	v10 =	vld.idx.msk [tilespmem:v35+s15+$0x0], $0xffff  }
0x4c3: {  	v12 =	vld.idx.msk [tilespmem:v36+s15+$0x0], $0xffff  }
0x4c4: {  	v13 =	vld.idx.msk [tilespmem:v37+s15+$0x0], $0xffff  }
0x4c5: {  	v15 =	vld.idx.msk [tilespmem:v38+s15+$0x0], $0xffff  }
0x4c6: {  	v17 =	vld.idx.msk [tilespmem:v40+s15+$0x0], $0xffff  }
0x4c7: {  	v19 =	vld.idx.msk [tilespmem:v41+s15+$0x0], $0xffff  }
0x4c8: {  	v25 =	vld.idx.msk [tilespmem:v51+s15+$0x0], $0xffff  }
0x4c9: {  	v62 =	vor.u32 $0x20, v50;
	v36 =	vld [tilespmem:$0x1A5E0]  }
0x4ca: {  	v11 =	vadd.f32 v43, v11;
	v37 =	vld [tilespmem:$0x1A5F0]  }
0x4cb: {  	v3 =	vld.idx.msk [tilespmem:v3+s15+$0x0], $0xffff  }
0x4cc: {  	v11 =	vmul.f32 v11, v52;
	v33 =	vor.u32 $0x21, v50;
	v5 =	vld.idx.msk [tilespmem:v5+s15+$0x0], $0xffff  }
0x4cd: {  	v14 =	vadd.f32 v45, v14;
	v7 =	vld.idx.msk [tilespmem:v7+s15+$0x0], $0xffff  }
0x4ce: {  	v35 =	vor.u32 $0x22, v50;
	[tilespmem:v62+s20+$0x0] =	vst.idx.msk $0xffff, v11;
	v62 =	vld [tilespmem:$0x1F620]  }
0x4cf: {  	v16 =	vadd.f32 v48, v16;
	v14 =	vmul.f32 v14, v52;
	v38 =	vor.u32 $0x23, v50;
	v43 =	vld [tilespmem:$0x1A480]  }
0x4d0: {  	v48 =	vld [tilespmem:$0x1A490];
	v3 =	vadd.f32 v54, v3  }
0x4d1: {  	v40 =	vmul.f32 v16, v52;
	[tilespmem:v33+s20+$0x0] =	vst.idx.msk $0xffff, v14;
	v33 =	vld [tilespmem:$0x1A4C0]  }
0x4d2: {  	v41 =	vor.u32 $0x24, v50;
	v54 =	vld [tilespmem:$0x1A4A0];
	v3 =	vmul.f32 v3, v52  }
0x4d3: {  	v45 =	vor.u32 $0x25, v50;
	[tilespmem:v35+s20+$0x0] =	vst.idx.msk $0xffff, v40;
	v35 =	vld [tilespmem:$0x1A4D0];
	v5 =	vadd.f32 v63, v5;
	v7 =	vadd.f32 v34, v7  }
0x4d4: {  	v51 =	vor.u32 $0x26, v50;
	[tilespmem:v38+s20+$0x0] =	vst.idx.msk $0xffff, v3;
	v38 =	vld [tilespmem:$0x1A4E0]  }
0x4d5: {  	v9 =	vadd.f32 v36, v9;
	v5 =	vmul.f32 v5, v52;
	v3 =	vmul.f32 v7, v52;
	v7 =	vld [tilespmem:$0x1A4B0]  }
0x4d6: {  	v63 =	vor.u32 $0x27, v50;
	v24 =	vld.idx.msk [tilespmem:v62+s15+$0x0], $0xffff  }
0x4d7: {  	v2 =	vadd.f32 v37, v2;
	v9 =	vmul.f32 v9, v52;
	[tilespmem:v41+s20+$0x0] =	vst.idx.msk $0xffff, v5;
	v62 =	vld [tilespmem:$0x1F650]  }
0x4d8: {  	[tilespmem:v45+s20+$0x0] =	vst.idx.msk $0xffff, v3;
	v3 =	vadd.f32 v48, v12;
	v45 =	vld [tilespmem:$0x1F630]  }
0x4d9: {  	v32 =	vor.u32 $0x10, v1;
	v2 =	vmul.f32 v2, v52;
	[tilespmem:v51+s20+$0x0] =	vst.idx.msk $0xffff, v9;
	v51 =	vld [tilespmem:$0x1F640]  }
0x4da: {  	v5 =	vadd.f32 v43, v10;
	v40 =	vmul.f32 v3, v0;
	v3 =	vld [tilespmem:$0x1A4F0]  }
0x4db: {  	[tilespmem:v63+s20+$0x0] =	vst.idx.msk $0xffff, v2;
	v11 =	vadd.f32 v38, v25;
	v25 =	vld [tilespmem:$0x1F6B0]  }
0x4dc: {  	v34 =	vor.u32 $0x11, v1;
	v5 =	vmul.f32 v5, v0;
	v9 =	vld.idx.msk [tilespmem:v23+s15+$0x0], $0xffff  }
0x4dd: {  	v31 =	vld [tilespmem:$0x1A600]  }
0x4de: {  	v36 =	vor.u32 $0x12, v1;
	v37 =	vadd.f32 v54, v13;
	[tilespmem:v32+s20+$0x0] =	vst.idx.msk $0xffff, v5;
	v32 =	vld [tilespmem:$0x1A610]  }
0x4df: {  	v12 =	vadd.f32 v35, v19;
	v35 =	vld [tilespmem:$0x1A630]  }
0x4e0: {  	v5 =	vmul.f32 v37, v0;
	v37 =	vld [tilespmem:$0x1A640]  }
0x4e1: {  	[tilespmem:v34+s20+$0x0] =	vst.idx.msk $0xffff, v40;
	v34 =	vld [tilespmem:$0x1F710]  }
0x4e2: {  	v43 =	vadd.f32 v7, v15;
	v40 =	vld [tilespmem:$0x1A650]  }
0x4e3: {  	[tilespmem:v36+s20+$0x0] =	vst.idx.msk $0xffff, v5;
	v5 =	vadd.f32 v33, v17;
	v33 =	vld [tilespmem:$0x1A620]  }
0x4e4: {  	v41 =	vor.u32 $0x13, v1;
	v2 =	vmul.f32 v43, v0;
	v43 =	vld [tilespmem:$0x1A660]  }
0x4e5: {  	v7 =	vor.u32 $0x14, v1;
	v16 =	vld.idx.msk [tilespmem:v62+s15+$0x0], $0xffff  }
0x4e6: {  	v48 =	vor.u32 $0x15, v1;
	v19 =	vadd.f32 v3, v24;
	v3 =	vld [tilespmem:$0x1F660]  }
0x4e7: {  	v54 =	vor.u32 $0x16, v1;
	v24 =	vld [tilespmem:$0x1F6A0]  }
0x4e8: {  	v63 =	vor.u32 $0x17, v1;
	v5 =	vmul.f32 v5, v0;
	v10 =	vld.idx.msk [tilespmem:v45+s15+$0x0], $0xffff  }
0x4e9: {  	v22 =	vmul.f32 v12, v0;
	[tilespmem:v41+s20+$0x0] =	vst.idx.msk $0xffff, v2;
	v45 =	vld [tilespmem:$0x1A670]  }
0x4ea: {  	v14 =	vld.idx.msk [tilespmem:v51+s15+$0x0], $0xffff;
	[tilespmem:v7+s20+$0x0] =	vst.idx.msk $0xffff, v5;
	v7 =	vmul.f32 v11, v0  }
0x4eb: {  	v5 =	vld [tilespmem:$0x1F670];
	v2 =	vmul.f32 v19, v0;
	[tilespmem:v48+s20+$0x0] =	vst.idx.msk $0xffff, v22  }
0x4ec: {  	v22 =	vld [tilespmem:$0x1F730];
	[tilespmem:v54+s20+$0x0] =	vst.idx.msk $0xffff, v7  }
0x4ed: {  	v7 =	vld [tilespmem:$0x1F690];
	[tilespmem:v63+s20+$0x0] =	vst.idx.msk $0xffff, v2  }
0x4ee: {  	v11 =	vld.idx.msk [tilespmem:v25+s15+$0x0], $0xffff  }
0x4ef: {  	v12 =	vld.idx.msk [tilespmem:v26+s15+$0x0], $0xffff  }
0x4f0: {  	v13 =	vld.idx.msk [tilespmem:v27+s15+$0x0], $0xffff  }
0x4f1: {  	v15 =	vld.idx.msk [tilespmem:v28+s15+$0x0], $0xffff  }
0x4f2: {  	v17 =	vld.idx.msk [tilespmem:v29+s15+$0x0], $0xffff  }
0x4f3: {  	v19 =	vld.idx.msk [tilespmem:v30+s15+$0x0], $0xffff  }
0x4f4: {  	v25 =	vld.idx.msk [tilespmem:v34+s15+$0x0], $0xffff  }
0x4f5: {  	v62 =	vld [tilespmem:$0x1A500]  }
0x4f6: {  	v34 =	vld [tilespmem:$0x1A520]  }
0x4f7: {  	v9 =	vadd.f32 v40, v9;
	v40 =	vld [tilespmem:$0x1A540]  }
0x4f8: {  	v26 =	vld [tilespmem:$0x1F740]  }
0x4f9: {  	v28 =	vld [tilespmem:$0x1F750]  }
0x4fa: {  	v3 =	vld.idx.msk [tilespmem:v3+s15+$0x0], $0xffff  }
0x4fb: {  	v29 =	vld [tilespmem:$0x1F760]  }
0x4fc: {  	v36 =	vor.u32 $0x28, v50;
	v5 =	vld.idx.msk [tilespmem:v5+s15+$0x0], $0xffff  }
0x4fd: {  	v38 =	vor.u32 $0x29, v50;
	v10 =	vadd.f32 v31, v10;
	v30 =	vld [tilespmem:$0x1F790]  }
0x4fe: {  	v41 =	vor.u32 $0x2A, v50;
	v48 =	vor.u32 $0x2B, v50;
	v14 =	vadd.f32 v32, v14;
	v7 =	vld.idx.msk [tilespmem:v7+s15+$0x0], $0xffff  }
0x4ff: {  	v16 =	vadd.f32 v33, v16;
	v10 =	vmul.f32 v10, v52;
	v3 =	vadd.f32 v35, v3;
	v35 =	vld [tilespmem:$0x1F720]  }
0x500: {  	v54 =	vor.u32 $0x2C, v50;
	v63 =	vor.u32 $0x2D, v50;
	v32 =	vld [tilespmem:$0x1A510];
	v14 =	vmul.f32 v14, v52  }
0x501: {  	v51 =	vmul.f32 v16, v52;
	v2 =	vld.idx.msk [tilespmem:v24+s15+$0x0], $0xffff;
	[tilespmem:v36+s20+$0x0] =	vst.idx.msk $0xffff, v10;
	v5 =	vadd.f32 v37, v5  }
0x502: {  	v33 =	vor.u32 $0x2E, v50;
	v31 =	vld [tilespmem:$0x1F7B0];
	[tilespmem:v38+s20+$0x0] =	vst.idx.msk $0xffff, v14;
	v3 =	vmul.f32 v3, v52  }
0x503: {  	[tilespmem:v41+s20+$0x0] =	vst.idx.msk $0xffff, v51;
	v37 =	vld [tilespmem:$0x1A530];
	v7 =	vadd.f32 v43, v7;
	v5 =	vmul.f32 v5, v52  }
0x504: {  	v38 =	vor.u32 $0x18, v1;
	[tilespmem:v48+s20+$0x0] =	vst.idx.msk $0xffff, v3;
	v3 =	vmul.f32 v9, v52;
	v43 =	vld [tilespmem:$0x1A550]  }
0x505: {  	v36 =	vor.u32 $0x2F, v50;
	v48 =	vld [tilespmem:$0x1A560];
	[tilespmem:v54+s20+$0x0] =	vst.idx.msk $0xffff, v5;
	v5 =	vadd.f32 v62, v11;
	v7 =	vmul.f32 v7, v52  }
0x506: {  	v2 =	vadd.f32 v45, v2;
	v41 =	vor.u32 $0x19, v1;
	[tilespmem:v63+s20+$0x0] =	vst.idx.msk $0xffff, v3;
	v3 =	vadd.f32 v32, v12;
	v32 =	vld [tilespmem:$0x1F7C0]  }
0x507: {  	v24 =	vld.idx.msk [tilespmem:v35+s15+$0x0], $0xffff;
	[tilespmem:v33+s20+$0x0] =	vst.idx.msk $0xffff, v7;
	v7 =	vadd.f32 v34, v13;
	v5 =	vmul.f32 v5, v0  }
0x508: {  	v45 =	vor.u32 $0x1A, v1;
	v2 =	vmul.f32 v2, v52;
	v33 =	vld [tilespmem:$0x1F7D0]  }
0x509: {  	v51 =	vmul.f32 v3, v0;
	v3 =	vld [tilespmem:$0x1A570];
	[tilespmem:v38+s20+$0x0] =	vst.idx.msk $0xffff, v5;
	v5 =	vmul.f32 v7, v0;
	v7 =	vor.u32 $0x1B, v1  }
0x50a: {  	v54 =	vadd.f32 v37, v15;
	v34 =	vld [tilespmem:$0x1F7E0];
	[tilespmem:v36+s20+$0x0] =	vst.idx.msk $0xffff, v2  }
0x50b: {  	v13 =	vld.idx.msk [tilespmem:v22+s15+$0x0], $0xffff  }
0x50c: {  	v62 =	vor.u32 $0x1C, v1;
	v63 =	vor.u32 $0x1D, v1;
	v2 =	vmul.f32 v54, v0;
	v15 =	vld.idx.msk [tilespmem:v26+s15+$0x0], $0xffff;
	[tilespmem:v41+s20+$0x0] =	vst.idx.msk $0xffff, v51  }
0x50d: {  	v12 =	vadd.f32 v43, v19;
	v9 =	vld.idx.msk [tilespmem:v30+s15+$0x0], $0xffff;
	[tilespmem:v45+s20+$0x0] =	vst.idx.msk $0xffff, v5;
	v5 =	vadd.f32 v40, v17  }
0x50e: {  	v23 =	vor.u32 $0x1E, v1;
	v27 =	vor.u32 $0x1F, v1;
	[tilespmem:v7+s20+$0x0] =	vst.idx.msk $0xffff, v2;
	v2 =	vld.idx.msk [tilespmem:v28+s15+$0x0], $0xffff  }
0x50f: {  	v10 =	vadd.f32 v48, v25;
	v5 =	vmul.f32 v5, v0;
	v7 =	vmul.f32 v12, v0;
	v12 =	vld.idx.msk [tilespmem:v29+s15+$0x0], $0xffff  }
0x510: {  	v3 =	vadd.f32 v3, v24;
	v29 =	vld [tilespmem:$0x1A6A0]  }
0x511: {  	v10 =	vmul.f32 v10, v0;
	[tilespmem:v62+s20+$0x0] =	vst.idx.msk $0xffff, v5;
	v5 =	vld [tilespmem:$0x1F770]  }
0x512: {  	v3 =	vmul.f32 v3, v0;
	[tilespmem:v63+s20+$0x0] =	vst.idx.msk $0xffff, v7;
	v7 =	vld [tilespmem:$0x1F780]  }
0x513: {  	v63 =	vld [tilespmem:$0x1A690];
	[tilespmem:v23+s20+$0x0] =	vst.idx.msk $0xffff, v10  }
0x514: {  	[tilespmem:v27+s20+$0x0] =	vst.idx.msk $0xffff, v3;
	v3 =	vld [tilespmem:$0x1F7A0]  }
0x515: {  	v10 =	vld.idx.msk [tilespmem:v31+s15+$0x0], $0xffff  }
0x516: {  	v11 =	vld.idx.msk [tilespmem:v32+s15+$0x0], $0xffff  }
0x517: {  	v14 =	vld.idx.msk [tilespmem:v33+s15+$0x0], $0xffff  }
0x518: {  	v16 =	vld.idx.msk [tilespmem:v34+s15+$0x0], $0xffff  }
0x519: {  	v17 =	vld.idx.msk [tilespmem:v53+s15+$0x0], $0xffff  }
0x51a: {  	v19 =	vld.idx.msk [tilespmem:v49+s15+$0x0], $0xffff  }
0x51b: {  	v22 =	vld.idx.msk [tilespmem:v42+s15+$0x0], $0xffff  }
0x51c: {  	v35 =	vld [tilespmem:$0x1A580]  }
0x51d: {  	v36 =	vld [tilespmem:$0x1A590]  }
0x51e: {  	v37 =	vld [tilespmem:$0x1A5A0]  }
0x51f: {  	v38 =	vld [tilespmem:$0x1A5B0]  }
0x520: {  	v40 =	vld [tilespmem:$0x1A5C0]  }
0x521: {  	v42 =	vld [tilespmem:$0x1A5D0]  }
0x522: {  	v45 =	vld [tilespmem:$0x1A5E0]  }
0x523: {  	v49 =	vld [tilespmem:$0x1A5F0]  }
0x524: {  	v3 =	vld.idx.msk [tilespmem:v3+s15+$0x0], $0xffff  }
0x525: {  	v53 =	vld [tilespmem:$0x1F7F0]  }
0x526: {  	v33 =	vld [tilespmem:$0x1A6B0]  }
0x527: {  	v34 =	vld [tilespmem:$0x1A6C0]  }
0x528: {  	v43 =	vor.u32 $0x21, v1;
	v41 =	vor.u32 $0x20, v1;
	v5 =	vld.idx.msk [tilespmem:v5+s15+$0x0], $0xffff  }
0x529: {  	v48 =	vor.u32 $0x22, v1;
	v54 =	vor.u32 $0x24, v1;
	v7 =	vld.idx.msk [tilespmem:v7+s15+$0x0], $0xffff;
	v3 =	vadd.f32 v35, v3  }
0x52a: {  	v51 =	vor.u32 $0x23, v1;
	v28 =	vor.u32 $0x26, v1;
	v10 =	vadd.f32 v36, v10;
	v36 =	vld [tilespmem:$0x1A6E0]  }
0x52b: {  	v11 =	vadd.f32 v37, v11;
	v14 =	vadd.f32 v38, v14;
	v37 =	vld [tilespmem:$0x1A6F0];
	v3 =	vmul.f32 v3, v0  }
0x52c: {  	v16 =	vadd.f32 v40, v16;
	v17 =	vadd.f32 v42, v17;
	v10 =	vmul.f32 v10, v0;
	v35 =	vld [tilespmem:$0x1A6D0]  }
0x52d: {  	v62 =	vor.u32 $0x25, v1;
	v12 =	vadd.f32 v33, v12;
	v33 =	vld [tilespmem:$0x1F820];
	v11 =	vmul.f32 v11, v0;
	[tilespmem:v41+s20+$0x0] =	vst.idx.msk $0xffff, v3  }
0x52e: {  	v19 =	vadd.f32 v45, v19;
	v14 =	vmul.f32 v14, v0;
	v32 =	vld.idx.msk [tilespmem:v53+s15+$0x0], $0xffff;
	[tilespmem:v43+s20+$0x0] =	vst.idx.msk $0xffff, v10  }
0x52f: {  	v30 =	vor.u32 $0x27, v1;
	v16 =	vmul.f32 v16, v0;
	v9 =	vadd.f32 v36, v9;
	v36 =	vld [tilespmem:$0x1F840];
	[tilespmem:v48+s20+$0x0] =	vst.idx.msk $0xffff, v11  }
0x530: {  	v31 =	vadd.f32 v49, v22;
	v17 =	vmul.f32 v17, v0;
	v3 =	vld [tilespmem:$0x1A680];
	[tilespmem:v51+s20+$0x0] =	vst.idx.msk $0xffff, v14  }
0x531: {  	v19 =	vmul.f32 v19, v0;
	v7 =	vadd.f32 v35, v7;
	v35 =	vld [tilespmem:$0x1F830];
	[tilespmem:v54+s20+$0x0] =	vst.idx.msk $0xffff, v16  }
0x532: {  	v14 =	vmul.f32 v31, v0;
	v31 =	vld [tilespmem:$0x1F810];
	[tilespmem:v62+s20+$0x0] =	vst.idx.msk $0xffff, v17  }
0x533: {  	v54 =	vld [tilespmem:$0x1F800];
	[tilespmem:v28+s20+$0x0] =	vst.idx.msk $0xffff, v19  }
0x534: {  	[tilespmem:v30+s20+$0x0] =	vst.idx.msk $0xffff, v14;
	v14 =	vadd.f32 v37, v32;
	v37 =	vld [tilespmem:$0x1F850]  }
0x535: {  	v23 =	vld.idx.msk [tilespmem:v58+s15+$0x0], $0xffff  }
0x536: {  	v24 =	vld.idx.msk [tilespmem:v56+s15+$0x0], $0xffff  }
0x537: {  	v8 =	vld.idx.msk [tilespmem:v8+s15+$0x0], $0xffff  }
0x538: {  	v21 =	vld.idx.msk [tilespmem:v21+s15+$0x0], $0xffff  }
0x539: {  	v18 =	vld.idx.msk [tilespmem:v18+s15+$0x0], $0xffff  }
0x53a: {  	v6 =	vld.idx.msk [tilespmem:v6+s15+$0x0], $0xffff  }
0x53b: {  	v38 =	vor.u32 $0x30, v50;
	v20 =	vld.idx.msk [tilespmem:v20+s15+$0x0], $0xffff  }
0x53c: {  	v3 =	vadd.f32 v3, v13;
	v43 =	vld [tilespmem:$0x1A600]  }
0x53d: {  	v40 =	vor.u32 $0x31, v50;
	v48 =	vld [tilespmem:$0x1A610]  }
0x53e: {  	v41 =	vor.u32 $0x32, v50;
	v10 =	vadd.f32 v63, v15;
	v3 =	vmul.f32 v3, v52;
	v51 =	vld [tilespmem:$0x1A620]  }
0x53f: {  	v2 =	vadd.f32 v29, v2;
	v42 =	vor.u32 $0x33, v50;
	v56 =	vld [tilespmem:$0x1A630]  }
0x540: {  	v10 =	vmul.f32 v10, v52;
	v22 =	vld [tilespmem:$0x1A650];
	[tilespmem:v38+s20+$0x0] =	vst.idx.msk $0xffff, v3;
	v3 =	vor.u32 $0x34, v50  }
0x541: {  	v2 =	vmul.f32 v2, v52;
	v45 =	vor.u32 $0x35, v50;
	v5 =	vadd.f32 v34, v5;
	v38 =	vld [tilespmem:$0x1F8A0]  }
0x542: {  	v49 =	vor.u32 $0x36, v50;
	v12 =	vmul.f32 v12, v52;
	[tilespmem:v40+s20+$0x0] =	vst.idx.msk $0xffff, v10;
	v40 =	vld [tilespmem:$0x1F8B0]  }
0x543: {  	v53 =	vor.u32 $0x37, v50;
	v5 =	vmul.f32 v5, v52;
	[tilespmem:v41+s20+$0x0] =	vst.idx.msk $0xffff, v2;
	v41 =	vld [tilespmem:$0x1F8C0]  }
0x544: {  	v7 =	vmul.f32 v7, v52;
	v17 =	vld.idx.msk [tilespmem:v54+s15+$0x0], $0xffff;
	[tilespmem:v42+s20+$0x0] =	vst.idx.msk $0xffff, v12  }
0x545: {  	v42 =	vld [tilespmem:$0x1F8D0];
	[tilespmem:v3+s20+$0x0] =	vst.idx.msk $0xffff, v5;
	v3 =	vmul.f32 v9, v52  }
0x546: {  	v58 =	vor.u32 $0x28, v1;
	v5 =	vld [tilespmem:$0x1A640];
	[tilespmem:v45+s20+$0x0] =	vst.idx.msk $0xffff, v7;
	v7 =	vmul.f32 v14, v52  }
0x547: {  	v63 =	vor.u32 $0x29, v1;
	v62 =	vadd.f32 v43, v23;
	[tilespmem:v49+s20+$0x0] =	vst.idx.msk $0xffff, v3;
	v3 =	vld [tilespmem:$0x1A660]  }
0x548: {  	v13 =	vadd.f32 v48, v24;
	[tilespmem:v53+s20+$0x0] =	vst.idx.msk $0xffff, v7;
	v7 =	vld [tilespmem:$0x1A670]  }
0x549: {  	v23 =	vor.u32 $0x2A, v1;
	v25 =	vmul.f32 v62, v0;
	v12 =	vld.idx.msk [tilespmem:v31+s15+$0x0], $0xffff  }
0x54a: {  	v27 =	vor.u32 $0x2B, v1;
	v24 =	vadd.f32 v51, v8;
	v26 =	vmul.f32 v13, v0;
	v13 =	vld.idx.msk [tilespmem:v33+s15+$0x0], $0xffff  }
0x54b: {  	v29 =	vor.u32 $0x2C, v1;
	v28 =	vadd.f32 v56, v21;
	[tilespmem:v58+s20+$0x0] =	vst.idx.msk $0xffff, v25;
	v8 =	vld.idx.msk [tilespmem:v35+s15+$0x0], $0xffff  }
0x54c: {  	v2 =	vmul.f32 v24, v0;
	[tilespmem:v63+s20+$0x0] =	vst.idx.msk $0xffff, v26;
	v63 =	vld [tilespmem:$0x1F8E0];
	v30 =	vadd.f32 v5, v18;
	v5 =	vor.u32 $0x2D, v1  }
0x54d: {  	v6 =	vadd.f32 v22, v6;
	v9 =	vmul.f32 v28, v0;
	v31 =	vld [tilespmem:$0x1A720]  }
0x54e: {  	v34 =	vor.u32 $0x2F, v1;
	v32 =	vor.u32 $0x2E, v1;
	v35 =	vld [tilespmem:$0x1A740];
	[tilespmem:v23+s20+$0x0] =	vst.idx.msk $0xffff, v2;
	v2 =	vmul.f32 v30, v0  }
0x54f: {  	v6 =	vmul.f32 v6, v0;
	[tilespmem:v27+s20+$0x0] =	vst.idx.msk $0xffff, v9;
	v9 =	vld.idx.msk [tilespmem:v36+s15+$0x0], $0xffff;
	v3 =	vadd.f32 v3, v20  }
0x550: {  	v36 =	vld [tilespmem:$0x1A750];
	v7 =	vadd.f32 v7, v17;
	[tilespmem:v29+s20+$0x0] =	vst.idx.msk $0xffff, v2  }
0x551: {  	v3 =	vmul.f32 v3, v0;
	[tilespmem:v5+s20+$0x0] =	vst.idx.msk $0xffff, v6;
	v5 =	vld [tilespmem:$0x1F860]  }
0x552: {  	v7 =	vmul.f32 v7, v0;
	v6 =	vld [tilespmem:$0x1F880]  }
0x553: {  	[tilespmem:v32+s20+$0x0] =	vst.idx.msk $0xffff, v3;
	v3 =	vld [tilespmem:$0x1F870]  }
0x554: {  	[tilespmem:v34+s20+$0x0] =	vst.idx.msk $0xffff, v7;
	v7 =	vld [tilespmem:$0x1F890]  }
0x555: {  	v10 =	vld.idx.msk [tilespmem:v38+s15+$0x0], $0xffff  }
0x556: {  	v11 =	vld.idx.msk [tilespmem:v40+s15+$0x0], $0xffff  }
0x557: {  	v14 =	vld.idx.msk [tilespmem:v41+s15+$0x0], $0xffff  }
0x558: {  	v15 =	vld.idx.msk [tilespmem:v42+s15+$0x0], $0xffff  }
0x559: {  	v43 =	vld.idx.msk [tilespmem:v61+s15+$0x0], $0xffff  }
0x55a: {  	v45 =	vld.idx.msk [tilespmem:v57+s15+$0x0], $0xffff  }
0x55b: {  	v48 =	vld [tilespmem:$0x1A680]  }
0x55c: {  	v19 =	vld [tilespmem:$0x1A690]  }
0x55d: {  	v6 =	vld.idx.msk [tilespmem:v6+s15+$0x0], $0xffff  }
0x55e: {  	v7 =	vld.idx.msk [tilespmem:v7+s15+$0x0], $0xffff  }
0x55f: {  	v49 =	vld [tilespmem:$0x1A6A0]  }
0x560: {  	v51 =	vld [tilespmem:$0x1A6B0]  }
0x561: {  	v54 =	vor.u32 $0x30, v1;
	v53 =	vld [tilespmem:$0x1A6C0]  }
0x562: {  	v56 =	vld [tilespmem:$0x1A6D0];
	v57 =	vor.u32 $0x31, v1;
	v6 =	vadd.f32 v48, v6  }
0x563: {  	v62 =	vor.u32 $0x33, v1;
	v58 =	vld [tilespmem:$0x1A6E0];
	v61 =	vor.u32 $0x32, v1;
	v7 =	vadd.f32 v19, v7  }
0x564: {  	v28 =	vor.u32 $0x34, v1;
	v26 =	vld [tilespmem:$0x1A6F0];
	v10 =	vadd.f32 v49, v10;
	v6 =	vmul.f32 v6, v0  }
0x565: {  	v30 =	vor.u32 $0x36, v1;
	v2 =	vld.idx.msk [tilespmem:v37+s15+$0x0], $0xffff;
	v11 =	vadd.f32 v51, v11;
	v7 =	vmul.f32 v7, v0  }
0x566: {  	v29 =	vor.u32 $0x35, v1;
	v37 =	vld [tilespmem:$0x1A760];
	v14 =	vadd.f32 v53, v14;
	v10 =	vmul.f32 v10, v0;
	[tilespmem:v54+s20+$0x0] =	vst.idx.msk $0xffff, v6  }
0x567: {  	v27 =	vld.idx.msk [tilespmem:v63+s15+$0x0], $0xffff;
	v15 =	vadd.f32 v56, v15;
	v11 =	vmul.f32 v11, v0;
	[tilespmem:v57+s20+$0x0] =	vst.idx.msk $0xffff, v7  }
0x568: {  	v32 =	vor.u32 $0x37, v1;
	v34 =	vld [tilespmem:$0x1A730];
	v16 =	vadd.f32 v58, v43;
	v14 =	vmul.f32 v14, v0;
	[tilespmem:v61+s20+$0x0] =	vst.idx.msk $0xffff, v10  }
0x569: {  	v38 =	vld [tilespmem:$0x1A770];
	v33 =	vadd.f32 v26, v45;
	v15 =	vmul.f32 v15, v0;
	[tilespmem:v62+s20+$0x0] =	vst.idx.msk $0xffff, v11  }
0x56a: {  	v5 =	vld.idx.msk [tilespmem:v5+s15+$0x0], $0xffff;
	v16 =	vmul.f32 v16, v0;
	[tilespmem:v28+s20+$0x0] =	vst.idx.msk $0xffff, v14  }
0x56b: {  	v3 =	vld.idx.msk [tilespmem:v3+s15+$0x0], $0xffff;
	v11 =	vmul.f32 v33, v0;
	[tilespmem:v29+s20+$0x0] =	vst.idx.msk $0xffff, v15  }
0x56c: {  	v6 =	vld [tilespmem:$0x1A700];
	[tilespmem:v30+s20+$0x0] =	vst.idx.msk $0xffff, v16  }
0x56d: {  	v7 =	vld [tilespmem:$0x1A710];
	[tilespmem:v32+s20+$0x0] =	vst.idx.msk $0xffff, v11  }
0x56e: {  	v11 =	vld.idx.msk [tilespmem:v55+s15+$0x0], $0xffff  }
0x56f: {  	v19 =	vld.idx.msk [tilespmem:v60+s15+$0x0], $0xffff  }
0x570: {  	v20 =	vld.idx.msk [tilespmem:v39+s15+$0x0], $0xffff  }
0x571: {  	v4 =	vld.idx.msk [tilespmem:v4+s15+$0x0], $0xffff  }
0x572: {  	v40 =	vor.u32 $0x38, v50;
	v22 =	vld.idx.msk [tilespmem:v59+s15+$0x0], $0xffff  }
0x573: {  	v41 =	vor.u32 $0x39, v50;
	v6 =	vadd.f32 v6, v12;
	v23 =	vld.idx.msk [tilespmem:v46+s15+$0x0], $0xffff  }
0x574: {  	v42 =	vor.u32 $0x3A, v50;
	v7 =	vadd.f32 v7, v13;
	v43 =	vld.idx.msk [tilespmem:v44+s15+$0x0], $0xffff  }
0x575: {  	v8 =	vadd.f32 v31, v8;
	v6 =	vmul.f32 v6, v52;
	v44 =	vor.u32 $0x3B, v50;
	v45 =	vld.idx.msk [tilespmem:v47+s15+$0x0], $0xffff  }
0x576: {  	v9 =	vadd.f32 v34, v9;
	v7 =	vmul.f32 v7, v52;
	v46 =	vor.u32 $0x3C, v50;
	v47 =	vld [tilespmem:$0x1A700]  }
0x577: {  	v8 =	vmul.f32 v8, v52;
	v2 =	vadd.f32 v35, v2;
	[tilespmem:v40+s20+$0x0] =	vst.idx.msk $0xffff, v6;
	v6 =	vor.u32 $0x3D, v50;
	v48 =	vld [tilespmem:$0x1A710]  }
0x578: {  	v9 =	vmul.f32 v9, v52;
	v5 =	vadd.f32 v36, v5;
	v49 =	vld [tilespmem:$0x1A720];
	[tilespmem:v41+s20+$0x0] =	vst.idx.msk $0xffff, v7;
	v7 =	vor.u32 $0x3E, v50  }
0x579: {  	v2 =	vmul.f32 v2, v52;
	v3 =	vadd.f32 v37, v3;
	v51 =	vld [tilespmem:$0x1A730];
	v50 =	vor.u32 $0x3F, v50;
	[tilespmem:v42+s20+$0x0] =	vst.idx.msk $0xffff, v8  }
0x57a: {  	v53 =	vadd.f32 v38, v27;
	v5 =	vmul.f32 v5, v52;
	v54 =	vld [tilespmem:$0x1A740];
	v55 =	vor.u32 $0x38, v1;
	[tilespmem:v44+s20+$0x0] =	vst.idx.msk $0xffff, v9  }
0x57b: {  	v56 =	vmul.f32 v3, v52;
	v57 =	vor.u32 $0x39, v1;
	v3 =	vld [tilespmem:$0x1A750];
	v11 =	vadd.f32 v47, v11;
	[tilespmem:v46+s20+$0x0] =	vst.idx.msk $0xffff, v2  }
0x57c: {  	v58 =	vor.u32 $0x3A, v1;
	v14 =	vadd.f32 v48, v19;
	[tilespmem:v6+s20+$0x0] =	vst.idx.msk $0xffff, v5;
	v5 =	vmul.f32 v53, v52;
	v6 =	vld [tilespmem:$0x1A760]  }
0x57d: {  	v61 =	vor.u32 $0x3B, v1;
	v59 =	vld [tilespmem:$0x1A770];
	v60 =	vadd.f32 v49, v20;
	[tilespmem:v7+s20+$0x0] =	vst.idx.msk $0xffff, v56;
	v7 =	vmul.f32 v11, v0  }
0x57e: {  	v62 =	vor.u32 $0x3C, v1;
	v4 =	vadd.f32 v51, v4;
	[tilespmem:v50+s20+$0x0] =	vst.idx.msk $0xffff, v5;
	v5 =	vmul.f32 v14, v0  }
0x57f: {  	v63 =	vor.u32 $0x3D, v1;
	v9 =	vadd.f32 v54, v22;
	[tilespmem:v55+s20+$0x0] =	vst.idx.msk $0xffff, v7;
	v7 =	vmul.f32 v60, v0  }
0x580: {  	s25 =	sadd.s32 $0x2, s25;
	v3 =	vadd.f32 v3, v23;
	v4 =	vmul.f32 v4, v0;
	[tilespmem:v57+s20+$0x0] =	vst.idx.msk $0xffff, v5;
	v5 =	vor.u32 $0x3E, v1  }
0x581: {  	p0 =	slt.u32 s25, $0x18;
	v1 =	vor.u32 $0x3F, v1;
	[tilespmem:v58+s20+$0x0] =	vst.idx.msk $0xffff, v7;
	v6 =	vadd.f32 v6, v43;
	v7 =	vmul.f32 v9, v0  }
.Ltmp4:
0x582: {  	v2 =	vadd.f32 v59, v45;
	v3 =	vmul.f32 v3, v0;
	[tilespmem:v61+s20+$0x0] =	vst.idx.msk $0xffff, v4;
	(pc) =	sbr.rel @p0 .LBB2_9-.Ltmp4, $4  }
0x583: {  	[tilespmem:v62+s20+$0x0] =	vst.idx.msk $0xffff, v7;
	v4 =	vmul.f32 v6, v0  }
0x584: {  	v0 =	vmul.f32 v2, v0;
	[tilespmem:v63+s20+$0x0] =	vst.idx.msk $0xffff, v3  }
0x585: {  	[tilespmem:v5+s20+$0x0] =	vst.idx.msk $0xffff, v4  }
0x586: {  	s26 =	sadd.s32 $0x20, s26;
	v4 =	vlaneseq.u32;
	[tilespmem:v1+s20+$0x0] =	vst.idx.msk $0xffff, v0  }
0x587: {  	s23 =	sadd.s32 $0x1, s23  }
0x588: {  	p0 =	sne.s32 s23, $0x10  }
.Ltmp5:
0x589: {  	_ = 	snop;
	(pc) =	sbr.rel @p0 .LBB2_2-.Ltmp5, $3  }
0x58a: {  	s24 =	smul.u32 $0xD0, s24;
	_ =	sdelay $0x1  }
0x58b: {  	s24 =	sadd.s32 s3, s24  }
0x58c: {  	[hbm4b:s24+s4] =	stream.linear.scatter [tilespmem:s20], [sflag:$0x4], $0x6800, $0x38;
	[tilespmem:$0x1A780] =	vst v63  }
0x58d: {  	s22 =	sadd.s32 $0x1, s22  }
0x58e: {  	_ =	swait.ge [sflag:s21], $0x6800;
	p0 =	sne.s32 s22, s10  }
.Ltmp6:
0x58f: {  	[sflag:s21] =	ssyncset.done $0x0;
	(pc) =	sbr.rel @p0 .LBB2_1-.Ltmp6, $4  }
0x590: {  	[sflag:s21] =	ssyncadd.s32 $0xFFFF9800  }
0x591: {  	_ =	swait.ge [sflag:s19], $0x6800  }
0x592: {  	[sflag:s19] =	ssyncset.done $0x0  }
0x593: {  	[sflag:s19] =	ssyncadd.s32 $0xFFFF9800  }
0x594: {  	_ =	sfence.sel $0x180000  }
0x595: {  	[bflag:$0x0] =	sbarrier.arrive $0xFFFF  }
0x596: {  	p0 =	sne.s32 s1, $0x0;
	_ =	strace $0x90000047  }
0x597: {  	s0 =	sadd.s32 @!p0 $0x100000, s0;
	[bflag:$0x2] =	sbarrier.arrive $0xFFFF  }
0x598: {  	[sflag:s0] =	ssyncadd.tile.s32 @!p0 $0x1;
	_ =	shalt  }
.Lfunc_end2:
_tile_overlayer_lowered:
.L_overlay_start_2:
0x599: {  	(tag) =	ssettag $0x2  }
0x59a: {  	s0 =	rddreg [dreg:$0x0];
	s2 =	stileid.u32  }
0x59b: {  	s1 =	rddreg [dreg:$0x1];
	p0 =	sne.s32 s2, $0x0  }
0x59c: {  	s3 =	rddreg [dreg:$0x2];
	[bflag:$0x3] =	sbarrier.arrive $0xFFFF;
	s2 =	simm.s32 @!p0 $0x1C05  }
0x59d: {  	[timem:s3], [sflag:s2] =	dma.local @!p0 [hbm:s0], s1  }
0x59e: {  	s0 =	simm.s32 @!p0 $0x5  }
0x59f: {  	_ =	swait.ge @!p0 [sflag:s0], s1  }
0x5a0: {  	s1 =	ssub.s32 @!p0 $0x0, s1;
	[sflag:s0] =	ssyncset.done @!p0 $0x0  }
0x5a1: {  	[sflag:s0] =	ssyncadd.s32 @!p0 s1  }
0x5a2: {  	[bflag:$0x3] =	sbarrier.arrive $0xFFFF  }
0x5a3: {  	_ =	shalt  }

// kernel: sparse-core-data-format-call.cloned.1.call-start
scs
called_computation_lowered:
.L_overlay_start_0:
0x0: {  	s2 =	sld [smem:$0x3FD9]  }
0x1: {  	s3 =	sld [smem:$0x3FFE];
	_ =	sdelay $0x1  }
0x2: {  	s1 =	srdreg.scid  }
0x3: {  	s0 =	sand.u32 $0x1, s1  }
0x4: {  	s18 =	sshll.u32 s0, $0xA;
	s2 =	sadd.s32 s3, s2  }
0x5: {  	s2 =	sadd.s32 s2, s18  }
0x6: {  	[smem:$0x3FC5] =	sst s2  }
0x7: {  	_ = 	snop  }
0x8: {  	s2 =	sld [smem:$0x3FD0];
	(tm) =	ssettm $0x1  }
0x9: {  	s19 =	sld [smem:$0x3FFB];
	_ =	sdelay $0x3  }
0xa: {  	_ =	strace s19  }
0xb: {  	s3 =	sld [smem:$0x3FFC];
	_ =	sdelay $0x3  }
0xc: {  	_ =	strace s3  }
0xd: {  	s3 =	sld [smem:$0x3FFD];
	_ =	sdelay $0x3  }
0xe: {  	_ =	strace s3  }
0xf: {  	_ =	strace $0x8FFFFFFF  }
0x10: {  	s20 =	sld [smem:$0x3FDB];
	_ =	sdelay $0x1  }
0x11: {  	s4 =	simm.s32 $_scs_section_size  }
0x12: {  	s5 =	simm.s32 $_size__tile_overlayer_lowered;
	s6 =	simm.s32 $_tile_overlayer_lowered  }
0x13: {  	s23 =	simm.s32 $0x1BFF;
	s22 =	sshll.u32 s6, $0x1;
	s3 =	sadd.s32 s4, s20  }
0x14: {  	s7 =	simm.s32 $0x0;
	s21 =	sshll.u32 s5, $0x1;
	s5 =	sadd.s32 s22, s3  }
0x15: {  	[timem:s7], [sflag:s23] =	dma.local [hbm:s5], s21  }
0x16: {  	_ =	swait.ge [sflag:s23], s21  }
0x17: {  	s4 =	ssub.s32 $0x0, s21;
	[sflag:s23] =	ssyncset.done $0x0  }
0x18: {  	[sflag:s23] =	ssyncadd.s32 s4;
	_ =	sdelay $0x1  }
0x19: {  	s24 =	simm.s32 $0x1B8B  }
0x1a: {  	_ =	swait.ge [sflag:s24], $0x1  }
0x1b: {  	[sflag:s24] =	ssyncset.done $0x0  }
0x1c: {  	s26 =	simm.s32 $0x1B8E;
	s25 =	sld [smem:$0x3FFE];
	[sflag:s24] =	ssyncadd.s32 $0xFFFFFFFF  }
0x1d: {  	s27 =	simm.s32 $execute0_lowered;
	[smem:$0x3FD2] =	sst s26  }
0x1e: {  	s5 =	sshll.u32 s27, $0x1;
	_ =	strace $0x80000049;
	[dreg:$0x1] =	wrdreg $0xFFFFFFFF  }
0x1f: {  	s28 =	simm.s32 $_size_execute0_lowered;
	s3 =	sadd.s32 s3, s5;
	[dreg:$0x0] =	wrdreg $0x0  }
0x20: {  	s5 =	sshll.u32 s28, $0x1;
	[dreg:$0x2] =	wrdreg s3  }
0x21: {  	[dreg:$0x3] =	wrdreg s5  }
0x22: {  	[dreg:$0x4] =	wrdreg $0xC0  }
0x23: {  	_ =	task [dreg:s7], $0x5FFFF  }
0x24: {  	[dreg:$0x1] =	wrdreg $0xFFFFFFFF  }
0x25: {  	[dreg:$0x0] =	wrdreg $0x60  }
0x26: {  	[dreg:$0x2] =	wrdreg s25  }
0x27: {  	[dreg:$0x3] =	wrdreg s2  }
0x28: {  	[dreg:$0x4] =	wrdreg $0x9  }
0x29: {  	_ =	task.clear_ibuf [dreg:s7], $0x5FFFF;
	_ =	strace $0x90000049  }
0x2a: {  	s29 =	simm.s32 $0x9;
	_ =	strace $0x8000004B  }
0x2b: {  	_ =	swait.ge [sflag:s29], $0x1  }
0x2c: {  	[sflag:s29] =	ssyncadd.s32 $0xFFFFFFFF  }
0x2d: {  	_ =	strace $0x9000004B  }
0x2e: {  	_ =	sfence  }
0x2f: {  	s30 =	sld [smem:$0x0];
	_ =	sdelay $0x2  }
0x30: {  	s31 =	sshll.u32 s1, $0xD;
	s1 =	sshrl.u32 s1, $0x2  }
0x31: {  	s3 =	sand.u32 $0x4000, s31;
	s1 =	sadd.s32 s1, s30  }
0x32: {  	s0 =	sor.u32 s3, s0;
	s1 =	sshll.u32 s1, $0x11  }
0x33: {  	s0 =	sor.u32 s1, s0  }
0x34: {  	s0 =	sadd.s32 $0x8F2B, s0  }
0x35: {  	[sflag:s0] =	ssyncadd.remote.s32 $0x1  }
0x36: {  	_ =	sfence.sel $0xFFFF  }
0x37: {  	[dreg:$0x0] =	wrdreg $0xFFFFFFFF;
	(pc) =	sbr.abs _section_cstart, $3  }
0x38: {  	[dreg:$0x1] =	wrdreg $0xFFFFFFFF  }
0x39: {  	_ =	task.clear_ibuf [dreg:s7], $0x2FFFF;
	_ =	strace $0x9FFFFFFF  }
0x3a: {  	(tm) =	ssettm $0x7FFFFFFF  }
0x3b: {  	_ =	shalt  }
tec
execute0_lowered:
.L_overlay_start_1:
0x0: {  	(tag) =	ssettag $0x1  }
0x1: {  	s0 =	srdreg.scid  }
0x2: {  	s1 =	sshll.u32 s0, $0x4  }
0x3: {  	s0 =	stileid.u32;
	s1 =	sand.u32 $0x10, s1  }
0x4: {  	s1 =	sor.u32 s0, s1  }
0x5: {  	s6 =	rddreg [dreg:$0x0];
	s4 =	simm.s32 $0x1;
	s2 =	sshll.u32 s1, $0x7  }
0x6: {  	s7 =	simm.s32 $0x2;
	s12 =	simm.s32 $0x0;
	s1 =	ssub.s32 $0x4000, s2  }
0x7: {  	s8 =	simm.s32 $0x20000;
	s13 =	simm.s32 $0x0;
	s3 =	sand.u32 $0xF80, s1  }
0x8: {  	s9 =	simm.s32 $0x0;
	s5 =	sshrl.u32 s1, $0xC;
	p0 =	sne.s32 s3, $0x0  }
.Ltmp0:
0x9: {  	s1 =	rddreg [dreg:$0x2];
	s4 =	simm.s32 @!p0 $0x0;
	(pc) =	sbr.rel .LBB1_1-.Ltmp0, $4  }
0xa: {  	s11 =	simm.s32 $0x0;
	s3 =	rddreg [dreg:$0x1];
	s5 =	sadd.s32 s4, s5  }
0xb: {  	_ =	strace $0x8000004A;
	s4 =	simm.s32 $0x1;
	s5 =	smul.u32 $0x1A, s5  }
0xc: {  	s6 =	sadd.s32 $0xA00, s6;
	s10 =	smov.u32 s2;
	[sflag:s4] =	ssyncpa.u1 $0x0  }
0xd: {  	p0 =	por $0x0, $0x0;
	[sflag:s7] =	ssyncpa.u1 $0x0;
	s7 =	sor.u32 $0x1, s5  }
.LBB1_4:
0xe: {  	s16 =	sshll.u32 s13, $0x3;
	s17 =	sand.u32 $0x78, s13  }
0xf: {  	s30 =	sand.u32 $0x1F800, s13;
	s12 =	sshll.u32 s12, $0x11;
	s16 =	sand.u32 $0x3C00, s16  }
0x10: {  	[tilespmem:s15+$0x810 ss:$0x81] =	vst.msk $0xffff, v2;
	s31 =	sand.u32 $0x7, s13;
	s16 =	sor.u32 s17, s16;
	s17 =	sadd.s32 s3, s30  }
0x11: {  	[tilespmem:s15+$0x1020 ss:$0x81] =	vst.msk $0xffff, v0;
	s13 =	sshll.u32 s31, $0x12;
	s12 =	sadd.s32 s12, s17;
	s16 =	sshrl.u32 s16, $0x3  }
0x12: {  	[tilespmem:s15+$0x0 ss:$0x81] =	vst.msk $0xffff, v1;
	s13 =	sor.u32 $0x400, s13;
	s12 =	sadd.s32 s16, s12  }
0x13: {  	[hbm4b:s12+s13] =	stream.strided.scatter [tilespmem:s14], [sflag:$0x2], $0x2000, s8, s13, $0x20;
	[tilespmem:$0x8080] =	vst v63  }
.LBB1_5:
0x14: {  	s14 =	sadd.s32 $0x1, s9  }
0x15: {  	s12 =	sadd.s32 $0x1000, s10;
	s16 =	smov.u32 s10;
	p2 =	sgt.s32 s14, $0x19  }
0x16: {  	s16 =	smov.u32 @p2 s12  }
0x17: {  	s14 =	simm.s32 @p2 $0x0;
	p2 =	sgt.s32 s16, $0x3FFF  }
0x18: {  	s16 =	smov.u32 @p2 s2;
	p2 =	sne.s32 s11, s7  }
.Ltmp1:
0x19: {  	p1 =	slt.u32 s11, $0x2;
	(pc) =	sbr.rel @!p2 .LBB1_6-.Ltmp1, $4  }
0x1a: {  	s15 =	simm.s32 @!p1 $0x2  }
0x1b: {  	s13 =	smov.u32 s10;
	p0 =	por !p0, !p0;
	_ =	swait.ge @!p1 [sflag:s15], $0x2000  }
0x1c: {  	s12 =	smov.u32 s9;
	[sflag:s15] =	ssyncset.done @!p1 $0x0;
	s9 =	smov.u32 s14  }
0x1d: {  	s11 =	sadd.s32 $0x1, s11;
	[sflag:s15] =	ssyncadd.s32 @!p1 $0xFFFFE000;
	s10 =	smov.u32 s16  }
.LBB1_1:
0x1e: {  	p1 =	sge.u32 s11, s5  }
0x1f: {  	s31 =	sadd.s32 $0xFFFFFFFF, s11;
	s14 =	sxor.u32 @!p1 $0xFFFFFFFF, s11  }
0x20: {  	s15 =	sshll.u32 @!p1 s10, $0x9;
	s16 =	sshll.u32 @!p1 s9, $0x4;
	s17 =	simm.s32 @!p1 $0x1000  }
0x21: {  	s14 =	sshll.u32 @!p1 s14, $0xD;
	s16 =	sand.u32 @!p1 $0x1F0, s16;
	s15 =	sadd.s32 @!p1 s6, s15  }
0x22: {  	s14 =	sand.u32 @!p1 $0x2000, s14;
	s15 =	sadd.s32 @!p1 s16, s15;
	s16 =	simm.s32 @!p1 $0x40  }
0x23: {  	[tilespmem:s14], [sflag:$0x1] =	stream.strided.gather @!p1 [hbm4b:s15+s16], $0x2000, s17, s16, $0x38;
	[tilespmem:$0x8080] =	vst v63  }
0x24: {  	p1 =	sge.u32 s31, s5  }
.Ltmp2:
0x25: {  	_ = 	snop;
	(pc) =	sbr.rel @p1 .LBB1_5-.Ltmp2, $1  }
0x26: {  	_ =	sdelay $0x3  }
0x27: {  	s14 =	simm.s32 $0x1  }
0x28: {  	_ =	swait.ge [sflag:s4], $0x2000;
	s14 =	simm.s32 @!p0 $0x0  }
0x29: {  	[sflag:s4] =	ssyncset.done $0x0;
	s15 =	sshll.u32 s14, $0xD  }
0x2a: {  	[sflag:s4] =	ssyncadd.s32 $0xFFFFE000;
	s18 =	sor.u32 $0x20, s15  }
0x2b: {  	s14 =	smul.u32 $0x8100, s14;
	v3 =	vld [tilespmem:s18+$0x10]  }
0x2c: {  	s30 =	sand.u32 $0x1, s11;
	v2 =	vld [tilespmem:s18+$0xFFFFFFF0]  }
0x2d: {  	s15 =	smul.u32 $0x8100, s30;
	s14 =	sshrl.u32 s14, $0x2;
	v0 =	vld [tilespmem:s18+$0x0]  }
0x2e: {  	v1 =	vld [tilespmem:s18+$0xFFFFFFE0];
	s16 =	sor.u32 $0x4000, s14  }
0x2f: {  	s31 =	sshrl.u32 s15, $0x2;
	s15 =	sadd.s32 $0x0, s16  }
0x30: {  	s17 =	simm.s32 $0x4;
	s18 =	sadd.s32 $0x40, s18;
	s14 =	sor.u32 $0x4000, s31;
	[tilespmem:s15+$0x1830 ss:$0x81] =	vst.msk $0xffff, v3  }
.LBB1_3:
0x31: {  	v3 =	vld [tilespmem:s18+$0x10];
	p1 =	sne.s32 s17, $0x1FC;
	[tilespmem:s15+$0x810 ss:$0x81] =	vst.msk $0xffff, v2;
	s19 =	smov.u32 s17;
	s17 =	sadd.s32 $0x4, s17  }
.Ltmp3:
0x32: {  	v2 =	vld [tilespmem:s18+$0xFFFFFFF0];
	[tilespmem:s15+$0x1020 ss:$0x81] =	vst.msk $0xffff, v0;
	(pc) =	sbr.rel @p1 .LBB1_3-.Ltmp3, $4  }
0x33: {  	v0 =	vld [tilespmem:s18+$0x0];
	[tilespmem:s15+$0x0 ss:$0x81] =	vst.msk $0xffff, v1  }
0x34: {  	s15 =	sshra.s32 s19, $0x2;
	v1 =	vld [tilespmem:s18+$0xFFFFFFE0]  }
0x35: {  	s15 =	sadd.s32 s15, s16  }
0x36: {  	s18 =	sadd.s32 $0x40, s18;
	[tilespmem:s15+$0x1830 ss:$0x81] =	vst.msk $0xffff, v3  }
.Ltmp4:
0x37: {  	_ = 	snop;
	(pc) =	sbr.rel .LBB1_4-.Ltmp4, $1  }
0x38: {  	_ =	sdelay $0x3  }
.LBB1_6:
0x39: {  	_ =	sfence.sel $0x180000  }
0x3a: {  	s2 =	simm.s32 $0x1;
	[bflag:$0x0] =	sbarrier.arrive $0xFFFF  }
0x3b: {  	s31 =	simm.s32 $0x2;
	[sflag:s2] =	ssyncpa.u1 $0x1  }
0x3c: {  	[sflag:s31] =	ssyncpa.u1 $0x1  }
0x3d: {  	p0 =	sne.s32 s0, $0x0;
	_ =	strace $0x9000004A  }
0x3e: {  	s0 =	sadd.s32 @!p0 $0x100000, s1;
	[bflag:$0x2] =	sbarrier.arrive $0xFFFF  }
0x3f: {  	[sflag:s0] =	ssyncadd.tile.s32 @!p0 $0x1;
	_ =	shalt  }
.Lfunc_end1:
_tile_overlayer_lowered:
.L_overlay_start_2:
0x40: {  	(tag) =	ssettag $0x2  }
0x41: {  	s0 =	rddreg [dreg:$0x0];
	s2 =	stileid.u32  }
0x42: {  	s1 =	rddreg [dreg:$0x1];
	p0 =	sne.s32 s2, $0x0  }
0x43: {  	s3 =	rddreg [dreg:$0x2];
	[bflag:$0x3] =	sbarrier.arrive $0xFFFF;
	s2 =	simm.s32 @!p0 $0x1C01  }
0x44: {  	[timem:s3], [sflag:s2] =	dma.local @!p0 [hbm:s0], s1  }
0x45: {  	s0 =	simm.s32 @!p0 $0x1  }
0x46: {  	_ =	swait.ge @!p0 [sflag:s0], s1  }
0x47: {  	s1 =	ssub.s32 @!p0 $0x0, s1;
	[sflag:s0] =	ssyncset.done @!p0 $0x0  }
0x48: {  	[sflag:s0] =	ssyncadd.s32 @!p0 s1  }
0x49: {  	[bflag:$0x3] =	sbarrier.arrive $0xFFFF  }
0x4a: {  	_ =	shalt  }

</sc_bundles>
